<compile_context>
chip_gen: v7x
topology: tpu7x:2x2x1
jax: 0.10.2.dev20260603
libtpu: 0.0.44.dev20260713+nightly
codegen_flags: <defaults>
</compile_context>

<pallas_src>
import functools

import jax
import jax.numpy as jnp
from jax import lax
from jax.experimental import pallas as pl
from jax.experimental.pallas import tpu as pltpu
from jax.experimental.pallas import tpu_sc as plsc

L = 16

_GATHER_DNUMS = lax.GatherDimensionNumbers(
    offset_dims=(), collapsed_slice_dims=(0,), start_index_map=(0,))


def _butterfly_sum(r, lanes):
    for k in (1, 2, 4, 8):
        perm = jnp.bitwise_xor(lanes, k).reshape(L, 1)
        r = r + lax.gather(r, perm, _GATHER_DNUMS, (1,),
                           mode=lax.GatherScatterMode.PROMISE_IN_BOUNDS)
    return r


def _fold_weights(W1, W2, W3, b1, b2, b3, fm_bias):

    def body(w1_ref, w2_ref, w3_ref, b1_ref, b2_ref, b3_ref, fmb_ref,
             weff_ref, btot_ref):
        w23 = jnp.dot(w2_ref[...], w3_ref[...],
                      preferred_element_type=jnp.float32)
        weff_ref[...] = jnp.dot(w1_ref[...], w23,
                                preferred_element_type=jnp.float32)
        btot = (jnp.dot(b1_ref[...], w23, preferred_element_type=jnp.float32)
                + jnp.dot(b2_ref[...], w3_ref[...],
                          preferred_element_type=jnp.float32))
        btot_ref[...] = btot + b3_ref[...] + fmb_ref[...]

    fe = W1.shape[0]
    weff, btot = pl.pallas_call(
        body,
        out_shape=(
            jax.ShapeDtypeStruct((fe, 1), jnp.float32),
            jax.ShapeDtypeStruct((1, 1), jnp.float32),
        ),
    )(W1, W2, W3, b1.reshape(1, -1), b2.reshape(1, -1), b3.reshape(1, 1),
      jnp.reshape(fm_bias, (1, 1)).astype(jnp.float32))
    return weff, btot


def _make_sc_kernel(B, F, E, NW):
    SPW = B // NW
    NG = SPW // L
    mesh = plsc.VectorSubcoreMesh(core_axis_name="c", subcore_axis_name="s")

    @functools.partial(
        pl.kernel,
        out_type=jax.ShapeDtypeStruct((B,), jnp.float32),
        mesh=mesh,
        scratch_types=[
            pltpu.VMEM((F, SPW), jnp.int32),
            pltpu.VMEM((F * SPW,), jnp.float32),
            pltpu.VMEM((F, SPW, E), jnp.float32),
            pltpu.VMEM((F, SPW), jnp.float32),
            pltpu.VMEM((F, E), jnp.float32),
            pltpu.VMEM((L,), jnp.float32),
            pltpu.VMEM((SPW,), jnp.float32),
            pltpu.SemaphoreType.DMA,
            pltpu.SemaphoreType.DMA,
        ],
        compiler_params=pltpu.CompilerParams(use_tc_tiling_on_sc=False),
    )
    def sc_kernel(idx_hbm, vals_hbm, emb_hbm, fmw_hbm, weff_hbm, btot_hbm,
                  out_hbm, idx_v, vals_v, rows_v, fw_v, weff_v, btot_v, out_v,
                  sem_rows, sem_fw):
        wid = lax.axis_index("s") * 2 + lax.axis_index("c")
        base = pl.multiple_of(wid * SPW, SPW)

        pltpu.sync_copy(idx_hbm.at[wid], idx_v)

        handles = []
        for f in range(F):
            handles.append(
                pltpu.async_copy(emb_hbm.at[idx_v.at[f]], rows_v.at[f],
                                 sem_rows))
            handles.append(
                pltpu.async_copy(fmw_hbm.at[idx_v.at[f]], fw_v.at[f], sem_fw))
        pltpu.sync_copy(vals_hbm.at[wid], vals_v)
        pltpu.sync_copy(weff_hbm, weff_v)
        pltpu.sync_copy(btot_hbm, btot_v)
        for h in handles:
            h.wait()

        lanes = lax.iota(jnp.int32, L)
        zero = jnp.zeros((L,), jnp.float32)
        btot = btot_v[...]

        def group_body(g, _):
            s0 = pl.multiple_of(g * L, L)

            def pair_body(p, outz):
                la = 2 * p
                lb = la + 1
                sa = s0 + la
                sb = sa + 1
                lidx_a = jnp.full((L, 1), la, jnp.int32)
                lidx_b = jnp.full((L, 1), lb, jnp.int32)
                aa0 = aa1 = qa0 = qa1 = da0 = da1 = zero
                ab0 = ab1 = qb0 = qb1 = db0 = db1 = zero
                for f in range(F):
                    w0 = weff_v[f, pl.ds(0, L)]
                    w1 = weff_v[f, pl.ds(L, L)]
                    vchunk = vals_v[pl.ds(f * SPW + s0, L)]
                    va = lax.gather(
                        vchunk, lidx_a, _GATHER_DNUMS, (1,),
                        mode=lax.GatherScatterMode.PROMISE_IN_BOUNDS)
                    vb = lax.gather(
                        vchunk, lidx_b, _GATHER_DNUMS, (1,),
                        mode=lax.GatherScatterMode.PROMISE_IN_BOUNDS)
                    ea0 = rows_v[f, sa, pl.ds(0, L)]
                    ea1 = rows_v[f, sa, pl.ds(L, L)]
                    eb0 = rows_v[f, sb, pl.ds(0, L)]
                    eb1 = rows_v[f, sb, pl.ds(L, L)]
                    sa0 = ea0 * va
                    sa1 = ea1 * va
                    sb0 = eb0 * vb
                    sb1 = eb1 * vb
                    aa0 = aa0 + sa0
                    aa1 = aa1 + sa1
                    ab0 = ab0 + sb0
                    ab1 = ab1 + sb1
                    qa0 = qa0 + sa0 * sa0
                    qa1 = qa1 + sa1 * sa1
                    qb0 = qb0 + sb0 * sb0
                    qb1 = qb1 + sb1 * sb1
                    da0 = da0 + sa0 * w0
                    da1 = da1 + sa1 * w1
                    db0 = db0 + sb0 * w0
                    db1 = db1 + sb1 * w1
                ra = da0 + da1 + 0.5 * (aa0 * aa0 + aa1 * aa1 - qa0 - qa1)
                rb = db0 + db1 + 0.5 * (ab0 * ab0 + ab1 * ab1 - qb0 - qb1)
                ra = _butterfly_sum(ra, lanes)
                rb = _butterfly_sum(rb, lanes)
                outz = jnp.where(lanes == la, ra, outz)
                return jnp.where(lanes == lb, rb, outz)

            outz = lax.fori_loop(0, L // 2, pair_body, zero)

            fm1 = zero
            for f in range(F):
                fm1 = fm1 + fw_v[f, pl.ds(s0, L)] * vals_v[pl.ds(f * SPW + s0, L)]

            zv = outz + fm1 + btot
            out_v[pl.ds(s0, L)] = 1.0 / (1.0 + jnp.exp(-zv))
            return 0

        lax.fori_loop(0, NG, group_body, 0)
        pltpu.sync_copy(out_v, out_hbm.at[pl.ds(base, SPW)])

    return sc_kernel


def kernel(idxs, vals, shared_emb_table, fm_w_table, fm_bias,
           W1, b1, W2, b2, W3, b3):
    B, F = idxs.shape
    V, E = shared_emb_table.shape
    NW = 32
    SPW = B // NW

    weff, btot = _fold_weights(W1, W2, W3, b1, b2, b3, fm_bias)

    idx_w = idxs.reshape(NW, SPW, F).transpose(0, 2, 1)
    vals_w = vals.reshape(NW, SPW, F).transpose(0, 2, 1).reshape(NW, F * SPW)

    sc = _make_sc_kernel(B, F, E, NW)
    out_flat = sc(idx_w, vals_w, shared_emb_table, fm_w_table.reshape(-1),
                  weff.reshape(F, E), jnp.broadcast_to(btot.reshape(1), (L,)))
    return out_flat.reshape(B, 1)

# --- scband reference (transcript-rebuilt; emitter-appended) ---
"""Pipeline reference for scband-deep-fm-1-75608604279438 (READ-ONLY COPY).

The authoritative reference and input builder live on the scoring server;
editing this copy changes nothing except your own understanding.
"""

import jax, jax.numpy as jnp
import numpy as np

FEATURE_SIZE = 100000
FIELD_SIZE = 26
EMB = 32
H1, H2 = 256, 128
BATCH = 4096


def setup_inputs(seed: int = 0) -> dict:
    key = jax.random.key(seed)
    ks = jax.random.split(key, 12)
    idxs = jax.random.randint(ks[0], (BATCH, FIELD_SIZE), 0, FEATURE_SIZE, dtype=jnp.int64 if jax.config.jax_enable_x64 else jnp.int32).astype(jnp.int32)
    vals = jax.random.uniform(ks[1], (BATCH, FIELD_SIZE), dtype=jnp.float32)
    shared_emb_table = jax.random.normal(ks[2], (FEATURE_SIZE, EMB), dtype=jnp.float32) * 0.05
    fm_w_table = jax.random.normal(ks[3], (FEATURE_SIZE, 1), dtype=jnp.float32) * 0.05
    fm_bias = jnp.float32(0.0)
    W1 = jax.random.normal(ks[4], (FIELD_SIZE * EMB, H1), dtype=jnp.float32) * (1.0 / np.sqrt(FIELD_SIZE * EMB))
    b1 = jnp.zeros((H1,), dtype=jnp.float32)
    W2 = jax.random.normal(ks[5], (H1, H2), dtype=jnp.float32) * (1.0 / np.sqrt(H1))
    b2 = jnp.zeros((H2,), dtype=jnp.float32)
    W3 = jax.random.normal(ks[6], (H2, 1), dtype=jnp.float32) * (1.0 / np.sqrt(H2))
    b3 = jnp.zeros((1,), dtype=jnp.float32)
    return {"idxs": idxs, "vals": vals, "shared_emb_table": shared_emb_table,
            "fm_w_table": fm_w_table, "fm_bias": fm_bias,
            "W1": W1, "b1": b1, "W2": W2, "b2": b2, "W3": W3, "b3": b3}


def reference(idxs, vals, shared_emb_table, fm_w_table, fm_bias, W1, b1, W2, b2, W3, b3):
    # embedding lookup (gather) scaled by dense values
    shared_emb = jnp.take(shared_emb_table, idxs, axis=0) * vals[..., None]  # [B, F, E]
    x = shared_emb.reshape(shared_emb.shape[0], -1)  # [B, F*E]
    # DNN tower (dropout omitted: deterministic eval reference)
    x = jnp.dot(x, W1) + b1
    x = jnp.dot(x, W2) + b2
    dnn_out = jnp.dot(x, W3) + b3  # [B, 1]
    # FM second order
    tmp = jnp.sum(shared_emb, axis=1, keepdims=True)  # [B, 1, E]
    square_of_sum = tmp * tmp
    sum_of_square = jnp.sum(shared_emb * shared_emb, axis=1, keepdims=True)
    fm_second_order = 0.5 * jnp.sum(square_of_sum - sum_of_square, axis=-1)  # [B, 1]
    # FM first order
    fm_first_order_weight = jnp.take(fm_w_table, idxs, axis=0)  # [B, F, 1]
    fm_first_order = jnp.sum(jnp.squeeze(fm_first_order_weight, -1) * vals, axis=-1, keepdims=True)  # [B, 1]
    fm_out = fm_second_order + fm_first_order + fm_bias
    return jax.nn.sigmoid(dnn_out + fm_out)

if __name__ == "__main__":
    import jax
    _d = setup_inputs()
    print(jax.jit(kernel)(*tuple(_d.values())))

</pallas_src>

<mosaic_0001>
#map = affine_map<(d0, d1) -> (0, 0, 0)>
#map1 = affine_map<(d0, d1) -> (0, 0)>
#map2 = affine_map<(d0, d1) -> (0)>
module attributes {stable_mosaic.version = 14 : i64} {
  func.func @sc_kernel(%arg0: i32, %arg1: i32, %arg2: memref<32x26x128xi32, #tpu.memory_space<hbm>>, %arg3: memref<32x3328xf32, #tpu.memory_space<hbm>>, %arg4: memref<100000x32xf32, #tpu.memory_space<hbm>>, %arg5: memref<100000xf32, #tpu.memory_space<hbm>>, %arg6: memref<26x32xf32, #tpu.memory_space<hbm>>, %arg7: memref<16xf32, #tpu.memory_space<hbm>>, %arg8: memref<4096xf32, #tpu.memory_space<hbm>>, %arg9: memref<26x128xi32, #tpu.memory_space<vmem>>, %arg10: memref<3328xf32, #tpu.memory_space<vmem>>, %arg11: memref<26x128x32xf32, #tpu.memory_space<vmem>>, %arg12: memref<26x128xf32, #tpu.memory_space<vmem>>, %arg13: memref<26x32xf32, #tpu.memory_space<vmem>>, %arg14: memref<16xf32, #tpu.memory_space<vmem>>, %arg15: memref<128xf32, #tpu.memory_space<vmem>>, %arg16: memref<!tpu.dma_semaphore, #tpu.memory_space<semaphore_mem>>, %arg17: memref<!tpu.dma_semaphore, #tpu.memory_space<semaphore_mem>>) attributes {dimension_semantics = [#tpu.dimension_semantics<core_parallel>, #tpu.dimension_semantics<subcore_parallel>], iteration_bounds = array<i64: 2, 16>, scalar_prefetch = 0 : i64, scratch_operands = 9 : i64, tpu.core_type = #tpu.core_type<sc_vector_subcore>, window_params = [{transform_indices = #map}, {transform_indices = #map1}, {transform_indices = #map1}, {transform_indices = #map2}, {transform_indices = #map1}, {transform_indices = #map2}, {transform_indices = #map2}]} {
    %mul3A = arith.constant 2 : i32
    %mul3A_0 = arith.muli %arg1, %mul3A : i32
    %add3A = arith.addi %mul3A_0, %arg0 : i32
    %mul3A_1 = arith.constant 128 : i32
    %mul3A_2 = arith.muli %add3A, %mul3A_1 : i32
    %multiple_of3A = tpu.assume_multiple %mul3A_2, 128 : i32
    "tpu.region"() ({
      %run_scoped3A = tpu.sem_alloc : memref<!tpu.dma_semaphore, #tpu.memory_space<semaphore_mem>>
      %dma_start3A_1154 = arith.constant 0 : i32
      %dma_start3A_1155 = arith.constant 0 : i32
      %dma_start3A_1156 = tpu.memref_slice %arg2[%add3A, %dma_start3A_1154, %dma_start3A_1155] : memref<32x26x128xi32, #tpu.memory_space<hbm>> -> memref<1x26x128xi32, #tpu.memory_space<hbm>>
      %dma_start3A_1157 = tpu.memref_squeeze %dma_start3A_1156 : memref<1x26x128xi32, #tpu.memory_space<hbm>> -> memref<26x128xi32, #tpu.memory_space<hbm>>
      %dma_start3A_1158 = arith.constant 0 : i32
      %dma_start3A_1159 = arith.constant 0 : i32
      %dma_start3A_1160 = tpu.memref_slice %arg2[%add3A, %dma_start3A_1158, %dma_start3A_1159] : memref<32x26x128xi32, #tpu.memory_space<hbm>> -> memref<1x26x128xi32, #tpu.memory_space<hbm>>
      %dma_start3A_1161 = tpu.memref_squeeze %dma_start3A_1160 : memref<1x26x128xi32, #tpu.memory_space<hbm>> -> memref<26x128xi32, #tpu.memory_space<hbm>>
      tpu.enqueue_dma source(%dma_start3A_1161 : memref<26x128xi32, #tpu.memory_space<hbm>>) target(%arg9 : memref<26x128xi32, #tpu.memory_space<vmem>>) target_semaphore(%run_scoped3A : memref<!tpu.dma_semaphore, #tpu.memory_space<semaphore_mem>>)
      %dma_wait3A_1162 = arith.constant 0 : i32
      %dma_wait3A_1163 = arith.constant 0 : i32
      %dma_wait3A_1164 = tpu.memref_slice %arg2[%add3A, %dma_wait3A_1162, %dma_wait3A_1163] : memref<32x26x128xi32, #tpu.memory_space<hbm>> -> memref<1x26x128xi32, #tpu.memory_space<hbm>>
      %dma_wait3A_1165 = tpu.memref_squeeze %dma_wait3A_1164 : memref<1x26x128xi32, #tpu.memory_space<hbm>> -> memref<26x128xi32, #tpu.memory_space<hbm>>
      %dma_wait3A_1166 = arith.constant 0 : i32
      %dma_wait3A_1167 = arith.constant 0 : i32
      %dma_wait3A_1168 = tpu.memref_slice %arg2[%add3A, %dma_wait3A_1166, %dma_wait3A_1167] : memref<32x26x128xi32, #tpu.memory_space<hbm>> -> memref<1x26x128xi32, #tpu.memory_space<hbm>>
      %dma_wait3A_1169 = tpu.memref_squeeze %dma_wait3A_1168 : memref<1x26x128xi32, #tpu.memory_space<hbm>> -> memref<26x128xi32, #tpu.memory_space<hbm>>
      tpu.wait_dma2 semaphore(%run_scoped3A : memref<!tpu.dma_semaphore, #tpu.memory_space<semaphore_mem>>) src(%dma_wait3A_1169 : memref<26x128xi32, #tpu.memory_space<hbm>>) dst(%arg9 : memref<26x128xi32, #tpu.memory_space<vmem>>)
      tpu.yield
    }) : () -> ()
    %dma_start3A = arith.constant 0 : i32
    %dma_start3A_3 = arith.constant 0 : i32
    %dma_start3A_4 = arith.constant 0 : i32
    %dma_start3A_5 = arith.constant 0 : i32
    %dma_start3A_6 = tpu.memref_slice %arg11[%dma_start3A_3, %dma_start3A_4, %dma_start3A_5] : memref<26x128x32xf32, #tpu.memory_space<vmem>> -> memref<1x128x32xf32, #tpu.memory_space<vmem>>
    %dma_start3A_7 = tpu.memref_squeeze %dma_start3A_6 : memref<1x128x32xf32, #tpu.memory_space<vmem>> -> memref<128x32xf32, #tpu.memory_space<vmem>>
    %dma_start3A_8 = arith.constant 0 : i32
    %dma_start3A_9 = tpu.memref_slice %arg9[%dma_start3A, %dma_start3A_8] : memref<26x128xi32, #tpu.memory_space<vmem>> -> memref<1x128xi32, #tpu.memory_space<vmem>>
    %dma_start3A_10 = tpu.memref_squeeze %dma_start3A_9 : memref<1x128xi32, #tpu.memory_space<vmem>> -> memref<128xi32, #tpu.memory_space<vmem>>
    %dma_start3A_11 = arith.constant 0 : i32
    %dma_start3A_12 = arith.constant 0 : i32
    %dma_start3A_13 = tpu.memref_slice %arg4[%dma_start3A_11, %dma_start3A_12] : memref<100000x32xf32, #tpu.memory_space<hbm>> -> memref<100000x32xf32, #tpu.memory_space<hbm>>
    tpu.enqueue_indirect_dma source(%dma_start3A_13 : memref<100000x32xf32, #tpu.memory_space<hbm>>) target(%dma_start3A_7 : memref<128x32xf32, #tpu.memory_space<vmem>>) offsets(%dma_start3A_10 : memref<128xi32, #tpu.memory_space<vmem>>) semaphore(%arg16 : memref<!tpu.dma_semaphore, #tpu.memory_space<semaphore_mem>>)
    %dma_start3A_14 = arith.constant 0 : i32
    %dma_start3A_15 = arith.constant 0 : i32
    %dma_start3A_16 = arith.constant 0 : i32
    %dma_start3A_17 = tpu.memref_slice %arg12[%dma_start3A_15, %dma_start3A_16] : memref<26x128xf32, #tpu.memory_space<vmem>> -> memref<1x128xf32, #tpu.memory_space<vmem>>
    %dma_start3A_18 = tpu.memref_squeeze %dma_start3A_17 : memref<1x128xf32, #tpu.memory_space<vmem>> -> memref<128xf32, #tpu.memory_space<vmem>>
    %dma_start3A_19 = arith.constant 0 : i32
    %dma_start3A_20 = tpu.memref_slice %arg9[%dma_start3A_14, %dma_start3A_19] : memref<26x128xi32, #tpu.memory_space<vmem>> -> memref<1x128xi32, #tpu.memory_space<vmem>>
    %dma_start3A_21 = tpu.memref_squeeze %dma_start3A_20 : memref<1x128xi32, #tpu.memory_space<vmem>> -> memref<128xi32, #tpu.memory_space<vmem>>
    %dma_start3A_22 = arith.constant 0 : i32
    %dma_start3A_23 = tpu.memref_slice %arg5[%dma_start3A_22] : memref<100000xf32, #tpu.memory_space<hbm>> -> memref<100000xf32, #tpu.memory_space<hbm>>
    tpu.enqueue_indirect_dma source(%dma_start3A_23 : memref<100000xf32, #tpu.memory_space<hbm>>) target(%dma_start3A_18 : memref<128xf32, #tpu.memory_space<vmem>>) offsets(%dma_start3A_21 : memref<128xi32, #tpu.memory_space<vmem>>) semaphore(%arg17 : memref<!tpu.dma_semaphore, #tpu.memory_space<semaphore_mem>>)
    %dma_start3A_24 = arith.constant 1 : i32
    %dma_start3A_25 = arith.constant 1 : i32
    %dma_start3A_26 = arith.constant 0 : i32
    %dma_start3A_27 = arith.constant 0 : i32
    %dma_start3A_28 = tpu.memref_slice %arg11[%dma_start3A_25, %dma_start3A_26, %dma_start3A_27] : memref<26x128x32xf32, #tpu.memory_space<vmem>> -> memref<1x128x32xf32, #tpu.memory_space<vmem>>
    %dma_start3A_29 = tpu.memref_squeeze %dma_start3A_28 : memref<1x128x32xf32, #tpu.memory_space<vmem>> -> memref<128x32xf32, #tpu.memory_space<vmem>>
    %dma_start3A_30 = arith.constant 0 : i32
    %dma_start3A_31 = tpu.memref_slice %arg9[%dma_start3A_24, %dma_start3A_30] : memref<26x128xi32, #tpu.memory_space<vmem>> -> memref<1x128xi32, #tpu.memory_space<vmem>>
    %dma_start3A_32 = tpu.memref_squeeze %dma_start3A_31 : memref<1x128xi32, #tpu.memory_space<vmem>> -> memref<128xi32, #tpu.memory_space<vmem>>
    %dma_start3A_33 = arith.constant 0 : i32
    %dma_start3A_34 = arith.constant 0 : i32
    %dma_start3A_35 = tpu.memref_slice %arg4[%dma_start3A_33, %dma_start3A_34] : memref<100000x32xf32, #tpu.memory_space<hbm>> -> memref<100000x32xf32, #tpu.memory_space<hbm>>
    tpu.enqueue_indirect_dma source(%dma_start3A_35 : memref<100000x32xf32, #tpu.memory_space<hbm>>) target(%dma_start3A_29 : memref<128x32xf32, #tpu.memory_space<vmem>>) offsets(%dma_start3A_32 : memref<128xi32, #tpu.memory_space<vmem>>) semaphore(%arg16 : memref<!tpu.dma_semaphore, #tpu.memory_space<semaphore_mem>>)
    %dma_start3A_36 = arith.constant 1 : i32
    %dma_start3A_37 = arith.constant 1 : i32
    %dma_start3A_38 = arith.constant 0 : i32
    %dma_start3A_39 = tpu.memref_slice %arg12[%dma_start3A_37, %dma_start3A_38] : memref<26x128xf32, #tpu.memory_space<vmem>> -> memref<1x128xf32, #tpu.memory_space<vmem>>
    %dma_start3A_40 = tpu.memref_squeeze %dma_start3A_39 : memref<1x128xf32, #tpu.memory_space<vmem>> -> memref<128xf32, #tpu.memory_space<vmem>>
    %dma_start3A_41 = arith.constant 0 : i32
    %dma_start3A_42 = tpu.memref_slice %arg9[%dma_start3A_36, %dma_start3A_41] : memref<26x128xi32, #tpu.memory_space<vmem>> -> memref<1x128xi32, #tpu.memory_space<vmem>>
    %dma_start3A_43 = tpu.memref_squeeze %dma_start3A_42 : memref<1x128xi32, #tpu.memory_space<vmem>> -> memref<128xi32, #tpu.memory_space<vmem>>
    %dma_start3A_44 = arith.constant 0 : i32
    %dma_start3A_45 = tpu.memref_slice %arg5[%dma_start3A_44] : memref<100000xf32, #tpu.memory_space<hbm>> -> memref<100000xf32, #tpu.memory_space<hbm>>
    tpu.enqueue_indirect_dma source(%dma_start3A_45 : memref<100000xf32, #tpu.memory_space<hbm>>) target(%dma_start3A_40 : memref<128xf32, #tpu.memory_space<vmem>>) offsets(%dma_start3A_43 : memref<128xi32, #tpu.memory_space<vmem>>) semaphore(%arg17 : memref<!tpu.dma_semaphore, #tpu.memory_space<semaphore_mem>>)
    %dma_start3A_46 = arith.constant 2 : i32
    %dma_start3A_47 = arith.constant 2 : i32
    %dma_start3A_48 = arith.constant 0 : i32
    %dma_start3A_49 = arith.constant 0 : i32
    %dma_start3A_50 = tpu.memref_slice %arg11[%dma_start3A_47, %dma_start3A_48, %dma_start3A_49] : memref<26x128x32xf32, #tpu.memory_space<vmem>> -> memref<1x128x32xf32, #tpu.memory_space<vmem>>
    %dma_start3A_51 = tpu.memref_squeeze %dma_start3A_50 : memref<1x128x32xf32, #tpu.memory_space<vmem>> -> memref<128x32xf32, #tpu.memory_space<vmem>>
    %dma_start3A_52 = arith.constant 0 : i32
    %dma_start3A_53 = tpu.memref_slice %arg9[%dma_start3A_46, %dma_start3A_52] : memref<26x128xi32, #tpu.memory_space<vmem>> -> memref<1x128xi32, #tpu.memory_space<vmem>>
    %dma_start3A_54 = tpu.memref_squeeze %dma_start3A_53 : memref<1x128xi32, #tpu.memory_space<vmem>> -> memref<128xi32, #tpu.memory_space<vmem>>
    %dma_start3A_55 = arith.constant 0 : i32
    %dma_start3A_56 = arith.constant 0 : i32
    %dma_start3A_57 = tpu.memref_slice %arg4[%dma_start3A_55, %dma_start3A_56] : memref<100000x32xf32, #tpu.memory_space<hbm>> -> memref<100000x32xf32, #tpu.memory_space<hbm>>
    tpu.enqueue_indirect_dma source(%dma_start3A_57 : memref<100000x32xf32, #tpu.memory_space<hbm>>) target(%dma_start3A_51 : memref<128x32xf32, #tpu.memory_space<vmem>>) offsets(%dma_start3A_54 : memref<128xi32, #tpu.memory_space<vmem>>) semaphore(%arg16 : memref<!tpu.dma_semaphore, #tpu.memory_space<semaphore_mem>>)
    %dma_start3A_58 = arith.constant 2 : i32
    %dma_start3A_59 = arith.constant 2 : i32
    %dma_start3A_60 = arith.constant 0 : i32
    %dma_start3A_61 = tpu.memref_slice %arg12[%dma_start3A_59, %dma_start3A_60] : memref<26x128xf32, #tpu.memory_space<vmem>> -> memref<1x128xf32, #tpu.memory_space<vmem>>
    %dma_start3A_62 = tpu.memref_squeeze %dma_start3A_61 : memref<1x128xf32, #tpu.memory_space<vmem>> -> memref<128xf32, #tpu.memory_space<vmem>>
    %dma_start3A_63 = arith.constant 0 : i32
    %dma_start3A_64 = tpu.memref_slice %arg9[%dma_start3A_58, %dma_start3A_63] : memref<26x128xi32, #tpu.memory_space<vmem>> -> memref<1x128xi32, #tpu.memory_space<vmem>>
    %dma_start3A_65 = tpu.memref_squeeze %dma_start3A_64 : memref<1x128xi32, #tpu.memory_space<vmem>> -> memref<128xi32, #tpu.memory_space<vmem>>
    %dma_start3A_66 = arith.constant 0 : i32
    %dma_start3A_67 = tpu.memref_slice %arg5[%dma_start3A_66] : memref<100000xf32, #tpu.memory_space<hbm>> -> memref<100000xf32, #tpu.memory_space<hbm>>
    tpu.enqueue_indirect_dma source(%dma_start3A_67 : memref<100000xf32, #tpu.memory_space<hbm>>) target(%dma_start3A_62 : memref<128xf32, #tpu.memory_space<vmem>>) offsets(%dma_start3A_65 : memref<128xi32, #tpu.memory_space<vmem>>) semaphore(%arg17 : memref<!tpu.dma_semaphore, #tpu.memory_space<semaphore_mem>>)
    %dma_start3A_68 = arith.constant 3 : i32
    %dma_start3A_69 = arith.constant 3 : i32
    %dma_start3A_70 = arith.constant 0 : i32
    %dma_start3A_71 = arith.constant 0 : i32
    %dma_start3A_72 = tpu.memref_slice %arg11[%dma_start3A_69, %dma_start3A_70, %dma_start3A_71] : memref<26x128x32xf32, #tpu.memory_space<vmem>> -> memref<1x128x32xf32, #tpu.memory_space<vmem>>
    %dma_start3A_73 = tpu.memref_squeeze %dma_start3A_72 : memref<1x128x32xf32, #tpu.memory_space<vmem>> -> memref<128x32xf32, #tpu.memory_space<vmem>>
    %dma_start3A_74 = arith.constant 0 : i32
    %dma_start3A_75 = tpu.memref_slice %arg9[%dma_start3A_68, %dma_start3A_74] : memref<26x128xi32, #tpu.memory_space<vmem>> -> memref<1x128xi32, #tpu.memory_space<vmem>>
    %dma_start3A_76 = tpu.memref_squeeze %dma_start3A_75 : memref<1x128xi32, #tpu.memory_space<vmem>> -> memref<128xi32, #tpu.memory_space<vmem>>
    %dma_start3A_77 = arith.constant 0 : i32
    %dma_start3A_78 = arith.constant 0 : i32
    %dma_start3A_79 = tpu.memref_slice %arg4[%dma_start3A_77, %dma_start3A_78] : memref<100000x32xf32, #tpu.memory_space<hbm>> -> memref<100000x32xf32, #tpu.memory_space<hbm>>
    tpu.enqueue_indirect_dma source(%dma_start3A_79 : memref<100000x32xf32, #tpu.memory_space<hbm>>) target(%dma_start3A_73 : memref<128x32xf32, #tpu.memory_space<vmem>>) offsets(%dma_start3A_76 : memref<128xi32, #tpu.memory_space<vmem>>) semaphore(%arg16 : memref<!tpu.dma_semaphore, #tpu.memory_space<semaphore_mem>>)
    %dma_start3A_80 = arith.constant 3 : i32
    %dma_start3A_81 = arith.constant 3 : i32
    %dma_start3A_82 = arith.constant 0 : i32
    %dma_start3A_83 = tpu.memref_slice %arg12[%dma_start3A_81, %dma_start3A_82] : memref<26x128xf32, #tpu.memory_space<vmem>> -> memref<1x128xf32, #tpu.memory_space<vmem>>
    %dma_start3A_84 = tpu.memref_squeeze %dma_start3A_83 : memref<1x128xf32, #tpu.memory_space<vmem>> -> memref<128xf32, #tpu.memory_space<vmem>>
    %dma_start3A_85 = arith.constant 0 : i32
    %dma_start3A_86 = tpu.memref_slice %arg9[%dma_start3A_80, %dma_start3A_85] : memref<26x128xi32, #tpu.memory_space<vmem>> -> memref<1x128xi32, #tpu.memory_space<vmem>>
    %dma_start3A_87 = tpu.memref_squeeze %dma_start3A_86 : memref<1x128xi32, #tpu.memory_space<vmem>> -> memref<128xi32, #tpu.memory_space<vmem>>
    %dma_start3A_88 = arith.constant 0 : i32
    %dma_start3A_89 = tpu.memref_slice %arg5[%dma_start3A_88] : memref<100000xf32, #tpu.memory_space<hbm>> -> memref<100000xf32, #tpu.memory_space<hbm>>
    tpu.enqueue_indirect_dma source(%dma_start3A_89 : memref<100000xf32, #tpu.memory_space<hbm>>) target(%dma_start3A_84 : memref<128xf32, #tpu.memory_space<vmem>>) offsets(%dma_start3A_87 : memref<128xi32, #tpu.memory_space<vmem>>) semaphore(%arg17 : memref<!tpu.dma_semaphore, #tpu.memory_space<semaphore_mem>>)
    %dma_start3A_90 = arith.constant 4 : i32
    %dma_start3A_91 = arith.constant 4 : i32
    %dma_start3A_92 = arith.constant 0 : i32
    %dma_start3A_93 = arith.constant 0 : i32
    %dma_start3A_94 = tpu.memref_slice %arg11[%dma_start3A_91, %dma_start3A_92, %dma_start3A_93] : memref<26x128x32xf32, #tpu.memory_space<vmem>> -> memref<1x128x32xf32, #tpu.memory_space<vmem>>
    %dma_start3A_95 = tpu.memref_squeeze %dma_start3A_94 : memref<1x128x32xf32, #tpu.memory_space<vmem>> -> memref<128x32xf32, #tpu.memory_space<vmem>>
    %dma_start3A_96 = arith.constant 0 : i32
    %dma_start3A_97 = tpu.memref_slice %arg9[%dma_start3A_90, %dma_start3A_96] : memref<26x128xi32, #tpu.memory_space<vmem>> -> memref<1x128xi32, #tpu.memory_space<vmem>>
    %dma_start3A_98 = tpu.memref_squeeze %dma_start3A_97 : memref<1x128xi32, #tpu.memory_space<vmem>> -> memref<128xi32, #tpu.memory_space<vmem>>
    %dma_start3A_99 = arith.constant 0 : i32
    %dma_start3A_100 = arith.constant 0 : i32
    %dma_start3A_101 = tpu.memref_slice %arg4[%dma_start3A_99, %dma_start3A_100] : memref<100000x32xf32, #tpu.memory_space<hbm>> -> memref<100000x32xf32, #tpu.memory_space<hbm>>
    tpu.enqueue_indirect_dma source(%dma_start3A_101 : memref<100000x32xf32, #tpu.memory_space<hbm>>) target(%dma_start3A_95 : memref<128x32xf32, #tpu.memory_space<vmem>>) offsets(%dma_start3A_98 : memref<128xi32, #tpu.memory_space<vmem>>) semaphore(%arg16 : memref<!tpu.dma_semaphore, #tpu.memory_space<semaphore_mem>>)
    %dma_start3A_102 = arith.constant 4 : i32
    %dma_start3A_103 = arith.constant 4 : i32
    %dma_start3A_104 = arith.constant 0 : i32
    %dma_start3A_105 = tpu.memref_slice %arg12[%dma_start3A_103, %dma_start3A_104] : memref<26x128xf32, #tpu.memory_space<vmem>> -> memref<1x128xf32, #tpu.memory_space<vmem>>
    %dma_start3A_106 = tpu.memref_squeeze %dma_start3A_105 : memref<1x128xf32, #tpu.memory_space<vmem>> -> memref<128xf32, #tpu.memory_space<vmem>>
    %dma_start3A_107 = arith.constant 0 : i32
    %dma_start3A_108 = tpu.memref_slice %arg9[%dma_start3A_102, %dma_start3A_107] : memref<26x128xi32, #tpu.memory_space<vmem>> -> memref<1x128xi32, #tpu.memory_space<vmem>>
    %dma_start3A_109 = tpu.memref_squeeze %dma_start3A_108 : memref<1x128xi32, #tpu.memory_space<vmem>> -> memref<128xi32, #tpu.memory_space<vmem>>
    %dma_start3A_110 = arith.constant 0 : i32
    %dma_start3A_111 = tpu.memref_slice %arg5[%dma_start3A_110] : memref<100000xf32, #tpu.memory_space<hbm>> -> memref<100000xf32, #tpu.memory_space<hbm>>
    tpu.enqueue_indirect_dma source(%dma_start3A_111 : memref<100000xf32, #tpu.memory_space<hbm>>) target(%dma_start3A_106 : memref<128xf32, #tpu.memory_space<vmem>>) offsets(%dma_start3A_109 : memref<128xi32, #tpu.memory_space<vmem>>) semaphore(%arg17 : memref<!tpu.dma_semaphore, #tpu.memory_space<semaphore_mem>>)
    %dma_start3A_112 = arith.constant 5 : i32
    %dma_start3A_113 = arith.constant 5 : i32
    %dma_start3A_114 = arith.constant 0 : i32
    %dma_start3A_115 = arith.constant 0 : i32
    %dma_start3A_116 = tpu.memref_slice %arg11[%dma_start3A_113, %dma_start3A_114, %dma_start3A_115] : memref<26x128x32xf32, #tpu.memory_space<vmem>> -> memref<1x128x32xf32, #tpu.memory_space<vmem>>
    %dma_start3A_117 = tpu.memref_squeeze %dma_start3A_116 : memref<1x128x32xf32, #tpu.memory_space<vmem>> -> memref<128x32xf32, #tpu.memory_space<vmem>>
    %dma_start3A_118 = arith.constant 0 : i32
    %dma_start3A_119 = tpu.memref_slice %arg9[%dma_start3A_112, %dma_start3A_118] : memref<26x128xi32, #tpu.memory_space<vmem>> -> memref<1x128xi32, #tpu.memory_space<vmem>>
    %dma_start3A_120 = tpu.memref_squeeze %dma_start3A_119 : memref<1x128xi32, #tpu.memory_space<vmem>> -> memref<128xi32, #tpu.memory_space<vmem>>
    %dma_start3A_121 = arith.constant 0 : i32
    %dma_start3A_122 = arith.constant 0 : i32
    %dma_start3A_123 = tpu.memref_slice %arg4[%dma_start3A_121, %dma_start3A_122] : memref<100000x32xf32, #tpu.memory_space<hbm>> -> memref<100000x32xf32, #tpu.memory_space<hbm>>
    tpu.enqueue_indirect_dma source(%dma_start3A_123 : memref<100000x32xf32, #tpu.memory_space<hbm>>) target(%dma_start3A_117 : memref<128x32xf32, #tpu.memory_space<vmem>>) offsets(%dma_start3A_120 : memref<128xi32, #tpu.memory_space<vmem>>) semaphore(%arg16 : memref<!tpu.dma_semaphore, #tpu.memory_space<semaphore_mem>>)
    %dma_start3A_124 = arith.constant 5 : i32
    %dma_start3A_125 = arith.constant 5 : i32
    %dma_start3A_126 = arith.constant 0 : i32
    %dma_start3A_127 = tpu.memref_slice %arg12[%dma_start3A_125, %dma_start3A_126] : memref<26x128xf32, #tpu.memory_space<vmem>> -> memref<1x128xf32, #tpu.memory_space<vmem>>
    %dma_start3A_128 = tpu.memref_squeeze %dma_start3A_127 : memref<1x128xf32, #tpu.memory_space<vmem>> -> memref<128xf32, #tpu.memory_space<vmem>>
    %dma_start3A_129 = arith.constant 0 : i32
    %dma_start3A_130 = tpu.memref_slice %arg9[%dma_start3A_124, %dma_start3A_129] : memref<26x128xi32, #tpu.memory_space<vmem>> -> memref<1x128xi32, #tpu.memory_space<vmem>>
    %dma_start3A_131 = tpu.memref_squeeze %dma_start3A_130 : memref<1x128xi32, #tpu.memory_space<vmem>> -> memref<128xi32, #tpu.memory_space<vmem>>
    %dma_start3A_132 = arith.constant 0 : i32
    %dma_start3A_133 = tpu.memref_slice %arg5[%dma_start3A_132] : memref<100000xf32, #tpu.memory_space<hbm>> -> memref<100000xf32, #tpu.memory_space<hbm>>
    tpu.enqueue_indirect_dma source(%dma_start3A_133 : memref<100000xf32, #tpu.memory_space<hbm>>) target(%dma_start3A_128 : memref<128xf32, #tpu.memory_space<vmem>>) offsets(%dma_start3A_131 : memref<128xi32, #tpu.memory_space<vmem>>) semaphore(%arg17 : memref<!tpu.dma_semaphore, #tpu.memory_space<semaphore_mem>>)
    %dma_start3A_134 = arith.constant 6 : i32
    %dma_start3A_135 = arith.constant 6 : i32
    %dma_start3A_136 = arith.constant 0 : i32
    %dma_start3A_137 = arith.constant 0 : i32
    %dma_start3A_138 = tpu.memref_slice %arg11[%dma_start3A_135, %dma_start3A_136, %dma_start3A_137] : memref<26x128x32xf32, #tpu.memory_space<vmem>> -> memref<1x128x32xf32, #tpu.memory_space<vmem>>
    %dma_start3A_139 = tpu.memref_squeeze %dma_start3A_138 : memref<1x128x32xf32, #tpu.memory_space<vmem>> -> memref<128x32xf32, #tpu.memory_space<vmem>>
    %dma_start3A_140 = arith.constant 0 : i32
    %dma_start3A_141 = tpu.memref_slice %arg9[%dma_start3A_134, %dma_start3A_140] : memref<26x128xi32, #tpu.memory_space<vmem>> -> memref<1x128xi32, #tpu.memory_space<vmem>>
    %dma_start3A_142 = tpu.memref_squeeze %dma_start3A_141 : memref<1x128xi32, #tpu.memory_space<vmem>> -> memref<128xi32, #tpu.memory_space<vmem>>
    %dma_start3A_143 = arith.constant 0 : i32
    %dma_start3A_144 = arith.constant 0 : i32
    %dma_start3A_145 = tpu.memref_slice %arg4[%dma_start3A_143, %dma_start3A_144] : memref<100000x32xf32, #tpu.memory_space<hbm>> -> memref<100000x32xf32, #tpu.memory_space<hbm>>
    tpu.enqueue_indirect_dma source(%dma_start3A_145 : memref<100000x32xf32, #tpu.memory_space<hbm>>) target(%dma_start3A_139 : memref<128x32xf32, #tpu.memory_space<vmem>>) offsets(%dma_start3A_142 : memref<128xi32, #tpu.memory_space<vmem>>) semaphore(%arg16 : memref<!tpu.dma_semaphore, #tpu.memory_space<semaphore_mem>>)
    %dma_start3A_146 = arith.constant 6 : i32
    %dma_start3A_147 = arith.constant 6 : i32
    %dma_start3A_148 = arith.constant 0 : i32
    %dma_start3A_149 = tpu.memref_slice %arg12[%dma_start3A_147, %dma_start3A_148] : memref<26x128xf32, #tpu.memory_space<vmem>> -> memref<1x128xf32, #tpu.memory_space<vmem>>
    %dma_start3A_150 = tpu.memref_squeeze %dma_start3A_149 : memref<1x128xf32, #tpu.memory_space<vmem>> -> memref<128xf32, #tpu.memory_space<vmem>>
    %dma_start3A_151 = arith.constant 0 : i32
    %dma_start3A_152 = tpu.memref_slice %arg9[%dma_start3A_146, %dma_start3A_151] : memref<26x128xi32, #tpu.memory_space<vmem>> -> memref<1x128xi32, #tpu.memory_space<vmem>>
    %dma_start3A_153 = tpu.memref_squeeze %dma_start3A_152 : memref<1x128xi32, #tpu.memory_space<vmem>> -> memref<128xi32, #tpu.memory_space<vmem>>
    %dma_start3A_154 = arith.constant 0 : i32
    %dma_start3A_155 = tpu.memref_slice %arg5[%dma_start3A_154] : memref<100000xf32, #tpu.memory_space<hbm>> -> memref<100000xf32, #tpu.memory_space<hbm>>
    tpu.enqueue_indirect_dma source(%dma_start3A_155 : memref<100000xf32, #tpu.memory_space<hbm>>) target(%dma_start3A_150 : memref<128xf32, #tpu.memory_space<vmem>>) offsets(%dma_start3A_153 : memref<128xi32, #tpu.memory_space<vmem>>) semaphore(%arg17 : memref<!tpu.dma_semaphore, #tpu.memory_space<semaphore_mem>>)
    %dma_start3A_156 = arith.constant 7 : i32
    %dma_start3A_157 = arith.constant 7 : i32
    %dma_start3A_158 = arith.constant 0 : i32
    %dma_start3A_159 = arith.constant 0 : i32
    %dma_start3A_160 = tpu.memref_slice %arg11[%dma_start3A_157, %dma_start3A_158, %dma_start3A_159] : memref<26x128x32xf32, #tpu.memory_space<vmem>> -> memref<1x128x32xf32, #tpu.memory_space<vmem>>
    %dma_start3A_161 = tpu.memref_squeeze %dma_start3A_160 : memref<1x128x32xf32, #tpu.memory_space<vmem>> -> memref<128x32xf32, #tpu.memory_space<vmem>>
    %dma_start3A_162 = arith.constant 0 : i32
    %dma_start3A_163 = tpu.memref_slice %arg9[%dma_start3A_156, %dma_start3A_162] : memref<26x128xi32, #tpu.memory_space<vmem>> -> memref<1x128xi32, #tpu.memory_space<vmem>>
    %dma_start3A_164 = tpu.memref_squeeze %dma_start3A_163 : memref<1x128xi32, #tpu.memory_space<vmem>> -> memref<128xi32, #tpu.memory_space<vmem>>
    %dma_start3A_165 = arith.constant 0 : i32
    %dma_start3A_166 = arith.constant 0 : i32
    %dma_start3A_167 = tpu.memref_slice %arg4[%dma_start3A_165, %dma_start3A_166] : memref<100000x32xf32, #tpu.memory_space<hbm>> -> memref<100000x32xf32, #tpu.memory_space<hbm>>
    tpu.enqueue_indirect_dma source(%dma_start3A_167 : memref<100000x32xf32, #tpu.memory_space<hbm>>) target(%dma_start3A_161 : memref<128x32xf32, #tpu.memory_space<vmem>>) offsets(%dma_start3A_164 : memref<128xi32, #tpu.memory_space<vmem>>) semaphore(%arg16 : memref<!tpu.dma_semaphore, #tpu.memory_space<semaphore_mem>>)
    %dma_start3A_168 = arith.constant 7 : i32
    %dma_start3A_169 = arith.constant 7 : i32
    %dma_start3A_170 = arith.constant 0 : i32
    %dma_start3A_171 = tpu.memref_slice %arg12[%dma_start3A_169, %dma_start3A_170] : memref<26x128xf32, #tpu.memory_space<vmem>> -> memref<1x128xf32, #tpu.memory_space<vmem>>
    %dma_start3A_172 = tpu.memref_squeeze %dma_start3A_171 : memref<1x128xf32, #tpu.memory_space<vmem>> -> memref<128xf32, #tpu.memory_space<vmem>>
    %dma_start3A_173 = arith.constant 0 : i32
    %dma_start3A_174 = tpu.memref_slice %arg9[%dma_start3A_168, %dma_start3A_173] : memref<26x128xi32, #tpu.memory_space<vmem>> -> memref<1x128xi32, #tpu.memory_space<vmem>>
    %dma_start3A_175 = tpu.memref_squeeze %dma_start3A_174 : memref<1x128xi32, #tpu.memory_space<vmem>> -> memref<128xi32, #tpu.memory_space<vmem>>
    %dma_start3A_176 = arith.constant 0 : i32
    %dma_start3A_177 = tpu.memref_slice %arg5[%dma_start3A_176] : memref<100000xf32, #tpu.memory_space<hbm>> -> memref<100000xf32, #tpu.memory_space<hbm>>
    tpu.enqueue_indirect_dma source(%dma_start3A_177 : memref<100000xf32, #tpu.memory_space<hbm>>) target(%dma_start3A_172 : memref<128xf32, #tpu.memory_space<vmem>>) offsets(%dma_start3A_175 : memref<128xi32, #tpu.memory_space<vmem>>) semaphore(%arg17 : memref<!tpu.dma_semaphore, #tpu.memory_space<semaphore_mem>>)
    %dma_start3A_178 = arith.constant 8 : i32
    %dma_start3A_179 = arith.constant 8 : i32
    %dma_start3A_180 = arith.constant 0 : i32
    %dma_start3A_181 = arith.constant 0 : i32
    %dma_start3A_182 = tpu.memref_slice %arg11[%dma_start3A_179, %dma_start3A_180, %dma_start3A_181] : memref<26x128x32xf32, #tpu.memory_space<vmem>> -> memref<1x128x32xf32, #tpu.memory_space<vmem>>
    %dma_start3A_183 = tpu.memref_squeeze %dma_start3A_182 : memref<1x128x32xf32, #tpu.memory_space<vmem>> -> memref<128x32xf32, #tpu.memory_space<vmem>>
    %dma_start3A_184 = arith.constant 0 : i32
    %dma_start3A_185 = tpu.memref_slice %arg9[%dma_start3A_178, %dma_start3A_184] : memref<26x128xi32, #tpu.memory_space<vmem>> -> memref<1x128xi32, #tpu.memory_space<vmem>>
    %dma_start3A_186 = tpu.memref_squeeze %dma_start3A_185 : memref<1x128xi32, #tpu.memory_space<vmem>> -> memref<128xi32, #tpu.memory_space<vmem>>
    %dma_start3A_187 = arith.constant 0 : i32
    %dma_start3A_188 = arith.constant 0 : i32
    %dma_start3A_189 = tpu.memref_slice %arg4[%dma_start3A_187, %dma_start3A_188] : memref<100000x32xf32, #tpu.memory_space<hbm>> -> memref<100000x32xf32, #tpu.memory_space<hbm>>
    tpu.enqueue_indirect_dma source(%dma_start3A_189 : memref<100000x32xf32, #tpu.memory_space<hbm>>) target(%dma_start3A_183 : memref<128x32xf32, #tpu.memory_space<vmem>>) offsets(%dma_start3A_186 : memref<128xi32, #tpu.memory_space<vmem>>) semaphore(%arg16 : memref<!tpu.dma_semaphore, #tpu.memory_space<semaphore_mem>>)
    %dma_start3A_190 = arith.constant 8 : i32
    %dma_start3A_191 = arith.constant 8 : i32
    %dma_start3A_192 = arith.constant 0 : i32
    %dma_start3A_193 = tpu.memref_slice %arg12[%dma_start3A_191, %dma_start3A_192] : memref<26x128xf32, #tpu.memory_space<vmem>> -> memref<1x128xf32, #tpu.memory_space<vmem>>
    %dma_start3A_194 = tpu.memref_squeeze %dma_start3A_193 : memref<1x128xf32, #tpu.memory_space<vmem>> -> memref<128xf32, #tpu.memory_space<vmem>>
    %dma_start3A_195 = arith.constant 0 : i32
    %dma_start3A_196 = tpu.memref_slice %arg9[%dma_start3A_190, %dma_start3A_195] : memref<26x128xi32, #tpu.memory_space<vmem>> -> memref<1x128xi32, #tpu.memory_space<vmem>>
    %dma_start3A_197 = tpu.memref_squeeze %dma_start3A_196 : memref<1x128xi32, #tpu.memory_space<vmem>> -> memref<128xi32, #tpu.memory_space<vmem>>
    %dma_start3A_198 = arith.constant 0 : i32
    %dma_start3A_199 = tpu.memref_slice %arg5[%dma_start3A_198] : memref<100000xf32, #tpu.memory_space<hbm>> -> memref<100000xf32, #tpu.memory_space<hbm>>
    tpu.enqueue_indirect_dma source(%dma_start3A_199 : memref<100000xf32, #tpu.memory_space<hbm>>) target(%dma_start3A_194 : memref<128xf32, #tpu.memory_space<vmem>>) offsets(%dma_start3A_197 : memref<128xi32, #tpu.memory_space<vmem>>) semaphore(%arg17 : memref<!tpu.dma_semaphore, #tpu.memory_space<semaphore_mem>>)
    %dma_start3A_200 = arith.constant 9 : i32
    %dma_start3A_201 = arith.constant 9 : i32
    %dma_start3A_202 = arith.constant 0 : i32
    %dma_start3A_203 = arith.constant 0 : i32
    %dma_start3A_204 = tpu.memref_slice %arg11[%dma_start3A_201, %dma_start3A_202, %dma_start3A_203] : memref<26x128x32xf32, #tpu.memory_space<vmem>> -> memref<1x128x32xf32, #tpu.memory_space<vmem>>
    %dma_start3A_205 = tpu.memref_squeeze %dma_start3A_204 : memref<1x128x32xf32, #tpu.memory_space<vmem>> -> memref<128x32xf32, #tpu.memory_space<vmem>>
    %dma_start3A_206 = arith.constant 0 : i32
    %dma_start3A_207 = tpu.memref_slice %arg9[%dma_start3A_200, %dma_start3A_206] : memref<26x128xi32, #tpu.memory_space<vmem>> -> memref<1x128xi32, #tpu.memory_space<vmem>>
    %dma_start3A_208 = tpu.memref_squeeze %dma_start3A_207 : memref<1x128xi32, #tpu.memory_space<vmem>> -> memref<128xi32, #tpu.memory_space<vmem>>
    %dma_start3A_209 = arith.constant 0 : i32
    %dma_start3A_210 = arith.constant 0 : i32
    %dma_start3A_211 = tpu.memref_slice %arg4[%dma_start3A_209, %dma_start3A_210] : memref<100000x32xf32, #tpu.memory_space<hbm>> -> memref<100000x32xf32, #tpu.memory_space<hbm>>
    tpu.enqueue_indirect_dma source(%dma_start3A_211 : memref<100000x32xf32, #tpu.memory_space<hbm>>) target(%dma_start3A_205 : memref<128x32xf32, #tpu.memory_space<vmem>>) offsets(%dma_start3A_208 : memref<128xi32, #tpu.memory_space<vmem>>) semaphore(%arg16 : memref<!tpu.dma_semaphore, #tpu.memory_space<semaphore_mem>>)
    %dma_start3A_212 = arith.constant 9 : i32
    %dma_start3A_213 = arith.constant 9 : i32
    %dma_start3A_214 = arith.constant 0 : i32
    %dma_start3A_215 = tpu.memref_slice %arg12[%dma_start3A_213, %dma_start3A_214] : memref<26x128xf32, #tpu.memory_space<vmem>> -> memref<1x128xf32, #tpu.memory_space<vmem>>
    %dma_start3A_216 = tpu.memref_squeeze %dma_start3A_215 : memref<1x128xf32, #tpu.memory_space<vmem>> -> memref<128xf32, #tpu.memory_space<vmem>>
    %dma_start3A_217 = arith.constant 0 : i32
    %dma_start3A_218 = tpu.memref_slice %arg9[%dma_start3A_212, %dma_start3A_217] : memref<26x128xi32, #tpu.memory_space<vmem>> -> memref<1x128xi32, #tpu.memory_space<vmem>>
    %dma_start3A_219 = tpu.memref_squeeze %dma_start3A_218 : memref<1x128xi32, #tpu.memory_space<vmem>> -> memref<128xi32, #tpu.memory_space<vmem>>
    %dma_start3A_220 = arith.constant 0 : i32
    %dma_start3A_221 = tpu.memref_slice %arg5[%dma_start3A_220] : memref<100000xf32, #tpu.memory_space<hbm>> -> memref<100000xf32, #tpu.memory_space<hbm>>
    tpu.enqueue_indirect_dma source(%dma_start3A_221 : memref<100000xf32, #tpu.memory_space<hbm>>) target(%dma_start3A_216 : memref<128xf32, #tpu.memory_space<vmem>>) offsets(%dma_start3A_219 : memref<128xi32, #tpu.memory_space<vmem>>) semaphore(%arg17 : memref<!tpu.dma_semaphore, #tpu.memory_space<semaphore_mem>>)
    %dma_start3A_222 = arith.constant 10 : i32
    %dma_start3A_223 = arith.constant 10 : i32
    %dma_start3A_224 = arith.constant 0 : i32
    %dma_start3A_225 = arith.constant 0 : i32
    %dma_start3A_226 = tpu.memref_slice %arg11[%dma_start3A_223, %dma_start3A_224, %dma_start3A_225] : memref<26x128x32xf32, #tpu.memory_space<vmem>> -> memref<1x128x32xf32, #tpu.memory_space<vmem>>
    %dma_start3A_227 = tpu.memref_squeeze %dma_start3A_226 : memref<1x128x32xf32, #tpu.memory_space<vmem>> -> memref<128x32xf32, #tpu.memory_space<vmem>>
    %dma_start3A_228 = arith.constant 0 : i32
    %dma_start3A_229 = tpu.memref_slice %arg9[%dma_start3A_222, %dma_start3A_228] : memref<26x128xi32, #tpu.memory_space<vmem>> -> memref<1x128xi32, #tpu.memory_space<vmem>>
    %dma_start3A_230 = tpu.memref_squeeze %dma_start3A_229 : memref<1x128xi32, #tpu.memory_space<vmem>> -> memref<128xi32, #tpu.memory_space<vmem>>
    %dma_start3A_231 = arith.constant 0 : i32
    %dma_start3A_232 = arith.constant 0 : i32
    %dma_start3A_233 = tpu.memref_slice %arg4[%dma_start3A_231, %dma_start3A_232] : memref<100000x32xf32, #tpu.memory_space<hbm>> -> memref<100000x32xf32, #tpu.memory_space<hbm>>
    tpu.enqueue_indirect_dma source(%dma_start3A_233 : memref<100000x32xf32, #tpu.memory_space<hbm>>) target(%dma_start3A_227 : memref<128x32xf32, #tpu.memory_space<vmem>>) offsets(%dma_start3A_230 : memref<128xi32, #tpu.memory_space<vmem>>) semaphore(%arg16 : memref<!tpu.dma_semaphore, #tpu.memory_space<semaphore_mem>>)
    %dma_start3A_234 = arith.constant 10 : i32
    %dma_start3A_235 = arith.constant 10 : i32
    %dma_start3A_236 = arith.constant 0 : i32
    %dma_start3A_237 = tpu.memref_slice %arg12[%dma_start3A_235, %dma_start3A_236] : memref<26x128xf32, #tpu.memory_space<vmem>> -> memref<1x128xf32, #tpu.memory_space<vmem>>
    %dma_start3A_238 = tpu.memref_squeeze %dma_start3A_237 : memref<1x128xf32, #tpu.memory_space<vmem>> -> memref<128xf32, #tpu.memory_space<vmem>>
    %dma_start3A_239 = arith.constant 0 : i32
    %dma_start3A_240 = tpu.memref_slice %arg9[%dma_start3A_234, %dma_start3A_239] : memref<26x128xi32, #tpu.memory_space<vmem>> -> memref<1x128xi32, #tpu.memory_space<vmem>>
    %dma_start3A_241 = tpu.memref_squeeze %dma_start3A_240 : memref<1x128xi32, #tpu.memory_space<vmem>> -> memref<128xi32, #tpu.memory_space<vmem>>
    %dma_start3A_242 = arith.constant 0 : i32
    %dma_start3A_243 = tpu.memref_slice %arg5[%dma_start3A_242] : memref<100000xf32, #tpu.memory_space<hbm>> -> memref<100000xf32, #tpu.memory_space<hbm>>
    tpu.enqueue_indirect_dma source(%dma_start3A_243 : memref<100000xf32, #tpu.memory_space<hbm>>) target(%dma_start3A_238 : memref<128xf32, #tpu.memory_space<vmem>>) offsets(%dma_start3A_241 : memref<128xi32, #tpu.memory_space<vmem>>) semaphore(%arg17 : memref<!tpu.dma_semaphore, #tpu.memory_space<semaphore_mem>>)
    %dma_start3A_244 = arith.constant 11 : i32
    %dma_start3A_245 = arith.constant 11 : i32
    %dma_start3A_246 = arith.constant 0 : i32
    %dma_start3A_247 = arith.constant 0 : i32
    %dma_start3A_248 = tpu.memref_slice %arg11[%dma_start3A_245, %dma_start3A_246, %dma_start3A_247] : memref<26x128x32xf32, #tpu.memory_space<vmem>> -> memref<1x128x32xf32, #tpu.memory_space<vmem>>
    %dma_start3A_249 = tpu.memref_squeeze %dma_start3A_248 : memref<1x128x32xf32, #tpu.memory_space<vmem>> -> memref<128x32xf32, #tpu.memory_space<vmem>>
    %dma_start3A_250 = arith.constant 0 : i32
    %dma_start3A_251 = tpu.memref_slice %arg9[%dma_start3A_244, %dma_start3A_250] : memref<26x128xi32, #tpu.memory_space<vmem>> -> memref<1x128xi32, #tpu.memory_space<vmem>>
    %dma_start3A_252 = tpu.memref_squeeze %dma_start3A_251 : memref<1x128xi32, #tpu.memory_space<vmem>> -> memref<128xi32, #tpu.memory_space<vmem>>
    %dma_start3A_253 = arith.constant 0 : i32
    %dma_start3A_254 = arith.constant 0 : i32
    %dma_start3A_255 = tpu.memref_slice %arg4[%dma_start3A_253, %dma_start3A_254] : memref<100000x32xf32, #tpu.memory_space<hbm>> -> memref<100000x32xf32, #tpu.memory_space<hbm>>
    tpu.enqueue_indirect_dma source(%dma_start3A_255 : memref<100000x32xf32, #tpu.memory_space<hbm>>) target(%dma_start3A_249 : memref<128x32xf32, #tpu.memory_space<vmem>>) offsets(%dma_start3A_252 : memref<128xi32, #tpu.memory_space<vmem>>) semaphore(%arg16 : memref<!tpu.dma_semaphore, #tpu.memory_space<semaphore_mem>>)
    %dma_start3A_256 = arith.constant 11 : i32
    %dma_start3A_257 = arith.constant 11 : i32
    %dma_start3A_258 = arith.constant 0 : i32
    %dma_start3A_259 = tpu.memref_slice %arg12[%dma_start3A_257, %dma_start3A_258] : memref<26x128xf32, #tpu.memory_space<vmem>> -> memref<1x128xf32, #tpu.memory_space<vmem>>
    %dma_start3A_260 = tpu.memref_squeeze %dma_start3A_259 : memref<1x128xf32, #tpu.memory_space<vmem>> -> memref<128xf32, #tpu.memory_space<vmem>>
    %dma_start3A_261 = arith.constant 0 : i32
    %dma_start3A_262 = tpu.memref_slice %arg9[%dma_start3A_256, %dma_start3A_261] : memref<26x128xi32, #tpu.memory_space<vmem>> -> memref<1x128xi32, #tpu.memory_space<vmem>>
    %dma_start3A_263 = tpu.memref_squeeze %dma_start3A_262 : memref<1x128xi32, #tpu.memory_space<vmem>> -> memref<128xi32, #tpu.memory_space<vmem>>
    %dma_start3A_264 = arith.constant 0 : i32
    %dma_start3A_265 = tpu.memref_slice %arg5[%dma_start3A_264] : memref<100000xf32, #tpu.memory_space<hbm>> -> memref<100000xf32, #tpu.memory_space<hbm>>
    tpu.enqueue_indirect_dma source(%dma_start3A_265 : memref<100000xf32, #tpu.memory_space<hbm>>) target(%dma_start3A_260 : memref<128xf32, #tpu.memory_space<vmem>>) offsets(%dma_start3A_263 : memref<128xi32, #tpu.memory_space<vmem>>) semaphore(%arg17 : memref<!tpu.dma_semaphore, #tpu.memory_space<semaphore_mem>>)
    %dma_start3A_266 = arith.constant 12 : i32
    %dma_start3A_267 = arith.constant 12 : i32
    %dma_start3A_268 = arith.constant 0 : i32
    %dma_start3A_269 = arith.constant 0 : i32
    %dma_start3A_270 = tpu.memref_slice %arg11[%dma_start3A_267, %dma_start3A_268, %dma_start3A_269] : memref<26x128x32xf32, #tpu.memory_space<vmem>> -> memref<1x128x32xf32, #tpu.memory_space<vmem>>
    %dma_start3A_271 = tpu.memref_squeeze %dma_start3A_270 : memref<1x128x32xf32, #tpu.memory_space<vmem>> -> memref<128x32xf32, #tpu.memory_space<vmem>>
    %dma_start3A_272 = arith.constant 0 : i32
    %dma_start3A_273 = tpu.memref_slice %arg9[%dma_start3A_266, %dma_start3A_272] : memref<26x128xi32, #tpu.memory_space<vmem>> -> memref<1x128xi32, #tpu.memory_space<vmem>>
    %dma_start3A_274 = tpu.memref_squeeze %dma_start3A_273 : memref<1x128xi32, #tpu.memory_space<vmem>> -> memref<128xi32, #tpu.memory_space<vmem>>
    %dma_start3A_275 = arith.constant 0 : i32
    %dma_start3A_276 = arith.constant 0 : i32
    %dma_start3A_277 = tpu.memref_slice %arg4[%dma_start3A_275, %dma_start3A_276] : memref<100000x32xf32, #tpu.memory_space<hbm>> -> memref<100000x32xf32, #tpu.memory_space<hbm>>
    tpu.enqueue_indirect_dma source(%dma_start3A_277 : memref<100000x32xf32, #tpu.memory_space<hbm>>) target(%dma_start3A_271 : memref<128x32xf32, #tpu.memory_space<vmem>>) offsets(%dma_start3A_274 : memref<128xi32, #tpu.memory_space<vmem>>) semaphore(%arg16 : memref<!tpu.dma_semaphore, #tpu.memory_space<semaphore_mem>>)
    %dma_start3A_278 = arith.constant 12 : i32
    %dma_start3A_279 = arith.constant 12 : i32
    %dma_start3A_280 = arith.constant 0 : i32
    %dma_start3A_281 = tpu.memref_slice %arg12[%dma_start3A_279, %dma_start3A_280] : memref<26x128xf32, #tpu.memory_space<vmem>> -> memref<1x128xf32, #tpu.memory_space<vmem>>
    %dma_start3A_282 = tpu.memref_squeeze %dma_start3A_281 : memref<1x128xf32, #tpu.memory_space<vmem>> -> memref<128xf32, #tpu.memory_space<vmem>>
    %dma_start3A_283 = arith.constant 0 : i32
    %dma_start3A_284 = tpu.memref_slice %arg9[%dma_start3A_278, %dma_start3A_283] : memref<26x128xi32, #tpu.memory_space<vmem>> -> memref<1x128xi32, #tpu.memory_space<vmem>>
    %dma_start3A_285 = tpu.memref_squeeze %dma_start3A_284 : memref<1x128xi32, #tpu.memory_space<vmem>> -> memref<128xi32, #tpu.memory_space<vmem>>
    %dma_start3A_286 = arith.constant 0 : i32
    %dma_start3A_287 = tpu.memref_slice %arg5[%dma_start3A_286] : memref<100000xf32, #tpu.memory_space<hbm>> -> memref<100000xf32, #tpu.memory_space<hbm>>
    tpu.enqueue_indirect_dma source(%dma_start3A_287 : memref<100000xf32, #tpu.memory_space<hbm>>) target(%dma_start3A_282 : memref<128xf32, #tpu.memory_space<vmem>>) offsets(%dma_start3A_285 : memref<128xi32, #tpu.memory_space<vmem>>) semaphore(%arg17 : memref<!tpu.dma_semaphore, #tpu.memory_space<semaphore_mem>>)
    %dma_start3A_288 = arith.constant 13 : i32
    %dma_start3A_289 = arith.constant 13 : i32
    %dma_start3A_290 = arith.constant 0 : i32
    %dma_start3A_291 = arith.constant 0 : i32
    %dma_start3A_292 = tpu.memref_slice %arg11[%dma_start3A_289, %dma_start3A_290, %dma_start3A_291] : memref<26x128x32xf32, #tpu.memory_space<vmem>> -> memref<1x128x32xf32, #tpu.memory_space<vmem>>
    %dma_start3A_293 = tpu.memref_squeeze %dma_start3A_292 : memref<1x128x32xf32, #tpu.memory_space<vmem>> -> memref<128x32xf32, #tpu.memory_space<vmem>>
    %dma_start3A_294 = arith.constant 0 : i32
    %dma_start3A_295 = tpu.memref_slice %arg9[%dma_start3A_288, %dma_start3A_294] : memref<26x128xi32, #tpu.memory_space<vmem>> -> memref<1x128xi32, #tpu.memory_space<vmem>>
    %dma_start3A_296 = tpu.memref_squeeze %dma_start3A_295 : memref<1x128xi32, #tpu.memory_space<vmem>> -> memref<128xi32, #tpu.memory_space<vmem>>
    %dma_start3A_297 = arith.constant 0 : i32
    %dma_start3A_298 = arith.constant 0 : i32
    %dma_start3A_299 = tpu.memref_slice %arg4[%dma_start3A_297, %dma_start3A_298] : memref<100000x32xf32, #tpu.memory_space<hbm>> -> memref<100000x32xf32, #tpu.memory_space<hbm>>
    tpu.enqueue_indirect_dma source(%dma_start3A_299 : memref<100000x32xf32, #tpu.memory_space<hbm>>) target(%dma_start3A_293 : memref<128x32xf32, #tpu.memory_space<vmem>>) offsets(%dma_start3A_296 : memref<128xi32, #tpu.memory_space<vmem>>) semaphore(%arg16 : memref<!tpu.dma_semaphore, #tpu.memory_space<semaphore_mem>>)
    %dma_start3A_300 = arith.constant 13 : i32
    %dma_start3A_301 = arith.constant 13 : i32
    %dma_start3A_302 = arith.constant 0 : i32
    %dma_start3A_303 = tpu.memref_slice %arg12[%dma_start3A_301, %dma_start3A_302] : memref<26x128xf32, #tpu.memory_space<vmem>> -> memref<1x128xf32, #tpu.memory_space<vmem>>
    %dma_start3A_304 = tpu.memref_squeeze %dma_start3A_303 : memref<1x128xf32, #tpu.memory_space<vmem>> -> memref<128xf32, #tpu.memory_space<vmem>>
    %dma_start3A_305 = arith.constant 0 : i32
    %dma_start3A_306 = tpu.memref_slice %arg9[%dma_start3A_300, %dma_start3A_305] : memref<26x128xi32, #tpu.memory_space<vmem>> -> memref<1x128xi32, #tpu.memory_space<vmem>>
    %dma_start3A_307 = tpu.memref_squeeze %dma_start3A_306 : memref<1x128xi32, #tpu.memory_space<vmem>> -> memref<128xi32, #tpu.memory_space<vmem>>
    %dma_start3A_308 = arith.constant 0 : i32
    %dma_start3A_309 = tpu.memref_slice %arg5[%dma_start3A_308] : memref<100000xf32, #tpu.memory_space<hbm>> -> memref<100000xf32, #tpu.memory_space<hbm>>
    tpu.enqueue_indirect_dma source(%dma_start3A_309 : memref<100000xf32, #tpu.memory_space<hbm>>) target(%dma_start3A_304 : memref<128xf32, #tpu.memory_space<vmem>>) offsets(%dma_start3A_307 : memref<128xi32, #tpu.memory_space<vmem>>) semaphore(%arg17 : memref<!tpu.dma_semaphore, #tpu.memory_space<semaphore_mem>>)
    %dma_start3A_310 = arith.constant 14 : i32
    %dma_start3A_311 = arith.constant 14 : i32
    %dma_start3A_312 = arith.constant 0 : i32
    %dma_start3A_313 = arith.constant 0 : i32
    %dma_start3A_314 = tpu.memref_slice %arg11[%dma_start3A_311, %dma_start3A_312, %dma_start3A_313] : memref<26x128x32xf32, #tpu.memory_space<vmem>> -> memref<1x128x32xf32, #tpu.memory_space<vmem>>
    %dma_start3A_315 = tpu.memref_squeeze %dma_start3A_314 : memref<1x128x32xf32, #tpu.memory_space<vmem>> -> memref<128x32xf32, #tpu.memory_space<vmem>>
    %dma_start3A_316 = arith.constant 0 : i32
    %dma_start3A_317 = tpu.memref_slice %arg9[%dma_start3A_310, %dma_start3A_316] : memref<26x128xi32, #tpu.memory_space<vmem>> -> memref<1x128xi32, #tpu.memory_space<vmem>>
    %dma_start3A_318 = tpu.memref_squeeze %dma_start3A_317 : memref<1x128xi32, #tpu.memory_space<vmem>> -> memref<128xi32, #tpu.memory_space<vmem>>
    %dma_start3A_319 = arith.constant 0 : i32
    %dma_start3A_320 = arith.constant 0 : i32
    %dma_start3A_321 = tpu.memref_slice %arg4[%dma_start3A_319, %dma_start3A_320] : memref<100000x32xf32, #tpu.memory_space<hbm>> -> memref<100000x32xf32, #tpu.memory_space<hbm>>
    tpu.enqueue_indirect_dma source(%dma_start3A_321 : memref<100000x32xf32, #tpu.memory_space<hbm>>) target(%dma_start3A_315 : memref<128x32xf32, #tpu.memory_space<vmem>>) offsets(%dma_start3A_318 : memref<128xi32, #tpu.memory_space<vmem>>) semaphore(%arg16 : memref<!tpu.dma_semaphore, #tpu.memory_space<semaphore_mem>>)
    %dma_start3A_322 = arith.constant 14 : i32
    %dma_start3A_323 = arith.constant 14 : i32
    %dma_start3A_324 = arith.constant 0 : i32
    %dma_start3A_325 = tpu.memref_slice %arg12[%dma_start3A_323, %dma_start3A_324] : memref<26x128xf32, #tpu.memory_space<vmem>> -> memref<1x128xf32, #tpu.memory_space<vmem>>
    %dma_start3A_326 = tpu.memref_squeeze %dma_start3A_325 : memref<1x128xf32, #tpu.memory_space<vmem>> -> memref<128xf32, #tpu.memory_space<vmem>>
    %dma_start3A_327 = arith.constant 0 : i32
    %dma_start3A_328 = tpu.memref_slice %arg9[%dma_start3A_322, %dma_start3A_327] : memref<26x128xi32, #tpu.memory_space<vmem>> -> memref<1x128xi32, #tpu.memory_space<vmem>>
    %dma_start3A_329 = tpu.memref_squeeze %dma_start3A_328 : memref<1x128xi32, #tpu.memory_space<vmem>> -> memref<128xi32, #tpu.memory_space<vmem>>
    %dma_start3A_330 = arith.constant 0 : i32
    %dma_start3A_331 = tpu.memref_slice %arg5[%dma_start3A_330] : memref<100000xf32, #tpu.memory_space<hbm>> -> memref<100000xf32, #tpu.memory_space<hbm>>
    tpu.enqueue_indirect_dma source(%dma_start3A_331 : memref<100000xf32, #tpu.memory_space<hbm>>) target(%dma_start3A_326 : memref<128xf32, #tpu.memory_space<vmem>>) offsets(%dma_start3A_329 : memref<128xi32, #tpu.memory_space<vmem>>) semaphore(%arg17 : memref<!tpu.dma_semaphore, #tpu.memory_space<semaphore_mem>>)
    %dma_start3A_332 = arith.constant 15 : i32
    %dma_start3A_333 = arith.constant 15 : i32
    %dma_start3A_334 = arith.constant 0 : i32
    %dma_start3A_335 = arith.constant 0 : i32
    %dma_start3A_336 = tpu.memref_slice %arg11[%dma_start3A_333, %dma_start3A_334, %dma_start3A_335] : memref<26x128x32xf32, #tpu.memory_space<vmem>> -> memref<1x128x32xf32, #tpu.memory_space<vmem>>
    %dma_start3A_337 = tpu.memref_squeeze %dma_start3A_336 : memref<1x128x32xf32, #tpu.memory_space<vmem>> -> memref<128x32xf32, #tpu.memory_space<vmem>>
    %dma_start3A_338 = arith.constant 0 : i32
    %dma_start3A_339 = tpu.memref_slice %arg9[%dma_start3A_332, %dma_start3A_338] : memref<26x128xi32, #tpu.memory_space<vmem>> -> memref<1x128xi32, #tpu.memory_space<vmem>>
    %dma_start3A_340 = tpu.memref_squeeze %dma_start3A_339 : memref<1x128xi32, #tpu.memory_space<vmem>> -> memref<128xi32, #tpu.memory_space<vmem>>
    %dma_start3A_341 = arith.constant 0 : i32
    %dma_start3A_342 = arith.constant 0 : i32
    %dma_start3A_343 = tpu.memref_slice %arg4[%dma_start3A_341, %dma_start3A_342] : memref<100000x32xf32, #tpu.memory_space<hbm>> -> memref<100000x32xf32, #tpu.memory_space<hbm>>
    tpu.enqueue_indirect_dma source(%dma_start3A_343 : memref<100000x32xf32, #tpu.memory_space<hbm>>) target(%dma_start3A_337 : memref<128x32xf32, #tpu.memory_space<vmem>>) offsets(%dma_start3A_340 : memref<128xi32, #tpu.memory_space<vmem>>) semaphore(%arg16 : memref<!tpu.dma_semaphore, #tpu.memory_space<semaphore_mem>>)
    %dma_start3A_344 = arith.constant 15 : i32
    %dma_start3A_345 = arith.constant 15 : i32
    %dma_start3A_346 = arith.constant 0 : i32
    %dma_start3A_347 = tpu.memref_slice %arg12[%dma_start3A_345, %dma_start3A_346] : memref<26x128xf32, #tpu.memory_space<vmem>> -> memref<1x128xf32, #tpu.memory_space<vmem>>
    %dma_start3A_348 = tpu.memref_squeeze %dma_start3A_347 : memref<1x128xf32, #tpu.memory_space<vmem>> -> memref<128xf32, #tpu.memory_space<vmem>>
    %dma_start3A_349 = arith.constant 0 : i32
    %dma_start3A_350 = tpu.memref_slice %arg9[%dma_start3A_344, %dma_start3A_349] : memref<26x128xi32, #tpu.memory_space<vmem>> -> memref<1x128xi32, #tpu.memory_space<vmem>>
    %dma_start3A_351 = tpu.memref_squeeze %dma_start3A_350 : memref<1x128xi32, #tpu.memory_space<vmem>> -> memref<128xi32, #tpu.memory_space<vmem>>
    %dma_start3A_352 = arith.constant 0 : i32
    %dma_start3A_353 = tpu.memref_slice %arg5[%dma_start3A_352] : memref<100000xf32, #tpu.memory_space<hbm>> -> memref<100000xf32, #tpu.memory_space<hbm>>
    tpu.enqueue_indirect_dma source(%dma_start3A_353 : memref<100000xf32, #tpu.memory_space<hbm>>) target(%dma_start3A_348 : memref<128xf32, #tpu.memory_space<vmem>>) offsets(%dma_start3A_351 : memref<128xi32, #tpu.memory_space<vmem>>) semaphore(%arg17 : memref<!tpu.dma_semaphore, #tpu.memory_space<semaphore_mem>>)
    %dma_start3A_354 = arith.constant 16 : i32
    %dma_start3A_355 = arith.constant 16 : i32
    %dma_start3A_356 = arith.constant 0 : i32
    %dma_start3A_357 = arith.constant 0 : i32
    %dma_start3A_358 = tpu.memref_slice %arg11[%dma_start3A_355, %dma_start3A_356, %dma_start3A_357] : memref<26x128x32xf32, #tpu.memory_space<vmem>> -> memref<1x128x32xf32, #tpu.memory_space<vmem>>
    %dma_start3A_359 = tpu.memref_squeeze %dma_start3A_358 : memref<1x128x32xf32, #tpu.memory_space<vmem>> -> memref<128x32xf32, #tpu.memory_space<vmem>>
    %dma_start3A_360 = arith.constant 0 : i32
    %dma_start3A_361 = tpu.memref_slice %arg9[%dma_start3A_354, %dma_start3A_360] : memref<26x128xi32, #tpu.memory_space<vmem>> -> memref<1x128xi32, #tpu.memory_space<vmem>>
    %dma_start3A_362 = tpu.memref_squeeze %dma_start3A_361 : memref<1x128xi32, #tpu.memory_space<vmem>> -> memref<128xi32, #tpu.memory_space<vmem>>
    %dma_start3A_363 = arith.constant 0 : i32
    %dma_start3A_364 = arith.constant 0 : i32
    %dma_start3A_365 = tpu.memref_slice %arg4[%dma_start3A_363, %dma_start3A_364] : memref<100000x32xf32, #tpu.memory_space<hbm>> -> memref<100000x32xf32, #tpu.memory_space<hbm>>
    tpu.enqueue_indirect_dma source(%dma_start3A_365 : memref<100000x32xf32, #tpu.memory_space<hbm>>) target(%dma_start3A_359 : memref<128x32xf32, #tpu.memory_space<vmem>>) offsets(%dma_start3A_362 : memref<128xi32, #tpu.memory_space<vmem>>) semaphore(%arg16 : memref<!tpu.dma_semaphore, #tpu.memory_space<semaphore_mem>>)
    %dma_start3A_366 = arith.constant 16 : i32
    %dma_start3A_367 = arith.constant 16 : i32
    %dma_start3A_368 = arith.constant 0 : i32
    %dma_start3A_369 = tpu.memref_slice %arg12[%dma_start3A_367, %dma_start3A_368] : memref<26x128xf32, #tpu.memory_space<vmem>> -> memref<1x128xf32, #tpu.memory_space<vmem>>
    %dma_start3A_370 = tpu.memref_squeeze %dma_start3A_369 : memref<1x128xf32, #tpu.memory_space<vmem>> -> memref<128xf32, #tpu.memory_space<vmem>>
    %dma_start3A_371 = arith.constant 0 : i32
    %dma_start3A_372 = tpu.memref_slice %arg9[%dma_start3A_366, %dma_start3A_371] : memref<26x128xi32, #tpu.memory_space<vmem>> -> memref<1x128xi32, #tpu.memory_space<vmem>>
    %dma_start3A_373 = tpu.memref_squeeze %dma_start3A_372 : memref<1x128xi32, #tpu.memory_space<vmem>> -> memref<128xi32, #tpu.memory_space<vmem>>
    %dma_start3A_374 = arith.constant 0 : i32
    %dma_start3A_375 = tpu.memref_slice %arg5[%dma_start3A_374] : memref<100000xf32, #tpu.memory_space<hbm>> -> memref<100000xf32, #tpu.memory_space<hbm>>
    tpu.enqueue_indirect_dma source(%dma_start3A_375 : memref<100000xf32, #tpu.memory_space<hbm>>) target(%dma_start3A_370 : memref<128xf32, #tpu.memory_space<vmem>>) offsets(%dma_start3A_373 : memref<128xi32, #tpu.memory_space<vmem>>) semaphore(%arg17 : memref<!tpu.dma_semaphore, #tpu.memory_space<semaphore_mem>>)
    %dma_start3A_376 = arith.constant 17 : i32
    %dma_start3A_377 = arith.constant 17 : i32
    %dma_start3A_378 = arith.constant 0 : i32
    %dma_start3A_379 = arith.constant 0 : i32
    %dma_start3A_380 = tpu.memref_slice %arg11[%dma_start3A_377, %dma_start3A_378, %dma_start3A_379] : memref<26x128x32xf32, #tpu.memory_space<vmem>> -> memref<1x128x32xf32, #tpu.memory_space<vmem>>
    %dma_start3A_381 = tpu.memref_squeeze %dma_start3A_380 : memref<1x128x32xf32, #tpu.memory_space<vmem>> -> memref<128x32xf32, #tpu.memory_space<vmem>>
    %dma_start3A_382 = arith.constant 0 : i32
    %dma_start3A_383 = tpu.memref_slice %arg9[%dma_start3A_376, %dma_start3A_382] : memref<26x128xi32, #tpu.memory_space<vmem>> -> memref<1x128xi32, #tpu.memory_space<vmem>>
    %dma_start3A_384 = tpu.memref_squeeze %dma_start3A_383 : memref<1x128xi32, #tpu.memory_space<vmem>> -> memref<128xi32, #tpu.memory_space<vmem>>
    %dma_start3A_385 = arith.constant 0 : i32
    %dma_start3A_386 = arith.constant 0 : i32
    %dma_start3A_387 = tpu.memref_slice %arg4[%dma_start3A_385, %dma_start3A_386] : memref<100000x32xf32, #tpu.memory_space<hbm>> -> memref<100000x32xf32, #tpu.memory_space<hbm>>
    tpu.enqueue_indirect_dma source(%dma_start3A_387 : memref<100000x32xf32, #tpu.memory_space<hbm>>) target(%dma_start3A_381 : memref<128x32xf32, #tpu.memory_space<vmem>>) offsets(%dma_start3A_384 : memref<128xi32, #tpu.memory_space<vmem>>) semaphore(%arg16 : memref<!tpu.dma_semaphore, #tpu.memory_space<semaphore_mem>>)
    %dma_start3A_388 = arith.constant 17 : i32
    %dma_start3A_389 = arith.constant 17 : i32
    %dma_start3A_390 = arith.constant 0 : i32
    %dma_start3A_391 = tpu.memref_slice %arg12[%dma_start3A_389, %dma_start3A_390] : memref<26x128xf32, #tpu.memory_space<vmem>> -> memref<1x128xf32, #tpu.memory_space<vmem>>
    %dma_start3A_392 = tpu.memref_squeeze %dma_start3A_391 : memref<1x128xf32, #tpu.memory_space<vmem>> -> memref<128xf32, #tpu.memory_space<vmem>>
    %dma_start3A_393 = arith.constant 0 : i32
    %dma_start3A_394 = tpu.memref_slice %arg9[%dma_start3A_388, %dma_start3A_393] : memref<26x128xi32, #tpu.memory_space<vmem>> -> memref<1x128xi32, #tpu.memory_space<vmem>>
    %dma_start3A_395 = tpu.memref_squeeze %dma_start3A_394 : memref<1x128xi32, #tpu.memory_space<vmem>> -> memref<128xi32, #tpu.memory_space<vmem>>
    %dma_start3A_396 = arith.constant 0 : i32
    %dma_start3A_397 = tpu.memref_slice %arg5[%dma_start3A_396] : memref<100000xf32, #tpu.memory_space<hbm>> -> memref<100000xf32, #tpu.memory_space<hbm>>
    tpu.enqueue_indirect_dma source(%dma_start3A_397 : memref<100000xf32, #tpu.memory_space<hbm>>) target(%dma_start3A_392 : memref<128xf32, #tpu.memory_space<vmem>>) offsets(%dma_start3A_395 : memref<128xi32, #tpu.memory_space<vmem>>) semaphore(%arg17 : memref<!tpu.dma_semaphore, #tpu.memory_space<semaphore_mem>>)
    %dma_start3A_398 = arith.constant 18 : i32
    %dma_start3A_399 = arith.constant 18 : i32
    %dma_start3A_400 = arith.constant 0 : i32
    %dma_start3A_401 = arith.constant 0 : i32
    %dma_start3A_402 = tpu.memref_slice %arg11[%dma_start3A_399, %dma_start3A_400, %dma_start3A_401] : memref<26x128x32xf32, #tpu.memory_space<vmem>> -> memref<1x128x32xf32, #tpu.memory_space<vmem>>
    %dma_start3A_403 = tpu.memref_squeeze %dma_start3A_402 : memref<1x128x32xf32, #tpu.memory_space<vmem>> -> memref<128x32xf32, #tpu.memory_space<vmem>>
    %dma_start3A_404 = arith.constant 0 : i32
    %dma_start3A_405 = tpu.memref_slice %arg9[%dma_start3A_398, %dma_start3A_404] : memref<26x128xi32, #tpu.memory_space<vmem>> -> memref<1x128xi32, #tpu.memory_space<vmem>>
    %dma_start3A_406 = tpu.memref_squeeze %dma_start3A_405 : memref<1x128xi32, #tpu.memory_space<vmem>> -> memref<128xi32, #tpu.memory_space<vmem>>
    %dma_start3A_407 = arith.constant 0 : i32
    %dma_start3A_408 = arith.constant 0 : i32
    %dma_start3A_409 = tpu.memref_slice %arg4[%dma_start3A_407, %dma_start3A_408] : memref<100000x32xf32, #tpu.memory_space<hbm>> -> memref<100000x32xf32, #tpu.memory_space<hbm>>
    tpu.enqueue_indirect_dma source(%dma_start3A_409 : memref<100000x32xf32, #tpu.memory_space<hbm>>) target(%dma_start3A_403 : memref<128x32xf32, #tpu.memory_space<vmem>>) offsets(%dma_start3A_406 : memref<128xi32, #tpu.memory_space<vmem>>) semaphore(%arg16 : memref<!tpu.dma_semaphore, #tpu.memory_space<semaphore_mem>>)
    %dma_start3A_410 = arith.constant 18 : i32
    %dma_start3A_411 = arith.constant 18 : i32
    %dma_start3A_412 = arith.constant 0 : i32
    %dma_start3A_413 = tpu.memref_slice %arg12[%dma_start3A_411, %dma_start3A_412] : memref<26x128xf32, #tpu.memory_space<vmem>> -> memref<1x128xf32, #tpu.memory_space<vmem>>
    %dma_start3A_414 = tpu.memref_squeeze %dma_start3A_413 : memref<1x128xf32, #tpu.memory_space<vmem>> -> memref<128xf32, #tpu.memory_space<vmem>>
    %dma_start3A_415 = arith.constant 0 : i32
    %dma_start3A_416 = tpu.memref_slice %arg9[%dma_start3A_410, %dma_start3A_415] : memref<26x128xi32, #tpu.memory_space<vmem>> -> memref<1x128xi32, #tpu.memory_space<vmem>>
    %dma_start3A_417 = tpu.memref_squeeze %dma_start3A_416 : memref<1x128xi32, #tpu.memory_space<vmem>> -> memref<128xi32, #tpu.memory_space<vmem>>
    %dma_start3A_418 = arith.constant 0 : i32
    %dma_start3A_419 = tpu.memref_slice %arg5[%dma_start3A_418] : memref<100000xf32, #tpu.memory_space<hbm>> -> memref<100000xf32, #tpu.memory_space<hbm>>
    tpu.enqueue_indirect_dma source(%dma_start3A_419 : memref<100000xf32, #tpu.memory_space<hbm>>) target(%dma_start3A_414 : memref<128xf32, #tpu.memory_space<vmem>>) offsets(%dma_start3A_417 : memref<128xi32, #tpu.memory_space<vmem>>) semaphore(%arg17 : memref<!tpu.dma_semaphore, #tpu.memory_space<semaphore_mem>>)
    %dma_start3A_420 = arith.constant 19 : i32
    %dma_start3A_421 = arith.constant 19 : i32
    %dma_start3A_422 = arith.constant 0 : i32
    %dma_start3A_423 = arith.constant 0 : i32
    %dma_start3A_424 = tpu.memref_slice %arg11[%dma_start3A_421, %dma_start3A_422, %dma_start3A_423] : memref<26x128x32xf32, #tpu.memory_space<vmem>> -> memref<1x128x32xf32, #tpu.memory_space<vmem>>
    %dma_start3A_425 = tpu.memref_squeeze %dma_start3A_424 : memref<1x128x32xf32, #tpu.memory_space<vmem>> -> memref<128x32xf32, #tpu.memory_space<vmem>>
    %dma_start3A_426 = arith.constant 0 : i32
    %dma_start3A_427 = tpu.memref_slice %arg9[%dma_start3A_420, %dma_start3A_426] : memref<26x128xi32, #tpu.memory_space<vmem>> -> memref<1x128xi32, #tpu.memory_space<vmem>>
    %dma_start3A_428 = tpu.memref_squeeze %dma_start3A_427 : memref<1x128xi32, #tpu.memory_space<vmem>> -> memref<128xi32, #tpu.memory_space<vmem>>
    %dma_start3A_429 = arith.constant 0 : i32
    %dma_start3A_430 = arith.constant 0 : i32
    %dma_start3A_431 = tpu.memref_slice %arg4[%dma_start3A_429, %dma_start3A_430] : memref<100000x32xf32, #tpu.memory_space<hbm>> -> memref<100000x32xf32, #tpu.memory_space<hbm>>
    tpu.enqueue_indirect_dma source(%dma_start3A_431 : memref<100000x32xf32, #tpu.memory_space<hbm>>) target(%dma_start3A_425 : memref<128x32xf32, #tpu.memory_space<vmem>>) offsets(%dma_start3A_428 : memref<128xi32, #tpu.memory_space<vmem>>) semaphore(%arg16 : memref<!tpu.dma_semaphore, #tpu.memory_space<semaphore_mem>>)
    %dma_start3A_432 = arith.constant 19 : i32
    %dma_start3A_433 = arith.constant 19 : i32
    %dma_start3A_434 = arith.constant 0 : i32
    %dma_start3A_435 = tpu.memref_slice %arg12[%dma_start3A_433, %dma_start3A_434] : memref<26x128xf32, #tpu.memory_space<vmem>> -> memref<1x128xf32, #tpu.memory_space<vmem>>
    %dma_start3A_436 = tpu.memref_squeeze %dma_start3A_435 : memref<1x128xf32, #tpu.memory_space<vmem>> -> memref<128xf32, #tpu.memory_space<vmem>>
    %dma_start3A_437 = arith.constant 0 : i32
    %dma_start3A_438 = tpu.memref_slice %arg9[%dma_start3A_432, %dma_start3A_437] : memref<26x128xi32, #tpu.memory_space<vmem>> -> memref<1x128xi32, #tpu.memory_space<vmem>>
    %dma_start3A_439 = tpu.memref_squeeze %dma_start3A_438 : memref<1x128xi32, #tpu.memory_space<vmem>> -> memref<128xi32, #tpu.memory_space<vmem>>
    %dma_start3A_440 = arith.constant 0 : i32
    %dma_start3A_441 = tpu.memref_slice %arg5[%dma_start3A_440] : memref<100000xf32, #tpu.memory_space<hbm>> -> memref<100000xf32, #tpu.memory_space<hbm>>
    tpu.enqueue_indirect_dma source(%dma_start3A_441 : memref<100000xf32, #tpu.memory_space<hbm>>) target(%dma_start3A_436 : memref<128xf32, #tpu.memory_space<vmem>>) offsets(%dma_start3A_439 : memref<128xi32, #tpu.memory_space<vmem>>) semaphore(%arg17 : memref<!tpu.dma_semaphore, #tpu.memory_space<semaphore_mem>>)
    %dma_start3A_442 = arith.constant 20 : i32
    %dma_start3A_443 = arith.constant 20 : i32
    %dma_start3A_444 = arith.constant 0 : i32
    %dma_start3A_445 = arith.constant 0 : i32
    %dma_start3A_446 = tpu.memref_slice %arg11[%dma_start3A_443, %dma_start3A_444, %dma_start3A_445] : memref<26x128x32xf32, #tpu.memory_space<vmem>> -> memref<1x128x32xf32, #tpu.memory_space<vmem>>
    %dma_start3A_447 = tpu.memref_squeeze %dma_start3A_446 : memref<1x128x32xf32, #tpu.memory_space<vmem>> -> memref<128x32xf32, #tpu.memory_space<vmem>>
    %dma_start3A_448 = arith.constant 0 : i32
    %dma_start3A_449 = tpu.memref_slice %arg9[%dma_start3A_442, %dma_start3A_448] : memref<26x128xi32, #tpu.memory_space<vmem>> -> memref<1x128xi32, #tpu.memory_space<vmem>>
    %dma_start3A_450 = tpu.memref_squeeze %dma_start3A_449 : memref<1x128xi32, #tpu.memory_space<vmem>> -> memref<128xi32, #tpu.memory_space<vmem>>
    %dma_start3A_451 = arith.constant 0 : i32
    %dma_start3A_452 = arith.constant 0 : i32
    %dma_start3A_453 = tpu.memref_slice %arg4[%dma_start3A_451, %dma_start3A_452] : memref<100000x32xf32, #tpu.memory_space<hbm>> -> memref<100000x32xf32, #tpu.memory_space<hbm>>
    tpu.enqueue_indirect_dma source(%dma_start3A_453 : memref<100000x32xf32, #tpu.memory_space<hbm>>) target(%dma_start3A_447 : memref<128x32xf32, #tpu.memory_space<vmem>>) offsets(%dma_start3A_450 : memref<128xi32, #tpu.memory_space<vmem>>) semaphore(%arg16 : memref<!tpu.dma_semaphore, #tpu.memory_space<semaphore_mem>>)
    %dma_start3A_454 = arith.constant 20 : i32
    %dma_start3A_455 = arith.constant 20 : i32
    %dma_start3A_456 = arith.constant 0 : i32
    %dma_start3A_457 = tpu.memref_slice %arg12[%dma_start3A_455, %dma_start3A_456] : memref<26x128xf32, #tpu.memory_space<vmem>> -> memref<1x128xf32, #tpu.memory_space<vmem>>
    %dma_start3A_458 = tpu.memref_squeeze %dma_start3A_457 : memref<1x128xf32, #tpu.memory_space<vmem>> -> memref<128xf32, #tpu.memory_space<vmem>>
    %dma_start3A_459 = arith.constant 0 : i32
    %dma_start3A_460 = tpu.memref_slice %arg9[%dma_start3A_454, %dma_start3A_459] : memref<26x128xi32, #tpu.memory_space<vmem>> -> memref<1x128xi32, #tpu.memory_space<vmem>>
    %dma_start3A_461 = tpu.memref_squeeze %dma_start3A_460 : memref<1x128xi32, #tpu.memory_space<vmem>> -> memref<128xi32, #tpu.memory_space<vmem>>
    %dma_start3A_462 = arith.constant 0 : i32
    %dma_start3A_463 = tpu.memref_slice %arg5[%dma_start3A_462] : memref<100000xf32, #tpu.memory_space<hbm>> -> memref<100000xf32, #tpu.memory_space<hbm>>
    tpu.enqueue_indirect_dma source(%dma_start3A_463 : memref<100000xf32, #tpu.memory_space<hbm>>) target(%dma_start3A_458 : memref<128xf32, #tpu.memory_space<vmem>>) offsets(%dma_start3A_461 : memref<128xi32, #tpu.memory_space<vmem>>) semaphore(%arg17 : memref<!tpu.dma_semaphore, #tpu.memory_space<semaphore_mem>>)
    %dma_start3A_464 = arith.constant 21 : i32
    %dma_start3A_465 = arith.constant 21 : i32
    %dma_start3A_466 = arith.constant 0 : i32
    %dma_start3A_467 = arith.constant 0 : i32
    %dma_start3A_468 = tpu.memref_slice %arg11[%dma_start3A_465, %dma_start3A_466, %dma_start3A_467] : memref<26x128x32xf32, #tpu.memory_space<vmem>> -> memref<1x128x32xf32, #tpu.memory_space<vmem>>
    %dma_start3A_469 = tpu.memref_squeeze %dma_start3A_468 : memref<1x128x32xf32, #tpu.memory_space<vmem>> -> memref<128x32xf32, #tpu.memory_space<vmem>>
    %dma_start3A_470 = arith.constant 0 : i32
    %dma_start3A_471 = tpu.memref_slice %arg9[%dma_start3A_464, %dma_start3A_470] : memref<26x128xi32, #tpu.memory_space<vmem>> -> memref<1x128xi32, #tpu.memory_space<vmem>>
    %dma_start3A_472 = tpu.memref_squeeze %dma_start3A_471 : memref<1x128xi32, #tpu.memory_space<vmem>> -> memref<128xi32, #tpu.memory_space<vmem>>
    %dma_start3A_473 = arith.constant 0 : i32
    %dma_start3A_474 = arith.constant 0 : i32
    %dma_start3A_475 = tpu.memref_slice %arg4[%dma_start3A_473, %dma_start3A_474] : memref<100000x32xf32, #tpu.memory_space<hbm>> -> memref<100000x32xf32, #tpu.memory_space<hbm>>
    tpu.enqueue_indirect_dma source(%dma_start3A_475 : memref<100000x32xf32, #tpu.memory_space<hbm>>) target(%dma_start3A_469 : memref<128x32xf32, #tpu.memory_space<vmem>>) offsets(%dma_start3A_472 : memref<128xi32, #tpu.memory_space<vmem>>) semaphore(%arg16 : memref<!tpu.dma_semaphore, #tpu.memory_space<semaphore_mem>>)
    %dma_start3A_476 = arith.constant 21 : i32
    %dma_start3A_477 = arith.constant 21 : i32
    %dma_start3A_478 = arith.constant 0 : i32
    %dma_start3A_479 = tpu.memref_slice %arg12[%dma_start3A_477, %dma_start3A_478] : memref<26x128xf32, #tpu.memory_space<vmem>> -> memref<1x128xf32, #tpu.memory_space<vmem>>
    %dma_start3A_480 = tpu.memref_squeeze %dma_start3A_479 : memref<1x128xf32, #tpu.memory_space<vmem>> -> memref<128xf32, #tpu.memory_space<vmem>>
    %dma_start3A_481 = arith.constant 0 : i32
    %dma_start3A_482 = tpu.memref_slice %arg9[%dma_start3A_476, %dma_start3A_481] : memref<26x128xi32, #tpu.memory_space<vmem>> -> memref<1x128xi32, #tpu.memory_space<vmem>>
    %dma_start3A_483 = tpu.memref_squeeze %dma_start3A_482 : memref<1x128xi32, #tpu.memory_space<vmem>> -> memref<128xi32, #tpu.memory_space<vmem>>
    %dma_start3A_484 = arith.constant 0 : i32
    %dma_start3A_485 = tpu.memref_slice %arg5[%dma_start3A_484] : memref<100000xf32, #tpu.memory_space<hbm>> -> memref<100000xf32, #tpu.memory_space<hbm>>
    tpu.enqueue_indirect_dma source(%dma_start3A_485 : memref<100000xf32, #tpu.memory_space<hbm>>) target(%dma_start3A_480 : memref<128xf32, #tpu.memory_space<vmem>>) offsets(%dma_start3A_483 : memref<128xi32, #tpu.memory_space<vmem>>) semaphore(%arg17 : memref<!tpu.dma_semaphore, #tpu.memory_space<semaphore_mem>>)
    %dma_start3A_486 = arith.constant 22 : i32
    %dma_start3A_487 = arith.constant 22 : i32
    %dma_start3A_488 = arith.constant 0 : i32
    %dma_start3A_489 = arith.constant 0 : i32
    %dma_start3A_490 = tpu.memref_slice %arg11[%dma_start3A_487, %dma_start3A_488, %dma_start3A_489] : memref<26x128x32xf32, #tpu.memory_space<vmem>> -> memref<1x128x32xf32, #tpu.memory_space<vmem>>
    %dma_start3A_491 = tpu.memref_squeeze %dma_start3A_490 : memref<1x128x32xf32, #tpu.memory_space<vmem>> -> memref<128x32xf32, #tpu.memory_space<vmem>>
    %dma_start3A_492 = arith.constant 0 : i32
    %dma_start3A_493 = tpu.memref_slice %arg9[%dma_start3A_486, %dma_start3A_492] : memref<26x128xi32, #tpu.memory_space<vmem>> -> memref<1x128xi32, #tpu.memory_space<vmem>>
    %dma_start3A_494 = tpu.memref_squeeze %dma_start3A_493 : memref<1x128xi32, #tpu.memory_space<vmem>> -> memref<128xi32, #tpu.memory_space<vmem>>
    %dma_start3A_495 = arith.constant 0 : i32
    %dma_start3A_496 = arith.constant 0 : i32
    %dma_start3A_497 = tpu.memref_slice %arg4[%dma_start3A_495, %dma_start3A_496] : memref<100000x32xf32, #tpu.memory_space<hbm>> -> memref<100000x32xf32, #tpu.memory_space<hbm>>
    tpu.enqueue_indirect_dma source(%dma_start3A_497 : memref<100000x32xf32, #tpu.memory_space<hbm>>) target(%dma_start3A_491 : memref<128x32xf32, #tpu.memory_space<vmem>>) offsets(%dma_start3A_494 : memref<128xi32, #tpu.memory_space<vmem>>) semaphore(%arg16 : memref<!tpu.dma_semaphore, #tpu.memory_space<semaphore_mem>>)
    %dma_start3A_498 = arith.constant 22 : i32
    %dma_start3A_499 = arith.constant 22 : i32
    %dma_start3A_500 = arith.constant 0 : i32
    %dma_start3A_501 = tpu.memref_slice %arg12[%dma_start3A_499, %dma_start3A_500] : memref<26x128xf32, #tpu.memory_space<vmem>> -> memref<1x128xf32, #tpu.memory_space<vmem>>
    %dma_start3A_502 = tpu.memref_squeeze %dma_start3A_501 : memref<1x128xf32, #tpu.memory_space<vmem>> -> memref<128xf32, #tpu.memory_space<vmem>>
    %dma_start3A_503 = arith.constant 0 : i32
    %dma_start3A_504 = tpu.memref_slice %arg9[%dma_start3A_498, %dma_start3A_503] : memref<26x128xi32, #tpu.memory_space<vmem>> -> memref<1x128xi32, #tpu.memory_space<vmem>>
    %dma_start3A_505 = tpu.memref_squeeze %dma_start3A_504 : memref<1x128xi32, #tpu.memory_space<vmem>> -> memref<128xi32, #tpu.memory_space<vmem>>
    %dma_start3A_506 = arith.constant 0 : i32
    %dma_start3A_507 = tpu.memref_slice %arg5[%dma_start3A_506] : memref<100000xf32, #tpu.memory_space<hbm>> -> memref<100000xf32, #tpu.memory_space<hbm>>
    tpu.enqueue_indirect_dma source(%dma_start3A_507 : memref<100000xf32, #tpu.memory_space<hbm>>) target(%dma_start3A_502 : memref<128xf32, #tpu.memory_space<vmem>>) offsets(%dma_start3A_505 : memref<128xi32, #tpu.memory_space<vmem>>) semaphore(%arg17 : memref<!tpu.dma_semaphore, #tpu.memory_space<semaphore_mem>>)
    %dma_start3A_508 = arith.constant 23 : i32
    %dma_start3A_509 = arith.constant 23 : i32
    %dma_start3A_510 = arith.constant 0 : i32
    %dma_start3A_511 = arith.constant 0 : i32
    %dma_start3A_512 = tpu.memref_slice %arg11[%dma_start3A_509, %dma_start3A_510, %dma_start3A_511] : memref<26x128x32xf32, #tpu.memory_space<vmem>> -> memref<1x128x32xf32, #tpu.memory_space<vmem>>
    %dma_start3A_513 = tpu.memref_squeeze %dma_start3A_512 : memref<1x128x32xf32, #tpu.memory_space<vmem>> -> memref<128x32xf32, #tpu.memory_space<vmem>>
    %dma_start3A_514 = arith.constant 0 : i32
    %dma_start3A_515 = tpu.memref_slice %arg9[%dma_start3A_508, %dma_start3A_514] : memref<26x128xi32, #tpu.memory_space<vmem>> -> memref<1x128xi32, #tpu.memory_space<vmem>>
    %dma_start3A_516 = tpu.memref_squeeze %dma_start3A_515 : memref<1x128xi32, #tpu.memory_space<vmem>> -> memref<128xi32, #tpu.memory_space<vmem>>
    %dma_start3A_517 = arith.constant 0 : i32
    %dma_start3A_518 = arith.constant 0 : i32
    %dma_start3A_519 = tpu.memref_slice %arg4[%dma_start3A_517, %dma_start3A_518] : memref<100000x32xf32, #tpu.memory_space<hbm>> -> memref<100000x32xf32, #tpu.memory_space<hbm>>
    tpu.enqueue_indirect_dma source(%dma_start3A_519 : memref<100000x32xf32, #tpu.memory_space<hbm>>) target(%dma_start3A_513 : memref<128x32xf32, #tpu.memory_space<vmem>>) offsets(%dma_start3A_516 : memref<128xi32, #tpu.memory_space<vmem>>) semaphore(%arg16 : memref<!tpu.dma_semaphore, #tpu.memory_space<semaphore_mem>>)
    %dma_start3A_520 = arith.constant 23 : i32
    %dma_start3A_521 = arith.constant 23 : i32
    %dma_start3A_522 = arith.constant 0 : i32
    %dma_start3A_523 = tpu.memref_slice %arg12[%dma_start3A_521, %dma_start3A_522] : memref<26x128xf32, #tpu.memory_space<vmem>> -> memref<1x128xf32, #tpu.memory_space<vmem>>
    %dma_start3A_524 = tpu.memref_squeeze %dma_start3A_523 : memref<1x128xf32, #tpu.memory_space<vmem>> -> memref<128xf32, #tpu.memory_space<vmem>>
    %dma_start3A_525 = arith.constant 0 : i32
    %dma_start3A_526 = tpu.memref_slice %arg9[%dma_start3A_520, %dma_start3A_525] : memref<26x128xi32, #tpu.memory_space<vmem>> -> memref<1x128xi32, #tpu.memory_space<vmem>>
    %dma_start3A_527 = tpu.memref_squeeze %dma_start3A_526 : memref<1x128xi32, #tpu.memory_space<vmem>> -> memref<128xi32, #tpu.memory_space<vmem>>
    %dma_start3A_528 = arith.constant 0 : i32
    %dma_start3A_529 = tpu.memref_slice %arg5[%dma_start3A_528] : memref<100000xf32, #tpu.memory_space<hbm>> -> memref<100000xf32, #tpu.memory_space<hbm>>
    tpu.enqueue_indirect_dma source(%dma_start3A_529 : memref<100000xf32, #tpu.memory_space<hbm>>) target(%dma_start3A_524 : memref<128xf32, #tpu.memory_space<vmem>>) offsets(%dma_start3A_527 : memref<128xi32, #tpu.memory_space<vmem>>) semaphore(%arg17 : memref<!tpu.dma_semaphore, #tpu.memory_space<semaphore_mem>>)
    %dma_start3A_530 = arith.constant 24 : i32
    %dma_start3A_531 = arith.constant 24 : i32
    %dma_start3A_532 = arith.constant 0 : i32
    %dma_start3A_533 = arith.constant 0 : i32
    %dma_start3A_534 = tpu.memref_slice %arg11[%dma_start3A_531, %dma_start3A_532, %dma_start3A_533] : memref<26x128x32xf32, #tpu.memory_space<vmem>> -> memref<1x128x32xf32, #tpu.memory_space<vmem>>
    %dma_start3A_535 = tpu.memref_squeeze %dma_start3A_534 : memref<1x128x32xf32, #tpu.memory_space<vmem>> -> memref<128x32xf32, #tpu.memory_space<vmem>>
    %dma_start3A_536 = arith.constant 0 : i32
    %dma_start3A_537 = tpu.memref_slice %arg9[%dma_start3A_530, %dma_start3A_536] : memref<26x128xi32, #tpu.memory_space<vmem>> -> memref<1x128xi32, #tpu.memory_space<vmem>>
    %dma_start3A_538 = tpu.memref_squeeze %dma_start3A_537 : memref<1x128xi32, #tpu.memory_space<vmem>> -> memref<128xi32, #tpu.memory_space<vmem>>
    %dma_start3A_539 = arith.constant 0 : i32
    %dma_start3A_540 = arith.constant 0 : i32
    %dma_start3A_541 = tpu.memref_slice %arg4[%dma_start3A_539, %dma_start3A_540] : memref<100000x32xf32, #tpu.memory_space<hbm>> -> memref<100000x32xf32, #tpu.memory_space<hbm>>
    tpu.enqueue_indirect_dma source(%dma_start3A_541 : memref<100000x32xf32, #tpu.memory_space<hbm>>) target(%dma_start3A_535 : memref<128x32xf32, #tpu.memory_space<vmem>>) offsets(%dma_start3A_538 : memref<128xi32, #tpu.memory_space<vmem>>) semaphore(%arg16 : memref<!tpu.dma_semaphore, #tpu.memory_space<semaphore_mem>>)
    %dma_start3A_542 = arith.constant 24 : i32
    %dma_start3A_543 = arith.constant 24 : i32
    %dma_start3A_544 = arith.constant 0 : i32
    %dma_start3A_545 = tpu.memref_slice %arg12[%dma_start3A_543, %dma_start3A_544] : memref<26x128xf32, #tpu.memory_space<vmem>> -> memref<1x128xf32, #tpu.memory_space<vmem>>
    %dma_start3A_546 = tpu.memref_squeeze %dma_start3A_545 : memref<1x128xf32, #tpu.memory_space<vmem>> -> memref<128xf32, #tpu.memory_space<vmem>>
    %dma_start3A_547 = arith.constant 0 : i32
    %dma_start3A_548 = tpu.memref_slice %arg9[%dma_start3A_542, %dma_start3A_547] : memref<26x128xi32, #tpu.memory_space<vmem>> -> memref<1x128xi32, #tpu.memory_space<vmem>>
    %dma_start3A_549 = tpu.memref_squeeze %dma_start3A_548 : memref<1x128xi32, #tpu.memory_space<vmem>> -> memref<128xi32, #tpu.memory_space<vmem>>
    %dma_start3A_550 = arith.constant 0 : i32
    %dma_start3A_551 = tpu.memref_slice %arg5[%dma_start3A_550] : memref<100000xf32, #tpu.memory_space<hbm>> -> memref<100000xf32, #tpu.memory_space<hbm>>
    tpu.enqueue_indirect_dma source(%dma_start3A_551 : memref<100000xf32, #tpu.memory_space<hbm>>) target(%dma_start3A_546 : memref<128xf32, #tpu.memory_space<vmem>>) offsets(%dma_start3A_549 : memref<128xi32, #tpu.memory_space<vmem>>) semaphore(%arg17 : memref<!tpu.dma_semaphore, #tpu.memory_space<semaphore_mem>>)
    %dma_start3A_552 = arith.constant 25 : i32
    %dma_start3A_553 = arith.constant 25 : i32
    %dma_start3A_554 = arith.constant 0 : i32
    %dma_start3A_555 = arith.constant 0 : i32
    %dma_start3A_556 = tpu.memref_slice %arg11[%dma_start3A_553, %dma_start3A_554, %dma_start3A_555] : memref<26x128x32xf32, #tpu.memory_space<vmem>> -> memref<1x128x32xf32, #tpu.memory_space<vmem>>
    %dma_start3A_557 = tpu.memref_squeeze %dma_start3A_556 : memref<1x128x32xf32, #tpu.memory_space<vmem>> -> memref<128x32xf32, #tpu.memory_space<vmem>>
    %dma_start3A_558 = arith.constant 0 : i32
    %dma_start3A_559 = tpu.memref_slice %arg9[%dma_start3A_552, %dma_start3A_558] : memref<26x128xi32, #tpu.memory_space<vmem>> -> memref<1x128xi32, #tpu.memory_space<vmem>>
    %dma_start3A_560 = tpu.memref_squeeze %dma_start3A_559 : memref<1x128xi32, #tpu.memory_space<vmem>> -> memref<128xi32, #tpu.memory_space<vmem>>
    %dma_start3A_561 = arith.constant 0 : i32
    %dma_start3A_562 = arith.constant 0 : i32
    %dma_start3A_563 = tpu.memref_slice %arg4[%dma_start3A_561, %dma_start3A_562] : memref<100000x32xf32, #tpu.memory_space<hbm>> -> memref<100000x32xf32, #tpu.memory_space<hbm>>
    tpu.enqueue_indirect_dma source(%dma_start3A_563 : memref<100000x32xf32, #tpu.memory_space<hbm>>) target(%dma_start3A_557 : memref<128x32xf32, #tpu.memory_space<vmem>>) offsets(%dma_start3A_560 : memref<128xi32, #tpu.memory_space<vmem>>) semaphore(%arg16 : memref<!tpu.dma_semaphore, #tpu.memory_space<semaphore_mem>>)
    %dma_start3A_564 = arith.constant 25 : i32
    %dma_start3A_565 = arith.constant 25 : i32
    %dma_start3A_566 = arith.constant 0 : i32
    %dma_start3A_567 = tpu.memref_slice %arg12[%dma_start3A_565, %dma_start3A_566] : memref<26x128xf32, #tpu.memory_space<vmem>> -> memref<1x128xf32, #tpu.memory_space<vmem>>
    %dma_start3A_568 = tpu.memref_squeeze %dma_start3A_567 : memref<1x128xf32, #tpu.memory_space<vmem>> -> memref<128xf32, #tpu.memory_space<vmem>>
    %dma_start3A_569 = arith.constant 0 : i32
    %dma_start3A_570 = tpu.memref_slice %arg9[%dma_start3A_564, %dma_start3A_569] : memref<26x128xi32, #tpu.memory_space<vmem>> -> memref<1x128xi32, #tpu.memory_space<vmem>>
    %dma_start3A_571 = tpu.memref_squeeze %dma_start3A_570 : memref<1x128xi32, #tpu.memory_space<vmem>> -> memref<128xi32, #tpu.memory_space<vmem>>
    %dma_start3A_572 = arith.constant 0 : i32
    %dma_start3A_573 = tpu.memref_slice %arg5[%dma_start3A_572] : memref<100000xf32, #tpu.memory_space<hbm>> -> memref<100000xf32, #tpu.memory_space<hbm>>
    tpu.enqueue_indirect_dma source(%dma_start3A_573 : memref<100000xf32, #tpu.memory_space<hbm>>) target(%dma_start3A_568 : memref<128xf32, #tpu.memory_space<vmem>>) offsets(%dma_start3A_571 : memref<128xi32, #tpu.memory_space<vmem>>) semaphore(%arg17 : memref<!tpu.dma_semaphore, #tpu.memory_space<semaphore_mem>>)
    "tpu.region"() ({
      %run_scoped3A = tpu.sem_alloc : memref<!tpu.dma_semaphore, #tpu.memory_space<semaphore_mem>>
      %dma_start3A_1154 = arith.constant 0 : i32
      %dma_start3A_1155 = tpu.memref_slice %arg3[%add3A, %dma_start3A_1154] : memref<32x3328xf32, #tpu.memory_space<hbm>> -> memref<1x3328xf32, #tpu.memory_space<hbm>>
      %dma_start3A_1156 = tpu.memref_squeeze %dma_start3A_1155 : memref<1x3328xf32, #tpu.memory_space<hbm>> -> memref<3328xf32, #tpu.memory_space<hbm>>
      %dma_start3A_1157 = arith.constant 0 : i32
      %dma_start3A_1158 = tpu.memref_slice %arg3[%add3A, %dma_start3A_1157] : memref<32x3328xf32, #tpu.memory_space<hbm>> -> memref<1x3328xf32, #tpu.memory_space<hbm>>
      %dma_start3A_1159 = tpu.memref_squeeze %dma_start3A_1158 : memref<1x3328xf32, #tpu.memory_space<hbm>> -> memref<3328xf32, #tpu.memory_space<hbm>>
      tpu.enqueue_dma source(%dma_start3A_1159 : memref<3328xf32, #tpu.memory_space<hbm>>) target(%arg10 : memref<3328xf32, #tpu.memory_space<vmem>>) target_semaphore(%run_scoped3A : memref<!tpu.dma_semaphore, #tpu.memory_space<semaphore_mem>>)
      %dma_wait3A_1160 = arith.constant 0 : i32
      %dma_wait3A_1161 = tpu.memref_slice %arg3[%add3A, %dma_wait3A_1160] : memref<32x3328xf32, #tpu.memory_space<hbm>> -> memref<1x3328xf32, #tpu.memory_space<hbm>>
      %dma_wait3A_1162 = tpu.memref_squeeze %dma_wait3A_1161 : memref<1x3328xf32, #tpu.memory_space<hbm>> -> memref<3328xf32, #tpu.memory_space<hbm>>
      %dma_wait3A_1163 = arith.constant 0 : i32
      %dma_wait3A_1164 = tpu.memref_slice %arg3[%add3A, %dma_wait3A_1163] : memref<32x3328xf32, #tpu.memory_space<hbm>> -> memref<1x3328xf32, #tpu.memory_space<hbm>>
      %dma_wait3A_1165 = tpu.memref_squeeze %dma_wait3A_1164 : memref<1x3328xf32, #tpu.memory_space<hbm>> -> memref<3328xf32, #tpu.memory_space<hbm>>
      tpu.wait_dma2 semaphore(%run_scoped3A : memref<!tpu.dma_semaphore, #tpu.memory_space<semaphore_mem>>) src(%dma_wait3A_1165 : memref<3328xf32, #tpu.memory_space<hbm>>) dst(%arg10 : memref<3328xf32, #tpu.memory_space<vmem>>)
      tpu.yield
    }) : () -> ()
    "tpu.region"() ({
      %run_scoped3A = tpu.sem_alloc : memref<!tpu.dma_semaphore, #tpu.memory_space<semaphore_mem>>
      tpu.enqueue_dma source(%arg6 : memref<26x32xf32, #tpu.memory_space<hbm>>) target(%arg13 : memref<26x32xf32, #tpu.memory_space<vmem>>) target_semaphore(%run_scoped3A : memref<!tpu.dma_semaphore, #tpu.memory_space<semaphore_mem>>)
      tpu.wait_dma2 semaphore(%run_scoped3A : memref<!tpu.dma_semaphore, #tpu.memory_space<semaphore_mem>>) src(%arg6 : memref<26x32xf32, #tpu.memory_space<hbm>>) dst(%arg13 : memref<26x32xf32, #tpu.memory_space<vmem>>)
      tpu.yield
    }) : () -> ()
    "tpu.region"() ({
      %run_scoped3A = tpu.sem_alloc : memref<!tpu.dma_semaphore, #tpu.memory_space<semaphore_mem>>
      tpu.enqueue_dma source(%arg7 : memref<16xf32, #tpu.memory_space<hbm>>) target(%arg14 : memref<16xf32, #tpu.memory_space<vmem>>) target_semaphore(%run_scoped3A : memref<!tpu.dma_semaphore, #tpu.memory_space<semaphore_mem>>)
      tpu.wait_dma2 semaphore(%run_scoped3A : memref<!tpu.dma_semaphore, #tpu.memory_space<semaphore_mem>>) src(%arg7 : memref<16xf32, #tpu.memory_space<hbm>>) dst(%arg14 : memref<16xf32, #tpu.memory_space<vmem>>)
      tpu.yield
    }) : () -> ()
    %dma_wait3A = arith.constant 0 : i32
    %dma_wait3A_574 = arith.constant 0 : i32
    %dma_wait3A_575 = arith.constant 0 : i32
    %dma_wait3A_576 = arith.constant 0 : i32
    %dma_wait3A_577 = tpu.memref_slice %arg11[%dma_wait3A_574, %dma_wait3A_575, %dma_wait3A_576] : memref<26x128x32xf32, #tpu.memory_space<vmem>> -> memref<1x128x32xf32, #tpu.memory_space<vmem>>
    %dma_wait3A_578 = tpu.memref_squeeze %dma_wait3A_577 : memref<1x128x32xf32, #tpu.memory_space<vmem>> -> memref<128x32xf32, #tpu.memory_space<vmem>>
    %dma_wait3A_579 = arith.constant 0 : i32
    %dma_wait3A_580 = tpu.memref_slice %arg9[%dma_wait3A, %dma_wait3A_579] : memref<26x128xi32, #tpu.memory_space<vmem>> -> memref<1x128xi32, #tpu.memory_space<vmem>>
    %dma_wait3A_581 = tpu.memref_squeeze %dma_wait3A_580 : memref<1x128xi32, #tpu.memory_space<vmem>> -> memref<128xi32, #tpu.memory_space<vmem>>
    %dma_wait3A_582 = arith.constant 0 : i32
    %dma_wait3A_583 = arith.constant 0 : i32
    %dma_wait3A_584 = tpu.memref_slice %arg4[%dma_wait3A_582, %dma_wait3A_583] : memref<100000x32xf32, #tpu.memory_space<hbm>> -> memref<100000x32xf32, #tpu.memory_space<hbm>>
    tpu.wait_indirect_dma semaphore(%arg16 : memref<!tpu.dma_semaphore, #tpu.memory_space<semaphore_mem>>) src(%dma_wait3A_584 : memref<100000x32xf32, #tpu.memory_space<hbm>>) dst(%dma_wait3A_578 : memref<128x32xf32, #tpu.memory_space<vmem>>)
    %dma_wait3A_585 = arith.constant 0 : i32
    %dma_wait3A_586 = arith.constant 0 : i32
    %dma_wait3A_587 = arith.constant 0 : i32
    %dma_wait3A_588 = tpu.memref_slice %arg12[%dma_wait3A_586, %dma_wait3A_587] : memref<26x128xf32, #tpu.memory_space<vmem>> -> memref<1x128xf32, #tpu.memory_space<vmem>>
    %dma_wait3A_589 = tpu.memref_squeeze %dma_wait3A_588 : memref<1x128xf32, #tpu.memory_space<vmem>> -> memref<128xf32, #tpu.memory_space<vmem>>
    %dma_wait3A_590 = arith.constant 0 : i32
    %dma_wait3A_591 = tpu.memref_slice %arg9[%dma_wait3A_585, %dma_wait3A_590] : memref<26x128xi32, #tpu.memory_space<vmem>> -> memref<1x128xi32, #tpu.memory_space<vmem>>
    %dma_wait3A_592 = tpu.memref_squeeze %dma_wait3A_591 : memref<1x128xi32, #tpu.memory_space<vmem>> -> memref<128xi32, #tpu.memory_space<vmem>>
    %dma_wait3A_593 = arith.constant 0 : i32
    %dma_wait3A_594 = tpu.memref_slice %arg5[%dma_wait3A_593] : memref<100000xf32, #tpu.memory_space<hbm>> -> memref<100000xf32, #tpu.memory_space<hbm>>
    tpu.wait_indirect_dma semaphore(%arg17 : memref<!tpu.dma_semaphore, #tpu.memory_space<semaphore_mem>>) src(%dma_wait3A_594 : memref<100000xf32, #tpu.memory_space<hbm>>) dst(%dma_wait3A_589 : memref<128xf32, #tpu.memory_space<vmem>>)
    %dma_wait3A_595 = arith.constant 1 : i32
    %dma_wait3A_596 = arith.constant 1 : i32
    %dma_wait3A_597 = arith.constant 0 : i32
    %dma_wait3A_598 = arith.constant 0 : i32
    %dma_wait3A_599 = tpu.memref_slice %arg11[%dma_wait3A_596, %dma_wait3A_597, %dma_wait3A_598] : memref<26x128x32xf32, #tpu.memory_space<vmem>> -> memref<1x128x32xf32, #tpu.memory_space<vmem>>
    %dma_wait3A_600 = tpu.memref_squeeze %dma_wait3A_599 : memref<1x128x32xf32, #tpu.memory_space<vmem>> -> memref<128x32xf32, #tpu.memory_space<vmem>>
    %dma_wait3A_601 = arith.constant 0 : i32
    %dma_wait3A_602 = tpu.memref_slice %arg9[%dma_wait3A_595, %dma_wait3A_601] : memref<26x128xi32, #tpu.memory_space<vmem>> -> memref<1x128xi32, #tpu.memory_space<vmem>>
    %dma_wait3A_603 = tpu.memref_squeeze %dma_wait3A_602 : memref<1x128xi32, #tpu.memory_space<vmem>> -> memref<128xi32, #tpu.memory_space<vmem>>
    %dma_wait3A_604 = arith.constant 0 : i32
    %dma_wait3A_605 = arith.constant 0 : i32
    %dma_wait3A_606 = tpu.memref_slice %arg4[%dma_wait3A_604, %dma_wait3A_605] : memref<100000x32xf32, #tpu.memory_space<hbm>> -> memref<100000x32xf32, #tpu.memory_space<hbm>>
    tpu.wait_indirect_dma semaphore(%arg16 : memref<!tpu.dma_semaphore, #tpu.memory_space<semaphore_mem>>) src(%dma_wait3A_606 : memref<100000x32xf32, #tpu.memory_space<hbm>>) dst(%dma_wait3A_600 : memref<128x32xf32, #tpu.memory_space<vmem>>)
    %dma_wait3A_607 = arith.constant 1 : i32
    %dma_wait3A_608 = arith.constant 1 : i32
    %dma_wait3A_609 = arith.constant 0 : i32
    %dma_wait3A_610 = tpu.memref_slice %arg12[%dma_wait3A_608, %dma_wait3A_609] : memref<26x128xf32, #tpu.memory_space<vmem>> -> memref<1x128xf32, #tpu.memory_space<vmem>>
    %dma_wait3A_611 = tpu.memref_squeeze %dma_wait3A_610 : memref<1x128xf32, #tpu.memory_space<vmem>> -> memref<128xf32, #tpu.memory_space<vmem>>
    %dma_wait3A_612 = arith.constant 0 : i32
    %dma_wait3A_613 = tpu.memref_slice %arg9[%dma_wait3A_607, %dma_wait3A_612] : memref<26x128xi32, #tpu.memory_space<vmem>> -> memref<1x128xi32, #tpu.memory_space<vmem>>
    %dma_wait3A_614 = tpu.memref_squeeze %dma_wait3A_613 : memref<1x128xi32, #tpu.memory_space<vmem>> -> memref<128xi32, #tpu.memory_space<vmem>>
    %dma_wait3A_615 = arith.constant 0 : i32
    %dma_wait3A_616 = tpu.memref_slice %arg5[%dma_wait3A_615] : memref<100000xf32, #tpu.memory_space<hbm>> -> memref<100000xf32, #tpu.memory_space<hbm>>
    tpu.wait_indirect_dma semaphore(%arg17 : memref<!tpu.dma_semaphore, #tpu.memory_space<semaphore_mem>>) src(%dma_wait3A_616 : memref<100000xf32, #tpu.memory_space<hbm>>) dst(%dma_wait3A_611 : memref<128xf32, #tpu.memory_space<vmem>>)
    %dma_wait3A_617 = arith.constant 2 : i32
    %dma_wait3A_618 = arith.constant 2 : i32
    %dma_wait3A_619 = arith.constant 0 : i32
    %dma_wait3A_620 = arith.constant 0 : i32
    %dma_wait3A_621 = tpu.memref_slice %arg11[%dma_wait3A_618, %dma_wait3A_619, %dma_wait3A_620] : memref<26x128x32xf32, #tpu.memory_space<vmem>> -> memref<1x128x32xf32, #tpu.memory_space<vmem>>
    %dma_wait3A_622 = tpu.memref_squeeze %dma_wait3A_621 : memref<1x128x32xf32, #tpu.memory_space<vmem>> -> memref<128x32xf32, #tpu.memory_space<vmem>>
    %dma_wait3A_623 = arith.constant 0 : i32
    %dma_wait3A_624 = tpu.memref_slice %arg9[%dma_wait3A_617, %dma_wait3A_623] : memref<26x128xi32, #tpu.memory_space<vmem>> -> memref<1x128xi32, #tpu.memory_space<vmem>>
    %dma_wait3A_625 = tpu.memref_squeeze %dma_wait3A_624 : memref<1x128xi32, #tpu.memory_space<vmem>> -> memref<128xi32, #tpu.memory_space<vmem>>
    %dma_wait3A_626 = arith.constant 0 : i32
    %dma_wait3A_627 = arith.constant 0 : i32
    %dma_wait3A_628 = tpu.memref_slice %arg4[%dma_wait3A_626, %dma_wait3A_627] : memref<100000x32xf32, #tpu.memory_space<hbm>> -> memref<100000x32xf32, #tpu.memory_space<hbm>>
    tpu.wait_indirect_dma semaphore(%arg16 : memref<!tpu.dma_semaphore, #tpu.memory_space<semaphore_mem>>) src(%dma_wait3A_628 : memref<100000x32xf32, #tpu.memory_space<hbm>>) dst(%dma_wait3A_622 : memref<128x32xf32, #tpu.memory_space<vmem>>)
    %dma_wait3A_629 = arith.constant 2 : i32
    %dma_wait3A_630 = arith.constant 2 : i32
    %dma_wait3A_631 = arith.constant 0 : i32
    %dma_wait3A_632 = tpu.memref_slice %arg12[%dma_wait3A_630, %dma_wait3A_631] : memref<26x128xf32, #tpu.memory_space<vmem>> -> memref<1x128xf32, #tpu.memory_space<vmem>>
    %dma_wait3A_633 = tpu.memref_squeeze %dma_wait3A_632 : memref<1x128xf32, #tpu.memory_space<vmem>> -> memref<128xf32, #tpu.memory_space<vmem>>
    %dma_wait3A_634 = arith.constant 0 : i32
    %dma_wait3A_635 = tpu.memref_slice %arg9[%dma_wait3A_629, %dma_wait3A_634] : memref<26x128xi32, #tpu.memory_space<vmem>> -> memref<1x128xi32, #tpu.memory_space<vmem>>
    %dma_wait3A_636 = tpu.memref_squeeze %dma_wait3A_635 : memref<1x128xi32, #tpu.memory_space<vmem>> -> memref<128xi32, #tpu.memory_space<vmem>>
    %dma_wait3A_637 = arith.constant 0 : i32
    %dma_wait3A_638 = tpu.memref_slice %arg5[%dma_wait3A_637] : memref<100000xf32, #tpu.memory_space<hbm>> -> memref<100000xf32, #tpu.memory_space<hbm>>
    tpu.wait_indirect_dma semaphore(%arg17 : memref<!tpu.dma_semaphore, #tpu.memory_space<semaphore_mem>>) src(%dma_wait3A_638 : memref<100000xf32, #tpu.memory_space<hbm>>) dst(%dma_wait3A_633 : memref<128xf32, #tpu.memory_space<vmem>>)
    %dma_wait3A_639 = arith.constant 3 : i32
    %dma_wait3A_640 = arith.constant 3 : i32
    %dma_wait3A_641 = arith.constant 0 : i32
    %dma_wait3A_642 = arith.constant 0 : i32
    %dma_wait3A_643 = tpu.memref_slice %arg11[%dma_wait3A_640, %dma_wait3A_641, %dma_wait3A_642] : memref<26x128x32xf32, #tpu.memory_space<vmem>> -> memref<1x128x32xf32, #tpu.memory_space<vmem>>
    %dma_wait3A_644 = tpu.memref_squeeze %dma_wait3A_643 : memref<1x128x32xf32, #tpu.memory_space<vmem>> -> memref<128x32xf32, #tpu.memory_space<vmem>>
    %dma_wait3A_645 = arith.constant 0 : i32
    %dma_wait3A_646 = tpu.memref_slice %arg9[%dma_wait3A_639, %dma_wait3A_645] : memref<26x128xi32, #tpu.memory_space<vmem>> -> memref<1x128xi32, #tpu.memory_space<vmem>>
    %dma_wait3A_647 = tpu.memref_squeeze %dma_wait3A_646 : memref<1x128xi32, #tpu.memory_space<vmem>> -> memref<128xi32, #tpu.memory_space<vmem>>
    %dma_wait3A_648 = arith.constant 0 : i32
    %dma_wait3A_649 = arith.constant 0 : i32
    %dma_wait3A_650 = tpu.memref_slice %arg4[%dma_wait3A_648, %dma_wait3A_649] : memref<100000x32xf32, #tpu.memory_space<hbm>> -> memref<100000x32xf32, #tpu.memory_space<hbm>>
    tpu.wait_indirect_dma semaphore(%arg16 : memref<!tpu.dma_semaphore, #tpu.memory_space<semaphore_mem>>) src(%dma_wait3A_650 : memref<100000x32xf32, #tpu.memory_space<hbm>>) dst(%dma_wait3A_644 : memref<128x32xf32, #tpu.memory_space<vmem>>)
    %dma_wait3A_651 = arith.constant 3 : i32
    %dma_wait3A_652 = arith.constant 3 : i32
    %dma_wait3A_653 = arith.constant 0 : i32
    %dma_wait3A_654 = tpu.memref_slice %arg12[%dma_wait3A_652, %dma_wait3A_653] : memref<26x128xf32, #tpu.memory_space<vmem>> -> memref<1x128xf32, #tpu.memory_space<vmem>>
    %dma_wait3A_655 = tpu.memref_squeeze %dma_wait3A_654 : memref<1x128xf32, #tpu.memory_space<vmem>> -> memref<128xf32, #tpu.memory_space<vmem>>
    %dma_wait3A_656 = arith.constant 0 : i32
    %dma_wait3A_657 = tpu.memref_slice %arg9[%dma_wait3A_651, %dma_wait3A_656] : memref<26x128xi32, #tpu.memory_space<vmem>> -> memref<1x128xi32, #tpu.memory_space<vmem>>
    %dma_wait3A_658 = tpu.memref_squeeze %dma_wait3A_657 : memref<1x128xi32, #tpu.memory_space<vmem>> -> memref<128xi32, #tpu.memory_space<vmem>>
    %dma_wait3A_659 = arith.constant 0 : i32
    %dma_wait3A_660 = tpu.memref_slice %arg5[%dma_wait3A_659] : memref<100000xf32, #tpu.memory_space<hbm>> -> memref<100000xf32, #tpu.memory_space<hbm>>
    tpu.wait_indirect_dma semaphore(%arg17 : memref<!tpu.dma_semaphore, #tpu.memory_space<semaphore_mem>>) src(%dma_wait3A_660 : memref<100000xf32, #tpu.memory_space<hbm>>) dst(%dma_wait3A_655 : memref<128xf32, #tpu.memory_space<vmem>>)
    %dma_wait3A_661 = arith.constant 4 : i32
    %dma_wait3A_662 = arith.constant 4 : i32
    %dma_wait3A_663 = arith.constant 0 : i32
    %dma_wait3A_664 = arith.constant 0 : i32
    %dma_wait3A_665 = tpu.memref_slice %arg11[%dma_wait3A_662, %dma_wait3A_663, %dma_wait3A_664] : memref<26x128x32xf32, #tpu.memory_space<vmem>> -> memref<1x128x32xf32, #tpu.memory_space<vmem>>
    %dma_wait3A_666 = tpu.memref_squeeze %dma_wait3A_665 : memref<1x128x32xf32, #tpu.memory_space<vmem>> -> memref<128x32xf32, #tpu.memory_space<vmem>>
    %dma_wait3A_667 = arith.constant 0 : i32
    %dma_wait3A_668 = tpu.memref_slice %arg9[%dma_wait3A_661, %dma_wait3A_667] : memref<26x128xi32, #tpu.memory_space<vmem>> -> memref<1x128xi32, #tpu.memory_space<vmem>>
    %dma_wait3A_669 = tpu.memref_squeeze %dma_wait3A_668 : memref<1x128xi32, #tpu.memory_space<vmem>> -> memref<128xi32, #tpu.memory_space<vmem>>
    %dma_wait3A_670 = arith.constant 0 : i32
    %dma_wait3A_671 = arith.constant 0 : i32
    %dma_wait3A_672 = tpu.memref_slice %arg4[%dma_wait3A_670, %dma_wait3A_671] : memref<100000x32xf32, #tpu.memory_space<hbm>> -> memref<100000x32xf32, #tpu.memory_space<hbm>>
    tpu.wait_indirect_dma semaphore(%arg16 : memref<!tpu.dma_semaphore, #tpu.memory_space<semaphore_mem>>) src(%dma_wait3A_672 : memref<100000x32xf32, #tpu.memory_space<hbm>>) dst(%dma_wait3A_666 : memref<128x32xf32, #tpu.memory_space<vmem>>)
    %dma_wait3A_673 = arith.constant 4 : i32
    %dma_wait3A_674 = arith.constant 4 : i32
    %dma_wait3A_675 = arith.constant 0 : i32
    %dma_wait3A_676 = tpu.memref_slice %arg12[%dma_wait3A_674, %dma_wait3A_675] : memref<26x128xf32, #tpu.memory_space<vmem>> -> memref<1x128xf32, #tpu.memory_space<vmem>>
    %dma_wait3A_677 = tpu.memref_squeeze %dma_wait3A_676 : memref<1x128xf32, #tpu.memory_space<vmem>> -> memref<128xf32, #tpu.memory_space<vmem>>
    %dma_wait3A_678 = arith.constant 0 : i32
    %dma_wait3A_679 = tpu.memref_slice %arg9[%dma_wait3A_673, %dma_wait3A_678] : memref<26x128xi32, #tpu.memory_space<vmem>> -> memref<1x128xi32, #tpu.memory_space<vmem>>
    %dma_wait3A_680 = tpu.memref_squeeze %dma_wait3A_679 : memref<1x128xi32, #tpu.memory_space<vmem>> -> memref<128xi32, #tpu.memory_space<vmem>>
    %dma_wait3A_681 = arith.constant 0 : i32
    %dma_wait3A_682 = tpu.memref_slice %arg5[%dma_wait3A_681] : memref<100000xf32, #tpu.memory_space<hbm>> -> memref<100000xf32, #tpu.memory_space<hbm>>
    tpu.wait_indirect_dma semaphore(%arg17 : memref<!tpu.dma_semaphore, #tpu.memory_space<semaphore_mem>>) src(%dma_wait3A_682 : memref<100000xf32, #tpu.memory_space<hbm>>) dst(%dma_wait3A_677 : memref<128xf32, #tpu.memory_space<vmem>>)
    %dma_wait3A_683 = arith.constant 5 : i32
    %dma_wait3A_684 = arith.constant 5 : i32
    %dma_wait3A_685 = arith.constant 0 : i32
    %dma_wait3A_686 = arith.constant 0 : i32
    %dma_wait3A_687 = tpu.memref_slice %arg11[%dma_wait3A_684, %dma_wait3A_685, %dma_wait3A_686] : memref<26x128x32xf32, #tpu.memory_space<vmem>> -> memref<1x128x32xf32, #tpu.memory_space<vmem>>
    %dma_wait3A_688 = tpu.memref_squeeze %dma_wait3A_687 : memref<1x128x32xf32, #tpu.memory_space<vmem>> -> memref<128x32xf32, #tpu.memory_space<vmem>>
    %dma_wait3A_689 = arith.constant 0 : i32
    %dma_wait3A_690 = tpu.memref_slice %arg9[%dma_wait3A_683, %dma_wait3A_689] : memref<26x128xi32, #tpu.memory_space<vmem>> -> memref<1x128xi32, #tpu.memory_space<vmem>>
    %dma_wait3A_691 = tpu.memref_squeeze %dma_wait3A_690 : memref<1x128xi32, #tpu.memory_space<vmem>> -> memref<128xi32, #tpu.memory_space<vmem>>
    %dma_wait3A_692 = arith.constant 0 : i32
    %dma_wait3A_693 = arith.constant 0 : i32
    %dma_wait3A_694 = tpu.memref_slice %arg4[%dma_wait3A_692, %dma_wait3A_693] : memref<100000x32xf32, #tpu.memory_space<hbm>> -> memref<100000x32xf32, #tpu.memory_space<hbm>>
    tpu.wait_indirect_dma semaphore(%arg16 : memref<!tpu.dma_semaphore, #tpu.memory_space<semaphore_mem>>) src(%dma_wait3A_694 : memref<100000x32xf32, #tpu.memory_space<hbm>>) dst(%dma_wait3A_688 : memref<128x32xf32, #tpu.memory_space<vmem>>)
    %dma_wait3A_695 = arith.constant 5 : i32
    %dma_wait3A_696 = arith.constant 5 : i32
    %dma_wait3A_697 = arith.constant 0 : i32
    %dma_wait3A_698 = tpu.memref_slice %arg12[%dma_wait3A_696, %dma_wait3A_697] : memref<26x128xf32, #tpu.memory_space<vmem>> -> memref<1x128xf32, #tpu.memory_space<vmem>>
    %dma_wait3A_699 = tpu.memref_squeeze %dma_wait3A_698 : memref<1x128xf32, #tpu.memory_space<vmem>> -> memref<128xf32, #tpu.memory_space<vmem>>
    %dma_wait3A_700 = arith.constant 0 : i32
    %dma_wait3A_701 = tpu.memref_slice %arg9[%dma_wait3A_695, %dma_wait3A_700] : memref<26x128xi32, #tpu.memory_space<vmem>> -> memref<1x128xi32, #tpu.memory_space<vmem>>
    %dma_wait3A_702 = tpu.memref_squeeze %dma_wait3A_701 : memref<1x128xi32, #tpu.memory_space<vmem>> -> memref<128xi32, #tpu.memory_space<vmem>>
    %dma_wait3A_703 = arith.constant 0 : i32
    %dma_wait3A_704 = tpu.memref_slice %arg5[%dma_wait3A_703] : memref<100000xf32, #tpu.memory_space<hbm>> -> memref<100000xf32, #tpu.memory_space<hbm>>
    tpu.wait_indirect_dma semaphore(%arg17 : memref<!tpu.dma_semaphore, #tpu.memory_space<semaphore_mem>>) src(%dma_wait3A_704 : memref<100000xf32, #tpu.memory_space<hbm>>) dst(%dma_wait3A_699 : memref<128xf32, #tpu.memory_space<vmem>>)
    %dma_wait3A_705 = arith.constant 6 : i32
    %dma_wait3A_706 = arith.constant 6 : i32
    %dma_wait3A_707 = arith.constant 0 : i32
    %dma_wait3A_708 = arith.constant 0 : i32
    %dma_wait3A_709 = tpu.memref_slice %arg11[%dma_wait3A_706, %dma_wait3A_707, %dma_wait3A_708] : memref<26x128x32xf32, #tpu.memory_space<vmem>> -> memref<1x128x32xf32, #tpu.memory_space<vmem>>
    %dma_wait3A_710 = tpu.memref_squeeze %dma_wait3A_709 : memref<1x128x32xf32, #tpu.memory_space<vmem>> -> memref<128x32xf32, #tpu.memory_space<vmem>>
    %dma_wait3A_711 = arith.constant 0 : i32
    %dma_wait3A_712 = tpu.memref_slice %arg9[%dma_wait3A_705, %dma_wait3A_711] : memref<26x128xi32, #tpu.memory_space<vmem>> -> memref<1x128xi32, #tpu.memory_space<vmem>>
    %dma_wait3A_713 = tpu.memref_squeeze %dma_wait3A_712 : memref<1x128xi32, #tpu.memory_space<vmem>> -> memref<128xi32, #tpu.memory_space<vmem>>
    %dma_wait3A_714 = arith.constant 0 : i32
    %dma_wait3A_715 = arith.constant 0 : i32
    %dma_wait3A_716 = tpu.memref_slice %arg4[%dma_wait3A_714, %dma_wait3A_715] : memref<100000x32xf32, #tpu.memory_space<hbm>> -> memref<100000x32xf32, #tpu.memory_space<hbm>>
    tpu.wait_indirect_dma semaphore(%arg16 : memref<!tpu.dma_semaphore, #tpu.memory_space<semaphore_mem>>) src(%dma_wait3A_716 : memref<100000x32xf32, #tpu.memory_space<hbm>>) dst(%dma_wait3A_710 : memref<128x32xf32, #tpu.memory_space<vmem>>)
    %dma_wait3A_717 = arith.constant 6 : i32
    %dma_wait3A_718 = arith.constant 6 : i32
    %dma_wait3A_719 = arith.constant 0 : i32
    %dma_wait3A_720 = tpu.memref_slice %arg12[%dma_wait3A_718, %dma_wait3A_719] : memref<26x128xf32, #tpu.memory_space<vmem>> -> memref<1x128xf32, #tpu.memory_space<vmem>>
    %dma_wait3A_721 = tpu.memref_squeeze %dma_wait3A_720 : memref<1x128xf32, #tpu.memory_space<vmem>> -> memref<128xf32, #tpu.memory_space<vmem>>
    %dma_wait3A_722 = arith.constant 0 : i32
    %dma_wait3A_723 = tpu.memref_slice %arg9[%dma_wait3A_717, %dma_wait3A_722] : memref<26x128xi32, #tpu.memory_space<vmem>> -> memref<1x128xi32, #tpu.memory_space<vmem>>
    %dma_wait3A_724 = tpu.memref_squeeze %dma_wait3A_723 : memref<1x128xi32, #tpu.memory_space<vmem>> -> memref<128xi32, #tpu.memory_space<vmem>>
    %dma_wait3A_725 = arith.constant 0 : i32
    %dma_wait3A_726 = tpu.memref_slice %arg5[%dma_wait3A_725] : memref<100000xf32, #tpu.memory_space<hbm>> -> memref<100000xf32, #tpu.memory_space<hbm>>
    tpu.wait_indirect_dma semaphore(%arg17 : memref<!tpu.dma_semaphore, #tpu.memory_space<semaphore_mem>>) src(%dma_wait3A_726 : memref<100000xf32, #tpu.memory_space<hbm>>) dst(%dma_wait3A_721 : memref<128xf32, #tpu.memory_space<vmem>>)
    %dma_wait3A_727 = arith.constant 7 : i32
    %dma_wait3A_728 = arith.constant 7 : i32
    %dma_wait3A_729 = arith.constant 0 : i32
    %dma_wait3A_730 = arith.constant 0 : i32
    %dma_wait3A_731 = tpu.memref_slice %arg11[%dma_wait3A_728, %dma_wait3A_729, %dma_wait3A_730] : memref<26x128x32xf32, #tpu.memory_space<vmem>> -> memref<1x128x32xf32, #tpu.memory_space<vmem>>
    %dma_wait3A_732 = tpu.memref_squeeze %dma_wait3A_731 : memref<1x128x32xf32, #tpu.memory_space<vmem>> -> memref<128x32xf32, #tpu.memory_space<vmem>>
    %dma_wait3A_733 = arith.constant 0 : i32
    %dma_wait3A_734 = tpu.memref_slice %arg9[%dma_wait3A_727, %dma_wait3A_733] : memref<26x128xi32, #tpu.memory_space<vmem>> -> memref<1x128xi32, #tpu.memory_space<vmem>>
    %dma_wait3A_735 = tpu.memref_squeeze %dma_wait3A_734 : memref<1x128xi32, #tpu.memory_space<vmem>> -> memref<128xi32, #tpu.memory_space<vmem>>
    %dma_wait3A_736 = arith.constant 0 : i32
    %dma_wait3A_737 = arith.constant 0 : i32
    %dma_wait3A_738 = tpu.memref_slice %arg4[%dma_wait3A_736, %dma_wait3A_737] : memref<100000x32xf32, #tpu.memory_space<hbm>> -> memref<100000x32xf32, #tpu.memory_space<hbm>>
    tpu.wait_indirect_dma semaphore(%arg16 : memref<!tpu.dma_semaphore, #tpu.memory_space<semaphore_mem>>) src(%dma_wait3A_738 : memref<100000x32xf32, #tpu.memory_space<hbm>>) dst(%dma_wait3A_732 : memref<128x32xf32, #tpu.memory_space<vmem>>)
    %dma_wait3A_739 = arith.constant 7 : i32
    %dma_wait3A_740 = arith.constant 7 : i32
    %dma_wait3A_741 = arith.constant 0 : i32
    %dma_wait3A_742 = tpu.memref_slice %arg12[%dma_wait3A_740, %dma_wait3A_741] : memref<26x128xf32, #tpu.memory_space<vmem>> -> memref<1x128xf32, #tpu.memory_space<vmem>>
    %dma_wait3A_743 = tpu.memref_squeeze %dma_wait3A_742 : memref<1x128xf32, #tpu.memory_space<vmem>> -> memref<128xf32, #tpu.memory_space<vmem>>
    %dma_wait3A_744 = arith.constant 0 : i32
    %dma_wait3A_745 = tpu.memref_slice %arg9[%dma_wait3A_739, %dma_wait3A_744] : memref<26x128xi32, #tpu.memory_space<vmem>> -> memref<1x128xi32, #tpu.memory_space<vmem>>
    %dma_wait3A_746 = tpu.memref_squeeze %dma_wait3A_745 : memref<1x128xi32, #tpu.memory_space<vmem>> -> memref<128xi32, #tpu.memory_space<vmem>>
    %dma_wait3A_747 = arith.constant 0 : i32
    %dma_wait3A_748 = tpu.memref_slice %arg5[%dma_wait3A_747] : memref<100000xf32, #tpu.memory_space<hbm>> -> memref<100000xf32, #tpu.memory_space<hbm>>
    tpu.wait_indirect_dma semaphore(%arg17 : memref<!tpu.dma_semaphore, #tpu.memory_space<semaphore_mem>>) src(%dma_wait3A_748 : memref<100000xf32, #tpu.memory_space<hbm>>) dst(%dma_wait3A_743 : memref<128xf32, #tpu.memory_space<vmem>>)
    %dma_wait3A_749 = arith.constant 8 : i32
    %dma_wait3A_750 = arith.constant 8 : i32
    %dma_wait3A_751 = arith.constant 0 : i32
    %dma_wait3A_752 = arith.constant 0 : i32
    %dma_wait3A_753 = tpu.memref_slice %arg11[%dma_wait3A_750, %dma_wait3A_751, %dma_wait3A_752] : memref<26x128x32xf32, #tpu.memory_space<vmem>> -> memref<1x128x32xf32, #tpu.memory_space<vmem>>
    %dma_wait3A_754 = tpu.memref_squeeze %dma_wait3A_753 : memref<1x128x32xf32, #tpu.memory_space<vmem>> -> memref<128x32xf32, #tpu.memory_space<vmem>>
    %dma_wait3A_755 = arith.constant 0 : i32
    %dma_wait3A_756 = tpu.memref_slice %arg9[%dma_wait3A_749, %dma_wait3A_755] : memref<26x128xi32, #tpu.memory_space<vmem>> -> memref<1x128xi32, #tpu.memory_space<vmem>>
    %dma_wait3A_757 = tpu.memref_squeeze %dma_wait3A_756 : memref<1x128xi32, #tpu.memory_space<vmem>> -> memref<128xi32, #tpu.memory_space<vmem>>
    %dma_wait3A_758 = arith.constant 0 : i32
    %dma_wait3A_759 = arith.constant 0 : i32
    %dma_wait3A_760 = tpu.memref_slice %arg4[%dma_wait3A_758, %dma_wait3A_759] : memref<100000x32xf32, #tpu.memory_space<hbm>> -> memref<100000x32xf32, #tpu.memory_space<hbm>>
    tpu.wait_indirect_dma semaphore(%arg16 : memref<!tpu.dma_semaphore, #tpu.memory_space<semaphore_mem>>) src(%dma_wait3A_760 : memref<100000x32xf32, #tpu.memory_space<hbm>>) dst(%dma_wait3A_754 : memref<128x32xf32, #tpu.memory_space<vmem>>)
    %dma_wait3A_761 = arith.constant 8 : i32
    %dma_wait3A_762 = arith.constant 8 : i32
    %dma_wait3A_763 = arith.constant 0 : i32
    %dma_wait3A_764 = tpu.memref_slice %arg12[%dma_wait3A_762, %dma_wait3A_763] : memref<26x128xf32, #tpu.memory_space<vmem>> -> memref<1x128xf32, #tpu.memory_space<vmem>>
    %dma_wait3A_765 = tpu.memref_squeeze %dma_wait3A_764 : memref<1x128xf32, #tpu.memory_space<vmem>> -> memref<128xf32, #tpu.memory_space<vmem>>
    %dma_wait3A_766 = arith.constant 0 : i32
    %dma_wait3A_767 = tpu.memref_slice %arg9[%dma_wait3A_761, %dma_wait3A_766] : memref<26x128xi32, #tpu.memory_space<vmem>> -> memref<1x128xi32, #tpu.memory_space<vmem>>
    %dma_wait3A_768 = tpu.memref_squeeze %dma_wait3A_767 : memref<1x128xi32, #tpu.memory_space<vmem>> -> memref<128xi32, #tpu.memory_space<vmem>>
    %dma_wait3A_769 = arith.constant 0 : i32
    %dma_wait3A_770 = tpu.memref_slice %arg5[%dma_wait3A_769] : memref<100000xf32, #tpu.memory_space<hbm>> -> memref<100000xf32, #tpu.memory_space<hbm>>
    tpu.wait_indirect_dma semaphore(%arg17 : memref<!tpu.dma_semaphore, #tpu.memory_space<semaphore_mem>>) src(%dma_wait3A_770 : memref<100000xf32, #tpu.memory_space<hbm>>) dst(%dma_wait3A_765 : memref<128xf32, #tpu.memory_space<vmem>>)
    %dma_wait3A_771 = arith.constant 9 : i32
    %dma_wait3A_772 = arith.constant 9 : i32
    %dma_wait3A_773 = arith.constant 0 : i32
    %dma_wait3A_774 = arith.constant 0 : i32
    %dma_wait3A_775 = tpu.memref_slice %arg11[%dma_wait3A_772, %dma_wait3A_773, %dma_wait3A_774] : memref<26x128x32xf32, #tpu.memory_space<vmem>> -> memref<1x128x32xf32, #tpu.memory_space<vmem>>
    %dma_wait3A_776 = tpu.memref_squeeze %dma_wait3A_775 : memref<1x128x32xf32, #tpu.memory_space<vmem>> -> memref<128x32xf32, #tpu.memory_space<vmem>>
    %dma_wait3A_777 = arith.constant 0 : i32
    %dma_wait3A_778 = tpu.memref_slice %arg9[%dma_wait3A_771, %dma_wait3A_777] : memref<26x128xi32, #tpu.memory_space<vmem>> -> memref<1x128xi32, #tpu.memory_space<vmem>>
    %dma_wait3A_779 = tpu.memref_squeeze %dma_wait3A_778 : memref<1x128xi32, #tpu.memory_space<vmem>> -> memref<128xi32, #tpu.memory_space<vmem>>
    %dma_wait3A_780 = arith.constant 0 : i32
    %dma_wait3A_781 = arith.constant 0 : i32
    %dma_wait3A_782 = tpu.memref_slice %arg4[%dma_wait3A_780, %dma_wait3A_781] : memref<100000x32xf32, #tpu.memory_space<hbm>> -> memref<100000x32xf32, #tpu.memory_space<hbm>>
    tpu.wait_indirect_dma semaphore(%arg16 : memref<!tpu.dma_semaphore, #tpu.memory_space<semaphore_mem>>) src(%dma_wait3A_782 : memref<100000x32xf32, #tpu.memory_space<hbm>>) dst(%dma_wait3A_776 : memref<128x32xf32, #tpu.memory_space<vmem>>)
    %dma_wait3A_783 = arith.constant 9 : i32
    %dma_wait3A_784 = arith.constant 9 : i32
    %dma_wait3A_785 = arith.constant 0 : i32
    %dma_wait3A_786 = tpu.memref_slice %arg12[%dma_wait3A_784, %dma_wait3A_785] : memref<26x128xf32, #tpu.memory_space<vmem>> -> memref<1x128xf32, #tpu.memory_space<vmem>>
    %dma_wait3A_787 = tpu.memref_squeeze %dma_wait3A_786 : memref<1x128xf32, #tpu.memory_space<vmem>> -> memref<128xf32, #tpu.memory_space<vmem>>
    %dma_wait3A_788 = arith.constant 0 : i32
    %dma_wait3A_789 = tpu.memref_slice %arg9[%dma_wait3A_783, %dma_wait3A_788] : memref<26x128xi32, #tpu.memory_space<vmem>> -> memref<1x128xi32, #tpu.memory_space<vmem>>
    %dma_wait3A_790 = tpu.memref_squeeze %dma_wait3A_789 : memref<1x128xi32, #tpu.memory_space<vmem>> -> memref<128xi32, #tpu.memory_space<vmem>>
    %dma_wait3A_791 = arith.constant 0 : i32
    %dma_wait3A_792 = tpu.memref_slice %arg5[%dma_wait3A_791] : memref<100000xf32, #tpu.memory_space<hbm>> -> memref<100000xf32, #tpu.memory_space<hbm>>
    tpu.wait_indirect_dma semaphore(%arg17 : memref<!tpu.dma_semaphore, #tpu.memory_space<semaphore_mem>>) src(%dma_wait3A_792 : memref<100000xf32, #tpu.memory_space<hbm>>) dst(%dma_wait3A_787 : memref<128xf32, #tpu.memory_space<vmem>>)
    %dma_wait3A_793 = arith.constant 10 : i32
    %dma_wait3A_794 = arith.constant 10 : i32
    %dma_wait3A_795 = arith.constant 0 : i32
    %dma_wait3A_796 = arith.constant 0 : i32
    %dma_wait3A_797 = tpu.memref_slice %arg11[%dma_wait3A_794, %dma_wait3A_795, %dma_wait3A_796] : memref<26x128x32xf32, #tpu.memory_space<vmem>> -> memref<1x128x32xf32, #tpu.memory_space<vmem>>
    %dma_wait3A_798 = tpu.memref_squeeze %dma_wait3A_797 : memref<1x128x32xf32, #tpu.memory_space<vmem>> -> memref<128x32xf32, #tpu.memory_space<vmem>>
    %dma_wait3A_799 = arith.constant 0 : i32
    %dma_wait3A_800 = tpu.memref_slice %arg9[%dma_wait3A_793, %dma_wait3A_799] : memref<26x128xi32, #tpu.memory_space<vmem>> -> memref<1x128xi32, #tpu.memory_space<vmem>>
    %dma_wait3A_801 = tpu.memref_squeeze %dma_wait3A_800 : memref<1x128xi32, #tpu.memory_space<vmem>> -> memref<128xi32, #tpu.memory_space<vmem>>
    %dma_wait3A_802 = arith.constant 0 : i32
    %dma_wait3A_803 = arith.constant 0 : i32
    %dma_wait3A_804 = tpu.memref_slice %arg4[%dma_wait3A_802, %dma_wait3A_803] : memref<100000x32xf32, #tpu.memory_space<hbm>> -> memref<100000x32xf32, #tpu.memory_space<hbm>>
    tpu.wait_indirect_dma semaphore(%arg16 : memref<!tpu.dma_semaphore, #tpu.memory_space<semaphore_mem>>) src(%dma_wait3A_804 : memref<100000x32xf32, #tpu.memory_space<hbm>>) dst(%dma_wait3A_798 : memref<128x32xf32, #tpu.memory_space<vmem>>)
    %dma_wait3A_805 = arith.constant 10 : i32
    %dma_wait3A_806 = arith.constant 10 : i32
    %dma_wait3A_807 = arith.constant 0 : i32
    %dma_wait3A_808 = tpu.memref_slice %arg12[%dma_wait3A_806, %dma_wait3A_807] : memref<26x128xf32, #tpu.memory_space<vmem>> -> memref<1x128xf32, #tpu.memory_space<vmem>>
    %dma_wait3A_809 = tpu.memref_squeeze %dma_wait3A_808 : memref<1x128xf32, #tpu.memory_space<vmem>> -> memref<128xf32, #tpu.memory_space<vmem>>
    %dma_wait3A_810 = arith.constant 0 : i32
    %dma_wait3A_811 = tpu.memref_slice %arg9[%dma_wait3A_805, %dma_wait3A_810] : memref<26x128xi32, #tpu.memory_space<vmem>> -> memref<1x128xi32, #tpu.memory_space<vmem>>
    %dma_wait3A_812 = tpu.memref_squeeze %dma_wait3A_811 : memref<1x128xi32, #tpu.memory_space<vmem>> -> memref<128xi32, #tpu.memory_space<vmem>>
    %dma_wait3A_813 = arith.constant 0 : i32
    %dma_wait3A_814 = tpu.memref_slice %arg5[%dma_wait3A_813] : memref<100000xf32, #tpu.memory_space<hbm>> -> memref<100000xf32, #tpu.memory_space<hbm>>
    tpu.wait_indirect_dma semaphore(%arg17 : memref<!tpu.dma_semaphore, #tpu.memory_space<semaphore_mem>>) src(%dma_wait3A_814 : memref<100000xf32, #tpu.memory_space<hbm>>) dst(%dma_wait3A_809 : memref<128xf32, #tpu.memory_space<vmem>>)
    %dma_wait3A_815 = arith.constant 11 : i32
    %dma_wait3A_816 = arith.constant 11 : i32
    %dma_wait3A_817 = arith.constant 0 : i32
    %dma_wait3A_818 = arith.constant 0 : i32
    %dma_wait3A_819 = tpu.memref_slice %arg11[%dma_wait3A_816, %dma_wait3A_817, %dma_wait3A_818] : memref<26x128x32xf32, #tpu.memory_space<vmem>> -> memref<1x128x32xf32, #tpu.memory_space<vmem>>
    %dma_wait3A_820 = tpu.memref_squeeze %dma_wait3A_819 : memref<1x128x32xf32, #tpu.memory_space<vmem>> -> memref<128x32xf32, #tpu.memory_space<vmem>>
    %dma_wait3A_821 = arith.constant 0 : i32
    %dma_wait3A_822 = tpu.memref_slice %arg9[%dma_wait3A_815, %dma_wait3A_821] : memref<26x128xi32, #tpu.memory_space<vmem>> -> memref<1x128xi32, #tpu.memory_space<vmem>>
    %dma_wait3A_823 = tpu.memref_squeeze %dma_wait3A_822 : memref<1x128xi32, #tpu.memory_space<vmem>> -> memref<128xi32, #tpu.memory_space<vmem>>
    %dma_wait3A_824 = arith.constant 0 : i32
    %dma_wait3A_825 = arith.constant 0 : i32
    %dma_wait3A_826 = tpu.memref_slice %arg4[%dma_wait3A_824, %dma_wait3A_825] : memref<100000x32xf32, #tpu.memory_space<hbm>> -> memref<100000x32xf32, #tpu.memory_space<hbm>>
    tpu.wait_indirect_dma semaphore(%arg16 : memref<!tpu.dma_semaphore, #tpu.memory_space<semaphore_mem>>) src(%dma_wait3A_826 : memref<100000x32xf32, #tpu.memory_space<hbm>>) dst(%dma_wait3A_820 : memref<128x32xf32, #tpu.memory_space<vmem>>)
    %dma_wait3A_827 = arith.constant 11 : i32
    %dma_wait3A_828 = arith.constant 11 : i32
    %dma_wait3A_829 = arith.constant 0 : i32
    %dma_wait3A_830 = tpu.memref_slice %arg12[%dma_wait3A_828, %dma_wait3A_829] : memref<26x128xf32, #tpu.memory_space<vmem>> -> memref<1x128xf32, #tpu.memory_space<vmem>>
    %dma_wait3A_831 = tpu.memref_squeeze %dma_wait3A_830 : memref<1x128xf32, #tpu.memory_space<vmem>> -> memref<128xf32, #tpu.memory_space<vmem>>
    %dma_wait3A_832 = arith.constant 0 : i32
    %dma_wait3A_833 = tpu.memref_slice %arg9[%dma_wait3A_827, %dma_wait3A_832] : memref<26x128xi32, #tpu.memory_space<vmem>> -> memref<1x128xi32, #tpu.memory_space<vmem>>
    %dma_wait3A_834 = tpu.memref_squeeze %dma_wait3A_833 : memref<1x128xi32, #tpu.memory_space<vmem>> -> memref<128xi32, #tpu.memory_space<vmem>>
    %dma_wait3A_835 = arith.constant 0 : i32
    %dma_wait3A_836 = tpu.memref_slice %arg5[%dma_wait3A_835] : memref<100000xf32, #tpu.memory_space<hbm>> -> memref<100000xf32, #tpu.memory_space<hbm>>
    tpu.wait_indirect_dma semaphore(%arg17 : memref<!tpu.dma_semaphore, #tpu.memory_space<semaphore_mem>>) src(%dma_wait3A_836 : memref<100000xf32, #tpu.memory_space<hbm>>) dst(%dma_wait3A_831 : memref<128xf32, #tpu.memory_space<vmem>>)
    %dma_wait3A_837 = arith.constant 12 : i32
    %dma_wait3A_838 = arith.constant 12 : i32
    %dma_wait3A_839 = arith.constant 0 : i32
    %dma_wait3A_840 = arith.constant 0 : i32
    %dma_wait3A_841 = tpu.memref_slice %arg11[%dma_wait3A_838, %dma_wait3A_839, %dma_wait3A_840] : memref<26x128x32xf32, #tpu.memory_space<vmem>> -> memref<1x128x32xf32, #tpu.memory_space<vmem>>
    %dma_wait3A_842 = tpu.memref_squeeze %dma_wait3A_841 : memref<1x128x32xf32, #tpu.memory_space<vmem>> -> memref<128x32xf32, #tpu.memory_space<vmem>>
    %dma_wait3A_843 = arith.constant 0 : i32
    %dma_wait3A_844 = tpu.memref_slice %arg9[%dma_wait3A_837, %dma_wait3A_843] : memref<26x128xi32, #tpu.memory_space<vmem>> -> memref<1x128xi32, #tpu.memory_space<vmem>>
    %dma_wait3A_845 = tpu.memref_squeeze %dma_wait3A_844 : memref<1x128xi32, #tpu.memory_space<vmem>> -> memref<128xi32, #tpu.memory_space<vmem>>
    %dma_wait3A_846 = arith.constant 0 : i32
    %dma_wait3A_847 = arith.constant 0 : i32
    %dma_wait3A_848 = tpu.memref_slice %arg4[%dma_wait3A_846, %dma_wait3A_847] : memref<100000x32xf32, #tpu.memory_space<hbm>> -> memref<100000x32xf32, #tpu.memory_space<hbm>>
    tpu.wait_indirect_dma semaphore(%arg16 : memref<!tpu.dma_semaphore, #tpu.memory_space<semaphore_mem>>) src(%dma_wait3A_848 : memref<100000x32xf32, #tpu.memory_space<hbm>>) dst(%dma_wait3A_842 : memref<128x32xf32, #tpu.memory_space<vmem>>)
    %dma_wait3A_849 = arith.constant 12 : i32
    %dma_wait3A_850 = arith.constant 12 : i32
    %dma_wait3A_851 = arith.constant 0 : i32
    %dma_wait3A_852 = tpu.memref_slice %arg12[%dma_wait3A_850, %dma_wait3A_851] : memref<26x128xf32, #tpu.memory_space<vmem>> -> memref<1x128xf32, #tpu.memory_space<vmem>>
    %dma_wait3A_853 = tpu.memref_squeeze %dma_wait3A_852 : memref<1x128xf32, #tpu.memory_space<vmem>> -> memref<128xf32, #tpu.memory_space<vmem>>
    %dma_wait3A_854 = arith.constant 0 : i32
    %dma_wait3A_855 = tpu.memref_slice %arg9[%dma_wait3A_849, %dma_wait3A_854] : memref<26x128xi32, #tpu.memory_space<vmem>> -> memref<1x128xi32, #tpu.memory_space<vmem>>
    %dma_wait3A_856 = tpu.memref_squeeze %dma_wait3A_855 : memref<1x128xi32, #tpu.memory_space<vmem>> -> memref<128xi32, #tpu.memory_space<vmem>>
    %dma_wait3A_857 = arith.constant 0 : i32
    %dma_wait3A_858 = tpu.memref_slice %arg5[%dma_wait3A_857] : memref<100000xf32, #tpu.memory_space<hbm>> -> memref<100000xf32, #tpu.memory_space<hbm>>
    tpu.wait_indirect_dma semaphore(%arg17 : memref<!tpu.dma_semaphore, #tpu.memory_space<semaphore_mem>>) src(%dma_wait3A_858 : memref<100000xf32, #tpu.memory_space<hbm>>) dst(%dma_wait3A_853 : memref<128xf32, #tpu.memory_space<vmem>>)
    %dma_wait3A_859 = arith.constant 13 : i32
    %dma_wait3A_860 = arith.constant 13 : i32
    %dma_wait3A_861 = arith.constant 0 : i32
    %dma_wait3A_862 = arith.constant 0 : i32
    %dma_wait3A_863 = tpu.memref_slice %arg11[%dma_wait3A_860, %dma_wait3A_861, %dma_wait3A_862] : memref<26x128x32xf32, #tpu.memory_space<vmem>> -> memref<1x128x32xf32, #tpu.memory_space<vmem>>
    %dma_wait3A_864 = tpu.memref_squeeze %dma_wait3A_863 : memref<1x128x32xf32, #tpu.memory_space<vmem>> -> memref<128x32xf32, #tpu.memory_space<vmem>>
    %dma_wait3A_865 = arith.constant 0 : i32
    %dma_wait3A_866 = tpu.memref_slice %arg9[%dma_wait3A_859, %dma_wait3A_865] : memref<26x128xi32, #tpu.memory_space<vmem>> -> memref<1x128xi32, #tpu.memory_space<vmem>>
    %dma_wait3A_867 = tpu.memref_squeeze %dma_wait3A_866 : memref<1x128xi32, #tpu.memory_space<vmem>> -> memref<128xi32, #tpu.memory_space<vmem>>
    %dma_wait3A_868 = arith.constant 0 : i32
    %dma_wait3A_869 = arith.constant 0 : i32
    %dma_wait3A_870 = tpu.memref_slice %arg4[%dma_wait3A_868, %dma_wait3A_869] : memref<100000x32xf32, #tpu.memory_space<hbm>> -> memref<100000x32xf32, #tpu.memory_space<hbm>>
    tpu.wait_indirect_dma semaphore(%arg16 : memref<!tpu.dma_semaphore, #tpu.memory_space<semaphore_mem>>) src(%dma_wait3A_870 : memref<100000x32xf32, #tpu.memory_space<hbm>>) dst(%dma_wait3A_864 : memref<128x32xf32, #tpu.memory_space<vmem>>)
    %dma_wait3A_871 = arith.constant 13 : i32
    %dma_wait3A_872 = arith.constant 13 : i32
    %dma_wait3A_873 = arith.constant 0 : i32
    %dma_wait3A_874 = tpu.memref_slice %arg12[%dma_wait3A_872, %dma_wait3A_873] : memref<26x128xf32, #tpu.memory_space<vmem>> -> memref<1x128xf32, #tpu.memory_space<vmem>>
    %dma_wait3A_875 = tpu.memref_squeeze %dma_wait3A_874 : memref<1x128xf32, #tpu.memory_space<vmem>> -> memref<128xf32, #tpu.memory_space<vmem>>
    %dma_wait3A_876 = arith.constant 0 : i32
    %dma_wait3A_877 = tpu.memref_slice %arg9[%dma_wait3A_871, %dma_wait3A_876] : memref<26x128xi32, #tpu.memory_space<vmem>> -> memref<1x128xi32, #tpu.memory_space<vmem>>
    %dma_wait3A_878 = tpu.memref_squeeze %dma_wait3A_877 : memref<1x128xi32, #tpu.memory_space<vmem>> -> memref<128xi32, #tpu.memory_space<vmem>>
    %dma_wait3A_879 = arith.constant 0 : i32
    %dma_wait3A_880 = tpu.memref_slice %arg5[%dma_wait3A_879] : memref<100000xf32, #tpu.memory_space<hbm>> -> memref<100000xf32, #tpu.memory_space<hbm>>
    tpu.wait_indirect_dma semaphore(%arg17 : memref<!tpu.dma_semaphore, #tpu.memory_space<semaphore_mem>>) src(%dma_wait3A_880 : memref<100000xf32, #tpu.memory_space<hbm>>) dst(%dma_wait3A_875 : memref<128xf32, #tpu.memory_space<vmem>>)
    %dma_wait3A_881 = arith.constant 14 : i32
    %dma_wait3A_882 = arith.constant 14 : i32
    %dma_wait3A_883 = arith.constant 0 : i32
    %dma_wait3A_884 = arith.constant 0 : i32
    %dma_wait3A_885 = tpu.memref_slice %arg11[%dma_wait3A_882, %dma_wait3A_883, %dma_wait3A_884] : memref<26x128x32xf32, #tpu.memory_space<vmem>> -> memref<1x128x32xf32, #tpu.memory_space<vmem>>
    %dma_wait3A_886 = tpu.memref_squeeze %dma_wait3A_885 : memref<1x128x32xf32, #tpu.memory_space<vmem>> -> memref<128x32xf32, #tpu.memory_space<vmem>>
    %dma_wait3A_887 = arith.constant 0 : i32
    %dma_wait3A_888 = tpu.memref_slice %arg9[%dma_wait3A_881, %dma_wait3A_887] : memref<26x128xi32, #tpu.memory_space<vmem>> -> memref<1x128xi32, #tpu.memory_space<vmem>>
    %dma_wait3A_889 = tpu.memref_squeeze %dma_wait3A_888 : memref<1x128xi32, #tpu.memory_space<vmem>> -> memref<128xi32, #tpu.memory_space<vmem>>
    %dma_wait3A_890 = arith.constant 0 : i32
    %dma_wait3A_891 = arith.constant 0 : i32
    %dma_wait3A_892 = tpu.memref_slice %arg4[%dma_wait3A_890, %dma_wait3A_891] : memref<100000x32xf32, #tpu.memory_space<hbm>> -> memref<100000x32xf32, #tpu.memory_space<hbm>>
    tpu.wait_indirect_dma semaphore(%arg16 : memref<!tpu.dma_semaphore, #tpu.memory_space<semaphore_mem>>) src(%dma_wait3A_892 : memref<100000x32xf32, #tpu.memory_space<hbm>>) dst(%dma_wait3A_886 : memref<128x32xf32, #tpu.memory_space<vmem>>)
    %dma_wait3A_893 = arith.constant 14 : i32
    %dma_wait3A_894 = arith.constant 14 : i32
    %dma_wait3A_895 = arith.constant 0 : i32
    %dma_wait3A_896 = tpu.memref_slice %arg12[%dma_wait3A_894, %dma_wait3A_895] : memref<26x128xf32, #tpu.memory_space<vmem>> -> memref<1x128xf32, #tpu.memory_space<vmem>>
    %dma_wait3A_897 = tpu.memref_squeeze %dma_wait3A_896 : memref<1x128xf32, #tpu.memory_space<vmem>> -> memref<128xf32, #tpu.memory_space<vmem>>
    %dma_wait3A_898 = arith.constant 0 : i32
    %dma_wait3A_899 = tpu.memref_slice %arg9[%dma_wait3A_893, %dma_wait3A_898] : memref<26x128xi32, #tpu.memory_space<vmem>> -> memref<1x128xi32, #tpu.memory_space<vmem>>
    %dma_wait3A_900 = tpu.memref_squeeze %dma_wait3A_899 : memref<1x128xi32, #tpu.memory_space<vmem>> -> memref<128xi32, #tpu.memory_space<vmem>>
    %dma_wait3A_901 = arith.constant 0 : i32
    %dma_wait3A_902 = tpu.memref_slice %arg5[%dma_wait3A_901] : memref<100000xf32, #tpu.memory_space<hbm>> -> memref<100000xf32, #tpu.memory_space<hbm>>
    tpu.wait_indirect_dma semaphore(%arg17 : memref<!tpu.dma_semaphore, #tpu.memory_space<semaphore_mem>>) src(%dma_wait3A_902 : memref<100000xf32, #tpu.memory_space<hbm>>) dst(%dma_wait3A_897 : memref<128xf32, #tpu.memory_space<vmem>>)
    %dma_wait3A_903 = arith.constant 15 : i32
    %dma_wait3A_904 = arith.constant 15 : i32
    %dma_wait3A_905 = arith.constant 0 : i32
    %dma_wait3A_906 = arith.constant 0 : i32
    %dma_wait3A_907 = tpu.memref_slice %arg11[%dma_wait3A_904, %dma_wait3A_905, %dma_wait3A_906] : memref<26x128x32xf32, #tpu.memory_space<vmem>> -> memref<1x128x32xf32, #tpu.memory_space<vmem>>
    %dma_wait3A_908 = tpu.memref_squeeze %dma_wait3A_907 : memref<1x128x32xf32, #tpu.memory_space<vmem>> -> memref<128x32xf32, #tpu.memory_space<vmem>>
    %dma_wait3A_909 = arith.constant 0 : i32
    %dma_wait3A_910 = tpu.memref_slice %arg9[%dma_wait3A_903, %dma_wait3A_909] : memref<26x128xi32, #tpu.memory_space<vmem>> -> memref<1x128xi32, #tpu.memory_space<vmem>>
    %dma_wait3A_911 = tpu.memref_squeeze %dma_wait3A_910 : memref<1x128xi32, #tpu.memory_space<vmem>> -> memref<128xi32, #tpu.memory_space<vmem>>
    %dma_wait3A_912 = arith.constant 0 : i32
    %dma_wait3A_913 = arith.constant 0 : i32
    %dma_wait3A_914 = tpu.memref_slice %arg4[%dma_wait3A_912, %dma_wait3A_913] : memref<100000x32xf32, #tpu.memory_space<hbm>> -> memref<100000x32xf32, #tpu.memory_space<hbm>>
    tpu.wait_indirect_dma semaphore(%arg16 : memref<!tpu.dma_semaphore, #tpu.memory_space<semaphore_mem>>) src(%dma_wait3A_914 : memref<100000x32xf32, #tpu.memory_space<hbm>>) dst(%dma_wait3A_908 : memref<128x32xf32, #tpu.memory_space<vmem>>)
    %dma_wait3A_915 = arith.constant 15 : i32
    %dma_wait3A_916 = arith.constant 15 : i32
    %dma_wait3A_917 = arith.constant 0 : i32
    %dma_wait3A_918 = tpu.memref_slice %arg12[%dma_wait3A_916, %dma_wait3A_917] : memref<26x128xf32, #tpu.memory_space<vmem>> -> memref<1x128xf32, #tpu.memory_space<vmem>>
    %dma_wait3A_919 = tpu.memref_squeeze %dma_wait3A_918 : memref<1x128xf32, #tpu.memory_space<vmem>> -> memref<128xf32, #tpu.memory_space<vmem>>
    %dma_wait3A_920 = arith.constant 0 : i32
    %dma_wait3A_921 = tpu.memref_slice %arg9[%dma_wait3A_915, %dma_wait3A_920] : memref<26x128xi32, #tpu.memory_space<vmem>> -> memref<1x128xi32, #tpu.memory_space<vmem>>
    %dma_wait3A_922 = tpu.memref_squeeze %dma_wait3A_921 : memref<1x128xi32, #tpu.memory_space<vmem>> -> memref<128xi32, #tpu.memory_space<vmem>>
    %dma_wait3A_923 = arith.constant 0 : i32
    %dma_wait3A_924 = tpu.memref_slice %arg5[%dma_wait3A_923] : memref<100000xf32, #tpu.memory_space<hbm>> -> memref<100000xf32, #tpu.memory_space<hbm>>
    tpu.wait_indirect_dma semaphore(%arg17 : memref<!tpu.dma_semaphore, #tpu.memory_space<semaphore_mem>>) src(%dma_wait3A_924 : memref<100000xf32, #tpu.memory_space<hbm>>) dst(%dma_wait3A_919 : memref<128xf32, #tpu.memory_space<vmem>>)
    %dma_wait3A_925 = arith.constant 16 : i32
    %dma_wait3A_926 = arith.constant 16 : i32
    %dma_wait3A_927 = arith.constant 0 : i32
    %dma_wait3A_928 = arith.constant 0 : i32
    %dma_wait3A_929 = tpu.memref_slice %arg11[%dma_wait3A_926, %dma_wait3A_927, %dma_wait3A_928] : memref<26x128x32xf32, #tpu.memory_space<vmem>> -> memref<1x128x32xf32, #tpu.memory_space<vmem>>
    %dma_wait3A_930 = tpu.memref_squeeze %dma_wait3A_929 : memref<1x128x32xf32, #tpu.memory_space<vmem>> -> memref<128x32xf32, #tpu.memory_space<vmem>>
    %dma_wait3A_931 = arith.constant 0 : i32
    %dma_wait3A_932 = tpu.memref_slice %arg9[%dma_wait3A_925, %dma_wait3A_931] : memref<26x128xi32, #tpu.memory_space<vmem>> -> memref<1x128xi32, #tpu.memory_space<vmem>>
    %dma_wait3A_933 = tpu.memref_squeeze %dma_wait3A_932 : memref<1x128xi32, #tpu.memory_space<vmem>> -> memref<128xi32, #tpu.memory_space<vmem>>
    %dma_wait3A_934 = arith.constant 0 : i32
    %dma_wait3A_935 = arith.constant 0 : i32
    %dma_wait3A_936 = tpu.memref_slice %arg4[%dma_wait3A_934, %dma_wait3A_935] : memref<100000x32xf32, #tpu.memory_space<hbm>> -> memref<100000x32xf32, #tpu.memory_space<hbm>>
    tpu.wait_indirect_dma semaphore(%arg16 : memref<!tpu.dma_semaphore, #tpu.memory_space<semaphore_mem>>) src(%dma_wait3A_936 : memref<100000x32xf32, #tpu.memory_space<hbm>>) dst(%dma_wait3A_930 : memref<128x32xf32, #tpu.memory_space<vmem>>)
    %dma_wait3A_937 = arith.constant 16 : i32
    %dma_wait3A_938 = arith.constant 16 : i32
    %dma_wait3A_939 = arith.constant 0 : i32
    %dma_wait3A_940 = tpu.memref_slice %arg12[%dma_wait3A_938, %dma_wait3A_939] : memref<26x128xf32, #tpu.memory_space<vmem>> -> memref<1x128xf32, #tpu.memory_space<vmem>>
    %dma_wait3A_941 = tpu.memref_squeeze %dma_wait3A_940 : memref<1x128xf32, #tpu.memory_space<vmem>> -> memref<128xf32, #tpu.memory_space<vmem>>
    %dma_wait3A_942 = arith.constant 0 : i32
    %dma_wait3A_943 = tpu.memref_slice %arg9[%dma_wait3A_937, %dma_wait3A_942] : memref<26x128xi32, #tpu.memory_space<vmem>> -> memref<1x128xi32, #tpu.memory_space<vmem>>
    %dma_wait3A_944 = tpu.memref_squeeze %dma_wait3A_943 : memref<1x128xi32, #tpu.memory_space<vmem>> -> memref<128xi32, #tpu.memory_space<vmem>>
    %dma_wait3A_945 = arith.constant 0 : i32
    %dma_wait3A_946 = tpu.memref_slice %arg5[%dma_wait3A_945] : memref<100000xf32, #tpu.memory_space<hbm>> -> memref<100000xf32, #tpu.memory_space<hbm>>
    tpu.wait_indirect_dma semaphore(%arg17 : memref<!tpu.dma_semaphore, #tpu.memory_space<semaphore_mem>>) src(%dma_wait3A_946 : memref<100000xf32, #tpu.memory_space<hbm>>) dst(%dma_wait3A_941 : memref<128xf32, #tpu.memory_space<vmem>>)
    %dma_wait3A_947 = arith.constant 17 : i32
    %dma_wait3A_948 = arith.constant 17 : i32
    %dma_wait3A_949 = arith.constant 0 : i32
    %dma_wait3A_950 = arith.constant 0 : i32
    %dma_wait3A_951 = tpu.memref_slice %arg11[%dma_wait3A_948, %dma_wait3A_949, %dma_wait3A_950] : memref<26x128x32xf32, #tpu.memory_space<vmem>> -> memref<1x128x32xf32, #tpu.memory_space<vmem>>
    %dma_wait3A_952 = tpu.memref_squeeze %dma_wait3A_951 : memref<1x128x32xf32, #tpu.memory_space<vmem>> -> memref<128x32xf32, #tpu.memory_space<vmem>>
    %dma_wait3A_953 = arith.constant 0 : i32
    %dma_wait3A_954 = tpu.memref_slice %arg9[%dma_wait3A_947, %dma_wait3A_953] : memref<26x128xi32, #tpu.memory_space<vmem>> -> memref<1x128xi32, #tpu.memory_space<vmem>>
    %dma_wait3A_955 = tpu.memref_squeeze %dma_wait3A_954 : memref<1x128xi32, #tpu.memory_space<vmem>> -> memref<128xi32, #tpu.memory_space<vmem>>
    %dma_wait3A_956 = arith.constant 0 : i32
    %dma_wait3A_957 = arith.constant 0 : i32
    %dma_wait3A_958 = tpu.memref_slice %arg4[%dma_wait3A_956, %dma_wait3A_957] : memref<100000x32xf32, #tpu.memory_space<hbm>> -> memref<100000x32xf32, #tpu.memory_space<hbm>>
    tpu.wait_indirect_dma semaphore(%arg16 : memref<!tpu.dma_semaphore, #tpu.memory_space<semaphore_mem>>) src(%dma_wait3A_958 : memref<100000x32xf32, #tpu.memory_space<hbm>>) dst(%dma_wait3A_952 : memref<128x32xf32, #tpu.memory_space<vmem>>)
    %dma_wait3A_959 = arith.constant 17 : i32
    %dma_wait3A_960 = arith.constant 17 : i32
    %dma_wait3A_961 = arith.constant 0 : i32
    %dma_wait3A_962 = tpu.memref_slice %arg12[%dma_wait3A_960, %dma_wait3A_961] : memref<26x128xf32, #tpu.memory_space<vmem>> -> memref<1x128xf32, #tpu.memory_space<vmem>>
    %dma_wait3A_963 = tpu.memref_squeeze %dma_wait3A_962 : memref<1x128xf32, #tpu.memory_space<vmem>> -> memref<128xf32, #tpu.memory_space<vmem>>
    %dma_wait3A_964 = arith.constant 0 : i32
    %dma_wait3A_965 = tpu.memref_slice %arg9[%dma_wait3A_959, %dma_wait3A_964] : memref<26x128xi32, #tpu.memory_space<vmem>> -> memref<1x128xi32, #tpu.memory_space<vmem>>
    %dma_wait3A_966 = tpu.memref_squeeze %dma_wait3A_965 : memref<1x128xi32, #tpu.memory_space<vmem>> -> memref<128xi32, #tpu.memory_space<vmem>>
    %dma_wait3A_967 = arith.constant 0 : i32
    %dma_wait3A_968 = tpu.memref_slice %arg5[%dma_wait3A_967] : memref<100000xf32, #tpu.memory_space<hbm>> -> memref<100000xf32, #tpu.memory_space<hbm>>
    tpu.wait_indirect_dma semaphore(%arg17 : memref<!tpu.dma_semaphore, #tpu.memory_space<semaphore_mem>>) src(%dma_wait3A_968 : memref<100000xf32, #tpu.memory_space<hbm>>) dst(%dma_wait3A_963 : memref<128xf32, #tpu.memory_space<vmem>>)
    %dma_wait3A_969 = arith.constant 18 : i32
    %dma_wait3A_970 = arith.constant 18 : i32
    %dma_wait3A_971 = arith.constant 0 : i32
    %dma_wait3A_972 = arith.constant 0 : i32
    %dma_wait3A_973 = tpu.memref_slice %arg11[%dma_wait3A_970, %dma_wait3A_971, %dma_wait3A_972] : memref<26x128x32xf32, #tpu.memory_space<vmem>> -> memref<1x128x32xf32, #tpu.memory_space<vmem>>
    %dma_wait3A_974 = tpu.memref_squeeze %dma_wait3A_973 : memref<1x128x32xf32, #tpu.memory_space<vmem>> -> memref<128x32xf32, #tpu.memory_space<vmem>>
    %dma_wait3A_975 = arith.constant 0 : i32
    %dma_wait3A_976 = tpu.memref_slice %arg9[%dma_wait3A_969, %dma_wait3A_975] : memref<26x128xi32, #tpu.memory_space<vmem>> -> memref<1x128xi32, #tpu.memory_space<vmem>>
    %dma_wait3A_977 = tpu.memref_squeeze %dma_wait3A_976 : memref<1x128xi32, #tpu.memory_space<vmem>> -> memref<128xi32, #tpu.memory_space<vmem>>
    %dma_wait3A_978 = arith.constant 0 : i32
    %dma_wait3A_979 = arith.constant 0 : i32
    %dma_wait3A_980 = tpu.memref_slice %arg4[%dma_wait3A_978, %dma_wait3A_979] : memref<100000x32xf32, #tpu.memory_space<hbm>> -> memref<100000x32xf32, #tpu.memory_space<hbm>>
    tpu.wait_indirect_dma semaphore(%arg16 : memref<!tpu.dma_semaphore, #tpu.memory_space<semaphore_mem>>) src(%dma_wait3A_980 : memref<100000x32xf32, #tpu.memory_space<hbm>>) dst(%dma_wait3A_974 : memref<128x32xf32, #tpu.memory_space<vmem>>)
    %dma_wait3A_981 = arith.constant 18 : i32
    %dma_wait3A_982 = arith.constant 18 : i32
    %dma_wait3A_983 = arith.constant 0 : i32
    %dma_wait3A_984 = tpu.memref_slice %arg12[%dma_wait3A_982, %dma_wait3A_983] : memref<26x128xf32, #tpu.memory_space<vmem>> -> memref<1x128xf32, #tpu.memory_space<vmem>>
    %dma_wait3A_985 = tpu.memref_squeeze %dma_wait3A_984 : memref<1x128xf32, #tpu.memory_space<vmem>> -> memref<128xf32, #tpu.memory_space<vmem>>
    %dma_wait3A_986 = arith.constant 0 : i32
    %dma_wait3A_987 = tpu.memref_slice %arg9[%dma_wait3A_981, %dma_wait3A_986] : memref<26x128xi32, #tpu.memory_space<vmem>> -> memref<1x128xi32, #tpu.memory_space<vmem>>
    %dma_wait3A_988 = tpu.memref_squeeze %dma_wait3A_987 : memref<1x128xi32, #tpu.memory_space<vmem>> -> memref<128xi32, #tpu.memory_space<vmem>>
    %dma_wait3A_989 = arith.constant 0 : i32
    %dma_wait3A_990 = tpu.memref_slice %arg5[%dma_wait3A_989] : memref<100000xf32, #tpu.memory_space<hbm>> -> memref<100000xf32, #tpu.memory_space<hbm>>
    tpu.wait_indirect_dma semaphore(%arg17 : memref<!tpu.dma_semaphore, #tpu.memory_space<semaphore_mem>>) src(%dma_wait3A_990 : memref<100000xf32, #tpu.memory_space<hbm>>) dst(%dma_wait3A_985 : memref<128xf32, #tpu.memory_space<vmem>>)
    %dma_wait3A_991 = arith.constant 19 : i32
    %dma_wait3A_992 = arith.constant 19 : i32
    %dma_wait3A_993 = arith.constant 0 : i32
    %dma_wait3A_994 = arith.constant 0 : i32
    %dma_wait3A_995 = tpu.memref_slice %arg11[%dma_wait3A_992, %dma_wait3A_993, %dma_wait3A_994] : memref<26x128x32xf32, #tpu.memory_space<vmem>> -> memref<1x128x32xf32, #tpu.memory_space<vmem>>
    %dma_wait3A_996 = tpu.memref_squeeze %dma_wait3A_995 : memref<1x128x32xf32, #tpu.memory_space<vmem>> -> memref<128x32xf32, #tpu.memory_space<vmem>>
    %dma_wait3A_997 = arith.constant 0 : i32
    %dma_wait3A_998 = tpu.memref_slice %arg9[%dma_wait3A_991, %dma_wait3A_997] : memref<26x128xi32, #tpu.memory_space<vmem>> -> memref<1x128xi32, #tpu.memory_space<vmem>>
    %dma_wait3A_999 = tpu.memref_squeeze %dma_wait3A_998 : memref<1x128xi32, #tpu.memory_space<vmem>> -> memref<128xi32, #tpu.memory_space<vmem>>
    %dma_wait3A_1000 = arith.constant 0 : i32
    %dma_wait3A_1001 = arith.constant 0 : i32
    %dma_wait3A_1002 = tpu.memref_slice %arg4[%dma_wait3A_1000, %dma_wait3A_1001] : memref<100000x32xf32, #tpu.memory_space<hbm>> -> memref<100000x32xf32, #tpu.memory_space<hbm>>
    tpu.wait_indirect_dma semaphore(%arg16 : memref<!tpu.dma_semaphore, #tpu.memory_space<semaphore_mem>>) src(%dma_wait3A_1002 : memref<100000x32xf32, #tpu.memory_space<hbm>>) dst(%dma_wait3A_996 : memref<128x32xf32, #tpu.memory_space<vmem>>)
    %dma_wait3A_1003 = arith.constant 19 : i32
    %dma_wait3A_1004 = arith.constant 19 : i32
    %dma_wait3A_1005 = arith.constant 0 : i32
    %dma_wait3A_1006 = tpu.memref_slice %arg12[%dma_wait3A_1004, %dma_wait3A_1005] : memref<26x128xf32, #tpu.memory_space<vmem>> -> memref<1x128xf32, #tpu.memory_space<vmem>>
    %dma_wait3A_1007 = tpu.memref_squeeze %dma_wait3A_1006 : memref<1x128xf32, #tpu.memory_space<vmem>> -> memref<128xf32, #tpu.memory_space<vmem>>
    %dma_wait3A_1008 = arith.constant 0 : i32
    %dma_wait3A_1009 = tpu.memref_slice %arg9[%dma_wait3A_1003, %dma_wait3A_1008] : memref<26x128xi32, #tpu.memory_space<vmem>> -> memref<1x128xi32, #tpu.memory_space<vmem>>
    %dma_wait3A_1010 = tpu.memref_squeeze %dma_wait3A_1009 : memref<1x128xi32, #tpu.memory_space<vmem>> -> memref<128xi32, #tpu.memory_space<vmem>>
    %dma_wait3A_1011 = arith.constant 0 : i32
    %dma_wait3A_1012 = tpu.memref_slice %arg5[%dma_wait3A_1011] : memref<100000xf32, #tpu.memory_space<hbm>> -> memref<100000xf32, #tpu.memory_space<hbm>>
    tpu.wait_indirect_dma semaphore(%arg17 : memref<!tpu.dma_semaphore, #tpu.memory_space<semaphore_mem>>) src(%dma_wait3A_1012 : memref<100000xf32, #tpu.memory_space<hbm>>) dst(%dma_wait3A_1007 : memref<128xf32, #tpu.memory_space<vmem>>)
    %dma_wait3A_1013 = arith.constant 20 : i32
    %dma_wait3A_1014 = arith.constant 20 : i32
    %dma_wait3A_1015 = arith.constant 0 : i32
    %dma_wait3A_1016 = arith.constant 0 : i32
    %dma_wait3A_1017 = tpu.memref_slice %arg11[%dma_wait3A_1014, %dma_wait3A_1015, %dma_wait3A_1016] : memref<26x128x32xf32, #tpu.memory_space<vmem>> -> memref<1x128x32xf32, #tpu.memory_space<vmem>>
    %dma_wait3A_1018 = tpu.memref_squeeze %dma_wait3A_1017 : memref<1x128x32xf32, #tpu.memory_space<vmem>> -> memref<128x32xf32, #tpu.memory_space<vmem>>
    %dma_wait3A_1019 = arith.constant 0 : i32
    %dma_wait3A_1020 = tpu.memref_slice %arg9[%dma_wait3A_1013, %dma_wait3A_1019] : memref<26x128xi32, #tpu.memory_space<vmem>> -> memref<1x128xi32, #tpu.memory_space<vmem>>
    %dma_wait3A_1021 = tpu.memref_squeeze %dma_wait3A_1020 : memref<1x128xi32, #tpu.memory_space<vmem>> -> memref<128xi32, #tpu.memory_space<vmem>>
    %dma_wait3A_1022 = arith.constant 0 : i32
    %dma_wait3A_1023 = arith.constant 0 : i32
    %dma_wait3A_1024 = tpu.memref_slice %arg4[%dma_wait3A_1022, %dma_wait3A_1023] : memref<100000x32xf32, #tpu.memory_space<hbm>> -> memref<100000x32xf32, #tpu.memory_space<hbm>>
    tpu.wait_indirect_dma semaphore(%arg16 : memref<!tpu.dma_semaphore, #tpu.memory_space<semaphore_mem>>) src(%dma_wait3A_1024 : memref<100000x32xf32, #tpu.memory_space<hbm>>) dst(%dma_wait3A_1018 : memref<128x32xf32, #tpu.memory_space<vmem>>)
    %dma_wait3A_1025 = arith.constant 20 : i32
    %dma_wait3A_1026 = arith.constant 20 : i32
    %dma_wait3A_1027 = arith.constant 0 : i32
    %dma_wait3A_1028 = tpu.memref_slice %arg12[%dma_wait3A_1026, %dma_wait3A_1027] : memref<26x128xf32, #tpu.memory_space<vmem>> -> memref<1x128xf32, #tpu.memory_space<vmem>>
    %dma_wait3A_1029 = tpu.memref_squeeze %dma_wait3A_1028 : memref<1x128xf32, #tpu.memory_space<vmem>> -> memref<128xf32, #tpu.memory_space<vmem>>
    %dma_wait3A_1030 = arith.constant 0 : i32
    %dma_wait3A_1031 = tpu.memref_slice %arg9[%dma_wait3A_1025, %dma_wait3A_1030] : memref<26x128xi32, #tpu.memory_space<vmem>> -> memref<1x128xi32, #tpu.memory_space<vmem>>
    %dma_wait3A_1032 = tpu.memref_squeeze %dma_wait3A_1031 : memref<1x128xi32, #tpu.memory_space<vmem>> -> memref<128xi32, #tpu.memory_space<vmem>>
    %dma_wait3A_1033 = arith.constant 0 : i32
    %dma_wait3A_1034 = tpu.memref_slice %arg5[%dma_wait3A_1033] : memref<100000xf32, #tpu.memory_space<hbm>> -> memref<100000xf32, #tpu.memory_space<hbm>>
    tpu.wait_indirect_dma semaphore(%arg17 : memref<!tpu.dma_semaphore, #tpu.memory_space<semaphore_mem>>) src(%dma_wait3A_1034 : memref<100000xf32, #tpu.memory_space<hbm>>) dst(%dma_wait3A_1029 : memref<128xf32, #tpu.memory_space<vmem>>)
    %dma_wait3A_1035 = arith.constant 21 : i32
    %dma_wait3A_1036 = arith.constant 21 : i32
    %dma_wait3A_1037 = arith.constant 0 : i32
    %dma_wait3A_1038 = arith.constant 0 : i32
    %dma_wait3A_1039 = tpu.memref_slice %arg11[%dma_wait3A_1036, %dma_wait3A_1037, %dma_wait3A_1038] : memref<26x128x32xf32, #tpu.memory_space<vmem>> -> memref<1x128x32xf32, #tpu.memory_space<vmem>>
    %dma_wait3A_1040 = tpu.memref_squeeze %dma_wait3A_1039 : memref<1x128x32xf32, #tpu.memory_space<vmem>> -> memref<128x32xf32, #tpu.memory_space<vmem>>
    %dma_wait3A_1041 = arith.constant 0 : i32
    %dma_wait3A_1042 = tpu.memref_slice %arg9[%dma_wait3A_1035, %dma_wait3A_1041] : memref<26x128xi32, #tpu.memory_space<vmem>> -> memref<1x128xi32, #tpu.memory_space<vmem>>
    %dma_wait3A_1043 = tpu.memref_squeeze %dma_wait3A_1042 : memref<1x128xi32, #tpu.memory_space<vmem>> -> memref<128xi32, #tpu.memory_space<vmem>>
    %dma_wait3A_1044 = arith.constant 0 : i32
    %dma_wait3A_1045 = arith.constant 0 : i32
    %dma_wait3A_1046 = tpu.memref_slice %arg4[%dma_wait3A_1044, %dma_wait3A_1045] : memref<100000x32xf32, #tpu.memory_space<hbm>> -> memref<100000x32xf32, #tpu.memory_space<hbm>>
    tpu.wait_indirect_dma semaphore(%arg16 : memref<!tpu.dma_semaphore, #tpu.memory_space<semaphore_mem>>) src(%dma_wait3A_1046 : memref<100000x32xf32, #tpu.memory_space<hbm>>) dst(%dma_wait3A_1040 : memref<128x32xf32, #tpu.memory_space<vmem>>)
    %dma_wait3A_1047 = arith.constant 21 : i32
    %dma_wait3A_1048 = arith.constant 21 : i32
    %dma_wait3A_1049 = arith.constant 0 : i32
    %dma_wait3A_1050 = tpu.memref_slice %arg12[%dma_wait3A_1048, %dma_wait3A_1049] : memref<26x128xf32, #tpu.memory_space<vmem>> -> memref<1x128xf32, #tpu.memory_space<vmem>>
    %dma_wait3A_1051 = tpu.memref_squeeze %dma_wait3A_1050 : memref<1x128xf32, #tpu.memory_space<vmem>> -> memref<128xf32, #tpu.memory_space<vmem>>
    %dma_wait3A_1052 = arith.constant 0 : i32
    %dma_wait3A_1053 = tpu.memref_slice %arg9[%dma_wait3A_1047, %dma_wait3A_1052] : memref<26x128xi32, #tpu.memory_space<vmem>> -> memref<1x128xi32, #tpu.memory_space<vmem>>
    %dma_wait3A_1054 = tpu.memref_squeeze %dma_wait3A_1053 : memref<1x128xi32, #tpu.memory_space<vmem>> -> memref<128xi32, #tpu.memory_space<vmem>>
    %dma_wait3A_1055 = arith.constant 0 : i32
    %dma_wait3A_1056 = tpu.memref_slice %arg5[%dma_wait3A_1055] : memref<100000xf32, #tpu.memory_space<hbm>> -> memref<100000xf32, #tpu.memory_space<hbm>>
    tpu.wait_indirect_dma semaphore(%arg17 : memref<!tpu.dma_semaphore, #tpu.memory_space<semaphore_mem>>) src(%dma_wait3A_1056 : memref<100000xf32, #tpu.memory_space<hbm>>) dst(%dma_wait3A_1051 : memref<128xf32, #tpu.memory_space<vmem>>)
    %dma_wait3A_1057 = arith.constant 22 : i32
    %dma_wait3A_1058 = arith.constant 22 : i32
    %dma_wait3A_1059 = arith.constant 0 : i32
    %dma_wait3A_1060 = arith.constant 0 : i32
    %dma_wait3A_1061 = tpu.memref_slice %arg11[%dma_wait3A_1058, %dma_wait3A_1059, %dma_wait3A_1060] : memref<26x128x32xf32, #tpu.memory_space<vmem>> -> memref<1x128x32xf32, #tpu.memory_space<vmem>>
    %dma_wait3A_1062 = tpu.memref_squeeze %dma_wait3A_1061 : memref<1x128x32xf32, #tpu.memory_space<vmem>> -> memref<128x32xf32, #tpu.memory_space<vmem>>
    %dma_wait3A_1063 = arith.constant 0 : i32
    %dma_wait3A_1064 = tpu.memref_slice %arg9[%dma_wait3A_1057, %dma_wait3A_1063] : memref<26x128xi32, #tpu.memory_space<vmem>> -> memref<1x128xi32, #tpu.memory_space<vmem>>
    %dma_wait3A_1065 = tpu.memref_squeeze %dma_wait3A_1064 : memref<1x128xi32, #tpu.memory_space<vmem>> -> memref<128xi32, #tpu.memory_space<vmem>>
    %dma_wait3A_1066 = arith.constant 0 : i32
    %dma_wait3A_1067 = arith.constant 0 : i32
    %dma_wait3A_1068 = tpu.memref_slice %arg4[%dma_wait3A_1066, %dma_wait3A_1067] : memref<100000x32xf32, #tpu.memory_space<hbm>> -> memref<100000x32xf32, #tpu.memory_space<hbm>>
    tpu.wait_indirect_dma semaphore(%arg16 : memref<!tpu.dma_semaphore, #tpu.memory_space<semaphore_mem>>) src(%dma_wait3A_1068 : memref<100000x32xf32, #tpu.memory_space<hbm>>) dst(%dma_wait3A_1062 : memref<128x32xf32, #tpu.memory_space<vmem>>)
    %dma_wait3A_1069 = arith.constant 22 : i32
    %dma_wait3A_1070 = arith.constant 22 : i32
    %dma_wait3A_1071 = arith.constant 0 : i32
    %dma_wait3A_1072 = tpu.memref_slice %arg12[%dma_wait3A_1070, %dma_wait3A_1071] : memref<26x128xf32, #tpu.memory_space<vmem>> -> memref<1x128xf32, #tpu.memory_space<vmem>>
    %dma_wait3A_1073 = tpu.memref_squeeze %dma_wait3A_1072 : memref<1x128xf32, #tpu.memory_space<vmem>> -> memref<128xf32, #tpu.memory_space<vmem>>
    %dma_wait3A_1074 = arith.constant 0 : i32
    %dma_wait3A_1075 = tpu.memref_slice %arg9[%dma_wait3A_1069, %dma_wait3A_1074] : memref<26x128xi32, #tpu.memory_space<vmem>> -> memref<1x128xi32, #tpu.memory_space<vmem>>
    %dma_wait3A_1076 = tpu.memref_squeeze %dma_wait3A_1075 : memref<1x128xi32, #tpu.memory_space<vmem>> -> memref<128xi32, #tpu.memory_space<vmem>>
    %dma_wait3A_1077 = arith.constant 0 : i32
    %dma_wait3A_1078 = tpu.memref_slice %arg5[%dma_wait3A_1077] : memref<100000xf32, #tpu.memory_space<hbm>> -> memref<100000xf32, #tpu.memory_space<hbm>>
    tpu.wait_indirect_dma semaphore(%arg17 : memref<!tpu.dma_semaphore, #tpu.memory_space<semaphore_mem>>) src(%dma_wait3A_1078 : memref<100000xf32, #tpu.memory_space<hbm>>) dst(%dma_wait3A_1073 : memref<128xf32, #tpu.memory_space<vmem>>)
    %dma_wait3A_1079 = arith.constant 23 : i32
    %dma_wait3A_1080 = arith.constant 23 : i32
    %dma_wait3A_1081 = arith.constant 0 : i32
    %dma_wait3A_1082 = arith.constant 0 : i32
    %dma_wait3A_1083 = tpu.memref_slice %arg11[%dma_wait3A_1080, %dma_wait3A_1081, %dma_wait3A_1082] : memref<26x128x32xf32, #tpu.memory_space<vmem>> -> memref<1x128x32xf32, #tpu.memory_space<vmem>>
    %dma_wait3A_1084 = tpu.memref_squeeze %dma_wait3A_1083 : memref<1x128x32xf32, #tpu.memory_space<vmem>> -> memref<128x32xf32, #tpu.memory_space<vmem>>
    %dma_wait3A_1085 = arith.constant 0 : i32
    %dma_wait3A_1086 = tpu.memref_slice %arg9[%dma_wait3A_1079, %dma_wait3A_1085] : memref<26x128xi32, #tpu.memory_space<vmem>> -> memref<1x128xi32, #tpu.memory_space<vmem>>
    %dma_wait3A_1087 = tpu.memref_squeeze %dma_wait3A_1086 : memref<1x128xi32, #tpu.memory_space<vmem>> -> memref<128xi32, #tpu.memory_space<vmem>>
    %dma_wait3A_1088 = arith.constant 0 : i32
    %dma_wait3A_1089 = arith.constant 0 : i32
    %dma_wait3A_1090 = tpu.memref_slice %arg4[%dma_wait3A_1088, %dma_wait3A_1089] : memref<100000x32xf32, #tpu.memory_space<hbm>> -> memref<100000x32xf32, #tpu.memory_space<hbm>>
    tpu.wait_indirect_dma semaphore(%arg16 : memref<!tpu.dma_semaphore, #tpu.memory_space<semaphore_mem>>) src(%dma_wait3A_1090 : memref<100000x32xf32, #tpu.memory_space<hbm>>) dst(%dma_wait3A_1084 : memref<128x32xf32, #tpu.memory_space<vmem>>)
    %dma_wait3A_1091 = arith.constant 23 : i32
    %dma_wait3A_1092 = arith.constant 23 : i32
    %dma_wait3A_1093 = arith.constant 0 : i32
    %dma_wait3A_1094 = tpu.memref_slice %arg12[%dma_wait3A_1092, %dma_wait3A_1093] : memref<26x128xf32, #tpu.memory_space<vmem>> -> memref<1x128xf32, #tpu.memory_space<vmem>>
    %dma_wait3A_1095 = tpu.memref_squeeze %dma_wait3A_1094 : memref<1x128xf32, #tpu.memory_space<vmem>> -> memref<128xf32, #tpu.memory_space<vmem>>
    %dma_wait3A_1096 = arith.constant 0 : i32
    %dma_wait3A_1097 = tpu.memref_slice %arg9[%dma_wait3A_1091, %dma_wait3A_1096] : memref<26x128xi32, #tpu.memory_space<vmem>> -> memref<1x128xi32, #tpu.memory_space<vmem>>
    %dma_wait3A_1098 = tpu.memref_squeeze %dma_wait3A_1097 : memref<1x128xi32, #tpu.memory_space<vmem>> -> memref<128xi32, #tpu.memory_space<vmem>>
    %dma_wait3A_1099 = arith.constant 0 : i32
    %dma_wait3A_1100 = tpu.memref_slice %arg5[%dma_wait3A_1099] : memref<100000xf32, #tpu.memory_space<hbm>> -> memref<100000xf32, #tpu.memory_space<hbm>>
    tpu.wait_indirect_dma semaphore(%arg17 : memref<!tpu.dma_semaphore, #tpu.memory_space<semaphore_mem>>) src(%dma_wait3A_1100 : memref<100000xf32, #tpu.memory_space<hbm>>) dst(%dma_wait3A_1095 : memref<128xf32, #tpu.memory_space<vmem>>)
    %dma_wait3A_1101 = arith.constant 24 : i32
    %dma_wait3A_1102 = arith.constant 24 : i32
    %dma_wait3A_1103 = arith.constant 0 : i32
    %dma_wait3A_1104 = arith.constant 0 : i32
    %dma_wait3A_1105 = tpu.memref_slice %arg11[%dma_wait3A_1102, %dma_wait3A_1103, %dma_wait3A_1104] : memref<26x128x32xf32, #tpu.memory_space<vmem>> -> memref<1x128x32xf32, #tpu.memory_space<vmem>>
    %dma_wait3A_1106 = tpu.memref_squeeze %dma_wait3A_1105 : memref<1x128x32xf32, #tpu.memory_space<vmem>> -> memref<128x32xf32, #tpu.memory_space<vmem>>
    %dma_wait3A_1107 = arith.constant 0 : i32
    %dma_wait3A_1108 = tpu.memref_slice %arg9[%dma_wait3A_1101, %dma_wait3A_1107] : memref<26x128xi32, #tpu.memory_space<vmem>> -> memref<1x128xi32, #tpu.memory_space<vmem>>
    %dma_wait3A_1109 = tpu.memref_squeeze %dma_wait3A_1108 : memref<1x128xi32, #tpu.memory_space<vmem>> -> memref<128xi32, #tpu.memory_space<vmem>>
    %dma_wait3A_1110 = arith.constant 0 : i32
    %dma_wait3A_1111 = arith.constant 0 : i32
    %dma_wait3A_1112 = tpu.memref_slice %arg4[%dma_wait3A_1110, %dma_wait3A_1111] : memref<100000x32xf32, #tpu.memory_space<hbm>> -> memref<100000x32xf32, #tpu.memory_space<hbm>>
    tpu.wait_indirect_dma semaphore(%arg16 : memref<!tpu.dma_semaphore, #tpu.memory_space<semaphore_mem>>) src(%dma_wait3A_1112 : memref<100000x32xf32, #tpu.memory_space<hbm>>) dst(%dma_wait3A_1106 : memref<128x32xf32, #tpu.memory_space<vmem>>)
    %dma_wait3A_1113 = arith.constant 24 : i32
    %dma_wait3A_1114 = arith.constant 24 : i32
    %dma_wait3A_1115 = arith.constant 0 : i32
    %dma_wait3A_1116 = tpu.memref_slice %arg12[%dma_wait3A_1114, %dma_wait3A_1115] : memref<26x128xf32, #tpu.memory_space<vmem>> -> memref<1x128xf32, #tpu.memory_space<vmem>>
    %dma_wait3A_1117 = tpu.memref_squeeze %dma_wait3A_1116 : memref<1x128xf32, #tpu.memory_space<vmem>> -> memref<128xf32, #tpu.memory_space<vmem>>
    %dma_wait3A_1118 = arith.constant 0 : i32
    %dma_wait3A_1119 = tpu.memref_slice %arg9[%dma_wait3A_1113, %dma_wait3A_1118] : memref<26x128xi32, #tpu.memory_space<vmem>> -> memref<1x128xi32, #tpu.memory_space<vmem>>
    %dma_wait3A_1120 = tpu.memref_squeeze %dma_wait3A_1119 : memref<1x128xi32, #tpu.memory_space<vmem>> -> memref<128xi32, #tpu.memory_space<vmem>>
    %dma_wait3A_1121 = arith.constant 0 : i32
    %dma_wait3A_1122 = tpu.memref_slice %arg5[%dma_wait3A_1121] : memref<100000xf32, #tpu.memory_space<hbm>> -> memref<100000xf32, #tpu.memory_space<hbm>>
    tpu.wait_indirect_dma semaphore(%arg17 : memref<!tpu.dma_semaphore, #tpu.memory_space<semaphore_mem>>) src(%dma_wait3A_1122 : memref<100000xf32, #tpu.memory_space<hbm>>) dst(%dma_wait3A_1117 : memref<128xf32, #tpu.memory_space<vmem>>)
    %dma_wait3A_1123 = arith.constant 25 : i32
    %dma_wait3A_1124 = arith.constant 25 : i32
    %dma_wait3A_1125 = arith.constant 0 : i32
    %dma_wait3A_1126 = arith.constant 0 : i32
    %dma_wait3A_1127 = tpu.memref_slice %arg11[%dma_wait3A_1124, %dma_wait3A_1125, %dma_wait3A_1126] : memref<26x128x32xf32, #tpu.memory_space<vmem>> -> memref<1x128x32xf32, #tpu.memory_space<vmem>>
    %dma_wait3A_1128 = tpu.memref_squeeze %dma_wait3A_1127 : memref<1x128x32xf32, #tpu.memory_space<vmem>> -> memref<128x32xf32, #tpu.memory_space<vmem>>
    %dma_wait3A_1129 = arith.constant 0 : i32
    %dma_wait3A_1130 = tpu.memref_slice %arg9[%dma_wait3A_1123, %dma_wait3A_1129] : memref<26x128xi32, #tpu.memory_space<vmem>> -> memref<1x128xi32, #tpu.memory_space<vmem>>
    %dma_wait3A_1131 = tpu.memref_squeeze %dma_wait3A_1130 : memref<1x128xi32, #tpu.memory_space<vmem>> -> memref<128xi32, #tpu.memory_space<vmem>>
    %dma_wait3A_1132 = arith.constant 0 : i32
    %dma_wait3A_1133 = arith.constant 0 : i32
    %dma_wait3A_1134 = tpu.memref_slice %arg4[%dma_wait3A_1132, %dma_wait3A_1133] : memref<100000x32xf32, #tpu.memory_space<hbm>> -> memref<100000x32xf32, #tpu.memory_space<hbm>>
    tpu.wait_indirect_dma semaphore(%arg16 : memref<!tpu.dma_semaphore, #tpu.memory_space<semaphore_mem>>) src(%dma_wait3A_1134 : memref<100000x32xf32, #tpu.memory_space<hbm>>) dst(%dma_wait3A_1128 : memref<128x32xf32, #tpu.memory_space<vmem>>)
    %dma_wait3A_1135 = arith.constant 25 : i32
    %dma_wait3A_1136 = arith.constant 25 : i32
    %dma_wait3A_1137 = arith.constant 0 : i32
    %dma_wait3A_1138 = tpu.memref_slice %arg12[%dma_wait3A_1136, %dma_wait3A_1137] : memref<26x128xf32, #tpu.memory_space<vmem>> -> memref<1x128xf32, #tpu.memory_space<vmem>>
    %dma_wait3A_1139 = tpu.memref_squeeze %dma_wait3A_1138 : memref<1x128xf32, #tpu.memory_space<vmem>> -> memref<128xf32, #tpu.memory_space<vmem>>
    %dma_wait3A_1140 = arith.constant 0 : i32
    %dma_wait3A_1141 = tpu.memref_slice %arg9[%dma_wait3A_1135, %dma_wait3A_1140] : memref<26x128xi32, #tpu.memory_space<vmem>> -> memref<1x128xi32, #tpu.memory_space<vmem>>
    %dma_wait3A_1142 = tpu.memref_squeeze %dma_wait3A_1141 : memref<1x128xi32, #tpu.memory_space<vmem>> -> memref<128xi32, #tpu.memory_space<vmem>>
    %dma_wait3A_1143 = arith.constant 0 : i32
    %dma_wait3A_1144 = tpu.memref_slice %arg5[%dma_wait3A_1143] : memref<100000xf32, #tpu.memory_space<hbm>> -> memref<100000xf32, #tpu.memory_space<hbm>>
    tpu.wait_indirect_dma semaphore(%arg17 : memref<!tpu.dma_semaphore, #tpu.memory_space<semaphore_mem>>) src(%dma_wait3A_1144 : memref<100000xf32, #tpu.memory_space<hbm>>) dst(%dma_wait3A_1139 : memref<128xf32, #tpu.memory_space<vmem>>)
    %iota3A = tpu.iota {dimensions = array<i32: 0>} : vector<16xi32>
    %broadcast_in_dim3A = arith.constant 0.000000e+00 : f32
    %broadcast_in_dim3A_1145 = vector.broadcast %broadcast_in_dim3A : f32 to vector<16xf32>
    %get3A = arith.constant 0 : index
    %get3A_1146 = tpu.vector_load %arg14[%get3A] {strides = array<i32>} : memref<16xf32, #tpu.memory_space<vmem>>, vector<16xf32>,
    %get3A_1147 = vector.shape_cast %get3A_1146 : vector<16xf32> to vector<16xf32>
    %scan3A = arith.constant 0 : i32
    %scan3A_1148 = arith.constant 0 : i32
    %scan3A_1149 = arith.constant 8 : i32
    %scan3A_1150 = arith.addi %scan3A_1148, %scan3A_1149 : i32
    %scan3A_1151 = arith.constant 1 : i32
    %scan3A_1152 = scf.for %scan3A_1154 = %scan3A_1148 to %scan3A_1150 step %scan3A_1151 iter_args(%scan3A_1155 = %scan3A) -> (i32)  : i32 {
      %mul3A_1156 = arith.constant 16 : i32
      %mul3A_1157 = arith.muli %scan3A_1154, %mul3A_1156 : i32
      %multiple_of3A_1158 = tpu.assume_multiple %mul3A_1157, 16 : i32
      %scan3A_1159 = arith.constant 0 : i32
      %scan3A_1160 = arith.constant 8 : i32
      %scan3A_1161 = arith.addi %scan3A_1159, %scan3A_1160 : i32
      %scan3A_1162 = arith.constant 1 : i32
      %scan3A_1163 = scf.for %scan3A_1490 = %scan3A_1159 to %scan3A_1161 step %scan3A_1162 iter_args(%scan3A_1491 = %broadcast_in_dim3A_1145) -> (vector<16xf32>)  : i32 {
        %mul3A_1492 = arith.constant 2 : i32
        %mul3A_1493 = arith.muli %mul3A_1492, %scan3A_1490 : i32
        %add3A_1494 = arith.constant 1 : i32
        %add3A_1495 = arith.addi %mul3A_1493, %add3A_1494 : i32
        %add3A_1496 = arith.addi %multiple_of3A_1158, %mul3A_1493 : i32
        %add3A_1497 = arith.constant 1 : i32
        %add3A_1498 = arith.addi %add3A_1496, %add3A_1497 : i32
        %broadcast_in_dim3A_1499 = vector.broadcast %mul3A_1493 : i32 to vector<16x1xi32>
        %broadcast_in_dim3A_1500 = vector.broadcast %add3A_1495 : i32 to vector<16x1xi32>
        %get3A_1501 = arith.constant 0 : i32
        %get3A_1502 = arith.index_cast %get3A_1501 : i32 to index
        %get3A_1503 = arith.constant 0 : index
        %get3A_1504 = tpu.vector_load %arg13[%get3A_1502, %get3A_1503] {strides = array<i32>} : memref<26x32xf32, #tpu.memory_space<vmem>>, vector<1x16xf32>,
        %get3A_1505 = vector.shape_cast %get3A_1504 : vector<1x16xf32> to vector<16xf32>
        %get3A_1506 = arith.constant 0 : i32
        %get3A_1507 = arith.index_cast %get3A_1506 : i32 to index
        %get3A_1508 = arith.constant 16 : index
        %get3A_1509 = tpu.vector_load %arg13[%get3A_1507, %get3A_1508] {strides = array<i32>} : memref<26x32xf32, #tpu.memory_space<vmem>>, vector<1x16xf32>,
        %get3A_1510 = vector.shape_cast %get3A_1509 : vector<1x16xf32> to vector<16xf32>
        %add3A_1511 = arith.constant 0 : i32
        %add3A_1512 = arith.addi %add3A_1511, %multiple_of3A_1158 : i32
        %get3A_1513 = arith.index_cast %add3A_1512 : i32 to index
        %get3A_1514 = tpu.vector_load %arg10[%get3A_1513] {strides = array<i32>} : memref<3328xf32, #tpu.memory_space<vmem>>, vector<16xf32>,
        %get3A_1515 = vector.shape_cast %get3A_1514 : vector<16xf32> to vector<16xf32>
        %gather3A = vector.shape_cast %broadcast_in_dim3A_1499 : vector<16x1xi32> to vector<16xi32>
        %gather3A_1516 = tpu.dynamic_gather %get3A_1515[%gather3A] in [0] : vector<16xf32>, vector<16xi32> -> vector<16xf32>
        %gather3A_1517 = vector.shape_cast %broadcast_in_dim3A_1500 : vector<16x1xi32> to vector<16xi32>
        %gather3A_1518 = tpu.dynamic_gather %get3A_1515[%gather3A_1517] in [0] : vector<16xf32>, vector<16xi32> -> vector<16xf32>
        %get3A_1519 = arith.constant 0 : i32
        %get3A_1520 = arith.index_cast %get3A_1519 : i32 to index
        %get3A_1521 = arith.index_cast %add3A_1496 : i32 to index
        %get3A_1522 = arith.constant 0 : index
        %get3A_1523 = tpu.vector_load %arg11[%get3A_1520, %get3A_1521, %get3A_1522] {strides = array<i32>} : memref<26x128x32xf32, #tpu.memory_space<vmem>>, vector<1x1x16xf32>,
        %get3A_1524 = vector.shape_cast %get3A_1523 : vector<1x1x16xf32> to vector<16xf32>
        %get3A_1525 = arith.constant 0 : i32
        %get3A_1526 = arith.index_cast %get3A_1525 : i32 to index
        %get3A_1527 = arith.index_cast %add3A_1496 : i32 to index
        %get3A_1528 = arith.constant 16 : index
        %get3A_1529 = tpu.vector_load %arg11[%get3A_1526, %get3A_1527, %get3A_1528] {strides = array<i32>} : memref<26x128x32xf32, #tpu.memory_space<vmem>>, vector<1x1x16xf32>,
        %get3A_1530 = vector.shape_cast %get3A_1529 : vector<1x1x16xf32> to vector<16xf32>
        %get3A_1531 = arith.constant 0 : i32
        %get3A_1532 = arith.index_cast %get3A_1531 : i32 to index
        %get3A_1533 = arith.index_cast %add3A_1498 : i32 to index
        %get3A_1534 = arith.constant 0 : index
        %get3A_1535 = tpu.vector_load %arg11[%get3A_1532, %get3A_1533, %get3A_1534] {strides = array<i32>} : memref<26x128x32xf32, #tpu.memory_space<vmem>>, vector<1x1x16xf32>,
        %get3A_1536 = vector.shape_cast %get3A_1535 : vector<1x1x16xf32> to vector<16xf32>
        %get3A_1537 = arith.constant 0 : i32
        %get3A_1538 = arith.index_cast %get3A_1537 : i32 to index
        %get3A_1539 = arith.index_cast %add3A_1498 : i32 to index
        %get3A_1540 = arith.constant 16 : index
        %get3A_1541 = tpu.vector_load %arg11[%get3A_1538, %get3A_1539, %get3A_1540] {strides = array<i32>} : memref<26x128x32xf32, #tpu.memory_space<vmem>>, vector<1x1x16xf32>,
        %get3A_1542 = vector.shape_cast %get3A_1541 : vector<1x1x16xf32> to vector<16xf32>
        %mul3A_1543 = arith.mulf %get3A_1524, %gather3A_1516 : vector<16xf32>
        %mul3A_1544 = arith.mulf %get3A_1530, %gather3A_1516 : vector<16xf32>
        %mul3A_1545 = arith.mulf %get3A_1536, %gather3A_1518 : vector<16xf32>
        %mul3A_1546 = arith.mulf %get3A_1542, %gather3A_1518 : vector<16xf32>
        %add3A_1547 = arith.addf %broadcast_in_dim3A_1145, %mul3A_1543 : vector<16xf32>
        %add3A_1548 = arith.addf %broadcast_in_dim3A_1145, %mul3A_1544 : vector<16xf32>
        %add3A_1549 = arith.addf %broadcast_in_dim3A_1145, %mul3A_1545 : vector<16xf32>
        %add3A_1550 = arith.addf %broadcast_in_dim3A_1145, %mul3A_1546 : vector<16xf32>
        %mul3A_1551 = arith.mulf %mul3A_1543, %mul3A_1543 : vector<16xf32>
        %add3A_1552 = arith.addf %broadcast_in_dim3A_1145, %mul3A_1551 : vector<16xf32>
        %mul3A_1553 = arith.mulf %mul3A_1544, %mul3A_1544 : vector<16xf32>
        %add3A_1554 = arith.addf %broadcast_in_dim3A_1145, %mul3A_1553 : vector<16xf32>
        %mul3A_1555 = arith.mulf %mul3A_1545, %mul3A_1545 : vector<16xf32>
        %add3A_1556 = arith.addf %broadcast_in_dim3A_1145, %mul3A_1555 : vector<16xf32>
        %mul3A_1557 = arith.mulf %mul3A_1546, %mul3A_1546 : vector<16xf32>
        %add3A_1558 = arith.addf %broadcast_in_dim3A_1145, %mul3A_1557 : vector<16xf32>
        %mul3A_1559 = arith.mulf %mul3A_1543, %get3A_1505 : vector<16xf32>
        %add3A_1560 = arith.addf %broadcast_in_dim3A_1145, %mul3A_1559 : vector<16xf32>
        %mul3A_1561 = arith.mulf %mul3A_1544, %get3A_1510 : vector<16xf32>
        %add3A_1562 = arith.addf %broadcast_in_dim3A_1145, %mul3A_1561 : vector<16xf32>
        %mul3A_1563 = arith.mulf %mul3A_1545, %get3A_1505 : vector<16xf32>
        %add3A_1564 = arith.addf %broadcast_in_dim3A_1145, %mul3A_1563 : vector<16xf32>
        %mul3A_1565 = arith.mulf %mul3A_1546, %get3A_1510 : vector<16xf32>
        %add3A_1566 = arith.addf %broadcast_in_dim3A_1145, %mul3A_1565 : vector<16xf32>
        %get3A_1567 = arith.constant 1 : i32
        %get3A_1568 = arith.index_cast %get3A_1567 : i32 to index
        %get3A_1569 = arith.constant 0 : index
        %get3A_1570 = tpu.vector_load %arg13[%get3A_1568, %get3A_1569] {strides = array<i32>} : memref<26x32xf32, #tpu.memory_space<vmem>>, vector<1x16xf32>,
        %get3A_1571 = vector.shape_cast %get3A_1570 : vector<1x16xf32> to vector<16xf32>
        %get3A_1572 = arith.constant 1 : i32
        %get3A_1573 = arith.index_cast %get3A_1572 : i32 to index
        %get3A_1574 = arith.constant 16 : index
        %get3A_1575 = tpu.vector_load %arg13[%get3A_1573, %get3A_1574] {strides = array<i32>} : memref<26x32xf32, #tpu.memory_space<vmem>>, vector<1x16xf32>,
        %get3A_1576 = vector.shape_cast %get3A_1575 : vector<1x16xf32> to vector<16xf32>
        %add3A_1577 = arith.constant 128 : i32
        %add3A_1578 = arith.addi %add3A_1577, %multiple_of3A_1158 : i32
        %get3A_1579 = arith.index_cast %add3A_1578 : i32 to index
        %get3A_1580 = tpu.vector_load %arg10[%get3A_1579] {strides = array<i32>} : memref<3328xf32, #tpu.memory_space<vmem>>, vector<16xf32>,
        %get3A_1581 = vector.shape_cast %get3A_1580 : vector<16xf32> to vector<16xf32>
        %gather3A_1582 = vector.shape_cast %broadcast_in_dim3A_1499 : vector<16x1xi32> to vector<16xi32>
        %gather3A_1583 = tpu.dynamic_gather %get3A_1581[%gather3A_1582] in [0] : vector<16xf32>, vector<16xi32> -> vector<16xf32>
        %gather3A_1584 = vector.shape_cast %broadcast_in_dim3A_1500 : vector<16x1xi32> to vector<16xi32>
        %gather3A_1585 = tpu.dynamic_gather %get3A_1581[%gather3A_1584] in [0] : vector<16xf32>, vector<16xi32> -> vector<16xf32>
        %get3A_1586 = arith.constant 1 : i32
        %get3A_1587 = arith.index_cast %get3A_1586 : i32 to index
        %get3A_1588 = arith.index_cast %add3A_1496 : i32 to index
        %get3A_1589 = arith.constant 0 : index
        %get3A_1590 = tpu.vector_load %arg11[%get3A_1587, %get3A_1588, %get3A_1589] {strides = array<i32>} : memref<26x128x32xf32, #tpu.memory_space<vmem>>, vector<1x1x16xf32>,
        %get3A_1591 = vector.shape_cast %get3A_1590 : vector<1x1x16xf32> to vector<16xf32>
        %get3A_1592 = arith.constant 1 : i32
        %get3A_1593 = arith.index_cast %get3A_1592 : i32 to index
        %get3A_1594 = arith.index_cast %add3A_1496 : i32 to index
        %get3A_1595 = arith.constant 16 : index
        %get3A_1596 = tpu.vector_load %arg11[%get3A_1593, %get3A_1594, %get3A_1595] {strides = array<i32>} : memref<26x128x32xf32, #tpu.memory_space<vmem>>, vector<1x1x16xf32>,
        %get3A_1597 = vector.shape_cast %get3A_1596 : vector<1x1x16xf32> to vector<16xf32>
        %get3A_1598 = arith.constant 1 : i32
        %get3A_1599 = arith.index_cast %get3A_1598 : i32 to index
        %get3A_1600 = arith.index_cast %add3A_1498 : i32 to index
        %get3A_1601 = arith.constant 0 : index
        %get3A_1602 = tpu.vector_load %arg11[%get3A_1599, %get3A_1600, %get3A_1601] {strides = array<i32>} : memref<26x128x32xf32, #tpu.memory_space<vmem>>, vector<1x1x16xf32>,
        %get3A_1603 = vector.shape_cast %get3A_1602 : vector<1x1x16xf32> to vector<16xf32>
        %get3A_1604 = arith.constant 1 : i32
        %get3A_1605 = arith.index_cast %get3A_1604 : i32 to index
        %get3A_1606 = arith.index_cast %add3A_1498 : i32 to index
        %get3A_1607 = arith.constant 16 : index
        %get3A_1608 = tpu.vector_load %arg11[%get3A_1605, %get3A_1606, %get3A_1607] {strides = array<i32>} : memref<26x128x32xf32, #tpu.memory_space<vmem>>, vector<1x1x16xf32>,
        %get3A_1609 = vector.shape_cast %get3A_1608 : vector<1x1x16xf32> to vector<16xf32>
        %mul3A_1610 = arith.mulf %get3A_1591, %gather3A_1583 : vector<16xf32>
        %mul3A_1611 = arith.mulf %get3A_1597, %gather3A_1583 : vector<16xf32>
        %mul3A_1612 = arith.mulf %get3A_1603, %gather3A_1585 : vector<16xf32>
        %mul3A_1613 = arith.mulf %get3A_1609, %gather3A_1585 : vector<16xf32>
        %add3A_1614 = arith.addf %add3A_1547, %mul3A_1610 : vector<16xf32>
        %add3A_1615 = arith.addf %add3A_1548, %mul3A_1611 : vector<16xf32>
        %add3A_1616 = arith.addf %add3A_1549, %mul3A_1612 : vector<16xf32>
        %add3A_1617 = arith.addf %add3A_1550, %mul3A_1613 : vector<16xf32>
        %mul3A_1618 = arith.mulf %mul3A_1610, %mul3A_1610 : vector<16xf32>
        %add3A_1619 = arith.addf %add3A_1552, %mul3A_1618 : vector<16xf32>
        %mul3A_1620 = arith.mulf %mul3A_1611, %mul3A_1611 : vector<16xf32>
        %add3A_1621 = arith.addf %add3A_1554, %mul3A_1620 : vector<16xf32>
        %mul3A_1622 = arith.mulf %mul3A_1612, %mul3A_1612 : vector<16xf32>
        %add3A_1623 = arith.addf %add3A_1556, %mul3A_1622 : vector<16xf32>
        %mul3A_1624 = arith.mulf %mul3A_1613, %mul3A_1613 : vector<16xf32>
        %add3A_1625 = arith.addf %add3A_1558, %mul3A_1624 : vector<16xf32>
        %mul3A_1626 = arith.mulf %mul3A_1610, %get3A_1571 : vector<16xf32>
        %add3A_1627 = arith.addf %add3A_1560, %mul3A_1626 : vector<16xf32>
        %mul3A_1628 = arith.mulf %mul3A_1611, %get3A_1576 : vector<16xf32>
        %add3A_1629 = arith.addf %add3A_1562, %mul3A_1628 : vector<16xf32>
        %mul3A_1630 = arith.mulf %mul3A_1612, %get3A_1571 : vector<16xf32>
        %add3A_1631 = arith.addf %add3A_1564, %mul3A_1630 : vector<16xf32>
        %mul3A_1632 = arith.mulf %mul3A_1613, %get3A_1576 : vector<16xf32>
        %add3A_1633 = arith.addf %add3A_1566, %mul3A_1632 : vector<16xf32>
        %get3A_1634 = arith.constant 2 : i32
        %get3A_1635 = arith.index_cast %get3A_1634 : i32 to index
        %get3A_1636 = arith.constant 0 : index
        %get3A_1637 = tpu.vector_load %arg13[%get3A_1635, %get3A_1636] {strides = array<i32>} : memref<26x32xf32, #tpu.memory_space<vmem>>, vector<1x16xf32>,
        %get3A_1638 = vector.shape_cast %get3A_1637 : vector<1x16xf32> to vector<16xf32>
        %get3A_1639 = arith.constant 2 : i32
        %get3A_1640 = arith.index_cast %get3A_1639 : i32 to index
        %get3A_1641 = arith.constant 16 : index
        %get3A_1642 = tpu.vector_load %arg13[%get3A_1640, %get3A_1641] {strides = array<i32>} : memref<26x32xf32, #tpu.memory_space<vmem>>, vector<1x16xf32>,
        %get3A_1643 = vector.shape_cast %get3A_1642 : vector<1x16xf32> to vector<16xf32>
        %add3A_1644 = arith.constant 256 : i32
        %add3A_1645 = arith.addi %add3A_1644, %multiple_of3A_1158 : i32
        %get3A_1646 = arith.index_cast %add3A_1645 : i32 to index
        %get3A_1647 = tpu.vector_load %arg10[%get3A_1646] {strides = array<i32>} : memref<3328xf32, #tpu.memory_space<vmem>>, vector<16xf32>,
        %get3A_1648 = vector.shape_cast %get3A_1647 : vector<16xf32> to vector<16xf32>
        %gather3A_1649 = vector.shape_cast %broadcast_in_dim3A_1499 : vector<16x1xi32> to vector<16xi32>
        %gather3A_1650 = tpu.dynamic_gather %get3A_1648[%gather3A_1649] in [0] : vector<16xf32>, vector<16xi32> -> vector<16xf32>
        %gather3A_1651 = vector.shape_cast %broadcast_in_dim3A_1500 : vector<16x1xi32> to vector<16xi32>
        %gather3A_1652 = tpu.dynamic_gather %get3A_1648[%gather3A_1651] in [0] : vector<16xf32>, vector<16xi32> -> vector<16xf32>
        %get3A_1653 = arith.constant 2 : i32
        %get3A_1654 = arith.index_cast %get3A_1653 : i32 to index
        %get3A_1655 = arith.index_cast %add3A_1496 : i32 to index
        %get3A_1656 = arith.constant 0 : index
        %get3A_1657 = tpu.vector_load %arg11[%get3A_1654, %get3A_1655, %get3A_1656] {strides = array<i32>} : memref<26x128x32xf32, #tpu.memory_space<vmem>>, vector<1x1x16xf32>,
        %get3A_1658 = vector.shape_cast %get3A_1657 : vector<1x1x16xf32> to vector<16xf32>
        %get3A_1659 = arith.constant 2 : i32
        %get3A_1660 = arith.index_cast %get3A_1659 : i32 to index
        %get3A_1661 = arith.index_cast %add3A_1496 : i32 to index
        %get3A_1662 = arith.constant 16 : index
        %get3A_1663 = tpu.vector_load %arg11[%get3A_1660, %get3A_1661, %get3A_1662] {strides = array<i32>} : memref<26x128x32xf32, #tpu.memory_space<vmem>>, vector<1x1x16xf32>,
        %get3A_1664 = vector.shape_cast %get3A_1663 : vector<1x1x16xf32> to vector<16xf32>
        %get3A_1665 = arith.constant 2 : i32
        %get3A_1666 = arith.index_cast %get3A_1665 : i32 to index
        %get3A_1667 = arith.index_cast %add3A_1498 : i32 to index
        %get3A_1668 = arith.constant 0 : index
        %get3A_1669 = tpu.vector_load %arg11[%get3A_1666, %get3A_1667, %get3A_1668] {strides = array<i32>} : memref<26x128x32xf32, #tpu.memory_space<vmem>>, vector<1x1x16xf32>,
        %get3A_1670 = vector.shape_cast %get3A_1669 : vector<1x1x16xf32> to vector<16xf32>
        %get3A_1671 = arith.constant 2 : i32
        %get3A_1672 = arith.index_cast %get3A_1671 : i32 to index
        %get3A_1673 = arith.index_cast %add3A_1498 : i32 to index
        %get3A_1674 = arith.constant 16 : index
        %get3A_1675 = tpu.vector_load %arg11[%get3A_1672, %get3A_1673, %get3A_1674] {strides = array<i32>} : memref<26x128x32xf32, #tpu.memory_space<vmem>>, vector<1x1x16xf32>,
        %get3A_1676 = vector.shape_cast %get3A_1675 : vector<1x1x16xf32> to vector<16xf32>
        %mul3A_1677 = arith.mulf %get3A_1658, %gather3A_1650 : vector<16xf32>
        %mul3A_1678 = arith.mulf %get3A_1664, %gather3A_1650 : vector<16xf32>
        %mul3A_1679 = arith.mulf %get3A_1670, %gather3A_1652 : vector<16xf32>
        %mul3A_1680 = arith.mulf %get3A_1676, %gather3A_1652 : vector<16xf32>
        %add3A_1681 = arith.addf %add3A_1614, %mul3A_1677 : vector<16xf32>
        %add3A_1682 = arith.addf %add3A_1615, %mul3A_1678 : vector<16xf32>
        %add3A_1683 = arith.addf %add3A_1616, %mul3A_1679 : vector<16xf32>
        %add3A_1684 = arith.addf %add3A_1617, %mul3A_1680 : vector<16xf32>
        %mul3A_1685 = arith.mulf %mul3A_1677, %mul3A_1677 : vector<16xf32>
        %add3A_1686 = arith.addf %add3A_1619, %mul3A_1685 : vector<16xf32>
        %mul3A_1687 = arith.mulf %mul3A_1678, %mul3A_1678 : vector<16xf32>
        %add3A_1688 = arith.addf %add3A_1621, %mul3A_1687 : vector<16xf32>
        %mul3A_1689 = arith.mulf %mul3A_1679, %mul3A_1679 : vector<16xf32>
        %add3A_1690 = arith.addf %add3A_1623, %mul3A_1689 : vector<16xf32>
        %mul3A_1691 = arith.mulf %mul3A_1680, %mul3A_1680 : vector<16xf32>
        %add3A_1692 = arith.addf %add3A_1625, %mul3A_1691 : vector<16xf32>
        %mul3A_1693 = arith.mulf %mul3A_1677, %get3A_1638 : vector<16xf32>
        %add3A_1694 = arith.addf %add3A_1627, %mul3A_1693 : vector<16xf32>
        %mul3A_1695 = arith.mulf %mul3A_1678, %get3A_1643 : vector<16xf32>
        %add3A_1696 = arith.addf %add3A_1629, %mul3A_1695 : vector<16xf32>
        %mul3A_1697 = arith.mulf %mul3A_1679, %get3A_1638 : vector<16xf32>
        %add3A_1698 = arith.addf %add3A_1631, %mul3A_1697 : vector<16xf32>
        %mul3A_1699 = arith.mulf %mul3A_1680, %get3A_1643 : vector<16xf32>
        %add3A_1700 = arith.addf %add3A_1633, %mul3A_1699 : vector<16xf32>
        %get3A_1701 = arith.constant 3 : i32
        %get3A_1702 = arith.index_cast %get3A_1701 : i32 to index
        %get3A_1703 = arith.constant 0 : index
        %get3A_1704 = tpu.vector_load %arg13[%get3A_1702, %get3A_1703] {strides = array<i32>} : memref<26x32xf32, #tpu.memory_space<vmem>>, vector<1x16xf32>,
        %get3A_1705 = vector.shape_cast %get3A_1704 : vector<1x16xf32> to vector<16xf32>
        %get3A_1706 = arith.constant 3 : i32
        %get3A_1707 = arith.index_cast %get3A_1706 : i32 to index
        %get3A_1708 = arith.constant 16 : index
        %get3A_1709 = tpu.vector_load %arg13[%get3A_1707, %get3A_1708] {strides = array<i32>} : memref<26x32xf32, #tpu.memory_space<vmem>>, vector<1x16xf32>,
        %get3A_1710 = vector.shape_cast %get3A_1709 : vector<1x16xf32> to vector<16xf32>
        %add3A_1711 = arith.constant 384 : i32
        %add3A_1712 = arith.addi %add3A_1711, %multiple_of3A_1158 : i32
        %get3A_1713 = arith.index_cast %add3A_1712 : i32 to index
        %get3A_1714 = tpu.vector_load %arg10[%get3A_1713] {strides = array<i32>} : memref<3328xf32, #tpu.memory_space<vmem>>, vector<16xf32>,
        %get3A_1715 = vector.shape_cast %get3A_1714 : vector<16xf32> to vector<16xf32>
        %gather3A_1716 = vector.shape_cast %broadcast_in_dim3A_1499 : vector<16x1xi32> to vector<16xi32>
        %gather3A_1717 = tpu.dynamic_gather %get3A_1715[%gather3A_1716] in [0] : vector<16xf32>, vector<16xi32> -> vector<16xf32>
        %gather3A_1718 = vector.shape_cast %broadcast_in_dim3A_1500 : vector<16x1xi32> to vector<16xi32>
        %gather3A_1719 = tpu.dynamic_gather %get3A_1715[%gather3A_1718] in [0] : vector<16xf32>, vector<16xi32> -> vector<16xf32>
        %get3A_1720 = arith.constant 3 : i32
        %get3A_1721 = arith.index_cast %get3A_1720 : i32 to index
        %get3A_1722 = arith.index_cast %add3A_1496 : i32 to index
        %get3A_1723 = arith.constant 0 : index
        %get3A_1724 = tpu.vector_load %arg11[%get3A_1721, %get3A_1722, %get3A_1723] {strides = array<i32>} : memref<26x128x32xf32, #tpu.memory_space<vmem>>, vector<1x1x16xf32>,
        %get3A_1725 = vector.shape_cast %get3A_1724 : vector<1x1x16xf32> to vector<16xf32>
        %get3A_1726 = arith.constant 3 : i32
        %get3A_1727 = arith.index_cast %get3A_1726 : i32 to index
        %get3A_1728 = arith.index_cast %add3A_1496 : i32 to index
        %get3A_1729 = arith.constant 16 : index
        %get3A_1730 = tpu.vector_load %arg11[%get3A_1727, %get3A_1728, %get3A_1729] {strides = array<i32>} : memref<26x128x32xf32, #tpu.memory_space<vmem>>, vector<1x1x16xf32>,
        %get3A_1731 = vector.shape_cast %get3A_1730 : vector<1x1x16xf32> to vector<16xf32>
        %get3A_1732 = arith.constant 3 : i32
        %get3A_1733 = arith.index_cast %get3A_1732 : i32 to index
        %get3A_1734 = arith.index_cast %add3A_1498 : i32 to index
        %get3A_1735 = arith.constant 0 : index
        %get3A_1736 = tpu.vector_load %arg11[%get3A_1733, %get3A_1734, %get3A_1735] {strides = array<i32>} : memref<26x128x32xf32, #tpu.memory_space<vmem>>, vector<1x1x16xf32>,
        %get3A_1737 = vector.shape_cast %get3A_1736 : vector<1x1x16xf32> to vector<16xf32>
        %get3A_1738 = arith.constant 3 : i32
        %get3A_1739 = arith.index_cast %get3A_1738 : i32 to index
        %get3A_1740 = arith.index_cast %add3A_1498 : i32 to index
        %get3A_1741 = arith.constant 16 : index
        %get3A_1742 = tpu.vector_load %arg11[%get3A_1739, %get3A_1740, %get3A_1741] {strides = array<i32>} : memref<26x128x32xf32, #tpu.memory_space<vmem>>, vector<1x1x16xf32>,
        %get3A_1743 = vector.shape_cast %get3A_1742 : vector<1x1x16xf32> to vector<16xf32>
        %mul3A_1744 = arith.mulf %get3A_1725, %gather3A_1717 : vector<16xf32>
        %mul3A_1745 = arith.mulf %get3A_1731, %gather3A_1717 : vector<16xf32>
        %mul3A_1746 = arith.mulf %get3A_1737, %gather3A_1719 : vector<16xf32>
        %mul3A_1747 = arith.mulf %get3A_1743, %gather3A_1719 : vector<16xf32>
        %add3A_1748 = arith.addf %add3A_1681, %mul3A_1744 : vector<16xf32>
        %add3A_1749 = arith.addf %add3A_1682, %mul3A_1745 : vector<16xf32>
        %add3A_1750 = arith.addf %add3A_1683, %mul3A_1746 : vector<16xf32>
        %add3A_1751 = arith.addf %add3A_1684, %mul3A_1747 : vector<16xf32>
        %mul3A_1752 = arith.mulf %mul3A_1744, %mul3A_1744 : vector<16xf32>
        %add3A_1753 = arith.addf %add3A_1686, %mul3A_1752 : vector<16xf32>
        %mul3A_1754 = arith.mulf %mul3A_1745, %mul3A_1745 : vector<16xf32>
        %add3A_1755 = arith.addf %add3A_1688, %mul3A_1754 : vector<16xf32>
        %mul3A_1756 = arith.mulf %mul3A_1746, %mul3A_1746 : vector<16xf32>
        %add3A_1757 = arith.addf %add3A_1690, %mul3A_1756 : vector<16xf32>
        %mul3A_1758 = arith.mulf %mul3A_1747, %mul3A_1747 : vector<16xf32>
        %add3A_1759 = arith.addf %add3A_1692, %mul3A_1758 : vector<16xf32>
        %mul3A_1760 = arith.mulf %mul3A_1744, %get3A_1705 : vector<16xf32>
        %add3A_1761 = arith.addf %add3A_1694, %mul3A_1760 : vector<16xf32>
        %mul3A_1762 = arith.mulf %mul3A_1745, %get3A_1710 : vector<16xf32>
        %add3A_1763 = arith.addf %add3A_1696, %mul3A_1762 : vector<16xf32>
        %mul3A_1764 = arith.mulf %mul3A_1746, %get3A_1705 : vector<16xf32>
        %add3A_1765 = arith.addf %add3A_1698, %mul3A_1764 : vector<16xf32>
        %mul3A_1766 = arith.mulf %mul3A_1747, %get3A_1710 : vector<16xf32>
        %add3A_1767 = arith.addf %add3A_1700, %mul3A_1766 : vector<16xf32>
        %get3A_1768 = arith.constant 4 : i32
        %get3A_1769 = arith.index_cast %get3A_1768 : i32 to index
        %get3A_1770 = arith.constant 0 : index
        %get3A_1771 = tpu.vector_load %arg13[%get3A_1769, %get3A_1770] {strides = array<i32>} : memref<26x32xf32, #tpu.memory_space<vmem>>, vector<1x16xf32>,
        %get3A_1772 = vector.shape_cast %get3A_1771 : vector<1x16xf32> to vector<16xf32>
        %get3A_1773 = arith.constant 4 : i32
        %get3A_1774 = arith.index_cast %get3A_1773 : i32 to index
        %get3A_1775 = arith.constant 16 : index
        %get3A_1776 = tpu.vector_load %arg13[%get3A_1774, %get3A_1775] {strides = array<i32>} : memref<26x32xf32, #tpu.memory_space<vmem>>, vector<1x16xf32>,
        %get3A_1777 = vector.shape_cast %get3A_1776 : vector<1x16xf32> to vector<16xf32>
        %add3A_1778 = arith.constant 512 : i32
        %add3A_1779 = arith.addi %add3A_1778, %multiple_of3A_1158 : i32
        %get3A_1780 = arith.index_cast %add3A_1779 : i32 to index
        %get3A_1781 = tpu.vector_load %arg10[%get3A_1780] {strides = array<i32>} : memref<3328xf32, #tpu.memory_space<vmem>>, vector<16xf32>,
        %get3A_1782 = vector.shape_cast %get3A_1781 : vector<16xf32> to vector<16xf32>
        %gather3A_1783 = vector.shape_cast %broadcast_in_dim3A_1499 : vector<16x1xi32> to vector<16xi32>
        %gather3A_1784 = tpu.dynamic_gather %get3A_1782[%gather3A_1783] in [0] : vector<16xf32>, vector<16xi32> -> vector<16xf32>
        %gather3A_1785 = vector.shape_cast %broadcast_in_dim3A_1500 : vector<16x1xi32> to vector<16xi32>
        %gather3A_1786 = tpu.dynamic_gather %get3A_1782[%gather3A_1785] in [0] : vector<16xf32>, vector<16xi32> -> vector<16xf32>
        %get3A_1787 = arith.constant 4 : i32
        %get3A_1788 = arith.index_cast %get3A_1787 : i32 to index
        %get3A_1789 = arith.index_cast %add3A_1496 : i32 to index
        %get3A_1790 = arith.constant 0 : index
        %get3A_1791 = tpu.vector_load %arg11[%get3A_1788, %get3A_1789, %get3A_1790] {strides = array<i32>} : memref<26x128x32xf32, #tpu.memory_space<vmem>>, vector<1x1x16xf32>,
        %get3A_1792 = vector.shape_cast %get3A_1791 : vector<1x1x16xf32> to vector<16xf32>
        %get3A_1793 = arith.constant 4 : i32
        %get3A_1794 = arith.index_cast %get3A_1793 : i32 to index
        %get3A_1795 = arith.index_cast %add3A_1496 : i32 to index
        %get3A_1796 = arith.constant 16 : index
        %get3A_1797 = tpu.vector_load %arg11[%get3A_1794, %get3A_1795, %get3A_1796] {strides = array<i32>} : memref<26x128x32xf32, #tpu.memory_space<vmem>>, vector<1x1x16xf32>,
        %get3A_1798 = vector.shape_cast %get3A_1797 : vector<1x1x16xf32> to vector<16xf32>
        %get3A_1799 = arith.constant 4 : i32
        %get3A_1800 = arith.index_cast %get3A_1799 : i32 to index
        %get3A_1801 = arith.index_cast %add3A_1498 : i32 to index
        %get3A_1802 = arith.constant 0 : index
        %get3A_1803 = tpu.vector_load %arg11[%get3A_1800, %get3A_1801, %get3A_1802] {strides = array<i32>} : memref<26x128x32xf32, #tpu.memory_space<vmem>>, vector<1x1x16xf32>,
        %get3A_1804 = vector.shape_cast %get3A_1803 : vector<1x1x16xf32> to vector<16xf32>
        %get3A_1805 = arith.constant 4 : i32
        %get3A_1806 = arith.index_cast %get3A_1805 : i32 to index
        %get3A_1807 = arith.index_cast %add3A_1498 : i32 to index
        %get3A_1808 = arith.constant 16 : index
        %get3A_1809 = tpu.vector_load %arg11[%get3A_1806, %get3A_1807, %get3A_1808] {strides = array<i32>} : memref<26x128x32xf32, #tpu.memory_space<vmem>>, vector<1x1x16xf32>,
        %get3A_1810 = vector.shape_cast %get3A_1809 : vector<1x1x16xf32> to vector<16xf32>
        %mul3A_1811 = arith.mulf %get3A_1792, %gather3A_1784 : vector<16xf32>
        %mul3A_1812 = arith.mulf %get3A_1798, %gather3A_1784 : vector<16xf32>
        %mul3A_1813 = arith.mulf %get3A_1804, %gather3A_1786 : vector<16xf32>
        %mul3A_1814 = arith.mulf %get3A_1810, %gather3A_1786 : vector<16xf32>
        %add3A_1815 = arith.addf %add3A_1748, %mul3A_1811 : vector<16xf32>
        %add3A_1816 = arith.addf %add3A_1749, %mul3A_1812 : vector<16xf32>
        %add3A_1817 = arith.addf %add3A_1750, %mul3A_1813 : vector<16xf32>
        %add3A_1818 = arith.addf %add3A_1751, %mul3A_1814 : vector<16xf32>
        %mul3A_1819 = arith.mulf %mul3A_1811, %mul3A_1811 : vector<16xf32>
        %add3A_1820 = arith.addf %add3A_1753, %mul3A_1819 : vector<16xf32>
        %mul3A_1821 = arith.mulf %mul3A_1812, %mul3A_1812 : vector<16xf32>
        %add3A_1822 = arith.addf %add3A_1755, %mul3A_1821 : vector<16xf32>
        %mul3A_1823 = arith.mulf %mul3A_1813, %mul3A_1813 : vector<16xf32>
        %add3A_1824 = arith.addf %add3A_1757, %mul3A_1823 : vector<16xf32>
        %mul3A_1825 = arith.mulf %mul3A_1814, %mul3A_1814 : vector<16xf32>
        %add3A_1826 = arith.addf %add3A_1759, %mul3A_1825 : vector<16xf32>
        %mul3A_1827 = arith.mulf %mul3A_1811, %get3A_1772 : vector<16xf32>
        %add3A_1828 = arith.addf %add3A_1761, %mul3A_1827 : vector<16xf32>
        %mul3A_1829 = arith.mulf %mul3A_1812, %get3A_1777 : vector<16xf32>
        %add3A_1830 = arith.addf %add3A_1763, %mul3A_1829 : vector<16xf32>
        %mul3A_1831 = arith.mulf %mul3A_1813, %get3A_1772 : vector<16xf32>
        %add3A_1832 = arith.addf %add3A_1765, %mul3A_1831 : vector<16xf32>
        %mul3A_1833 = arith.mulf %mul3A_1814, %get3A_1777 : vector<16xf32>
        %add3A_1834 = arith.addf %add3A_1767, %mul3A_1833 : vector<16xf32>
        %get3A_1835 = arith.constant 5 : i32
        %get3A_1836 = arith.index_cast %get3A_1835 : i32 to index
        %get3A_1837 = arith.constant 0 : index
        %get3A_1838 = tpu.vector_load %arg13[%get3A_1836, %get3A_1837] {strides = array<i32>} : memref<26x32xf32, #tpu.memory_space<vmem>>, vector<1x16xf32>,
        %get3A_1839 = vector.shape_cast %get3A_1838 : vector<1x16xf32> to vector<16xf32>
        %get3A_1840 = arith.constant 5 : i32
        %get3A_1841 = arith.index_cast %get3A_1840 : i32 to index
        %get3A_1842 = arith.constant 16 : index
        %get3A_1843 = tpu.vector_load %arg13[%get3A_1841, %get3A_1842] {strides = array<i32>} : memref<26x32xf32, #tpu.memory_space<vmem>>, vector<1x16xf32>,
        %get3A_1844 = vector.shape_cast %get3A_1843 : vector<1x16xf32> to vector<16xf32>
        %add3A_1845 = arith.constant 640 : i32
        %add3A_1846 = arith.addi %add3A_1845, %multiple_of3A_1158 : i32
        %get3A_1847 = arith.index_cast %add3A_1846 : i32 to index
        %get3A_1848 = tpu.vector_load %arg10[%get3A_1847] {strides = array<i32>} : memref<3328xf32, #tpu.memory_space<vmem>>, vector<16xf32>,
        %get3A_1849 = vector.shape_cast %get3A_1848 : vector<16xf32> to vector<16xf32>
        %gather3A_1850 = vector.shape_cast %broadcast_in_dim3A_1499 : vector<16x1xi32> to vector<16xi32>
        %gather3A_1851 = tpu.dynamic_gather %get3A_1849[%gather3A_1850] in [0] : vector<16xf32>, vector<16xi32> -> vector<16xf32>
        %gather3A_1852 = vector.shape_cast %broadcast_in_dim3A_1500 : vector<16x1xi32> to vector<16xi32>
        %gather3A_1853 = tpu.dynamic_gather %get3A_1849[%gather3A_1852] in [0] : vector<16xf32>, vector<16xi32> -> vector<16xf32>
        %get3A_1854 = arith.constant 5 : i32
        %get3A_1855 = arith.index_cast %get3A_1854 : i32 to index
        %get3A_1856 = arith.index_cast %add3A_1496 : i32 to index
        %get3A_1857 = arith.constant 0 : index
        %get3A_1858 = tpu.vector_load %arg11[%get3A_1855, %get3A_1856, %get3A_1857] {strides = array<i32>} : memref<26x128x32xf32, #tpu.memory_space<vmem>>, vector<1x1x16xf32>,
        %get3A_1859 = vector.shape_cast %get3A_1858 : vector<1x1x16xf32> to vector<16xf32>
        %get3A_1860 = arith.constant 5 : i32
        %get3A_1861 = arith.index_cast %get3A_1860 : i32 to index
        %get3A_1862 = arith.index_cast %add3A_1496 : i32 to index
        %get3A_1863 = arith.constant 16 : index
        %get3A_1864 = tpu.vector_load %arg11[%get3A_1861, %get3A_1862, %get3A_1863] {strides = array<i32>} : memref<26x128x32xf32, #tpu.memory_space<vmem>>, vector<1x1x16xf32>,
        %get3A_1865 = vector.shape_cast %get3A_1864 : vector<1x1x16xf32> to vector<16xf32>
        %get3A_1866 = arith.constant 5 : i32
        %get3A_1867 = arith.index_cast %get3A_1866 : i32 to index
        %get3A_1868 = arith.index_cast %add3A_1498 : i32 to index
        %get3A_1869 = arith.constant 0 : index
        %get3A_1870 = tpu.vector_load %arg11[%get3A_1867, %get3A_1868, %get3A_1869] {strides = array<i32>} : memref<26x128x32xf32, #tpu.memory_space<vmem>>, vector<1x1x16xf32>,
        %get3A_1871 = vector.shape_cast %get3A_1870 : vector<1x1x16xf32> to vector<16xf32>
        %get3A_1872 = arith.constant 5 : i32
        %get3A_1873 = arith.index_cast %get3A_1872 : i32 to index
        %get3A_1874 = arith.index_cast %add3A_1498 : i32 to index
        %get3A_1875 = arith.constant 16 : index
        %get3A_1876 = tpu.vector_load %arg11[%get3A_1873, %get3A_1874, %get3A_1875] {strides = array<i32>} : memref<26x128x32xf32, #tpu.memory_space<vmem>>, vector<1x1x16xf32>,
        %get3A_1877 = vector.shape_cast %get3A_1876 : vector<1x1x16xf32> to vector<16xf32>
        %mul3A_1878 = arith.mulf %get3A_1859, %gather3A_1851 : vector<16xf32>
        %mul3A_1879 = arith.mulf %get3A_1865, %gather3A_1851 : vector<16xf32>
        %mul3A_1880 = arith.mulf %get3A_1871, %gather3A_1853 : vector<16xf32>
        %mul3A_1881 = arith.mulf %get3A_1877, %gather3A_1853 : vector<16xf32>
        %add3A_1882 = arith.addf %add3A_1815, %mul3A_1878 : vector<16xf32>
        %add3A_1883 = arith.addf %add3A_1816, %mul3A_1879 : vector<16xf32>
        %add3A_1884 = arith.addf %add3A_1817, %mul3A_1880 : vector<16xf32>
        %add3A_1885 = arith.addf %add3A_1818, %mul3A_1881 : vector<16xf32>
        %mul3A_1886 = arith.mulf %mul3A_1878, %mul3A_1878 : vector<16xf32>
        %add3A_1887 = arith.addf %add3A_1820, %mul3A_1886 : vector<16xf32>
        %mul3A_1888 = arith.mulf %mul3A_1879, %mul3A_1879 : vector<16xf32>
        %add3A_1889 = arith.addf %add3A_1822, %mul3A_1888 : vector<16xf32>
        %mul3A_1890 = arith.mulf %mul3A_1880, %mul3A_1880 : vector<16xf32>
        %add3A_1891 = arith.addf %add3A_1824, %mul3A_1890 : vector<16xf32>
        %mul3A_1892 = arith.mulf %mul3A_1881, %mul3A_1881 : vector<16xf32>
        %add3A_1893 = arith.addf %add3A_1826, %mul3A_1892 : vector<16xf32>
        %mul3A_1894 = arith.mulf %mul3A_1878, %get3A_1839 : vector<16xf32>
        %add3A_1895 = arith.addf %add3A_1828, %mul3A_1894 : vector<16xf32>
        %mul3A_1896 = arith.mulf %mul3A_1879, %get3A_1844 : vector<16xf32>
        %add3A_1897 = arith.addf %add3A_1830, %mul3A_1896 : vector<16xf32>
        %mul3A_1898 = arith.mulf %mul3A_1880, %get3A_1839 : vector<16xf32>
        %add3A_1899 = arith.addf %add3A_1832, %mul3A_1898 : vector<16xf32>
        %mul3A_1900 = arith.mulf %mul3A_1881, %get3A_1844 : vector<16xf32>
        %add3A_1901 = arith.addf %add3A_1834, %mul3A_1900 : vector<16xf32>
        %get3A_1902 = arith.constant 6 : i32
        %get3A_1903 = arith.index_cast %get3A_1902 : i32 to index
        %get3A_1904 = arith.constant 0 : index
        %get3A_1905 = tpu.vector_load %arg13[%get3A_1903, %get3A_1904] {strides = array<i32>} : memref<26x32xf32, #tpu.memory_space<vmem>>, vector<1x16xf32>,
        %get3A_1906 = vector.shape_cast %get3A_1905 : vector<1x16xf32> to vector<16xf32>
        %get3A_1907 = arith.constant 6 : i32
        %get3A_1908 = arith.index_cast %get3A_1907 : i32 to index
        %get3A_1909 = arith.constant 16 : index
        %get3A_1910 = tpu.vector_load %arg13[%get3A_1908, %get3A_1909] {strides = array<i32>} : memref<26x32xf32, #tpu.memory_space<vmem>>, vector<1x16xf32>,
        %get3A_1911 = vector.shape_cast %get3A_1910 : vector<1x16xf32> to vector<16xf32>
        %add3A_1912 = arith.constant 768 : i32
        %add3A_1913 = arith.addi %add3A_1912, %multiple_of3A_1158 : i32
        %get3A_1914 = arith.index_cast %add3A_1913 : i32 to index
        %get3A_1915 = tpu.vector_load %arg10[%get3A_1914] {strides = array<i32>} : memref<3328xf32, #tpu.memory_space<vmem>>, vector<16xf32>,
        %get3A_1916 = vector.shape_cast %get3A_1915 : vector<16xf32> to vector<16xf32>
        %gather3A_1917 = vector.shape_cast %broadcast_in_dim3A_1499 : vector<16x1xi32> to vector<16xi32>
        %gather3A_1918 = tpu.dynamic_gather %get3A_1916[%gather3A_1917] in [0] : vector<16xf32>, vector<16xi32> -> vector<16xf32>
        %gather3A_1919 = vector.shape_cast %broadcast_in_dim3A_1500 : vector<16x1xi32> to vector<16xi32>
        %gather3A_1920 = tpu.dynamic_gather %get3A_1916[%gather3A_1919] in [0] : vector<16xf32>, vector<16xi32> -> vector<16xf32>
        %get3A_1921 = arith.constant 6 : i32
        %get3A_1922 = arith.index_cast %get3A_1921 : i32 to index
        %get3A_1923 = arith.index_cast %add3A_1496 : i32 to index
        %get3A_1924 = arith.constant 0 : index
        %get3A_1925 = tpu.vector_load %arg11[%get3A_1922, %get3A_1923, %get3A_1924] {strides = array<i32>} : memref<26x128x32xf32, #tpu.memory_space<vmem>>, vector<1x1x16xf32>,
        %get3A_1926 = vector.shape_cast %get3A_1925 : vector<1x1x16xf32> to vector<16xf32>
        %get3A_1927 = arith.constant 6 : i32
        %get3A_1928 = arith.index_cast %get3A_1927 : i32 to index
        %get3A_1929 = arith.index_cast %add3A_1496 : i32 to index
        %get3A_1930 = arith.constant 16 : index
        %get3A_1931 = tpu.vector_load %arg11[%get3A_1928, %get3A_1929, %get3A_1930] {strides = array<i32>} : memref<26x128x32xf32, #tpu.memory_space<vmem>>, vector<1x1x16xf32>,
        %get3A_1932 = vector.shape_cast %get3A_1931 : vector<1x1x16xf32> to vector<16xf32>
        %get3A_1933 = arith.constant 6 : i32
        %get3A_1934 = arith.index_cast %get3A_1933 : i32 to index
        %get3A_1935 = arith.index_cast %add3A_1498 : i32 to index
        %get3A_1936 = arith.constant 0 : index
        %get3A_1937 = tpu.vector_load %arg11[%get3A_1934, %get3A_1935, %get3A_1936] {strides = array<i32>} : memref<26x128x32xf32, #tpu.memory_space<vmem>>, vector<1x1x16xf32>,
        %get3A_1938 = vector.shape_cast %get3A_1937 : vector<1x1x16xf32> to vector<16xf32>
        %get3A_1939 = arith.constant 6 : i32
        %get3A_1940 = arith.index_cast %get3A_1939 : i32 to index
        %get3A_1941 = arith.index_cast %add3A_1498 : i32 to index
        %get3A_1942 = arith.constant 16 : index
        %get3A_1943 = tpu.vector_load %arg11[%get3A_1940, %get3A_1941, %get3A_1942] {strides = array<i32>} : memref<26x128x32xf32, #tpu.memory_space<vmem>>, vector<1x1x16xf32>,
        %get3A_1944 = vector.shape_cast %get3A_1943 : vector<1x1x16xf32> to vector<16xf32>
        %mul3A_1945 = arith.mulf %get3A_1926, %gather3A_1918 : vector<16xf32>
        %mul3A_1946 = arith.mulf %get3A_1932, %gather3A_1918 : vector<16xf32>
        %mul3A_1947 = arith.mulf %get3A_1938, %gather3A_1920 : vector<16xf32>
        %mul3A_1948 = arith.mulf %get3A_1944, %gather3A_1920 : vector<16xf32>
        %add3A_1949 = arith.addf %add3A_1882, %mul3A_1945 : vector<16xf32>
        %add3A_1950 = arith.addf %add3A_1883, %mul3A_1946 : vector<16xf32>
        %add3A_1951 = arith.addf %add3A_1884, %mul3A_1947 : vector<16xf32>
        %add3A_1952 = arith.addf %add3A_1885, %mul3A_1948 : vector<16xf32>
        %mul3A_1953 = arith.mulf %mul3A_1945, %mul3A_1945 : vector<16xf32>
        %add3A_1954 = arith.addf %add3A_1887, %mul3A_1953 : vector<16xf32>
        %mul3A_1955 = arith.mulf %mul3A_1946, %mul3A_1946 : vector<16xf32>
        %add3A_1956 = arith.addf %add3A_1889, %mul3A_1955 : vector<16xf32>
        %mul3A_1957 = arith.mulf %mul3A_1947, %mul3A_1947 : vector<16xf32>
        %add3A_1958 = arith.addf %add3A_1891, %mul3A_1957 : vector<16xf32>
        %mul3A_1959 = arith.mulf %mul3A_1948, %mul3A_1948 : vector<16xf32>
        %add3A_1960 = arith.addf %add3A_1893, %mul3A_1959 : vector<16xf32>
        %mul3A_1961 = arith.mulf %mul3A_1945, %get3A_1906 : vector<16xf32>
        %add3A_1962 = arith.addf %add3A_1895, %mul3A_1961 : vector<16xf32>
        %mul3A_1963 = arith.mulf %mul3A_1946, %get3A_1911 : vector<16xf32>
        %add3A_1964 = arith.addf %add3A_1897, %mul3A_1963 : vector<16xf32>
        %mul3A_1965 = arith.mulf %mul3A_1947, %get3A_1906 : vector<16xf32>
        %add3A_1966 = arith.addf %add3A_1899, %mul3A_1965 : vector<16xf32>
        %mul3A_1967 = arith.mulf %mul3A_1948, %get3A_1911 : vector<16xf32>
        %add3A_1968 = arith.addf %add3A_1901, %mul3A_1967 : vector<16xf32>
        %get3A_1969 = arith.constant 7 : i32
        %get3A_1970 = arith.index_cast %get3A_1969 : i32 to index
        %get3A_1971 = arith.constant 0 : index
        %get3A_1972 = tpu.vector_load %arg13[%get3A_1970, %get3A_1971] {strides = array<i32>} : memref<26x32xf32, #tpu.memory_space<vmem>>, vector<1x16xf32>,
        %get3A_1973 = vector.shape_cast %get3A_1972 : vector<1x16xf32> to vector<16xf32>
        %get3A_1974 = arith.constant 7 : i32
        %get3A_1975 = arith.index_cast %get3A_1974 : i32 to index
        %get3A_1976 = arith.constant 16 : index
        %get3A_1977 = tpu.vector_load %arg13[%get3A_1975, %get3A_1976] {strides = array<i32>} : memref<26x32xf32, #tpu.memory_space<vmem>>, vector<1x16xf32>,
        %get3A_1978 = vector.shape_cast %get3A_1977 : vector<1x16xf32> to vector<16xf32>
        %add3A_1979 = arith.constant 896 : i32
        %add3A_1980 = arith.addi %add3A_1979, %multiple_of3A_1158 : i32
        %get3A_1981 = arith.index_cast %add3A_1980 : i32 to index
        %get3A_1982 = tpu.vector_load %arg10[%get3A_1981] {strides = array<i32>} : memref<3328xf32, #tpu.memory_space<vmem>>, vector<16xf32>,
        %get3A_1983 = vector.shape_cast %get3A_1982 : vector<16xf32> to vector<16xf32>
        %gather3A_1984 = vector.shape_cast %broadcast_in_dim3A_1499 : vector<16x1xi32> to vector<16xi32>
        %gather3A_1985 = tpu.dynamic_gather %get3A_1983[%gather3A_1984] in [0] : vector<16xf32>, vector<16xi32> -> vector<16xf32>
        %gather3A_1986 = vector.shape_cast %broadcast_in_dim3A_1500 : vector<16x1xi32> to vector<16xi32>
        %gather3A_1987 = tpu.dynamic_gather %get3A_1983[%gather3A_1986] in [0] : vector<16xf32>, vector<16xi32> -> vector<16xf32>
        %get3A_1988 = arith.constant 7 : i32
        %get3A_1989 = arith.index_cast %get3A_1988 : i32 to index
        %get3A_1990 = arith.index_cast %add3A_1496 : i32 to index
        %get3A_1991 = arith.constant 0 : index
        %get3A_1992 = tpu.vector_load %arg11[%get3A_1989, %get3A_1990, %get3A_1991] {strides = array<i32>} : memref<26x128x32xf32, #tpu.memory_space<vmem>>, vector<1x1x16xf32>,
        %get3A_1993 = vector.shape_cast %get3A_1992 : vector<1x1x16xf32> to vector<16xf32>
        %get3A_1994 = arith.constant 7 : i32
        %get3A_1995 = arith.index_cast %get3A_1994 : i32 to index
        %get3A_1996 = arith.index_cast %add3A_1496 : i32 to index
        %get3A_1997 = arith.constant 16 : index
        %get3A_1998 = tpu.vector_load %arg11[%get3A_1995, %get3A_1996, %get3A_1997] {strides = array<i32>} : memref<26x128x32xf32, #tpu.memory_space<vmem>>, vector<1x1x16xf32>,
        %get3A_1999 = vector.shape_cast %get3A_1998 : vector<1x1x16xf32> to vector<16xf32>
        %get3A_2000 = arith.constant 7 : i32
        %get3A_2001 = arith.index_cast %get3A_2000 : i32 to index
        %get3A_2002 = arith.index_cast %add3A_1498 : i32 to index
        %get3A_2003 = arith.constant 0 : index
        %get3A_2004 = tpu.vector_load %arg11[%get3A_2001, %get3A_2002, %get3A_2003] {strides = array<i32>} : memref<26x128x32xf32, #tpu.memory_space<vmem>>, vector<1x1x16xf32>,
        %get3A_2005 = vector.shape_cast %get3A_2004 : vector<1x1x16xf32> to vector<16xf32>
        %get3A_2006 = arith.constant 7 : i32
        %get3A_2007 = arith.index_cast %get3A_2006 : i32 to index
        %get3A_2008 = arith.index_cast %add3A_1498 : i32 to index
        %get3A_2009 = arith.constant 16 : index
        %get3A_2010 = tpu.vector_load %arg11[%get3A_2007, %get3A_2008, %get3A_2009] {strides = array<i32>} : memref<26x128x32xf32, #tpu.memory_space<vmem>>, vector<1x1x16xf32>,
        %get3A_2011 = vector.shape_cast %get3A_2010 : vector<1x1x16xf32> to vector<16xf32>
        %mul3A_2012 = arith.mulf %get3A_1993, %gather3A_1985 : vector<16xf32>
        %mul3A_2013 = arith.mulf %get3A_1999, %gather3A_1985 : vector<16xf32>
        %mul3A_2014 = arith.mulf %get3A_2005, %gather3A_1987 : vector<16xf32>
        %mul3A_2015 = arith.mulf %get3A_2011, %gather3A_1987 : vector<16xf32>
        %add3A_2016 = arith.addf %add3A_1949, %mul3A_2012 : vector<16xf32>
        %add3A_2017 = arith.addf %add3A_1950, %mul3A_2013 : vector<16xf32>
        %add3A_2018 = arith.addf %add3A_1951, %mul3A_2014 : vector<16xf32>
        %add3A_2019 = arith.addf %add3A_1952, %mul3A_2015 : vector<16xf32>
        %mul3A_2020 = arith.mulf %mul3A_2012, %mul3A_2012 : vector<16xf32>
        %add3A_2021 = arith.addf %add3A_1954, %mul3A_2020 : vector<16xf32>
        %mul3A_2022 = arith.mulf %mul3A_2013, %mul3A_2013 : vector<16xf32>
        %add3A_2023 = arith.addf %add3A_1956, %mul3A_2022 : vector<16xf32>
        %mul3A_2024 = arith.mulf %mul3A_2014, %mul3A_2014 : vector<16xf32>
        %add3A_2025 = arith.addf %add3A_1958, %mul3A_2024 : vector<16xf32>
        %mul3A_2026 = arith.mulf %mul3A_2015, %mul3A_2015 : vector<16xf32>
        %add3A_2027 = arith.addf %add3A_1960, %mul3A_2026 : vector<16xf32>
        %mul3A_2028 = arith.mulf %mul3A_2012, %get3A_1973 : vector<16xf32>
        %add3A_2029 = arith.addf %add3A_1962, %mul3A_2028 : vector<16xf32>
        %mul3A_2030 = arith.mulf %mul3A_2013, %get3A_1978 : vector<16xf32>
        %add3A_2031 = arith.addf %add3A_1964, %mul3A_2030 : vector<16xf32>
        %mul3A_2032 = arith.mulf %mul3A_2014, %get3A_1973 : vector<16xf32>
        %add3A_2033 = arith.addf %add3A_1966, %mul3A_2032 : vector<16xf32>
        %mul3A_2034 = arith.mulf %mul3A_2015, %get3A_1978 : vector<16xf32>
        %add3A_2035 = arith.addf %add3A_1968, %mul3A_2034 : vector<16xf32>
        %get3A_2036 = arith.constant 8 : i32
        %get3A_2037 = arith.index_cast %get3A_2036 : i32 to index
        %get3A_2038 = arith.constant 0 : index
        %get3A_2039 = tpu.vector_load %arg13[%get3A_2037, %get3A_2038] {strides = array<i32>} : memref<26x32xf32, #tpu.memory_space<vmem>>, vector<1x16xf32>,
        %get3A_2040 = vector.shape_cast %get3A_2039 : vector<1x16xf32> to vector<16xf32>
        %get3A_2041 = arith.constant 8 : i32
        %get3A_2042 = arith.index_cast %get3A_2041 : i32 to index
        %get3A_2043 = arith.constant 16 : index
        %get3A_2044 = tpu.vector_load %arg13[%get3A_2042, %get3A_2043] {strides = array<i32>} : memref<26x32xf32, #tpu.memory_space<vmem>>, vector<1x16xf32>,
        %get3A_2045 = vector.shape_cast %get3A_2044 : vector<1x16xf32> to vector<16xf32>
        %add3A_2046 = arith.constant 1024 : i32
        %add3A_2047 = arith.addi %add3A_2046, %multiple_of3A_1158 : i32
        %get3A_2048 = arith.index_cast %add3A_2047 : i32 to index
        %get3A_2049 = tpu.vector_load %arg10[%get3A_2048] {strides = array<i32>} : memref<3328xf32, #tpu.memory_space<vmem>>, vector<16xf32>,
        %get3A_2050 = vector.shape_cast %get3A_2049 : vector<16xf32> to vector<16xf32>
        %gather3A_2051 = vector.shape_cast %broadcast_in_dim3A_1499 : vector<16x1xi32> to vector<16xi32>
        %gather3A_2052 = tpu.dynamic_gather %get3A_2050[%gather3A_2051] in [0] : vector<16xf32>, vector<16xi32> -> vector<16xf32>
        %gather3A_2053 = vector.shape_cast %broadcast_in_dim3A_1500 : vector<16x1xi32> to vector<16xi32>
        %gather3A_2054 = tpu.dynamic_gather %get3A_2050[%gather3A_2053] in [0] : vector<16xf32>, vector<16xi32> -> vector<16xf32>
        %get3A_2055 = arith.constant 8 : i32
        %get3A_2056 = arith.index_cast %get3A_2055 : i32 to index
        %get3A_2057 = arith.index_cast %add3A_1496 : i32 to index
        %get3A_2058 = arith.constant 0 : index
        %get3A_2059 = tpu.vector_load %arg11[%get3A_2056, %get3A_2057, %get3A_2058] {strides = array<i32>} : memref<26x128x32xf32, #tpu.memory_space<vmem>>, vector<1x1x16xf32>,
        %get3A_2060 = vector.shape_cast %get3A_2059 : vector<1x1x16xf32> to vector<16xf32>
        %get3A_2061 = arith.constant 8 : i32
        %get3A_2062 = arith.index_cast %get3A_2061 : i32 to index
        %get3A_2063 = arith.index_cast %add3A_1496 : i32 to index
        %get3A_2064 = arith.constant 16 : index
        %get3A_2065 = tpu.vector_load %arg11[%get3A_2062, %get3A_2063, %get3A_2064] {strides = array<i32>} : memref<26x128x32xf32, #tpu.memory_space<vmem>>, vector<1x1x16xf32>,
        %get3A_2066 = vector.shape_cast %get3A_2065 : vector<1x1x16xf32> to vector<16xf32>
        %get3A_2067 = arith.constant 8 : i32
        %get3A_2068 = arith.index_cast %get3A_2067 : i32 to index
        %get3A_2069 = arith.index_cast %add3A_1498 : i32 to index
        %get3A_2070 = arith.constant 0 : index
        %get3A_2071 = tpu.vector_load %arg11[%get3A_2068, %get3A_2069, %get3A_2070] {strides = array<i32>} : memref<26x128x32xf32, #tpu.memory_space<vmem>>, vector<1x1x16xf32>,
        %get3A_2072 = vector.shape_cast %get3A_2071 : vector<1x1x16xf32> to vector<16xf32>
        %get3A_2073 = arith.constant 8 : i32
        %get3A_2074 = arith.index_cast %get3A_2073 : i32 to index
        %get3A_2075 = arith.index_cast %add3A_1498 : i32 to index
        %get3A_2076 = arith.constant 16 : index
        %get3A_2077 = tpu.vector_load %arg11[%get3A_2074, %get3A_2075, %get3A_2076] {strides = array<i32>} : memref<26x128x32xf32, #tpu.memory_space<vmem>>, vector<1x1x16xf32>,
        %get3A_2078 = vector.shape_cast %get3A_2077 : vector<1x1x16xf32> to vector<16xf32>
        %mul3A_2079 = arith.mulf %get3A_2060, %gather3A_2052 : vector<16xf32>
        %mul3A_2080 = arith.mulf %get3A_2066, %gather3A_2052 : vector<16xf32>
        %mul3A_2081 = arith.mulf %get3A_2072, %gather3A_2054 : vector<16xf32>
        %mul3A_2082 = arith.mulf %get3A_2078, %gather3A_2054 : vector<16xf32>
        %add3A_2083 = arith.addf %add3A_2016, %mul3A_2079 : vector<16xf32>
        %add3A_2084 = arith.addf %add3A_2017, %mul3A_2080 : vector<16xf32>
        %add3A_2085 = arith.addf %add3A_2018, %mul3A_2081 : vector<16xf32>
        %add3A_2086 = arith.addf %add3A_2019, %mul3A_2082 : vector<16xf32>
        %mul3A_2087 = arith.mulf %mul3A_2079, %mul3A_2079 : vector<16xf32>
        %add3A_2088 = arith.addf %add3A_2021, %mul3A_2087 : vector<16xf32>
        %mul3A_2089 = arith.mulf %mul3A_2080, %mul3A_2080 : vector<16xf32>
        %add3A_2090 = arith.addf %add3A_2023, %mul3A_2089 : vector<16xf32>
        %mul3A_2091 = arith.mulf %mul3A_2081, %mul3A_2081 : vector<16xf32>
        %add3A_2092 = arith.addf %add3A_2025, %mul3A_2091 : vector<16xf32>
        %mul3A_2093 = arith.mulf %mul3A_2082, %mul3A_2082 : vector<16xf32>
        %add3A_2094 = arith.addf %add3A_2027, %mul3A_2093 : vector<16xf32>
        %mul3A_2095 = arith.mulf %mul3A_2079, %get3A_2040 : vector<16xf32>
        %add3A_2096 = arith.addf %add3A_2029, %mul3A_2095 : vector<16xf32>
        %mul3A_2097 = arith.mulf %mul3A_2080, %get3A_2045 : vector<16xf32>
        %add3A_2098 = arith.addf %add3A_2031, %mul3A_2097 : vector<16xf32>
        %mul3A_2099 = arith.mulf %mul3A_2081, %get3A_2040 : vector<16xf32>
        %add3A_2100 = arith.addf %add3A_2033, %mul3A_2099 : vector<16xf32>
        %mul3A_2101 = arith.mulf %mul3A_2082, %get3A_2045 : vector<16xf32>
        %add3A_2102 = arith.addf %add3A_2035, %mul3A_2101 : vector<16xf32>
        %get3A_2103 = arith.constant 9 : i32
        %get3A_2104 = arith.index_cast %get3A_2103 : i32 to index
        %get3A_2105 = arith.constant 0 : index
        %get3A_2106 = tpu.vector_load %arg13[%get3A_2104, %get3A_2105] {strides = array<i32>} : memref<26x32xf32, #tpu.memory_space<vmem>>, vector<1x16xf32>,
        %get3A_2107 = vector.shape_cast %get3A_2106 : vector<1x16xf32> to vector<16xf32>
        %get3A_2108 = arith.constant 9 : i32
        %get3A_2109 = arith.index_cast %get3A_2108 : i32 to index
        %get3A_2110 = arith.constant 16 : index
        %get3A_2111 = tpu.vector_load %arg13[%get3A_2109, %get3A_2110] {strides = array<i32>} : memref<26x32xf32, #tpu.memory_space<vmem>>, vector<1x16xf32>,
        %get3A_2112 = vector.shape_cast %get3A_2111 : vector<1x16xf32> to vector<16xf32>
        %add3A_2113 = arith.constant 1152 : i32
        %add3A_2114 = arith.addi %add3A_2113, %multiple_of3A_1158 : i32
        %get3A_2115 = arith.index_cast %add3A_2114 : i32 to index
        %get3A_2116 = tpu.vector_load %arg10[%get3A_2115] {strides = array<i32>} : memref<3328xf32, #tpu.memory_space<vmem>>, vector<16xf32>,
        %get3A_2117 = vector.shape_cast %get3A_2116 : vector<16xf32> to vector<16xf32>
        %gather3A_2118 = vector.shape_cast %broadcast_in_dim3A_1499 : vector<16x1xi32> to vector<16xi32>
        %gather3A_2119 = tpu.dynamic_gather %get3A_2117[%gather3A_2118] in [0] : vector<16xf32>, vector<16xi32> -> vector<16xf32>
        %gather3A_2120 = vector.shape_cast %broadcast_in_dim3A_1500 : vector<16x1xi32> to vector<16xi32>
        %gather3A_2121 = tpu.dynamic_gather %get3A_2117[%gather3A_2120] in [0] : vector<16xf32>, vector<16xi32> -> vector<16xf32>
        %get3A_2122 = arith.constant 9 : i32
        %get3A_2123 = arith.index_cast %get3A_2122 : i32 to index
        %get3A_2124 = arith.index_cast %add3A_1496 : i32 to index
        %get3A_2125 = arith.constant 0 : index
        %get3A_2126 = tpu.vector_load %arg11[%get3A_2123, %get3A_2124, %get3A_2125] {strides = array<i32>} : memref<26x128x32xf32, #tpu.memory_space<vmem>>, vector<1x1x16xf32>,
        %get3A_2127 = vector.shape_cast %get3A_2126 : vector<1x1x16xf32> to vector<16xf32>
        %get3A_2128 = arith.constant 9 : i32
        %get3A_2129 = arith.index_cast %get3A_2128 : i32 to index
        %get3A_2130 = arith.index_cast %add3A_1496 : i32 to index
        %get3A_2131 = arith.constant 16 : index
        %get3A_2132 = tpu.vector_load %arg11[%get3A_2129, %get3A_2130, %get3A_2131] {strides = array<i32>} : memref<26x128x32xf32, #tpu.memory_space<vmem>>, vector<1x1x16xf32>,
        %get3A_2133 = vector.shape_cast %get3A_2132 : vector<1x1x16xf32> to vector<16xf32>
        %get3A_2134 = arith.constant 9 : i32
        %get3A_2135 = arith.index_cast %get3A_2134 : i32 to index
        %get3A_2136 = arith.index_cast %add3A_1498 : i32 to index
        %get3A_2137 = arith.constant 0 : index
        %get3A_2138 = tpu.vector_load %arg11[%get3A_2135, %get3A_2136, %get3A_2137] {strides = array<i32>} : memref<26x128x32xf32, #tpu.memory_space<vmem>>, vector<1x1x16xf32>,
        %get3A_2139 = vector.shape_cast %get3A_2138 : vector<1x1x16xf32> to vector<16xf32>
        %get3A_2140 = arith.constant 9 : i32
        %get3A_2141 = arith.index_cast %get3A_2140 : i32 to index
        %get3A_2142 = arith.index_cast %add3A_1498 : i32 to index
        %get3A_2143 = arith.constant 16 : index
        %get3A_2144 = tpu.vector_load %arg11[%get3A_2141, %get3A_2142, %get3A_2143] {strides = array<i32>} : memref<26x128x32xf32, #tpu.memory_space<vmem>>, vector<1x1x16xf32>,
        %get3A_2145 = vector.shape_cast %get3A_2144 : vector<1x1x16xf32> to vector<16xf32>
        %mul3A_2146 = arith.mulf %get3A_2127, %gather3A_2119 : vector<16xf32>
        %mul3A_2147 = arith.mulf %get3A_2133, %gather3A_2119 : vector<16xf32>
        %mul3A_2148 = arith.mulf %get3A_2139, %gather3A_2121 : vector<16xf32>
        %mul3A_2149 = arith.mulf %get3A_2145, %gather3A_2121 : vector<16xf32>
        %add3A_2150 = arith.addf %add3A_2083, %mul3A_2146 : vector<16xf32>
        %add3A_2151 = arith.addf %add3A_2084, %mul3A_2147 : vector<16xf32>
        %add3A_2152 = arith.addf %add3A_2085, %mul3A_2148 : vector<16xf32>
        %add3A_2153 = arith.addf %add3A_2086, %mul3A_2149 : vector<16xf32>
        %mul3A_2154 = arith.mulf %mul3A_2146, %mul3A_2146 : vector<16xf32>
        %add3A_2155 = arith.addf %add3A_2088, %mul3A_2154 : vector<16xf32>
        %mul3A_2156 = arith.mulf %mul3A_2147, %mul3A_2147 : vector<16xf32>
        %add3A_2157 = arith.addf %add3A_2090, %mul3A_2156 : vector<16xf32>
        %mul3A_2158 = arith.mulf %mul3A_2148, %mul3A_2148 : vector<16xf32>
        %add3A_2159 = arith.addf %add3A_2092, %mul3A_2158 : vector<16xf32>
        %mul3A_2160 = arith.mulf %mul3A_2149, %mul3A_2149 : vector<16xf32>
        %add3A_2161 = arith.addf %add3A_2094, %mul3A_2160 : vector<16xf32>
        %mul3A_2162 = arith.mulf %mul3A_2146, %get3A_2107 : vector<16xf32>
        %add3A_2163 = arith.addf %add3A_2096, %mul3A_2162 : vector<16xf32>
        %mul3A_2164 = arith.mulf %mul3A_2147, %get3A_2112 : vector<16xf32>
        %add3A_2165 = arith.addf %add3A_2098, %mul3A_2164 : vector<16xf32>
        %mul3A_2166 = arith.mulf %mul3A_2148, %get3A_2107 : vector<16xf32>
        %add3A_2167 = arith.addf %add3A_2100, %mul3A_2166 : vector<16xf32>
        %mul3A_2168 = arith.mulf %mul3A_2149, %get3A_2112 : vector<16xf32>
        %add3A_2169 = arith.addf %add3A_2102, %mul3A_2168 : vector<16xf32>
        %get3A_2170 = arith.constant 10 : i32
        %get3A_2171 = arith.index_cast %get3A_2170 : i32 to index
        %get3A_2172 = arith.constant 0 : index
        %get3A_2173 = tpu.vector_load %arg13[%get3A_2171, %get3A_2172] {strides = array<i32>} : memref<26x32xf32, #tpu.memory_space<vmem>>, vector<1x16xf32>,
        %get3A_2174 = vector.shape_cast %get3A_2173 : vector<1x16xf32> to vector<16xf32>
        %get3A_2175 = arith.constant 10 : i32
        %get3A_2176 = arith.index_cast %get3A_2175 : i32 to index
        %get3A_2177 = arith.constant 16 : index
        %get3A_2178 = tpu.vector_load %arg13[%get3A_2176, %get3A_2177] {strides = array<i32>} : memref<26x32xf32, #tpu.memory_space<vmem>>, vector<1x16xf32>,
        %get3A_2179 = vector.shape_cast %get3A_2178 : vector<1x16xf32> to vector<16xf32>
        %add3A_2180 = arith.constant 1280 : i32
        %add3A_2181 = arith.addi %add3A_2180, %multiple_of3A_1158 : i32
        %get3A_2182 = arith.index_cast %add3A_2181 : i32 to index
        %get3A_2183 = tpu.vector_load %arg10[%get3A_2182] {strides = array<i32>} : memref<3328xf32, #tpu.memory_space<vmem>>, vector<16xf32>,
        %get3A_2184 = vector.shape_cast %get3A_2183 : vector<16xf32> to vector<16xf32>
        %gather3A_2185 = vector.shape_cast %broadcast_in_dim3A_1499 : vector<16x1xi32> to vector<16xi32>
        %gather3A_2186 = tpu.dynamic_gather %get3A_2184[%gather3A_2185] in [0] : vector<16xf32>, vector<16xi32> -> vector<16xf32>
        %gather3A_2187 = vector.shape_cast %broadcast_in_dim3A_1500 : vector<16x1xi32> to vector<16xi32>
        %gather3A_2188 = tpu.dynamic_gather %get3A_2184[%gather3A_2187] in [0] : vector<16xf32>, vector<16xi32> -> vector<16xf32>
        %get3A_2189 = arith.constant 10 : i32
        %get3A_2190 = arith.index_cast %get3A_2189 : i32 to index
        %get3A_2191 = arith.index_cast %add3A_1496 : i32 to index
        %get3A_2192 = arith.constant 0 : index
        %get3A_2193 = tpu.vector_load %arg11[%get3A_2190, %get3A_2191, %get3A_2192] {strides = array<i32>} : memref<26x128x32xf32, #tpu.memory_space<vmem>>, vector<1x1x16xf32>,
        %get3A_2194 = vector.shape_cast %get3A_2193 : vector<1x1x16xf32> to vector<16xf32>
        %get3A_2195 = arith.constant 10 : i32
        %get3A_2196 = arith.index_cast %get3A_2195 : i32 to index
        %get3A_2197 = arith.index_cast %add3A_1496 : i32 to index
        %get3A_2198 = arith.constant 16 : index
        %get3A_2199 = tpu.vector_load %arg11[%get3A_2196, %get3A_2197, %get3A_2198] {strides = array<i32>} : memref<26x128x32xf32, #tpu.memory_space<vmem>>, vector<1x1x16xf32>,
        %get3A_2200 = vector.shape_cast %get3A_2199 : vector<1x1x16xf32> to vector<16xf32>
        %get3A_2201 = arith.constant 10 : i32
        %get3A_2202 = arith.index_cast %get3A_2201 : i32 to index
        %get3A_2203 = arith.index_cast %add3A_1498 : i32 to index
        %get3A_2204 = arith.constant 0 : index
        %get3A_2205 = tpu.vector_load %arg11[%get3A_2202, %get3A_2203, %get3A_2204] {strides = array<i32>} : memref<26x128x32xf32, #tpu.memory_space<vmem>>, vector<1x1x16xf32>,
        %get3A_2206 = vector.shape_cast %get3A_2205 : vector<1x1x16xf32> to vector<16xf32>
        %get3A_2207 = arith.constant 10 : i32
        %get3A_2208 = arith.index_cast %get3A_2207 : i32 to index
        %get3A_2209 = arith.index_cast %add3A_1498 : i32 to index
        %get3A_2210 = arith.constant 16 : index
        %get3A_2211 = tpu.vector_load %arg11[%get3A_2208, %get3A_2209, %get3A_2210] {strides = array<i32>} : memref<26x128x32xf32, #tpu.memory_space<vmem>>, vector<1x1x16xf32>,
        %get3A_2212 = vector.shape_cast %get3A_2211 : vector<1x1x16xf32> to vector<16xf32>
        %mul3A_2213 = arith.mulf %get3A_2194, %gather3A_2186 : vector<16xf32>
        %mul3A_2214 = arith.mulf %get3A_2200, %gather3A_2186 : vector<16xf32>
        %mul3A_2215 = arith.mulf %get3A_2206, %gather3A_2188 : vector<16xf32>
        %mul3A_2216 = arith.mulf %get3A_2212, %gather3A_2188 : vector<16xf32>
        %add3A_2217 = arith.addf %add3A_2150, %mul3A_2213 : vector<16xf32>
        %add3A_2218 = arith.addf %add3A_2151, %mul3A_2214 : vector<16xf32>
        %add3A_2219 = arith.addf %add3A_2152, %mul3A_2215 : vector<16xf32>
        %add3A_2220 = arith.addf %add3A_2153, %mul3A_2216 : vector<16xf32>
        %mul3A_2221 = arith.mulf %mul3A_2213, %mul3A_2213 : vector<16xf32>
        %add3A_2222 = arith.addf %add3A_2155, %mul3A_2221 : vector<16xf32>
        %mul3A_2223 = arith.mulf %mul3A_2214, %mul3A_2214 : vector<16xf32>
        %add3A_2224 = arith.addf %add3A_2157, %mul3A_2223 : vector<16xf32>
        %mul3A_2225 = arith.mulf %mul3A_2215, %mul3A_2215 : vector<16xf32>
        %add3A_2226 = arith.addf %add3A_2159, %mul3A_2225 : vector<16xf32>
        %mul3A_2227 = arith.mulf %mul3A_2216, %mul3A_2216 : vector<16xf32>
        %add3A_2228 = arith.addf %add3A_2161, %mul3A_2227 : vector<16xf32>
        %mul3A_2229 = arith.mulf %mul3A_2213, %get3A_2174 : vector<16xf32>
        %add3A_2230 = arith.addf %add3A_2163, %mul3A_2229 : vector<16xf32>
        %mul3A_2231 = arith.mulf %mul3A_2214, %get3A_2179 : vector<16xf32>
        %add3A_2232 = arith.addf %add3A_2165, %mul3A_2231 : vector<16xf32>
        %mul3A_2233 = arith.mulf %mul3A_2215, %get3A_2174 : vector<16xf32>
        %add3A_2234 = arith.addf %add3A_2167, %mul3A_2233 : vector<16xf32>
        %mul3A_2235 = arith.mulf %mul3A_2216, %get3A_2179 : vector<16xf32>
        %add3A_2236 = arith.addf %add3A_2169, %mul3A_2235 : vector<16xf32>
        %get3A_2237 = arith.constant 11 : i32
        %get3A_2238 = arith.index_cast %get3A_2237 : i32 to index
        %get3A_2239 = arith.constant 0 : index
        %get3A_2240 = tpu.vector_load %arg13[%get3A_2238, %get3A_2239] {strides = array<i32>} : memref<26x32xf32, #tpu.memory_space<vmem>>, vector<1x16xf32>,
        %get3A_2241 = vector.shape_cast %get3A_2240 : vector<1x16xf32> to vector<16xf32>
        %get3A_2242 = arith.constant 11 : i32
        %get3A_2243 = arith.index_cast %get3A_2242 : i32 to index
        %get3A_2244 = arith.constant 16 : index
        %get3A_2245 = tpu.vector_load %arg13[%get3A_2243, %get3A_2244] {strides = array<i32>} : memref<26x32xf32, #tpu.memory_space<vmem>>, vector<1x16xf32>,
        %get3A_2246 = vector.shape_cast %get3A_2245 : vector<1x16xf32> to vector<16xf32>
        %add3A_2247 = arith.constant 1408 : i32
        %add3A_2248 = arith.addi %add3A_2247, %multiple_of3A_1158 : i32
        %get3A_2249 = arith.index_cast %add3A_2248 : i32 to index
        %get3A_2250 = tpu.vector_load %arg10[%get3A_2249] {strides = array<i32>} : memref<3328xf32, #tpu.memory_space<vmem>>, vector<16xf32>,
        %get3A_2251 = vector.shape_cast %get3A_2250 : vector<16xf32> to vector<16xf32>
        %gather3A_2252 = vector.shape_cast %broadcast_in_dim3A_1499 : vector<16x1xi32> to vector<16xi32>
        %gather3A_2253 = tpu.dynamic_gather %get3A_2251[%gather3A_2252] in [0] : vector<16xf32>, vector<16xi32> -> vector<16xf32>
        %gather3A_2254 = vector.shape_cast %broadcast_in_dim3A_1500 : vector<16x1xi32> to vector<16xi32>
        %gather3A_2255 = tpu.dynamic_gather %get3A_2251[%gather3A_2254] in [0] : vector<16xf32>, vector<16xi32> -> vector<16xf32>
        %get3A_2256 = arith.constant 11 : i32
        %get3A_2257 = arith.index_cast %get3A_2256 : i32 to index
        %get3A_2258 = arith.index_cast %add3A_1496 : i32 to index
        %get3A_2259 = arith.constant 0 : index
        %get3A_2260 = tpu.vector_load %arg11[%get3A_2257, %get3A_2258, %get3A_2259] {strides = array<i32>} : memref<26x128x32xf32, #tpu.memory_space<vmem>>, vector<1x1x16xf32>,
        %get3A_2261 = vector.shape_cast %get3A_2260 : vector<1x1x16xf32> to vector<16xf32>
        %get3A_2262 = arith.constant 11 : i32
        %get3A_2263 = arith.index_cast %get3A_2262 : i32 to index
        %get3A_2264 = arith.index_cast %add3A_1496 : i32 to index
        %get3A_2265 = arith.constant 16 : index
        %get3A_2266 = tpu.vector_load %arg11[%get3A_2263, %get3A_2264, %get3A_2265] {strides = array<i32>} : memref<26x128x32xf32, #tpu.memory_space<vmem>>, vector<1x1x16xf32>,
        %get3A_2267 = vector.shape_cast %get3A_2266 : vector<1x1x16xf32> to vector<16xf32>
        %get3A_2268 = arith.constant 11 : i32
        %get3A_2269 = arith.index_cast %get3A_2268 : i32 to index
        %get3A_2270 = arith.index_cast %add3A_1498 : i32 to index
        %get3A_2271 = arith.constant 0 : index
        %get3A_2272 = tpu.vector_load %arg11[%get3A_2269, %get3A_2270, %get3A_2271] {strides = array<i32>} : memref<26x128x32xf32, #tpu.memory_space<vmem>>, vector<1x1x16xf32>,
        %get3A_2273 = vector.shape_cast %get3A_2272 : vector<1x1x16xf32> to vector<16xf32>
        %get3A_2274 = arith.constant 11 : i32
        %get3A_2275 = arith.index_cast %get3A_2274 : i32 to index
        %get3A_2276 = arith.index_cast %add3A_1498 : i32 to index
        %get3A_2277 = arith.constant 16 : index
        %get3A_2278 = tpu.vector_load %arg11[%get3A_2275, %get3A_2276, %get3A_2277] {strides = array<i32>} : memref<26x128x32xf32, #tpu.memory_space<vmem>>, vector<1x1x16xf32>,
        %get3A_2279 = vector.shape_cast %get3A_2278 : vector<1x1x16xf32> to vector<16xf32>
        %mul3A_2280 = arith.mulf %get3A_2261, %gather3A_2253 : vector<16xf32>
        %mul3A_2281 = arith.mulf %get3A_2267, %gather3A_2253 : vector<16xf32>
        %mul3A_2282 = arith.mulf %get3A_2273, %gather3A_2255 : vector<16xf32>
        %mul3A_2283 = arith.mulf %get3A_2279, %gather3A_2255 : vector<16xf32>
        %add3A_2284 = arith.addf %add3A_2217, %mul3A_2280 : vector<16xf32>
        %add3A_2285 = arith.addf %add3A_2218, %mul3A_2281 : vector<16xf32>
        %add3A_2286 = arith.addf %add3A_2219, %mul3A_2282 : vector<16xf32>
        %add3A_2287 = arith.addf %add3A_2220, %mul3A_2283 : vector<16xf32>
        %mul3A_2288 = arith.mulf %mul3A_2280, %mul3A_2280 : vector<16xf32>
        %add3A_2289 = arith.addf %add3A_2222, %mul3A_2288 : vector<16xf32>
        %mul3A_2290 = arith.mulf %mul3A_2281, %mul3A_2281 : vector<16xf32>
        %add3A_2291 = arith.addf %add3A_2224, %mul3A_2290 : vector<16xf32>
        %mul3A_2292 = arith.mulf %mul3A_2282, %mul3A_2282 : vector<16xf32>
        %add3A_2293 = arith.addf %add3A_2226, %mul3A_2292 : vector<16xf32>
        %mul3A_2294 = arith.mulf %mul3A_2283, %mul3A_2283 : vector<16xf32>
        %add3A_2295 = arith.addf %add3A_2228, %mul3A_2294 : vector<16xf32>
        %mul3A_2296 = arith.mulf %mul3A_2280, %get3A_2241 : vector<16xf32>
        %add3A_2297 = arith.addf %add3A_2230, %mul3A_2296 : vector<16xf32>
        %mul3A_2298 = arith.mulf %mul3A_2281, %get3A_2246 : vector<16xf32>
        %add3A_2299 = arith.addf %add3A_2232, %mul3A_2298 : vector<16xf32>
        %mul3A_2300 = arith.mulf %mul3A_2282, %get3A_2241 : vector<16xf32>
        %add3A_2301 = arith.addf %add3A_2234, %mul3A_2300 : vector<16xf32>
        %mul3A_2302 = arith.mulf %mul3A_2283, %get3A_2246 : vector<16xf32>
        %add3A_2303 = arith.addf %add3A_2236, %mul3A_2302 : vector<16xf32>
        %get3A_2304 = arith.constant 12 : i32
        %get3A_2305 = arith.index_cast %get3A_2304 : i32 to index
        %get3A_2306 = arith.constant 0 : index
        %get3A_2307 = tpu.vector_load %arg13[%get3A_2305, %get3A_2306] {strides = array<i32>} : memref<26x32xf32, #tpu.memory_space<vmem>>, vector<1x16xf32>,
        %get3A_2308 = vector.shape_cast %get3A_2307 : vector<1x16xf32> to vector<16xf32>
        %get3A_2309 = arith.constant 12 : i32
        %get3A_2310 = arith.index_cast %get3A_2309 : i32 to index
        %get3A_2311 = arith.constant 16 : index
        %get3A_2312 = tpu.vector_load %arg13[%get3A_2310, %get3A_2311] {strides = array<i32>} : memref<26x32xf32, #tpu.memory_space<vmem>>, vector<1x16xf32>,
        %get3A_2313 = vector.shape_cast %get3A_2312 : vector<1x16xf32> to vector<16xf32>
        %add3A_2314 = arith.constant 1536 : i32
        %add3A_2315 = arith.addi %add3A_2314, %multiple_of3A_1158 : i32
        %get3A_2316 = arith.index_cast %add3A_2315 : i32 to index
        %get3A_2317 = tpu.vector_load %arg10[%get3A_2316] {strides = array<i32>} : memref<3328xf32, #tpu.memory_space<vmem>>, vector<16xf32>,
        %get3A_2318 = vector.shape_cast %get3A_2317 : vector<16xf32> to vector<16xf32>
        %gather3A_2319 = vector.shape_cast %broadcast_in_dim3A_1499 : vector<16x1xi32> to vector<16xi32>
        %gather3A_2320 = tpu.dynamic_gather %get3A_2318[%gather3A_2319] in [0] : vector<16xf32>, vector<16xi32> -> vector<16xf32>
        %gather3A_2321 = vector.shape_cast %broadcast_in_dim3A_1500 : vector<16x1xi32> to vector<16xi32>
        %gather3A_2322 = tpu.dynamic_gather %get3A_2318[%gather3A_2321] in [0] : vector<16xf32>, vector<16xi32> -> vector<16xf32>
        %get3A_2323 = arith.constant 12 : i32
        %get3A_2324 = arith.index_cast %get3A_2323 : i32 to index
        %get3A_2325 = arith.index_cast %add3A_1496 : i32 to index
        %get3A_2326 = arith.constant 0 : index
        %get3A_2327 = tpu.vector_load %arg11[%get3A_2324, %get3A_2325, %get3A_2326] {strides = array<i32>} : memref<26x128x32xf32, #tpu.memory_space<vmem>>, vector<1x1x16xf32>,
        %get3A_2328 = vector.shape_cast %get3A_2327 : vector<1x1x16xf32> to vector<16xf32>
        %get3A_2329 = arith.constant 12 : i32
        %get3A_2330 = arith.index_cast %get3A_2329 : i32 to index
        %get3A_2331 = arith.index_cast %add3A_1496 : i32 to index
        %get3A_2332 = arith.constant 16 : index
        %get3A_2333 = tpu.vector_load %arg11[%get3A_2330, %get3A_2331, %get3A_2332] {strides = array<i32>} : memref<26x128x32xf32, #tpu.memory_space<vmem>>, vector<1x1x16xf32>,
        %get3A_2334 = vector.shape_cast %get3A_2333 : vector<1x1x16xf32> to vector<16xf32>
        %get3A_2335 = arith.constant 12 : i32
        %get3A_2336 = arith.index_cast %get3A_2335 : i32 to index
        %get3A_2337 = arith.index_cast %add3A_1498 : i32 to index
        %get3A_2338 = arith.constant 0 : index
        %get3A_2339 = tpu.vector_load %arg11[%get3A_2336, %get3A_2337, %get3A_2338] {strides = array<i32>} : memref<26x128x32xf32, #tpu.memory_space<vmem>>, vector<1x1x16xf32>,
        %get3A_2340 = vector.shape_cast %get3A_2339 : vector<1x1x16xf32> to vector<16xf32>
        %get3A_2341 = arith.constant 12 : i32
        %get3A_2342 = arith.index_cast %get3A_2341 : i32 to index
        %get3A_2343 = arith.index_cast %add3A_1498 : i32 to index
        %get3A_2344 = arith.constant 16 : index
        %get3A_2345 = tpu.vector_load %arg11[%get3A_2342, %get3A_2343, %get3A_2344] {strides = array<i32>} : memref<26x128x32xf32, #tpu.memory_space<vmem>>, vector<1x1x16xf32>,
        %get3A_2346 = vector.shape_cast %get3A_2345 : vector<1x1x16xf32> to vector<16xf32>
        %mul3A_2347 = arith.mulf %get3A_2328, %gather3A_2320 : vector<16xf32>
        %mul3A_2348 = arith.mulf %get3A_2334, %gather3A_2320 : vector<16xf32>
        %mul3A_2349 = arith.mulf %get3A_2340, %gather3A_2322 : vector<16xf32>
        %mul3A_2350 = arith.mulf %get3A_2346, %gather3A_2322 : vector<16xf32>
        %add3A_2351 = arith.addf %add3A_2284, %mul3A_2347 : vector<16xf32>
        %add3A_2352 = arith.addf %add3A_2285, %mul3A_2348 : vector<16xf32>
        %add3A_2353 = arith.addf %add3A_2286, %mul3A_2349 : vector<16xf32>
        %add3A_2354 = arith.addf %add3A_2287, %mul3A_2350 : vector<16xf32>
        %mul3A_2355 = arith.mulf %mul3A_2347, %mul3A_2347 : vector<16xf32>
        %add3A_2356 = arith.addf %add3A_2289, %mul3A_2355 : vector<16xf32>
        %mul3A_2357 = arith.mulf %mul3A_2348, %mul3A_2348 : vector<16xf32>
        %add3A_2358 = arith.addf %add3A_2291, %mul3A_2357 : vector<16xf32>
        %mul3A_2359 = arith.mulf %mul3A_2349, %mul3A_2349 : vector<16xf32>
        %add3A_2360 = arith.addf %add3A_2293, %mul3A_2359 : vector<16xf32>
        %mul3A_2361 = arith.mulf %mul3A_2350, %mul3A_2350 : vector<16xf32>
        %add3A_2362 = arith.addf %add3A_2295, %mul3A_2361 : vector<16xf32>
        %mul3A_2363 = arith.mulf %mul3A_2347, %get3A_2308 : vector<16xf32>
        %add3A_2364 = arith.addf %add3A_2297, %mul3A_2363 : vector<16xf32>
        %mul3A_2365 = arith.mulf %mul3A_2348, %get3A_2313 : vector<16xf32>
        %add3A_2366 = arith.addf %add3A_2299, %mul3A_2365 : vector<16xf32>
        %mul3A_2367 = arith.mulf %mul3A_2349, %get3A_2308 : vector<16xf32>
        %add3A_2368 = arith.addf %add3A_2301, %mul3A_2367 : vector<16xf32>
        %mul3A_2369 = arith.mulf %mul3A_2350, %get3A_2313 : vector<16xf32>
        %add3A_2370 = arith.addf %add3A_2303, %mul3A_2369 : vector<16xf32>
        %get3A_2371 = arith.constant 13 : i32
        %get3A_2372 = arith.index_cast %get3A_2371 : i32 to index
        %get3A_2373 = arith.constant 0 : index
        %get3A_2374 = tpu.vector_load %arg13[%get3A_2372, %get3A_2373] {strides = array<i32>} : memref<26x32xf32, #tpu.memory_space<vmem>>, vector<1x16xf32>,
        %get3A_2375 = vector.shape_cast %get3A_2374 : vector<1x16xf32> to vector<16xf32>
        %get3A_2376 = arith.constant 13 : i32
        %get3A_2377 = arith.index_cast %get3A_2376 : i32 to index
        %get3A_2378 = arith.constant 16 : index
        %get3A_2379 = tpu.vector_load %arg13[%get3A_2377, %get3A_2378] {strides = array<i32>} : memref<26x32xf32, #tpu.memory_space<vmem>>, vector<1x16xf32>,
        %get3A_2380 = vector.shape_cast %get3A_2379 : vector<1x16xf32> to vector<16xf32>
        %add3A_2381 = arith.constant 1664 : i32
        %add3A_2382 = arith.addi %add3A_2381, %multiple_of3A_1158 : i32
        %get3A_2383 = arith.index_cast %add3A_2382 : i32 to index
        %get3A_2384 = tpu.vector_load %arg10[%get3A_2383] {strides = array<i32>} : memref<3328xf32, #tpu.memory_space<vmem>>, vector<16xf32>,
        %get3A_2385 = vector.shape_cast %get3A_2384 : vector<16xf32> to vector<16xf32>
        %gather3A_2386 = vector.shape_cast %broadcast_in_dim3A_1499 : vector<16x1xi32> to vector<16xi32>
        %gather3A_2387 = tpu.dynamic_gather %get3A_2385[%gather3A_2386] in [0] : vector<16xf32>, vector<16xi32> -> vector<16xf32>
        %gather3A_2388 = vector.shape_cast %broadcast_in_dim3A_1500 : vector<16x1xi32> to vector<16xi32>
        %gather3A_2389 = tpu.dynamic_gather %get3A_2385[%gather3A_2388] in [0] : vector<16xf32>, vector<16xi32> -> vector<16xf32>
        %get3A_2390 = arith.constant 13 : i32
        %get3A_2391 = arith.index_cast %get3A_2390 : i32 to index
        %get3A_2392 = arith.index_cast %add3A_1496 : i32 to index
        %get3A_2393 = arith.constant 0 : index
        %get3A_2394 = tpu.vector_load %arg11[%get3A_2391, %get3A_2392, %get3A_2393] {strides = array<i32>} : memref<26x128x32xf32, #tpu.memory_space<vmem>>, vector<1x1x16xf32>,
        %get3A_2395 = vector.shape_cast %get3A_2394 : vector<1x1x16xf32> to vector<16xf32>
        %get3A_2396 = arith.constant 13 : i32
        %get3A_2397 = arith.index_cast %get3A_2396 : i32 to index
        %get3A_2398 = arith.index_cast %add3A_1496 : i32 to index
        %get3A_2399 = arith.constant 16 : index
        %get3A_2400 = tpu.vector_load %arg11[%get3A_2397, %get3A_2398, %get3A_2399] {strides = array<i32>} : memref<26x128x32xf32, #tpu.memory_space<vmem>>, vector<1x1x16xf32>,
        %get3A_2401 = vector.shape_cast %get3A_2400 : vector<1x1x16xf32> to vector<16xf32>
        %get3A_2402 = arith.constant 13 : i32
        %get3A_2403 = arith.index_cast %get3A_2402 : i32 to index
        %get3A_2404 = arith.index_cast %add3A_1498 : i32 to index
        %get3A_2405 = arith.constant 0 : index
        %get3A_2406 = tpu.vector_load %arg11[%get3A_2403, %get3A_2404, %get3A_2405] {strides = array<i32>} : memref<26x128x32xf32, #tpu.memory_space<vmem>>, vector<1x1x16xf32>,
        %get3A_2407 = vector.shape_cast %get3A_2406 : vector<1x1x16xf32> to vector<16xf32>
        %get3A_2408 = arith.constant 13 : i32
        %get3A_2409 = arith.index_cast %get3A_2408 : i32 to index
        %get3A_2410 = arith.index_cast %add3A_1498 : i32 to index
        %get3A_2411 = arith.constant 16 : index
        %get3A_2412 = tpu.vector_load %arg11[%get3A_2409, %get3A_2410, %get3A_2411] {strides = array<i32>} : memref<26x128x32xf32, #tpu.memory_space<vmem>>, vector<1x1x16xf32>,
        %get3A_2413 = vector.shape_cast %get3A_2412 : vector<1x1x16xf32> to vector<16xf32>
        %mul3A_2414 = arith.mulf %get3A_2395, %gather3A_2387 : vector<16xf32>
        %mul3A_2415 = arith.mulf %get3A_2401, %gather3A_2387 : vector<16xf32>
        %mul3A_2416 = arith.mulf %get3A_2407, %gather3A_2389 : vector<16xf32>
        %mul3A_2417 = arith.mulf %get3A_2413, %gather3A_2389 : vector<16xf32>
        %add3A_2418 = arith.addf %add3A_2351, %mul3A_2414 : vector<16xf32>
        %add3A_2419 = arith.addf %add3A_2352, %mul3A_2415 : vector<16xf32>
        %add3A_2420 = arith.addf %add3A_2353, %mul3A_2416 : vector<16xf32>
        %add3A_2421 = arith.addf %add3A_2354, %mul3A_2417 : vector<16xf32>
        %mul3A_2422 = arith.mulf %mul3A_2414, %mul3A_2414 : vector<16xf32>
        %add3A_2423 = arith.addf %add3A_2356, %mul3A_2422 : vector<16xf32>
        %mul3A_2424 = arith.mulf %mul3A_2415, %mul3A_2415 : vector<16xf32>
        %add3A_2425 = arith.addf %add3A_2358, %mul3A_2424 : vector<16xf32>
        %mul3A_2426 = arith.mulf %mul3A_2416, %mul3A_2416 : vector<16xf32>
        %add3A_2427 = arith.addf %add3A_2360, %mul3A_2426 : vector<16xf32>
        %mul3A_2428 = arith.mulf %mul3A_2417, %mul3A_2417 : vector<16xf32>
        %add3A_2429 = arith.addf %add3A_2362, %mul3A_2428 : vector<16xf32>
        %mul3A_2430 = arith.mulf %mul3A_2414, %get3A_2375 : vector<16xf32>
        %add3A_2431 = arith.addf %add3A_2364, %mul3A_2430 : vector<16xf32>
        %mul3A_2432 = arith.mulf %mul3A_2415, %get3A_2380 : vector<16xf32>
        %add3A_2433 = arith.addf %add3A_2366, %mul3A_2432 : vector<16xf32>
        %mul3A_2434 = arith.mulf %mul3A_2416, %get3A_2375 : vector<16xf32>
        %add3A_2435 = arith.addf %add3A_2368, %mul3A_2434 : vector<16xf32>
        %mul3A_2436 = arith.mulf %mul3A_2417, %get3A_2380 : vector<16xf32>
        %add3A_2437 = arith.addf %add3A_2370, %mul3A_2436 : vector<16xf32>
        %get3A_2438 = arith.constant 14 : i32
        %get3A_2439 = arith.index_cast %get3A_2438 : i32 to index
        %get3A_2440 = arith.constant 0 : index
        %get3A_2441 = tpu.vector_load %arg13[%get3A_2439, %get3A_2440] {strides = array<i32>} : memref<26x32xf32, #tpu.memory_space<vmem>>, vector<1x16xf32>,
        %get3A_2442 = vector.shape_cast %get3A_2441 : vector<1x16xf32> to vector<16xf32>
        %get3A_2443 = arith.constant 14 : i32
        %get3A_2444 = arith.index_cast %get3A_2443 : i32 to index
        %get3A_2445 = arith.constant 16 : index
        %get3A_2446 = tpu.vector_load %arg13[%get3A_2444, %get3A_2445] {strides = array<i32>} : memref<26x32xf32, #tpu.memory_space<vmem>>, vector<1x16xf32>,
        %get3A_2447 = vector.shape_cast %get3A_2446 : vector<1x16xf32> to vector<16xf32>
        %add3A_2448 = arith.constant 1792 : i32
        %add3A_2449 = arith.addi %add3A_2448, %multiple_of3A_1158 : i32
        %get3A_2450 = arith.index_cast %add3A_2449 : i32 to index
        %get3A_2451 = tpu.vector_load %arg10[%get3A_2450] {strides = array<i32>} : memref<3328xf32, #tpu.memory_space<vmem>>, vector<16xf32>,
        %get3A_2452 = vector.shape_cast %get3A_2451 : vector<16xf32> to vector<16xf32>
        %gather3A_2453 = vector.shape_cast %broadcast_in_dim3A_1499 : vector<16x1xi32> to vector<16xi32>
        %gather3A_2454 = tpu.dynamic_gather %get3A_2452[%gather3A_2453] in [0] : vector<16xf32>, vector<16xi32> -> vector<16xf32>
        %gather3A_2455 = vector.shape_cast %broadcast_in_dim3A_1500 : vector<16x1xi32> to vector<16xi32>
        %gather3A_2456 = tpu.dynamic_gather %get3A_2452[%gather3A_2455] in [0] : vector<16xf32>, vector<16xi32> -> vector<16xf32>
        %get3A_2457 = arith.constant 14 : i32
        %get3A_2458 = arith.index_cast %get3A_2457 : i32 to index
        %get3A_2459 = arith.index_cast %add3A_1496 : i32 to index
        %get3A_2460 = arith.constant 0 : index
        %get3A_2461 = tpu.vector_load %arg11[%get3A_2458, %get3A_2459, %get3A_2460] {strides = array<i32>} : memref<26x128x32xf32, #tpu.memory_space<vmem>>, vector<1x1x16xf32>,
        %get3A_2462 = vector.shape_cast %get3A_2461 : vector<1x1x16xf32> to vector<16xf32>
        %get3A_2463 = arith.constant 14 : i32
        %get3A_2464 = arith.index_cast %get3A_2463 : i32 to index
        %get3A_2465 = arith.index_cast %add3A_1496 : i32 to index
        %get3A_2466 = arith.constant 16 : index
        %get3A_2467 = tpu.vector_load %arg11[%get3A_2464, %get3A_2465, %get3A_2466] {strides = array<i32>} : memref<26x128x32xf32, #tpu.memory_space<vmem>>, vector<1x1x16xf32>,
        %get3A_2468 = vector.shape_cast %get3A_2467 : vector<1x1x16xf32> to vector<16xf32>
        %get3A_2469 = arith.constant 14 : i32
        %get3A_2470 = arith.index_cast %get3A_2469 : i32 to index
        %get3A_2471 = arith.index_cast %add3A_1498 : i32 to index
        %get3A_2472 = arith.constant 0 : index
        %get3A_2473 = tpu.vector_load %arg11[%get3A_2470, %get3A_2471, %get3A_2472] {strides = array<i32>} : memref<26x128x32xf32, #tpu.memory_space<vmem>>, vector<1x1x16xf32>,
        %get3A_2474 = vector.shape_cast %get3A_2473 : vector<1x1x16xf32> to vector<16xf32>
        %get3A_2475 = arith.constant 14 : i32
        %get3A_2476 = arith.index_cast %get3A_2475 : i32 to index
        %get3A_2477 = arith.index_cast %add3A_1498 : i32 to index
        %get3A_2478 = arith.constant 16 : index
        %get3A_2479 = tpu.vector_load %arg11[%get3A_2476, %get3A_2477, %get3A_2478] {strides = array<i32>} : memref<26x128x32xf32, #tpu.memory_space<vmem>>, vector<1x1x16xf32>,
        %get3A_2480 = vector.shape_cast %get3A_2479 : vector<1x1x16xf32> to vector<16xf32>
        %mul3A_2481 = arith.mulf %get3A_2462, %gather3A_2454 : vector<16xf32>
        %mul3A_2482 = arith.mulf %get3A_2468, %gather3A_2454 : vector<16xf32>
        %mul3A_2483 = arith.mulf %get3A_2474, %gather3A_2456 : vector<16xf32>
        %mul3A_2484 = arith.mulf %get3A_2480, %gather3A_2456 : vector<16xf32>
        %add3A_2485 = arith.addf %add3A_2418, %mul3A_2481 : vector<16xf32>
        %add3A_2486 = arith.addf %add3A_2419, %mul3A_2482 : vector<16xf32>
        %add3A_2487 = arith.addf %add3A_2420, %mul3A_2483 : vector<16xf32>
        %add3A_2488 = arith.addf %add3A_2421, %mul3A_2484 : vector<16xf32>
        %mul3A_2489 = arith.mulf %mul3A_2481, %mul3A_2481 : vector<16xf32>
        %add3A_2490 = arith.addf %add3A_2423, %mul3A_2489 : vector<16xf32>
        %mul3A_2491 = arith.mulf %mul3A_2482, %mul3A_2482 : vector<16xf32>
        %add3A_2492 = arith.addf %add3A_2425, %mul3A_2491 : vector<16xf32>
        %mul3A_2493 = arith.mulf %mul3A_2483, %mul3A_2483 : vector<16xf32>
        %add3A_2494 = arith.addf %add3A_2427, %mul3A_2493 : vector<16xf32>
        %mul3A_2495 = arith.mulf %mul3A_2484, %mul3A_2484 : vector<16xf32>
        %add3A_2496 = arith.addf %add3A_2429, %mul3A_2495 : vector<16xf32>
        %mul3A_2497 = arith.mulf %mul3A_2481, %get3A_2442 : vector<16xf32>
        %add3A_2498 = arith.addf %add3A_2431, %mul3A_2497 : vector<16xf32>
        %mul3A_2499 = arith.mulf %mul3A_2482, %get3A_2447 : vector<16xf32>
        %add3A_2500 = arith.addf %add3A_2433, %mul3A_2499 : vector<16xf32>
        %mul3A_2501 = arith.mulf %mul3A_2483, %get3A_2442 : vector<16xf32>
        %add3A_2502 = arith.addf %add3A_2435, %mul3A_2501 : vector<16xf32>
        %mul3A_2503 = arith.mulf %mul3A_2484, %get3A_2447 : vector<16xf32>
        %add3A_2504 = arith.addf %add3A_2437, %mul3A_2503 : vector<16xf32>
        %get3A_2505 = arith.constant 15 : i32
        %get3A_2506 = arith.index_cast %get3A_2505 : i32 to index
        %get3A_2507 = arith.constant 0 : index
        %get3A_2508 = tpu.vector_load %arg13[%get3A_2506, %get3A_2507] {strides = array<i32>} : memref<26x32xf32, #tpu.memory_space<vmem>>, vector<1x16xf32>,
        %get3A_2509 = vector.shape_cast %get3A_2508 : vector<1x16xf32> to vector<16xf32>
        %get3A_2510 = arith.constant 15 : i32
        %get3A_2511 = arith.index_cast %get3A_2510 : i32 to index
        %get3A_2512 = arith.constant 16 : index
        %get3A_2513 = tpu.vector_load %arg13[%get3A_2511, %get3A_2512] {strides = array<i32>} : memref<26x32xf32, #tpu.memory_space<vmem>>, vector<1x16xf32>,
        %get3A_2514 = vector.shape_cast %get3A_2513 : vector<1x16xf32> to vector<16xf32>
        %add3A_2515 = arith.constant 1920 : i32
        %add3A_2516 = arith.addi %add3A_2515, %multiple_of3A_1158 : i32
        %get3A_2517 = arith.index_cast %add3A_2516 : i32 to index
        %get3A_2518 = tpu.vector_load %arg10[%get3A_2517] {strides = array<i32>} : memref<3328xf32, #tpu.memory_space<vmem>>, vector<16xf32>,
        %get3A_2519 = vector.shape_cast %get3A_2518 : vector<16xf32> to vector<16xf32>
        %gather3A_2520 = vector.shape_cast %broadcast_in_dim3A_1499 : vector<16x1xi32> to vector<16xi32>
        %gather3A_2521 = tpu.dynamic_gather %get3A_2519[%gather3A_2520] in [0] : vector<16xf32>, vector<16xi32> -> vector<16xf32>
        %gather3A_2522 = vector.shape_cast %broadcast_in_dim3A_1500 : vector<16x1xi32> to vector<16xi32>
        %gather3A_2523 = tpu.dynamic_gather %get3A_2519[%gather3A_2522] in [0] : vector<16xf32>, vector<16xi32> -> vector<16xf32>
        %get3A_2524 = arith.constant 15 : i32
        %get3A_2525 = arith.index_cast %get3A_2524 : i32 to index
        %get3A_2526 = arith.index_cast %add3A_1496 : i32 to index
        %get3A_2527 = arith.constant 0 : index
        %get3A_2528 = tpu.vector_load %arg11[%get3A_2525, %get3A_2526, %get3A_2527] {strides = array<i32>} : memref<26x128x32xf32, #tpu.memory_space<vmem>>, vector<1x1x16xf32>,
        %get3A_2529 = vector.shape_cast %get3A_2528 : vector<1x1x16xf32> to vector<16xf32>
        %get3A_2530 = arith.constant 15 : i32
        %get3A_2531 = arith.index_cast %get3A_2530 : i32 to index
        %get3A_2532 = arith.index_cast %add3A_1496 : i32 to index
        %get3A_2533 = arith.constant 16 : index
        %get3A_2534 = tpu.vector_load %arg11[%get3A_2531, %get3A_2532, %get3A_2533] {strides = array<i32>} : memref<26x128x32xf32, #tpu.memory_space<vmem>>, vector<1x1x16xf32>,
        %get3A_2535 = vector.shape_cast %get3A_2534 : vector<1x1x16xf32> to vector<16xf32>
        %get3A_2536 = arith.constant 15 : i32
        %get3A_2537 = arith.index_cast %get3A_2536 : i32 to index
        %get3A_2538 = arith.index_cast %add3A_1498 : i32 to index
        %get3A_2539 = arith.constant 0 : index
        %get3A_2540 = tpu.vector_load %arg11[%get3A_2537, %get3A_2538, %get3A_2539] {strides = array<i32>} : memref<26x128x32xf32, #tpu.memory_space<vmem>>, vector<1x1x16xf32>,
        %get3A_2541 = vector.shape_cast %get3A_2540 : vector<1x1x16xf32> to vector<16xf32>
        %get3A_2542 = arith.constant 15 : i32
        %get3A_2543 = arith.index_cast %get3A_2542 : i32 to index
        %get3A_2544 = arith.index_cast %add3A_1498 : i32 to index
        %get3A_2545 = arith.constant 16 : index
        %get3A_2546 = tpu.vector_load %arg11[%get3A_2543, %get3A_2544, %get3A_2545] {strides = array<i32>} : memref<26x128x32xf32, #tpu.memory_space<vmem>>, vector<1x1x16xf32>,
        %get3A_2547 = vector.shape_cast %get3A_2546 : vector<1x1x16xf32> to vector<16xf32>
        %mul3A_2548 = arith.mulf %get3A_2529, %gather3A_2521 : vector<16xf32>
        %mul3A_2549 = arith.mulf %get3A_2535, %gather3A_2521 : vector<16xf32>
        %mul3A_2550 = arith.mulf %get3A_2541, %gather3A_2523 : vector<16xf32>
        %mul3A_2551 = arith.mulf %get3A_2547, %gather3A_2523 : vector<16xf32>
        %add3A_2552 = arith.addf %add3A_2485, %mul3A_2548 : vector<16xf32>
        %add3A_2553 = arith.addf %add3A_2486, %mul3A_2549 : vector<16xf32>
        %add3A_2554 = arith.addf %add3A_2487, %mul3A_2550 : vector<16xf32>
        %add3A_2555 = arith.addf %add3A_2488, %mul3A_2551 : vector<16xf32>
        %mul3A_2556 = arith.mulf %mul3A_2548, %mul3A_2548 : vector<16xf32>
        %add3A_2557 = arith.addf %add3A_2490, %mul3A_2556 : vector<16xf32>
        %mul3A_2558 = arith.mulf %mul3A_2549, %mul3A_2549 : vector<16xf32>
        %add3A_2559 = arith.addf %add3A_2492, %mul3A_2558 : vector<16xf32>
        %mul3A_2560 = arith.mulf %mul3A_2550, %mul3A_2550 : vector<16xf32>
        %add3A_2561 = arith.addf %add3A_2494, %mul3A_2560 : vector<16xf32>
        %mul3A_2562 = arith.mulf %mul3A_2551, %mul3A_2551 : vector<16xf32>
        %add3A_2563 = arith.addf %add3A_2496, %mul3A_2562 : vector<16xf32>
        %mul3A_2564 = arith.mulf %mul3A_2548, %get3A_2509 : vector<16xf32>
        %add3A_2565 = arith.addf %add3A_2498, %mul3A_2564 : vector<16xf32>
        %mul3A_2566 = arith.mulf %mul3A_2549, %get3A_2514 : vector<16xf32>
        %add3A_2567 = arith.addf %add3A_2500, %mul3A_2566 : vector<16xf32>
        %mul3A_2568 = arith.mulf %mul3A_2550, %get3A_2509 : vector<16xf32>
        %add3A_2569 = arith.addf %add3A_2502, %mul3A_2568 : vector<16xf32>
        %mul3A_2570 = arith.mulf %mul3A_2551, %get3A_2514 : vector<16xf32>
        %add3A_2571 = arith.addf %add3A_2504, %mul3A_2570 : vector<16xf32>
        %get3A_2572 = arith.constant 16 : i32
        %get3A_2573 = arith.index_cast %get3A_2572 : i32 to index
        %get3A_2574 = arith.constant 0 : index
        %get3A_2575 = tpu.vector_load %arg13[%get3A_2573, %get3A_2574] {strides = array<i32>} : memref<26x32xf32, #tpu.memory_space<vmem>>, vector<1x16xf32>,
        %get3A_2576 = vector.shape_cast %get3A_2575 : vector<1x16xf32> to vector<16xf32>
        %get3A_2577 = arith.constant 16 : i32
        %get3A_2578 = arith.index_cast %get3A_2577 : i32 to index
        %get3A_2579 = arith.constant 16 : index
        %get3A_2580 = tpu.vector_load %arg13[%get3A_2578, %get3A_2579] {strides = array<i32>} : memref<26x32xf32, #tpu.memory_space<vmem>>, vector<1x16xf32>,
        %get3A_2581 = vector.shape_cast %get3A_2580 : vector<1x16xf32> to vector<16xf32>
        %add3A_2582 = arith.constant 2048 : i32
        %add3A_2583 = arith.addi %add3A_2582, %multiple_of3A_1158 : i32
        %get3A_2584 = arith.index_cast %add3A_2583 : i32 to index
        %get3A_2585 = tpu.vector_load %arg10[%get3A_2584] {strides = array<i32>} : memref<3328xf32, #tpu.memory_space<vmem>>, vector<16xf32>,
        %get3A_2586 = vector.shape_cast %get3A_2585 : vector<16xf32> to vector<16xf32>
        %gather3A_2587 = vector.shape_cast %broadcast_in_dim3A_1499 : vector<16x1xi32> to vector<16xi32>
        %gather3A_2588 = tpu.dynamic_gather %get3A_2586[%gather3A_2587] in [0] : vector<16xf32>, vector<16xi32> -> vector<16xf32>
        %gather3A_2589 = vector.shape_cast %broadcast_in_dim3A_1500 : vector<16x1xi32> to vector<16xi32>
        %gather3A_2590 = tpu.dynamic_gather %get3A_2586[%gather3A_2589] in [0] : vector<16xf32>, vector<16xi32> -> vector<16xf32>
        %get3A_2591 = arith.constant 16 : i32
        %get3A_2592 = arith.index_cast %get3A_2591 : i32 to index
        %get3A_2593 = arith.index_cast %add3A_1496 : i32 to index
        %get3A_2594 = arith.constant 0 : index
        %get3A_2595 = tpu.vector_load %arg11[%get3A_2592, %get3A_2593, %get3A_2594] {strides = array<i32>} : memref<26x128x32xf32, #tpu.memory_space<vmem>>, vector<1x1x16xf32>,
        %get3A_2596 = vector.shape_cast %get3A_2595 : vector<1x1x16xf32> to vector<16xf32>
        %get3A_2597 = arith.constant 16 : i32
        %get3A_2598 = arith.index_cast %get3A_2597 : i32 to index
        %get3A_2599 = arith.index_cast %add3A_1496 : i32 to index
        %get3A_2600 = arith.constant 16 : index
        %get3A_2601 = tpu.vector_load %arg11[%get3A_2598, %get3A_2599, %get3A_2600] {strides = array<i32>} : memref<26x128x32xf32, #tpu.memory_space<vmem>>, vector<1x1x16xf32>,
        %get3A_2602 = vector.shape_cast %get3A_2601 : vector<1x1x16xf32> to vector<16xf32>
        %get3A_2603 = arith.constant 16 : i32
        %get3A_2604 = arith.index_cast %get3A_2603 : i32 to index
        %get3A_2605 = arith.index_cast %add3A_1498 : i32 to index
        %get3A_2606 = arith.constant 0 : index
        %get3A_2607 = tpu.vector_load %arg11[%get3A_2604, %get3A_2605, %get3A_2606] {strides = array<i32>} : memref<26x128x32xf32, #tpu.memory_space<vmem>>, vector<1x1x16xf32>,
        %get3A_2608 = vector.shape_cast %get3A_2607 : vector<1x1x16xf32> to vector<16xf32>
        %get3A_2609 = arith.constant 16 : i32
        %get3A_2610 = arith.index_cast %get3A_2609 : i32 to index
        %get3A_2611 = arith.index_cast %add3A_1498 : i32 to index
        %get3A_2612 = arith.constant 16 : index
        %get3A_2613 = tpu.vector_load %arg11[%get3A_2610, %get3A_2611, %get3A_2612] {strides = array<i32>} : memref<26x128x32xf32, #tpu.memory_space<vmem>>, vector<1x1x16xf32>,
        %get3A_2614 = vector.shape_cast %get3A_2613 : vector<1x1x16xf32> to vector<16xf32>
        %mul3A_2615 = arith.mulf %get3A_2596, %gather3A_2588 : vector<16xf32>
        %mul3A_2616 = arith.mulf %get3A_2602, %gather3A_2588 : vector<16xf32>
        %mul3A_2617 = arith.mulf %get3A_2608, %gather3A_2590 : vector<16xf32>
        %mul3A_2618 = arith.mulf %get3A_2614, %gather3A_2590 : vector<16xf32>
        %add3A_2619 = arith.addf %add3A_2552, %mul3A_2615 : vector<16xf32>
        %add3A_2620 = arith.addf %add3A_2553, %mul3A_2616 : vector<16xf32>
        %add3A_2621 = arith.addf %add3A_2554, %mul3A_2617 : vector<16xf32>
        %add3A_2622 = arith.addf %add3A_2555, %mul3A_2618 : vector<16xf32>
        %mul3A_2623 = arith.mulf %mul3A_2615, %mul3A_2615 : vector<16xf32>
        %add3A_2624 = arith.addf %add3A_2557, %mul3A_2623 : vector<16xf32>
        %mul3A_2625 = arith.mulf %mul3A_2616, %mul3A_2616 : vector<16xf32>
        %add3A_2626 = arith.addf %add3A_2559, %mul3A_2625 : vector<16xf32>
        %mul3A_2627 = arith.mulf %mul3A_2617, %mul3A_2617 : vector<16xf32>
        %add3A_2628 = arith.addf %add3A_2561, %mul3A_2627 : vector<16xf32>
        %mul3A_2629 = arith.mulf %mul3A_2618, %mul3A_2618 : vector<16xf32>
        %add3A_2630 = arith.addf %add3A_2563, %mul3A_2629 : vector<16xf32>
        %mul3A_2631 = arith.mulf %mul3A_2615, %get3A_2576 : vector<16xf32>
        %add3A_2632 = arith.addf %add3A_2565, %mul3A_2631 : vector<16xf32>
        %mul3A_2633 = arith.mulf %mul3A_2616, %get3A_2581 : vector<16xf32>
        %add3A_2634 = arith.addf %add3A_2567, %mul3A_2633 : vector<16xf32>
        %mul3A_2635 = arith.mulf %mul3A_2617, %get3A_2576 : vector<16xf32>
        %add3A_2636 = arith.addf %add3A_2569, %mul3A_2635 : vector<16xf32>
        %mul3A_2637 = arith.mulf %mul3A_2618, %get3A_2581 : vector<16xf32>
        %add3A_2638 = arith.addf %add3A_2571, %mul3A_2637 : vector<16xf32>
        %get3A_2639 = arith.constant 17 : i32
        %get3A_2640 = arith.index_cast %get3A_2639 : i32 to index
        %get3A_2641 = arith.constant 0 : index
        %get3A_2642 = tpu.vector_load %arg13[%get3A_2640, %get3A_2641] {strides = array<i32>} : memref<26x32xf32, #tpu.memory_space<vmem>>, vector<1x16xf32>,
        %get3A_2643 = vector.shape_cast %get3A_2642 : vector<1x16xf32> to vector<16xf32>
        %get3A_2644 = arith.constant 17 : i32
        %get3A_2645 = arith.index_cast %get3A_2644 : i32 to index
        %get3A_2646 = arith.constant 16 : index
        %get3A_2647 = tpu.vector_load %arg13[%get3A_2645, %get3A_2646] {strides = array<i32>} : memref<26x32xf32, #tpu.memory_space<vmem>>, vector<1x16xf32>,
        %get3A_2648 = vector.shape_cast %get3A_2647 : vector<1x16xf32> to vector<16xf32>
        %add3A_2649 = arith.constant 2176 : i32
        %add3A_2650 = arith.addi %add3A_2649, %multiple_of3A_1158 : i32
        %get3A_2651 = arith.index_cast %add3A_2650 : i32 to index
        %get3A_2652 = tpu.vector_load %arg10[%get3A_2651] {strides = array<i32>} : memref<3328xf32, #tpu.memory_space<vmem>>, vector<16xf32>,
        %get3A_2653 = vector.shape_cast %get3A_2652 : vector<16xf32> to vector<16xf32>
        %gather3A_2654 = vector.shape_cast %broadcast_in_dim3A_1499 : vector<16x1xi32> to vector<16xi32>
        %gather3A_2655 = tpu.dynamic_gather %get3A_2653[%gather3A_2654] in [0] : vector<16xf32>, vector<16xi32> -> vector<16xf32>
        %gather3A_2656 = vector.shape_cast %broadcast_in_dim3A_1500 : vector<16x1xi32> to vector<16xi32>
        %gather3A_2657 = tpu.dynamic_gather %get3A_2653[%gather3A_2656] in [0] : vector<16xf32>, vector<16xi32> -> vector<16xf32>
        %get3A_2658 = arith.constant 17 : i32
        %get3A_2659 = arith.index_cast %get3A_2658 : i32 to index
        %get3A_2660 = arith.index_cast %add3A_1496 : i32 to index
        %get3A_2661 = arith.constant 0 : index
        %get3A_2662 = tpu.vector_load %arg11[%get3A_2659, %get3A_2660, %get3A_2661] {strides = array<i32>} : memref<26x128x32xf32, #tpu.memory_space<vmem>>, vector<1x1x16xf32>,
        %get3A_2663 = vector.shape_cast %get3A_2662 : vector<1x1x16xf32> to vector<16xf32>
        %get3A_2664 = arith.constant 17 : i32
        %get3A_2665 = arith.index_cast %get3A_2664 : i32 to index
        %get3A_2666 = arith.index_cast %add3A_1496 : i32 to index
        %get3A_2667 = arith.constant 16 : index
        %get3A_2668 = tpu.vector_load %arg11[%get3A_2665, %get3A_2666, %get3A_2667] {strides = array<i32>} : memref<26x128x32xf32, #tpu.memory_space<vmem>>, vector<1x1x16xf32>,
        %get3A_2669 = vector.shape_cast %get3A_2668 : vector<1x1x16xf32> to vector<16xf32>
        %get3A_2670 = arith.constant 17 : i32
        %get3A_2671 = arith.index_cast %get3A_2670 : i32 to index
        %get3A_2672 = arith.index_cast %add3A_1498 : i32 to index
        %get3A_2673 = arith.constant 0 : index
        %get3A_2674 = tpu.vector_load %arg11[%get3A_2671, %get3A_2672, %get3A_2673] {strides = array<i32>} : memref<26x128x32xf32, #tpu.memory_space<vmem>>, vector<1x1x16xf32>,
        %get3A_2675 = vector.shape_cast %get3A_2674 : vector<1x1x16xf32> to vector<16xf32>
        %get3A_2676 = arith.constant 17 : i32
        %get3A_2677 = arith.index_cast %get3A_2676 : i32 to index
        %get3A_2678 = arith.index_cast %add3A_1498 : i32 to index
        %get3A_2679 = arith.constant 16 : index
        %get3A_2680 = tpu.vector_load %arg11[%get3A_2677, %get3A_2678, %get3A_2679] {strides = array<i32>} : memref<26x128x32xf32, #tpu.memory_space<vmem>>, vector<1x1x16xf32>,
        %get3A_2681 = vector.shape_cast %get3A_2680 : vector<1x1x16xf32> to vector<16xf32>
        %mul3A_2682 = arith.mulf %get3A_2663, %gather3A_2655 : vector<16xf32>
        %mul3A_2683 = arith.mulf %get3A_2669, %gather3A_2655 : vector<16xf32>
        %mul3A_2684 = arith.mulf %get3A_2675, %gather3A_2657 : vector<16xf32>
        %mul3A_2685 = arith.mulf %get3A_2681, %gather3A_2657 : vector<16xf32>
        %add3A_2686 = arith.addf %add3A_2619, %mul3A_2682 : vector<16xf32>
        %add3A_2687 = arith.addf %add3A_2620, %mul3A_2683 : vector<16xf32>
        %add3A_2688 = arith.addf %add3A_2621, %mul3A_2684 : vector<16xf32>
        %add3A_2689 = arith.addf %add3A_2622, %mul3A_2685 : vector<16xf32>
        %mul3A_2690 = arith.mulf %mul3A_2682, %mul3A_2682 : vector<16xf32>
        %add3A_2691 = arith.addf %add3A_2624, %mul3A_2690 : vector<16xf32>
        %mul3A_2692 = arith.mulf %mul3A_2683, %mul3A_2683 : vector<16xf32>
        %add3A_2693 = arith.addf %add3A_2626, %mul3A_2692 : vector<16xf32>
        %mul3A_2694 = arith.mulf %mul3A_2684, %mul3A_2684 : vector<16xf32>
        %add3A_2695 = arith.addf %add3A_2628, %mul3A_2694 : vector<16xf32>
        %mul3A_2696 = arith.mulf %mul3A_2685, %mul3A_2685 : vector<16xf32>
        %add3A_2697 = arith.addf %add3A_2630, %mul3A_2696 : vector<16xf32>
        %mul3A_2698 = arith.mulf %mul3A_2682, %get3A_2643 : vector<16xf32>
        %add3A_2699 = arith.addf %add3A_2632, %mul3A_2698 : vector<16xf32>
        %mul3A_2700 = arith.mulf %mul3A_2683, %get3A_2648 : vector<16xf32>
        %add3A_2701 = arith.addf %add3A_2634, %mul3A_2700 : vector<16xf32>
        %mul3A_2702 = arith.mulf %mul3A_2684, %get3A_2643 : vector<16xf32>
        %add3A_2703 = arith.addf %add3A_2636, %mul3A_2702 : vector<16xf32>
        %mul3A_2704 = arith.mulf %mul3A_2685, %get3A_2648 : vector<16xf32>
        %add3A_2705 = arith.addf %add3A_2638, %mul3A_2704 : vector<16xf32>
        %get3A_2706 = arith.constant 18 : i32
        %get3A_2707 = arith.index_cast %get3A_2706 : i32 to index
        %get3A_2708 = arith.constant 0 : index
        %get3A_2709 = tpu.vector_load %arg13[%get3A_2707, %get3A_2708] {strides = array<i32>} : memref<26x32xf32, #tpu.memory_space<vmem>>, vector<1x16xf32>,
        %get3A_2710 = vector.shape_cast %get3A_2709 : vector<1x16xf32> to vector<16xf32>
        %get3A_2711 = arith.constant 18 : i32
        %get3A_2712 = arith.index_cast %get3A_2711 : i32 to index
        %get3A_2713 = arith.constant 16 : index
        %get3A_2714 = tpu.vector_load %arg13[%get3A_2712, %get3A_2713] {strides = array<i32>} : memref<26x32xf32, #tpu.memory_space<vmem>>, vector<1x16xf32>,
        %get3A_2715 = vector.shape_cast %get3A_2714 : vector<1x16xf32> to vector<16xf32>
        %add3A_2716 = arith.constant 2304 : i32
        %add3A_2717 = arith.addi %add3A_2716, %multiple_of3A_1158 : i32
        %get3A_2718 = arith.index_cast %add3A_2717 : i32 to index
        %get3A_2719 = tpu.vector_load %arg10[%get3A_2718] {strides = array<i32>} : memref<3328xf32, #tpu.memory_space<vmem>>, vector<16xf32>,
        %get3A_2720 = vector.shape_cast %get3A_2719 : vector<16xf32> to vector<16xf32>
        %gather3A_2721 = vector.shape_cast %broadcast_in_dim3A_1499 : vector<16x1xi32> to vector<16xi32>
        %gather3A_2722 = tpu.dynamic_gather %get3A_2720[%gather3A_2721] in [0] : vector<16xf32>, vector<16xi32> -> vector<16xf32>
        %gather3A_2723 = vector.shape_cast %broadcast_in_dim3A_1500 : vector<16x1xi32> to vector<16xi32>
        %gather3A_2724 = tpu.dynamic_gather %get3A_2720[%gather3A_2723] in [0] : vector<16xf32>, vector<16xi32> -> vector<16xf32>
        %get3A_2725 = arith.constant 18 : i32
        %get3A_2726 = arith.index_cast %get3A_2725 : i32 to index
        %get3A_2727 = arith.index_cast %add3A_1496 : i32 to index
        %get3A_2728 = arith.constant 0 : index
        %get3A_2729 = tpu.vector_load %arg11[%get3A_2726, %get3A_2727, %get3A_2728] {strides = array<i32>} : memref<26x128x32xf32, #tpu.memory_space<vmem>>, vector<1x1x16xf32>,
        %get3A_2730 = vector.shape_cast %get3A_2729 : vector<1x1x16xf32> to vector<16xf32>
        %get3A_2731 = arith.constant 18 : i32
        %get3A_2732 = arith.index_cast %get3A_2731 : i32 to index
        %get3A_2733 = arith.index_cast %add3A_1496 : i32 to index
        %get3A_2734 = arith.constant 16 : index
        %get3A_2735 = tpu.vector_load %arg11[%get3A_2732, %get3A_2733, %get3A_2734] {strides = array<i32>} : memref<26x128x32xf32, #tpu.memory_space<vmem>>, vector<1x1x16xf32>,
        %get3A_2736 = vector.shape_cast %get3A_2735 : vector<1x1x16xf32> to vector<16xf32>
        %get3A_2737 = arith.constant 18 : i32
        %get3A_2738 = arith.index_cast %get3A_2737 : i32 to index
        %get3A_2739 = arith.index_cast %add3A_1498 : i32 to index
        %get3A_2740 = arith.constant 0 : index
        %get3A_2741 = tpu.vector_load %arg11[%get3A_2738, %get3A_2739, %get3A_2740] {strides = array<i32>} : memref<26x128x32xf32, #tpu.memory_space<vmem>>, vector<1x1x16xf32>,
        %get3A_2742 = vector.shape_cast %get3A_2741 : vector<1x1x16xf32> to vector<16xf32>
        %get3A_2743 = arith.constant 18 : i32
        %get3A_2744 = arith.index_cast %get3A_2743 : i32 to index
        %get3A_2745 = arith.index_cast %add3A_1498 : i32 to index
        %get3A_2746 = arith.constant 16 : index
        %get3A_2747 = tpu.vector_load %arg11[%get3A_2744, %get3A_2745, %get3A_2746] {strides = array<i32>} : memref<26x128x32xf32, #tpu.memory_space<vmem>>, vector<1x1x16xf32>,
        %get3A_2748 = vector.shape_cast %get3A_2747 : vector<1x1x16xf32> to vector<16xf32>
        %mul3A_2749 = arith.mulf %get3A_2730, %gather3A_2722 : vector<16xf32>
        %mul3A_2750 = arith.mulf %get3A_2736, %gather3A_2722 : vector<16xf32>
        %mul3A_2751 = arith.mulf %get3A_2742, %gather3A_2724 : vector<16xf32>
        %mul3A_2752 = arith.mulf %get3A_2748, %gather3A_2724 : vector<16xf32>
        %add3A_2753 = arith.addf %add3A_2686, %mul3A_2749 : vector<16xf32>
        %add3A_2754 = arith.addf %add3A_2687, %mul3A_2750 : vector<16xf32>
        %add3A_2755 = arith.addf %add3A_2688, %mul3A_2751 : vector<16xf32>
        %add3A_2756 = arith.addf %add3A_2689, %mul3A_2752 : vector<16xf32>
        %mul3A_2757 = arith.mulf %mul3A_2749, %mul3A_2749 : vector<16xf32>
        %add3A_2758 = arith.addf %add3A_2691, %mul3A_2757 : vector<16xf32>
        %mul3A_2759 = arith.mulf %mul3A_2750, %mul3A_2750 : vector<16xf32>
        %add3A_2760 = arith.addf %add3A_2693, %mul3A_2759 : vector<16xf32>
        %mul3A_2761 = arith.mulf %mul3A_2751, %mul3A_2751 : vector<16xf32>
        %add3A_2762 = arith.addf %add3A_2695, %mul3A_2761 : vector<16xf32>
        %mul3A_2763 = arith.mulf %mul3A_2752, %mul3A_2752 : vector<16xf32>
        %add3A_2764 = arith.addf %add3A_2697, %mul3A_2763 : vector<16xf32>
        %mul3A_2765 = arith.mulf %mul3A_2749, %get3A_2710 : vector<16xf32>
        %add3A_2766 = arith.addf %add3A_2699, %mul3A_2765 : vector<16xf32>
        %mul3A_2767 = arith.mulf %mul3A_2750, %get3A_2715 : vector<16xf32>
        %add3A_2768 = arith.addf %add3A_2701, %mul3A_2767 : vector<16xf32>
        %mul3A_2769 = arith.mulf %mul3A_2751, %get3A_2710 : vector<16xf32>
        %add3A_2770 = arith.addf %add3A_2703, %mul3A_2769 : vector<16xf32>
        %mul3A_2771 = arith.mulf %mul3A_2752, %get3A_2715 : vector<16xf32>
        %add3A_2772 = arith.addf %add3A_2705, %mul3A_2771 : vector<16xf32>
        %get3A_2773 = arith.constant 19 : i32
        %get3A_2774 = arith.index_cast %get3A_2773 : i32 to index
        %get3A_2775 = arith.constant 0 : index
        %get3A_2776 = tpu.vector_load %arg13[%get3A_2774, %get3A_2775] {strides = array<i32>} : memref<26x32xf32, #tpu.memory_space<vmem>>, vector<1x16xf32>,
        %get3A_2777 = vector.shape_cast %get3A_2776 : vector<1x16xf32> to vector<16xf32>
        %get3A_2778 = arith.constant 19 : i32
        %get3A_2779 = arith.index_cast %get3A_2778 : i32 to index
        %get3A_2780 = arith.constant 16 : index
        %get3A_2781 = tpu.vector_load %arg13[%get3A_2779, %get3A_2780] {strides = array<i32>} : memref<26x32xf32, #tpu.memory_space<vmem>>, vector<1x16xf32>,
        %get3A_2782 = vector.shape_cast %get3A_2781 : vector<1x16xf32> to vector<16xf32>
        %add3A_2783 = arith.constant 2432 : i32
        %add3A_2784 = arith.addi %add3A_2783, %multiple_of3A_1158 : i32
        %get3A_2785 = arith.index_cast %add3A_2784 : i32 to index
        %get3A_2786 = tpu.vector_load %arg10[%get3A_2785] {strides = array<i32>} : memref<3328xf32, #tpu.memory_space<vmem>>, vector<16xf32>,
        %get3A_2787 = vector.shape_cast %get3A_2786 : vector<16xf32> to vector<16xf32>
        %gather3A_2788 = vector.shape_cast %broadcast_in_dim3A_1499 : vector<16x1xi32> to vector<16xi32>
        %gather3A_2789 = tpu.dynamic_gather %get3A_2787[%gather3A_2788] in [0] : vector<16xf32>, vector<16xi32> -> vector<16xf32>
        %gather3A_2790 = vector.shape_cast %broadcast_in_dim3A_1500 : vector<16x1xi32> to vector<16xi32>
        %gather3A_2791 = tpu.dynamic_gather %get3A_2787[%gather3A_2790] in [0] : vector<16xf32>, vector<16xi32> -> vector<16xf32>
        %get3A_2792 = arith.constant 19 : i32
        %get3A_2793 = arith.index_cast %get3A_2792 : i32 to index
        %get3A_2794 = arith.index_cast %add3A_1496 : i32 to index
        %get3A_2795 = arith.constant 0 : index
        %get3A_2796 = tpu.vector_load %arg11[%get3A_2793, %get3A_2794, %get3A_2795] {strides = array<i32>} : memref<26x128x32xf32, #tpu.memory_space<vmem>>, vector<1x1x16xf32>,
        %get3A_2797 = vector.shape_cast %get3A_2796 : vector<1x1x16xf32> to vector<16xf32>
        %get3A_2798 = arith.constant 19 : i32
        %get3A_2799 = arith.index_cast %get3A_2798 : i32 to index
        %get3A_2800 = arith.index_cast %add3A_1496 : i32 to index
        %get3A_2801 = arith.constant 16 : index
        %get3A_2802 = tpu.vector_load %arg11[%get3A_2799, %get3A_2800, %get3A_2801] {strides = array<i32>} : memref<26x128x32xf32, #tpu.memory_space<vmem>>, vector<1x1x16xf32>,
        %get3A_2803 = vector.shape_cast %get3A_2802 : vector<1x1x16xf32> to vector<16xf32>
        %get3A_2804 = arith.constant 19 : i32
        %get3A_2805 = arith.index_cast %get3A_2804 : i32 to index
        %get3A_2806 = arith.index_cast %add3A_1498 : i32 to index
        %get3A_2807 = arith.constant 0 : index
        %get3A_2808 = tpu.vector_load %arg11[%get3A_2805, %get3A_2806, %get3A_2807] {strides = array<i32>} : memref<26x128x32xf32, #tpu.memory_space<vmem>>, vector<1x1x16xf32>,
        %get3A_2809 = vector.shape_cast %get3A_2808 : vector<1x1x16xf32> to vector<16xf32>
        %get3A_2810 = arith.constant 19 : i32
        %get3A_2811 = arith.index_cast %get3A_2810 : i32 to index
        %get3A_2812 = arith.index_cast %add3A_1498 : i32 to index
        %get3A_2813 = arith.constant 16 : index
        %get3A_2814 = tpu.vector_load %arg11[%get3A_2811, %get3A_2812, %get3A_2813] {strides = array<i32>} : memref<26x128x32xf32, #tpu.memory_space<vmem>>, vector<1x1x16xf32>,
        %get3A_2815 = vector.shape_cast %get3A_2814 : vector<1x1x16xf32> to vector<16xf32>
        %mul3A_2816 = arith.mulf %get3A_2797, %gather3A_2789 : vector<16xf32>
        %mul3A_2817 = arith.mulf %get3A_2803, %gather3A_2789 : vector<16xf32>
        %mul3A_2818 = arith.mulf %get3A_2809, %gather3A_2791 : vector<16xf32>
        %mul3A_2819 = arith.mulf %get3A_2815, %gather3A_2791 : vector<16xf32>
        %add3A_2820 = arith.addf %add3A_2753, %mul3A_2816 : vector<16xf32>
        %add3A_2821 = arith.addf %add3A_2754, %mul3A_2817 : vector<16xf32>
        %add3A_2822 = arith.addf %add3A_2755, %mul3A_2818 : vector<16xf32>
        %add3A_2823 = arith.addf %add3A_2756, %mul3A_2819 : vector<16xf32>
        %mul3A_2824 = arith.mulf %mul3A_2816, %mul3A_2816 : vector<16xf32>
        %add3A_2825 = arith.addf %add3A_2758, %mul3A_2824 : vector<16xf32>
        %mul3A_2826 = arith.mulf %mul3A_2817, %mul3A_2817 : vector<16xf32>
        %add3A_2827 = arith.addf %add3A_2760, %mul3A_2826 : vector<16xf32>
        %mul3A_2828 = arith.mulf %mul3A_2818, %mul3A_2818 : vector<16xf32>
        %add3A_2829 = arith.addf %add3A_2762, %mul3A_2828 : vector<16xf32>
        %mul3A_2830 = arith.mulf %mul3A_2819, %mul3A_2819 : vector<16xf32>
        %add3A_2831 = arith.addf %add3A_2764, %mul3A_2830 : vector<16xf32>
        %mul3A_2832 = arith.mulf %mul3A_2816, %get3A_2777 : vector<16xf32>
        %add3A_2833 = arith.addf %add3A_2766, %mul3A_2832 : vector<16xf32>
        %mul3A_2834 = arith.mulf %mul3A_2817, %get3A_2782 : vector<16xf32>
        %add3A_2835 = arith.addf %add3A_2768, %mul3A_2834 : vector<16xf32>
        %mul3A_2836 = arith.mulf %mul3A_2818, %get3A_2777 : vector<16xf32>
        %add3A_2837 = arith.addf %add3A_2770, %mul3A_2836 : vector<16xf32>
        %mul3A_2838 = arith.mulf %mul3A_2819, %get3A_2782 : vector<16xf32>
        %add3A_2839 = arith.addf %add3A_2772, %mul3A_2838 : vector<16xf32>
        %get3A_2840 = arith.constant 20 : i32
        %get3A_2841 = arith.index_cast %get3A_2840 : i32 to index
        %get3A_2842 = arith.constant 0 : index
        %get3A_2843 = tpu.vector_load %arg13[%get3A_2841, %get3A_2842] {strides = array<i32>} : memref<26x32xf32, #tpu.memory_space<vmem>>, vector<1x16xf32>,
        %get3A_2844 = vector.shape_cast %get3A_2843 : vector<1x16xf32> to vector<16xf32>
        %get3A_2845 = arith.constant 20 : i32
        %get3A_2846 = arith.index_cast %get3A_2845 : i32 to index
        %get3A_2847 = arith.constant 16 : index
        %get3A_2848 = tpu.vector_load %arg13[%get3A_2846, %get3A_2847] {strides = array<i32>} : memref<26x32xf32, #tpu.memory_space<vmem>>, vector<1x16xf32>,
        %get3A_2849 = vector.shape_cast %get3A_2848 : vector<1x16xf32> to vector<16xf32>
        %add3A_2850 = arith.constant 2560 : i32
        %add3A_2851 = arith.addi %add3A_2850, %multiple_of3A_1158 : i32
        %get3A_2852 = arith.index_cast %add3A_2851 : i32 to index
        %get3A_2853 = tpu.vector_load %arg10[%get3A_2852] {strides = array<i32>} : memref<3328xf32, #tpu.memory_space<vmem>>, vector<16xf32>,
        %get3A_2854 = vector.shape_cast %get3A_2853 : vector<16xf32> to vector<16xf32>
        %gather3A_2855 = vector.shape_cast %broadcast_in_dim3A_1499 : vector<16x1xi32> to vector<16xi32>
        %gather3A_2856 = tpu.dynamic_gather %get3A_2854[%gather3A_2855] in [0] : vector<16xf32>, vector<16xi32> -> vector<16xf32>
        %gather3A_2857 = vector.shape_cast %broadcast_in_dim3A_1500 : vector<16x1xi32> to vector<16xi32>
        %gather3A_2858 = tpu.dynamic_gather %get3A_2854[%gather3A_2857] in [0] : vector<16xf32>, vector<16xi32> -> vector<16xf32>
        %get3A_2859 = arith.constant 20 : i32
        %get3A_2860 = arith.index_cast %get3A_2859 : i32 to index
        %get3A_2861 = arith.index_cast %add3A_1496 : i32 to index
        %get3A_2862 = arith.constant 0 : index
        %get3A_2863 = tpu.vector_load %arg11[%get3A_2860, %get3A_2861, %get3A_2862] {strides = array<i32>} : memref<26x128x32xf32, #tpu.memory_space<vmem>>, vector<1x1x16xf32>,
        %get3A_2864 = vector.shape_cast %get3A_2863 : vector<1x1x16xf32> to vector<16xf32>
        %get3A_2865 = arith.constant 20 : i32
        %get3A_2866 = arith.index_cast %get3A_2865 : i32 to index
        %get3A_2867 = arith.index_cast %add3A_1496 : i32 to index
        %get3A_2868 = arith.constant 16 : index
        %get3A_2869 = tpu.vector_load %arg11[%get3A_2866, %get3A_2867, %get3A_2868] {strides = array<i32>} : memref<26x128x32xf32, #tpu.memory_space<vmem>>, vector<1x1x16xf32>,
        %get3A_2870 = vector.shape_cast %get3A_2869 : vector<1x1x16xf32> to vector<16xf32>
        %get3A_2871 = arith.constant 20 : i32
        %get3A_2872 = arith.index_cast %get3A_2871 : i32 to index
        %get3A_2873 = arith.index_cast %add3A_1498 : i32 to index
        %get3A_2874 = arith.constant 0 : index
        %get3A_2875 = tpu.vector_load %arg11[%get3A_2872, %get3A_2873, %get3A_2874] {strides = array<i32>} : memref<26x128x32xf32, #tpu.memory_space<vmem>>, vector<1x1x16xf32>,
        %get3A_2876 = vector.shape_cast %get3A_2875 : vector<1x1x16xf32> to vector<16xf32>
        %get3A_2877 = arith.constant 20 : i32
        %get3A_2878 = arith.index_cast %get3A_2877 : i32 to index
        %get3A_2879 = arith.index_cast %add3A_1498 : i32 to index
        %get3A_2880 = arith.constant 16 : index
        %get3A_2881 = tpu.vector_load %arg11[%get3A_2878, %get3A_2879, %get3A_2880] {strides = array<i32>} : memref<26x128x32xf32, #tpu.memory_space<vmem>>, vector<1x1x16xf32>,
        %get3A_2882 = vector.shape_cast %get3A_2881 : vector<1x1x16xf32> to vector<16xf32>
        %mul3A_2883 = arith.mulf %get3A_2864, %gather3A_2856 : vector<16xf32>
        %mul3A_2884 = arith.mulf %get3A_2870, %gather3A_2856 : vector<16xf32>
        %mul3A_2885 = arith.mulf %get3A_2876, %gather3A_2858 : vector<16xf32>
        %mul3A_2886 = arith.mulf %get3A_2882, %gather3A_2858 : vector<16xf32>
        %add3A_2887 = arith.addf %add3A_2820, %mul3A_2883 : vector<16xf32>
        %add3A_2888 = arith.addf %add3A_2821, %mul3A_2884 : vector<16xf32>
        %add3A_2889 = arith.addf %add3A_2822, %mul3A_2885 : vector<16xf32>
        %add3A_2890 = arith.addf %add3A_2823, %mul3A_2886 : vector<16xf32>
        %mul3A_2891 = arith.mulf %mul3A_2883, %mul3A_2883 : vector<16xf32>
        %add3A_2892 = arith.addf %add3A_2825, %mul3A_2891 : vector<16xf32>
        %mul3A_2893 = arith.mulf %mul3A_2884, %mul3A_2884 : vector<16xf32>
        %add3A_2894 = arith.addf %add3A_2827, %mul3A_2893 : vector<16xf32>
        %mul3A_2895 = arith.mulf %mul3A_2885, %mul3A_2885 : vector<16xf32>
        %add3A_2896 = arith.addf %add3A_2829, %mul3A_2895 : vector<16xf32>
        %mul3A_2897 = arith.mulf %mul3A_2886, %mul3A_2886 : vector<16xf32>
        %add3A_2898 = arith.addf %add3A_2831, %mul3A_2897 : vector<16xf32>
        %mul3A_2899 = arith.mulf %mul3A_2883, %get3A_2844 : vector<16xf32>
        %add3A_2900 = arith.addf %add3A_2833, %mul3A_2899 : vector<16xf32>
        %mul3A_2901 = arith.mulf %mul3A_2884, %get3A_2849 : vector<16xf32>
        %add3A_2902 = arith.addf %add3A_2835, %mul3A_2901 : vector<16xf32>
        %mul3A_2903 = arith.mulf %mul3A_2885, %get3A_2844 : vector<16xf32>
        %add3A_2904 = arith.addf %add3A_2837, %mul3A_2903 : vector<16xf32>
        %mul3A_2905 = arith.mulf %mul3A_2886, %get3A_2849 : vector<16xf32>
        %add3A_2906 = arith.addf %add3A_2839, %mul3A_2905 : vector<16xf32>
        %get3A_2907 = arith.constant 21 : i32
        %get3A_2908 = arith.index_cast %get3A_2907 : i32 to index
        %get3A_2909 = arith.constant 0 : index
        %get3A_2910 = tpu.vector_load %arg13[%get3A_2908, %get3A_2909] {strides = array<i32>} : memref<26x32xf32, #tpu.memory_space<vmem>>, vector<1x16xf32>,
        %get3A_2911 = vector.shape_cast %get3A_2910 : vector<1x16xf32> to vector<16xf32>
        %get3A_2912 = arith.constant 21 : i32
        %get3A_2913 = arith.index_cast %get3A_2912 : i32 to index
        %get3A_2914 = arith.constant 16 : index
        %get3A_2915 = tpu.vector_load %arg13[%get3A_2913, %get3A_2914] {strides = array<i32>} : memref<26x32xf32, #tpu.memory_space<vmem>>, vector<1x16xf32>,
        %get3A_2916 = vector.shape_cast %get3A_2915 : vector<1x16xf32> to vector<16xf32>
        %add3A_2917 = arith.constant 2688 : i32
        %add3A_2918 = arith.addi %add3A_2917, %multiple_of3A_1158 : i32
        %get3A_2919 = arith.index_cast %add3A_2918 : i32 to index
        %get3A_2920 = tpu.vector_load %arg10[%get3A_2919] {strides = array<i32>} : memref<3328xf32, #tpu.memory_space<vmem>>, vector<16xf32>,
        %get3A_2921 = vector.shape_cast %get3A_2920 : vector<16xf32> to vector<16xf32>
        %gather3A_2922 = vector.shape_cast %broadcast_in_dim3A_1499 : vector<16x1xi32> to vector<16xi32>
        %gather3A_2923 = tpu.dynamic_gather %get3A_2921[%gather3A_2922] in [0] : vector<16xf32>, vector<16xi32> -> vector<16xf32>
        %gather3A_2924 = vector.shape_cast %broadcast_in_dim3A_1500 : vector<16x1xi32> to vector<16xi32>
        %gather3A_2925 = tpu.dynamic_gather %get3A_2921[%gather3A_2924] in [0] : vector<16xf32>, vector<16xi32> -> vector<16xf32>
        %get3A_2926 = arith.constant 21 : i32
        %get3A_2927 = arith.index_cast %get3A_2926 : i32 to index
        %get3A_2928 = arith.index_cast %add3A_1496 : i32 to index
        %get3A_2929 = arith.constant 0 : index
        %get3A_2930 = tpu.vector_load %arg11[%get3A_2927, %get3A_2928, %get3A_2929] {strides = array<i32>} : memref<26x128x32xf32, #tpu.memory_space<vmem>>, vector<1x1x16xf32>,
        %get3A_2931 = vector.shape_cast %get3A_2930 : vector<1x1x16xf32> to vector<16xf32>
        %get3A_2932 = arith.constant 21 : i32
        %get3A_2933 = arith.index_cast %get3A_2932 : i32 to index
        %get3A_2934 = arith.index_cast %add3A_1496 : i32 to index
        %get3A_2935 = arith.constant 16 : index
        %get3A_2936 = tpu.vector_load %arg11[%get3A_2933, %get3A_2934, %get3A_2935] {strides = array<i32>} : memref<26x128x32xf32, #tpu.memory_space<vmem>>, vector<1x1x16xf32>,
        %get3A_2937 = vector.shape_cast %get3A_2936 : vector<1x1x16xf32> to vector<16xf32>
        %get3A_2938 = arith.constant 21 : i32
        %get3A_2939 = arith.index_cast %get3A_2938 : i32 to index
        %get3A_2940 = arith.index_cast %add3A_1498 : i32 to index
        %get3A_2941 = arith.constant 0 : index
        %get3A_2942 = tpu.vector_load %arg11[%get3A_2939, %get3A_2940, %get3A_2941] {strides = array<i32>} : memref<26x128x32xf32, #tpu.memory_space<vmem>>, vector<1x1x16xf32>,
        %get3A_2943 = vector.shape_cast %get3A_2942 : vector<1x1x16xf32> to vector<16xf32>
        %get3A_2944 = arith.constant 21 : i32
        %get3A_2945 = arith.index_cast %get3A_2944 : i32 to index
        %get3A_2946 = arith.index_cast %add3A_1498 : i32 to index
        %get3A_2947 = arith.constant 16 : index
        %get3A_2948 = tpu.vector_load %arg11[%get3A_2945, %get3A_2946, %get3A_2947] {strides = array<i32>} : memref<26x128x32xf32, #tpu.memory_space<vmem>>, vector<1x1x16xf32>,
        %get3A_2949 = vector.shape_cast %get3A_2948 : vector<1x1x16xf32> to vector<16xf32>
        %mul3A_2950 = arith.mulf %get3A_2931, %gather3A_2923 : vector<16xf32>
        %mul3A_2951 = arith.mulf %get3A_2937, %gather3A_2923 : vector<16xf32>
        %mul3A_2952 = arith.mulf %get3A_2943, %gather3A_2925 : vector<16xf32>
        %mul3A_2953 = arith.mulf %get3A_2949, %gather3A_2925 : vector<16xf32>
        %add3A_2954 = arith.addf %add3A_2887, %mul3A_2950 : vector<16xf32>
        %add3A_2955 = arith.addf %add3A_2888, %mul3A_2951 : vector<16xf32>
        %add3A_2956 = arith.addf %add3A_2889, %mul3A_2952 : vector<16xf32>
        %add3A_2957 = arith.addf %add3A_2890, %mul3A_2953 : vector<16xf32>
        %mul3A_2958 = arith.mulf %mul3A_2950, %mul3A_2950 : vector<16xf32>
        %add3A_2959 = arith.addf %add3A_2892, %mul3A_2958 : vector<16xf32>
        %mul3A_2960 = arith.mulf %mul3A_2951, %mul3A_2951 : vector<16xf32>
        %add3A_2961 = arith.addf %add3A_2894, %mul3A_2960 : vector<16xf32>
        %mul3A_2962 = arith.mulf %mul3A_2952, %mul3A_2952 : vector<16xf32>
        %add3A_2963 = arith.addf %add3A_2896, %mul3A_2962 : vector<16xf32>
        %mul3A_2964 = arith.mulf %mul3A_2953, %mul3A_2953 : vector<16xf32>
        %add3A_2965 = arith.addf %add3A_2898, %mul3A_2964 : vector<16xf32>
        %mul3A_2966 = arith.mulf %mul3A_2950, %get3A_2911 : vector<16xf32>
        %add3A_2967 = arith.addf %add3A_2900, %mul3A_2966 : vector<16xf32>
        %mul3A_2968 = arith.mulf %mul3A_2951, %get3A_2916 : vector<16xf32>
        %add3A_2969 = arith.addf %add3A_2902, %mul3A_2968 : vector<16xf32>
        %mul3A_2970 = arith.mulf %mul3A_2952, %get3A_2911 : vector<16xf32>
        %add3A_2971 = arith.addf %add3A_2904, %mul3A_2970 : vector<16xf32>
        %mul3A_2972 = arith.mulf %mul3A_2953, %get3A_2916 : vector<16xf32>
        %add3A_2973 = arith.addf %add3A_2906, %mul3A_2972 : vector<16xf32>
        %get3A_2974 = arith.constant 22 : i32
        %get3A_2975 = arith.index_cast %get3A_2974 : i32 to index
        %get3A_2976 = arith.constant 0 : index
        %get3A_2977 = tpu.vector_load %arg13[%get3A_2975, %get3A_2976] {strides = array<i32>} : memref<26x32xf32, #tpu.memory_space<vmem>>, vector<1x16xf32>,
        %get3A_2978 = vector.shape_cast %get3A_2977 : vector<1x16xf32> to vector<16xf32>
        %get3A_2979 = arith.constant 22 : i32
        %get3A_2980 = arith.index_cast %get3A_2979 : i32 to index
        %get3A_2981 = arith.constant 16 : index
        %get3A_2982 = tpu.vector_load %arg13[%get3A_2980, %get3A_2981] {strides = array<i32>} : memref<26x32xf32, #tpu.memory_space<vmem>>, vector<1x16xf32>,
        %get3A_2983 = vector.shape_cast %get3A_2982 : vector<1x16xf32> to vector<16xf32>
        %add3A_2984 = arith.constant 2816 : i32
        %add3A_2985 = arith.addi %add3A_2984, %multiple_of3A_1158 : i32
        %get3A_2986 = arith.index_cast %add3A_2985 : i32 to index
        %get3A_2987 = tpu.vector_load %arg10[%get3A_2986] {strides = array<i32>} : memref<3328xf32, #tpu.memory_space<vmem>>, vector<16xf32>,
        %get3A_2988 = vector.shape_cast %get3A_2987 : vector<16xf32> to vector<16xf32>
        %gather3A_2989 = vector.shape_cast %broadcast_in_dim3A_1499 : vector<16x1xi32> to vector<16xi32>
        %gather3A_2990 = tpu.dynamic_gather %get3A_2988[%gather3A_2989] in [0] : vector<16xf32>, vector<16xi32> -> vector<16xf32>
        %gather3A_2991 = vector.shape_cast %broadcast_in_dim3A_1500 : vector<16x1xi32> to vector<16xi32>
        %gather3A_2992 = tpu.dynamic_gather %get3A_2988[%gather3A_2991] in [0] : vector<16xf32>, vector<16xi32> -> vector<16xf32>
        %get3A_2993 = arith.constant 22 : i32
        %get3A_2994 = arith.index_cast %get3A_2993 : i32 to index
        %get3A_2995 = arith.index_cast %add3A_1496 : i32 to index
        %get3A_2996 = arith.constant 0 : index
        %get3A_2997 = tpu.vector_load %arg11[%get3A_2994, %get3A_2995, %get3A_2996] {strides = array<i32>} : memref<26x128x32xf32, #tpu.memory_space<vmem>>, vector<1x1x16xf32>,
        %get3A_2998 = vector.shape_cast %get3A_2997 : vector<1x1x16xf32> to vector<16xf32>
        %get3A_2999 = arith.constant 22 : i32
        %get3A_3000 = arith.index_cast %get3A_2999 : i32 to index
        %get3A_3001 = arith.index_cast %add3A_1496 : i32 to index
        %get3A_3002 = arith.constant 16 : index
        %get3A_3003 = tpu.vector_load %arg11[%get3A_3000, %get3A_3001, %get3A_3002] {strides = array<i32>} : memref<26x128x32xf32, #tpu.memory_space<vmem>>, vector<1x1x16xf32>,
        %get3A_3004 = vector.shape_cast %get3A_3003 : vector<1x1x16xf32> to vector<16xf32>
        %get3A_3005 = arith.constant 22 : i32
        %get3A_3006 = arith.index_cast %get3A_3005 : i32 to index
        %get3A_3007 = arith.index_cast %add3A_1498 : i32 to index
        %get3A_3008 = arith.constant 0 : index
        %get3A_3009 = tpu.vector_load %arg11[%get3A_3006, %get3A_3007, %get3A_3008] {strides = array<i32>} : memref<26x128x32xf32, #tpu.memory_space<vmem>>, vector<1x1x16xf32>,
        %get3A_3010 = vector.shape_cast %get3A_3009 : vector<1x1x16xf32> to vector<16xf32>
        %get3A_3011 = arith.constant 22 : i32
        %get3A_3012 = arith.index_cast %get3A_3011 : i32 to index
        %get3A_3013 = arith.index_cast %add3A_1498 : i32 to index
        %get3A_3014 = arith.constant 16 : index
        %get3A_3015 = tpu.vector_load %arg11[%get3A_3012, %get3A_3013, %get3A_3014] {strides = array<i32>} : memref<26x128x32xf32, #tpu.memory_space<vmem>>, vector<1x1x16xf32>,
        %get3A_3016 = vector.shape_cast %get3A_3015 : vector<1x1x16xf32> to vector<16xf32>
        %mul3A_3017 = arith.mulf %get3A_2998, %gather3A_2990 : vector<16xf32>
        %mul3A_3018 = arith.mulf %get3A_3004, %gather3A_2990 : vector<16xf32>
        %mul3A_3019 = arith.mulf %get3A_3010, %gather3A_2992 : vector<16xf32>
        %mul3A_3020 = arith.mulf %get3A_3016, %gather3A_2992 : vector<16xf32>
        %add3A_3021 = arith.addf %add3A_2954, %mul3A_3017 : vector<16xf32>
        %add3A_3022 = arith.addf %add3A_2955, %mul3A_3018 : vector<16xf32>
        %add3A_3023 = arith.addf %add3A_2956, %mul3A_3019 : vector<16xf32>
        %add3A_3024 = arith.addf %add3A_2957, %mul3A_3020 : vector<16xf32>
        %mul3A_3025 = arith.mulf %mul3A_3017, %mul3A_3017 : vector<16xf32>
        %add3A_3026 = arith.addf %add3A_2959, %mul3A_3025 : vector<16xf32>
        %mul3A_3027 = arith.mulf %mul3A_3018, %mul3A_3018 : vector<16xf32>
        %add3A_3028 = arith.addf %add3A_2961, %mul3A_3027 : vector<16xf32>
        %mul3A_3029 = arith.mulf %mul3A_3019, %mul3A_3019 : vector<16xf32>
        %add3A_3030 = arith.addf %add3A_2963, %mul3A_3029 : vector<16xf32>
        %mul3A_3031 = arith.mulf %mul3A_3020, %mul3A_3020 : vector<16xf32>
        %add3A_3032 = arith.addf %add3A_2965, %mul3A_3031 : vector<16xf32>
        %mul3A_3033 = arith.mulf %mul3A_3017, %get3A_2978 : vector<16xf32>
        %add3A_3034 = arith.addf %add3A_2967, %mul3A_3033 : vector<16xf32>
        %mul3A_3035 = arith.mulf %mul3A_3018, %get3A_2983 : vector<16xf32>
        %add3A_3036 = arith.addf %add3A_2969, %mul3A_3035 : vector<16xf32>
        %mul3A_3037 = arith.mulf %mul3A_3019, %get3A_2978 : vector<16xf32>
        %add3A_3038 = arith.addf %add3A_2971, %mul3A_3037 : vector<16xf32>
        %mul3A_3039 = arith.mulf %mul3A_3020, %get3A_2983 : vector<16xf32>
        %add3A_3040 = arith.addf %add3A_2973, %mul3A_3039 : vector<16xf32>
        %get3A_3041 = arith.constant 23 : i32
        %get3A_3042 = arith.index_cast %get3A_3041 : i32 to index
        %get3A_3043 = arith.constant 0 : index
        %get3A_3044 = tpu.vector_load %arg13[%get3A_3042, %get3A_3043] {strides = array<i32>} : memref<26x32xf32, #tpu.memory_space<vmem>>, vector<1x16xf32>,
        %get3A_3045 = vector.shape_cast %get3A_3044 : vector<1x16xf32> to vector<16xf32>
        %get3A_3046 = arith.constant 23 : i32
        %get3A_3047 = arith.index_cast %get3A_3046 : i32 to index
        %get3A_3048 = arith.constant 16 : index
        %get3A_3049 = tpu.vector_load %arg13[%get3A_3047, %get3A_3048] {strides = array<i32>} : memref<26x32xf32, #tpu.memory_space<vmem>>, vector<1x16xf32>,
        %get3A_3050 = vector.shape_cast %get3A_3049 : vector<1x16xf32> to vector<16xf32>
        %add3A_3051 = arith.constant 2944 : i32
        %add3A_3052 = arith.addi %add3A_3051, %multiple_of3A_1158 : i32
        %get3A_3053 = arith.index_cast %add3A_3052 : i32 to index
        %get3A_3054 = tpu.vector_load %arg10[%get3A_3053] {strides = array<i32>} : memref<3328xf32, #tpu.memory_space<vmem>>, vector<16xf32>,
        %get3A_3055 = vector.shape_cast %get3A_3054 : vector<16xf32> to vector<16xf32>
        %gather3A_3056 = vector.shape_cast %broadcast_in_dim3A_1499 : vector<16x1xi32> to vector<16xi32>
        %gather3A_3057 = tpu.dynamic_gather %get3A_3055[%gather3A_3056] in [0] : vector<16xf32>, vector<16xi32> -> vector<16xf32>
        %gather3A_3058 = vector.shape_cast %broadcast_in_dim3A_1500 : vector<16x1xi32> to vector<16xi32>
        %gather3A_3059 = tpu.dynamic_gather %get3A_3055[%gather3A_3058] in [0] : vector<16xf32>, vector<16xi32> -> vector<16xf32>
        %get3A_3060 = arith.constant 23 : i32
        %get3A_3061 = arith.index_cast %get3A_3060 : i32 to index
        %get3A_3062 = arith.index_cast %add3A_1496 : i32 to index
        %get3A_3063 = arith.constant 0 : index
        %get3A_3064 = tpu.vector_load %arg11[%get3A_3061, %get3A_3062, %get3A_3063] {strides = array<i32>} : memref<26x128x32xf32, #tpu.memory_space<vmem>>, vector<1x1x16xf32>,
        %get3A_3065 = vector.shape_cast %get3A_3064 : vector<1x1x16xf32> to vector<16xf32>
        %get3A_3066 = arith.constant 23 : i32
        %get3A_3067 = arith.index_cast %get3A_3066 : i32 to index
        %get3A_3068 = arith.index_cast %add3A_1496 : i32 to index
        %get3A_3069 = arith.constant 16 : index
        %get3A_3070 = tpu.vector_load %arg11[%get3A_3067, %get3A_3068, %get3A_3069] {strides = array<i32>} : memref<26x128x32xf32, #tpu.memory_space<vmem>>, vector<1x1x16xf32>,
        %get3A_3071 = vector.shape_cast %get3A_3070 : vector<1x1x16xf32> to vector<16xf32>
        %get3A_3072 = arith.constant 23 : i32
        %get3A_3073 = arith.index_cast %get3A_3072 : i32 to index
        %get3A_3074 = arith.index_cast %add3A_1498 : i32 to index
        %get3A_3075 = arith.constant 0 : index
        %get3A_3076 = tpu.vector_load %arg11[%get3A_3073, %get3A_3074, %get3A_3075] {strides = array<i32>} : memref<26x128x32xf32, #tpu.memory_space<vmem>>, vector<1x1x16xf32>,
        %get3A_3077 = vector.shape_cast %get3A_3076 : vector<1x1x16xf32> to vector<16xf32>
        %get3A_3078 = arith.constant 23 : i32
        %get3A_3079 = arith.index_cast %get3A_3078 : i32 to index
        %get3A_3080 = arith.index_cast %add3A_1498 : i32 to index
        %get3A_3081 = arith.constant 16 : index
        %get3A_3082 = tpu.vector_load %arg11[%get3A_3079, %get3A_3080, %get3A_3081] {strides = array<i32>} : memref<26x128x32xf32, #tpu.memory_space<vmem>>, vector<1x1x16xf32>,
        %get3A_3083 = vector.shape_cast %get3A_3082 : vector<1x1x16xf32> to vector<16xf32>
        %mul3A_3084 = arith.mulf %get3A_3065, %gather3A_3057 : vector<16xf32>
        %mul3A_3085 = arith.mulf %get3A_3071, %gather3A_3057 : vector<16xf32>
        %mul3A_3086 = arith.mulf %get3A_3077, %gather3A_3059 : vector<16xf32>
        %mul3A_3087 = arith.mulf %get3A_3083, %gather3A_3059 : vector<16xf32>
        %add3A_3088 = arith.addf %add3A_3021, %mul3A_3084 : vector<16xf32>
        %add3A_3089 = arith.addf %add3A_3022, %mul3A_3085 : vector<16xf32>
        %add3A_3090 = arith.addf %add3A_3023, %mul3A_3086 : vector<16xf32>
        %add3A_3091 = arith.addf %add3A_3024, %mul3A_3087 : vector<16xf32>
        %mul3A_3092 = arith.mulf %mul3A_3084, %mul3A_3084 : vector<16xf32>
        %add3A_3093 = arith.addf %add3A_3026, %mul3A_3092 : vector<16xf32>
        %mul3A_3094 = arith.mulf %mul3A_3085, %mul3A_3085 : vector<16xf32>
        %add3A_3095 = arith.addf %add3A_3028, %mul3A_3094 : vector<16xf32>
        %mul3A_3096 = arith.mulf %mul3A_3086, %mul3A_3086 : vector<16xf32>
        %add3A_3097 = arith.addf %add3A_3030, %mul3A_3096 : vector<16xf32>
        %mul3A_3098 = arith.mulf %mul3A_3087, %mul3A_3087 : vector<16xf32>
        %add3A_3099 = arith.addf %add3A_3032, %mul3A_3098 : vector<16xf32>
        %mul3A_3100 = arith.mulf %mul3A_3084, %get3A_3045 : vector<16xf32>
        %add3A_3101 = arith.addf %add3A_3034, %mul3A_3100 : vector<16xf32>
        %mul3A_3102 = arith.mulf %mul3A_3085, %get3A_3050 : vector<16xf32>
        %add3A_3103 = arith.addf %add3A_3036, %mul3A_3102 : vector<16xf32>
        %mul3A_3104 = arith.mulf %mul3A_3086, %get3A_3045 : vector<16xf32>
        %add3A_3105 = arith.addf %add3A_3038, %mul3A_3104 : vector<16xf32>
        %mul3A_3106 = arith.mulf %mul3A_3087, %get3A_3050 : vector<16xf32>
        %add3A_3107 = arith.addf %add3A_3040, %mul3A_3106 : vector<16xf32>
        %get3A_3108 = arith.constant 24 : i32
        %get3A_3109 = arith.index_cast %get3A_3108 : i32 to index
        %get3A_3110 = arith.constant 0 : index
        %get3A_3111 = tpu.vector_load %arg13[%get3A_3109, %get3A_3110] {strides = array<i32>} : memref<26x32xf32, #tpu.memory_space<vmem>>, vector<1x16xf32>,
        %get3A_3112 = vector.shape_cast %get3A_3111 : vector<1x16xf32> to vector<16xf32>
        %get3A_3113 = arith.constant 24 : i32
        %get3A_3114 = arith.index_cast %get3A_3113 : i32 to index
        %get3A_3115 = arith.constant 16 : index
        %get3A_3116 = tpu.vector_load %arg13[%get3A_3114, %get3A_3115] {strides = array<i32>} : memref<26x32xf32, #tpu.memory_space<vmem>>, vector<1x16xf32>,
        %get3A_3117 = vector.shape_cast %get3A_3116 : vector<1x16xf32> to vector<16xf32>
        %add3A_3118 = arith.constant 3072 : i32
        %add3A_3119 = arith.addi %add3A_3118, %multiple_of3A_1158 : i32
        %get3A_3120 = arith.index_cast %add3A_3119 : i32 to index
        %get3A_3121 = tpu.vector_load %arg10[%get3A_3120] {strides = array<i32>} : memref<3328xf32, #tpu.memory_space<vmem>>, vector<16xf32>,
        %get3A_3122 = vector.shape_cast %get3A_3121 : vector<16xf32> to vector<16xf32>
        %gather3A_3123 = vector.shape_cast %broadcast_in_dim3A_1499 : vector<16x1xi32> to vector<16xi32>
        %gather3A_3124 = tpu.dynamic_gather %get3A_3122[%gather3A_3123] in [0] : vector<16xf32>, vector<16xi32> -> vector<16xf32>
        %gather3A_3125 = vector.shape_cast %broadcast_in_dim3A_1500 : vector<16x1xi32> to vector<16xi32>
        %gather3A_3126 = tpu.dynamic_gather %get3A_3122[%gather3A_3125] in [0] : vector<16xf32>, vector<16xi32> -> vector<16xf32>
        %get3A_3127 = arith.constant 24 : i32
        %get3A_3128 = arith.index_cast %get3A_3127 : i32 to index
        %get3A_3129 = arith.index_cast %add3A_1496 : i32 to index
        %get3A_3130 = arith.constant 0 : index
        %get3A_3131 = tpu.vector_load %arg11[%get3A_3128, %get3A_3129, %get3A_3130] {strides = array<i32>} : memref<26x128x32xf32, #tpu.memory_space<vmem>>, vector<1x1x16xf32>,
        %get3A_3132 = vector.shape_cast %get3A_3131 : vector<1x1x16xf32> to vector<16xf32>
        %get3A_3133 = arith.constant 24 : i32
        %get3A_3134 = arith.index_cast %get3A_3133 : i32 to index
        %get3A_3135 = arith.index_cast %add3A_1496 : i32 to index
        %get3A_3136 = arith.constant 16 : index
        %get3A_3137 = tpu.vector_load %arg11[%get3A_3134, %get3A_3135, %get3A_3136] {strides = array<i32>} : memref<26x128x32xf32, #tpu.memory_space<vmem>>, vector<1x1x16xf32>,
        %get3A_3138 = vector.shape_cast %get3A_3137 : vector<1x1x16xf32> to vector<16xf32>
        %get3A_3139 = arith.constant 24 : i32
        %get3A_3140 = arith.index_cast %get3A_3139 : i32 to index
        %get3A_3141 = arith.index_cast %add3A_1498 : i32 to index
        %get3A_3142 = arith.constant 0 : index
        %get3A_3143 = tpu.vector_load %arg11[%get3A_3140, %get3A_3141, %get3A_3142] {strides = array<i32>} : memref<26x128x32xf32, #tpu.memory_space<vmem>>, vector<1x1x16xf32>,
        %get3A_3144 = vector.shape_cast %get3A_3143 : vector<1x1x16xf32> to vector<16xf32>
        %get3A_3145 = arith.constant 24 : i32
        %get3A_3146 = arith.index_cast %get3A_3145 : i32 to index
        %get3A_3147 = arith.index_cast %add3A_1498 : i32 to index
        %get3A_3148 = arith.constant 16 : index
        %get3A_3149 = tpu.vector_load %arg11[%get3A_3146, %get3A_3147, %get3A_3148] {strides = array<i32>} : memref<26x128x32xf32, #tpu.memory_space<vmem>>, vector<1x1x16xf32>,
        %get3A_3150 = vector.shape_cast %get3A_3149 : vector<1x1x16xf32> to vector<16xf32>
        %mul3A_3151 = arith.mulf %get3A_3132, %gather3A_3124 : vector<16xf32>
        %mul3A_3152 = arith.mulf %get3A_3138, %gather3A_3124 : vector<16xf32>
        %mul3A_3153 = arith.mulf %get3A_3144, %gather3A_3126 : vector<16xf32>
        %mul3A_3154 = arith.mulf %get3A_3150, %gather3A_3126 : vector<16xf32>
        %add3A_3155 = arith.addf %add3A_3088, %mul3A_3151 : vector<16xf32>
        %add3A_3156 = arith.addf %add3A_3089, %mul3A_3152 : vector<16xf32>
        %add3A_3157 = arith.addf %add3A_3090, %mul3A_3153 : vector<16xf32>
        %add3A_3158 = arith.addf %add3A_3091, %mul3A_3154 : vector<16xf32>
        %mul3A_3159 = arith.mulf %mul3A_3151, %mul3A_3151 : vector<16xf32>
        %add3A_3160 = arith.addf %add3A_3093, %mul3A_3159 : vector<16xf32>
        %mul3A_3161 = arith.mulf %mul3A_3152, %mul3A_3152 : vector<16xf32>
        %add3A_3162 = arith.addf %add3A_3095, %mul3A_3161 : vector<16xf32>
        %mul3A_3163 = arith.mulf %mul3A_3153, %mul3A_3153 : vector<16xf32>
        %add3A_3164 = arith.addf %add3A_3097, %mul3A_3163 : vector<16xf32>
        %mul3A_3165 = arith.mulf %mul3A_3154, %mul3A_3154 : vector<16xf32>
        %add3A_3166 = arith.addf %add3A_3099, %mul3A_3165 : vector<16xf32>
        %mul3A_3167 = arith.mulf %mul3A_3151, %get3A_3112 : vector<16xf32>
        %add3A_3168 = arith.addf %add3A_3101, %mul3A_3167 : vector<16xf32>
        %mul3A_3169 = arith.mulf %mul3A_3152, %get3A_3117 : vector<16xf32>
        %add3A_3170 = arith.addf %add3A_3103, %mul3A_3169 : vector<16xf32>
        %mul3A_3171 = arith.mulf %mul3A_3153, %get3A_3112 : vector<16xf32>
        %add3A_3172 = arith.addf %add3A_3105, %mul3A_3171 : vector<16xf32>
        %mul3A_3173 = arith.mulf %mul3A_3154, %get3A_3117 : vector<16xf32>
        %add3A_3174 = arith.addf %add3A_3107, %mul3A_3173 : vector<16xf32>
        %get3A_3175 = arith.constant 25 : i32
        %get3A_3176 = arith.index_cast %get3A_3175 : i32 to index
        %get3A_3177 = arith.constant 0 : index
        %get3A_3178 = tpu.vector_load %arg13[%get3A_3176, %get3A_3177] {strides = array<i32>} : memref<26x32xf32, #tpu.memory_space<vmem>>, vector<1x16xf32>,
        %get3A_3179 = vector.shape_cast %get3A_3178 : vector<1x16xf32> to vector<16xf32>
        %get3A_3180 = arith.constant 25 : i32
        %get3A_3181 = arith.index_cast %get3A_3180 : i32 to index
        %get3A_3182 = arith.constant 16 : index
        %get3A_3183 = tpu.vector_load %arg13[%get3A_3181, %get3A_3182] {strides = array<i32>} : memref<26x32xf32, #tpu.memory_space<vmem>>, vector<1x16xf32>,
        %get3A_3184 = vector.shape_cast %get3A_3183 : vector<1x16xf32> to vector<16xf32>
        %add3A_3185 = arith.constant 3200 : i32
        %add3A_3186 = arith.addi %add3A_3185, %multiple_of3A_1158 : i32
        %get3A_3187 = arith.index_cast %add3A_3186 : i32 to index
        %get3A_3188 = tpu.vector_load %arg10[%get3A_3187] {strides = array<i32>} : memref<3328xf32, #tpu.memory_space<vmem>>, vector<16xf32>,
        %get3A_3189 = vector.shape_cast %get3A_3188 : vector<16xf32> to vector<16xf32>
        %gather3A_3190 = vector.shape_cast %broadcast_in_dim3A_1499 : vector<16x1xi32> to vector<16xi32>
        %gather3A_3191 = tpu.dynamic_gather %get3A_3189[%gather3A_3190] in [0] : vector<16xf32>, vector<16xi32> -> vector<16xf32>
        %gather3A_3192 = vector.shape_cast %broadcast_in_dim3A_1500 : vector<16x1xi32> to vector<16xi32>
        %gather3A_3193 = tpu.dynamic_gather %get3A_3189[%gather3A_3192] in [0] : vector<16xf32>, vector<16xi32> -> vector<16xf32>
        %get3A_3194 = arith.constant 25 : i32
        %get3A_3195 = arith.index_cast %get3A_3194 : i32 to index
        %get3A_3196 = arith.index_cast %add3A_1496 : i32 to index
        %get3A_3197 = arith.constant 0 : index
        %get3A_3198 = tpu.vector_load %arg11[%get3A_3195, %get3A_3196, %get3A_3197] {strides = array<i32>} : memref<26x128x32xf32, #tpu.memory_space<vmem>>, vector<1x1x16xf32>,
        %get3A_3199 = vector.shape_cast %get3A_3198 : vector<1x1x16xf32> to vector<16xf32>
        %get3A_3200 = arith.constant 25 : i32
        %get3A_3201 = arith.index_cast %get3A_3200 : i32 to index
        %get3A_3202 = arith.index_cast %add3A_1496 : i32 to index
        %get3A_3203 = arith.constant 16 : index
        %get3A_3204 = tpu.vector_load %arg11[%get3A_3201, %get3A_3202, %get3A_3203] {strides = array<i32>} : memref<26x128x32xf32, #tpu.memory_space<vmem>>, vector<1x1x16xf32>,
        %get3A_3205 = vector.shape_cast %get3A_3204 : vector<1x1x16xf32> to vector<16xf32>
        %get3A_3206 = arith.constant 25 : i32
        %get3A_3207 = arith.index_cast %get3A_3206 : i32 to index
        %get3A_3208 = arith.index_cast %add3A_1498 : i32 to index
        %get3A_3209 = arith.constant 0 : index
        %get3A_3210 = tpu.vector_load %arg11[%get3A_3207, %get3A_3208, %get3A_3209] {strides = array<i32>} : memref<26x128x32xf32, #tpu.memory_space<vmem>>, vector<1x1x16xf32>,
        %get3A_3211 = vector.shape_cast %get3A_3210 : vector<1x1x16xf32> to vector<16xf32>
        %get3A_3212 = arith.constant 25 : i32
        %get3A_3213 = arith.index_cast %get3A_3212 : i32 to index
        %get3A_3214 = arith.index_cast %add3A_1498 : i32 to index
        %get3A_3215 = arith.constant 16 : index
        %get3A_3216 = tpu.vector_load %arg11[%get3A_3213, %get3A_3214, %get3A_3215] {strides = array<i32>} : memref<26x128x32xf32, #tpu.memory_space<vmem>>, vector<1x1x16xf32>,
        %get3A_3217 = vector.shape_cast %get3A_3216 : vector<1x1x16xf32> to vector<16xf32>
        %mul3A_3218 = arith.mulf %get3A_3199, %gather3A_3191 : vector<16xf32>
        %mul3A_3219 = arith.mulf %get3A_3205, %gather3A_3191 : vector<16xf32>
        %mul3A_3220 = arith.mulf %get3A_3211, %gather3A_3193 : vector<16xf32>
        %mul3A_3221 = arith.mulf %get3A_3217, %gather3A_3193 : vector<16xf32>
        %add3A_3222 = arith.addf %add3A_3155, %mul3A_3218 : vector<16xf32>
        %add3A_3223 = arith.addf %add3A_3156, %mul3A_3219 : vector<16xf32>
        %add3A_3224 = arith.addf %add3A_3157, %mul3A_3220 : vector<16xf32>
        %add3A_3225 = arith.addf %add3A_3158, %mul3A_3221 : vector<16xf32>
        %mul3A_3226 = arith.mulf %mul3A_3218, %mul3A_3218 : vector<16xf32>
        %add3A_3227 = arith.addf %add3A_3160, %mul3A_3226 : vector<16xf32>
        %mul3A_3228 = arith.mulf %mul3A_3219, %mul3A_3219 : vector<16xf32>
        %add3A_3229 = arith.addf %add3A_3162, %mul3A_3228 : vector<16xf32>
        %mul3A_3230 = arith.mulf %mul3A_3220, %mul3A_3220 : vector<16xf32>
        %add3A_3231 = arith.addf %add3A_3164, %mul3A_3230 : vector<16xf32>
        %mul3A_3232 = arith.mulf %mul3A_3221, %mul3A_3221 : vector<16xf32>
        %add3A_3233 = arith.addf %add3A_3166, %mul3A_3232 : vector<16xf32>
        %mul3A_3234 = arith.mulf %mul3A_3218, %get3A_3179 : vector<16xf32>
        %add3A_3235 = arith.addf %add3A_3168, %mul3A_3234 : vector<16xf32>
        %mul3A_3236 = arith.mulf %mul3A_3219, %get3A_3184 : vector<16xf32>
        %add3A_3237 = arith.addf %add3A_3170, %mul3A_3236 : vector<16xf32>
        %mul3A_3238 = arith.mulf %mul3A_3220, %get3A_3179 : vector<16xf32>
        %add3A_3239 = arith.addf %add3A_3172, %mul3A_3238 : vector<16xf32>
        %mul3A_3240 = arith.mulf %mul3A_3221, %get3A_3184 : vector<16xf32>
        %add3A_3241 = arith.addf %add3A_3174, %mul3A_3240 : vector<16xf32>
        %add3A_3242 = arith.addf %add3A_3235, %add3A_3237 : vector<16xf32>
        %mul3A_3243 = arith.mulf %add3A_3222, %add3A_3222 : vector<16xf32>
        %mul3A_3244 = arith.mulf %add3A_3223, %add3A_3223 : vector<16xf32>
        %add3A_3245 = arith.addf %mul3A_3243, %mul3A_3244 : vector<16xf32>
        %sub3A = arith.subf %add3A_3245, %add3A_3227 : vector<16xf32>
        %sub3A_3246 = arith.subf %sub3A, %add3A_3229 : vector<16xf32>
        %mul3A_3247 = arith.constant 5.000000e-01 : f32
        %mul3A_3248 = vector.broadcast %mul3A_3247 : f32 to vector<16xf32>
        %mul3A_3249 = arith.mulf %mul3A_3248, %sub3A_3246 : vector<16xf32>
        %add3A_3250 = arith.addf %add3A_3242, %mul3A_3249 : vector<16xf32>
        %add3A_3251 = arith.addf %add3A_3239, %add3A_3241 : vector<16xf32>
        %mul3A_3252 = arith.mulf %add3A_3224, %add3A_3224 : vector<16xf32>
        %mul3A_3253 = arith.mulf %add3A_3225, %add3A_3225 : vector<16xf32>
        %add3A_3254 = arith.addf %mul3A_3252, %mul3A_3253 : vector<16xf32>
        %sub3A_3255 = arith.subf %add3A_3254, %add3A_3231 : vector<16xf32>
        %sub3A_3256 = arith.subf %sub3A_3255, %add3A_3233 : vector<16xf32>
        %mul3A_3257 = arith.constant 5.000000e-01 : f32
        %mul3A_3258 = vector.broadcast %mul3A_3257 : f32 to vector<16xf32>
        %mul3A_3259 = arith.mulf %mul3A_3258, %sub3A_3256 : vector<16xf32>
        %add3A_3260 = arith.addf %add3A_3251, %mul3A_3259 : vector<16xf32>
        %xor3A = arith.constant 1 : i32
        %xor3A_3261 = vector.broadcast %xor3A : i32 to vector<16xi32>
        %xor3A_3262 = arith.xori %iota3A, %xor3A_3261 : vector<16xi32>
        %reshape3A = vector.shape_cast %xor3A_3262 : vector<16xi32> to vector<16x1xi32>
        %gather3A_3263 = vector.shape_cast %reshape3A : vector<16x1xi32> to vector<16xi32>
        %gather3A_3264 = tpu.dynamic_gather %add3A_3250[%gather3A_3263] in [0] : vector<16xf32>, vector<16xi32> -> vector<16xf32>
        %add3A_3265 = arith.addf %add3A_3250, %gather3A_3264 : vector<16xf32>
        %xor3A_3266 = arith.constant 2 : i32
        %xor3A_3267 = vector.broadcast %xor3A_3266 : i32 to vector<16xi32>
        %xor3A_3268 = arith.xori %iota3A, %xor3A_3267 : vector<16xi32>
        %reshape3A_3269 = vector.shape_cast %xor3A_3268 : vector<16xi32> to vector<16x1xi32>
        %gather3A_3270 = vector.shape_cast %reshape3A_3269 : vector<16x1xi32> to vector<16xi32>
        %gather3A_3271 = tpu.dynamic_gather %add3A_3265[%gather3A_3270] in [0] : vector<16xf32>, vector<16xi32> -> vector<16xf32>
        %add3A_3272 = arith.addf %add3A_3265, %gather3A_3271 : vector<16xf32>
        %xor3A_3273 = arith.constant 4 : i32
        %xor3A_3274 = vector.broadcast %xor3A_3273 : i32 to vector<16xi32>
        %xor3A_3275 = arith.xori %iota3A, %xor3A_3274 : vector<16xi32>
        %reshape3A_3276 = vector.shape_cast %xor3A_3275 : vector<16xi32> to vector<16x1xi32>
        %gather3A_3277 = vector.shape_cast %reshape3A_3276 : vector<16x1xi32> to vector<16xi32>
        %gather3A_3278 = tpu.dynamic_gather %add3A_3272[%gather3A_3277] in [0] : vector<16xf32>, vector<16xi32> -> vector<16xf32>
        %add3A_3279 = arith.addf %add3A_3272, %gather3A_3278 : vector<16xf32>
        %xor3A_3280 = arith.constant 8 : i32
        %xor3A_3281 = vector.broadcast %xor3A_3280 : i32 to vector<16xi32>
        %xor3A_3282 = arith.xori %iota3A, %xor3A_3281 : vector<16xi32>
        %reshape3A_3283 = vector.shape_cast %xor3A_3282 : vector<16xi32> to vector<16x1xi32>
        %gather3A_3284 = vector.shape_cast %reshape3A_3283 : vector<16x1xi32> to vector<16xi32>
        %gather3A_3285 = tpu.dynamic_gather %add3A_3279[%gather3A_3284] in [0] : vector<16xf32>, vector<16xi32> -> vector<16xf32>
        %add3A_3286 = arith.addf %add3A_3279, %gather3A_3285 : vector<16xf32>
        %xor3A_3287 = arith.constant 1 : i32
        %xor3A_3288 = vector.broadcast %xor3A_3287 : i32 to vector<16xi32>
        %xor3A_3289 = arith.xori %iota3A, %xor3A_3288 : vector<16xi32>
        %reshape3A_3290 = vector.shape_cast %xor3A_3289 : vector<16xi32> to vector<16x1xi32>
        %gather3A_3291 = vector.shape_cast %reshape3A_3290 : vector<16x1xi32> to vector<16xi32>
        %gather3A_3292 = tpu.dynamic_gather %add3A_3260[%gather3A_3291] in [0] : vector<16xf32>, vector<16xi32> -> vector<16xf32>
        %add3A_3293 = arith.addf %add3A_3260, %gather3A_3292 : vector<16xf32>
        %xor3A_3294 = arith.constant 2 : i32
        %xor3A_3295 = vector.broadcast %xor3A_3294 : i32 to vector<16xi32>
        %xor3A_3296 = arith.xori %iota3A, %xor3A_3295 : vector<16xi32>
        %reshape3A_3297 = vector.shape_cast %xor3A_3296 : vector<16xi32> to vector<16x1xi32>
        %gather3A_3298 = vector.shape_cast %reshape3A_3297 : vector<16x1xi32> to vector<16xi32>
        %gather3A_3299 = tpu.dynamic_gather %add3A_3293[%gather3A_3298] in [0] : vector<16xf32>, vector<16xi32> -> vector<16xf32>
        %add3A_3300 = arith.addf %add3A_3293, %gather3A_3299 : vector<16xf32>
        %xor3A_3301 = arith.constant 4 : i32
        %xor3A_3302 = vector.broadcast %xor3A_3301 : i32 to vector<16xi32>
        %xor3A_3303 = arith.xori %iota3A, %xor3A_3302 : vector<16xi32>
        %reshape3A_3304 = vector.shape_cast %xor3A_3303 : vector<16xi32> to vector<16x1xi32>
        %gather3A_3305 = vector.shape_cast %reshape3A_3304 : vector<16x1xi32> to vector<16xi32>
        %gather3A_3306 = tpu.dynamic_gather %add3A_3300[%gather3A_3305] in [0] : vector<16xf32>, vector<16xi32> -> vector<16xf32>
        %add3A_3307 = arith.addf %add3A_3300, %gather3A_3306 : vector<16xf32>
        %xor3A_3308 = arith.constant 8 : i32
        %xor3A_3309 = vector.broadcast %xor3A_3308 : i32 to vector<16xi32>
        %xor3A_3310 = arith.xori %iota3A, %xor3A_3309 : vector<16xi32>
        %reshape3A_3311 = vector.shape_cast %xor3A_3310 : vector<16xi32> to vector<16x1xi32>
        %gather3A_3312 = vector.shape_cast %reshape3A_3311 : vector<16x1xi32> to vector<16xi32>
        %gather3A_3313 = tpu.dynamic_gather %add3A_3307[%gather3A_3312] in [0] : vector<16xf32>, vector<16xi32> -> vector<16xf32>
        %add3A_3314 = arith.addf %add3A_3307, %gather3A_3313 : vector<16xf32>
        %eq3A = vector.broadcast %mul3A_1493 : i32 to vector<16xi32>
        %eq3A_3315 = arith.cmpi eq, %iota3A, %eq3A : vector<16xi32>
        %select_n3A = arith.select %eq3A_3315, %add3A_3286, %scan3A_1491 : vector<16xi1>, vector<16xf32>
        %eq3A_3316 = vector.broadcast %add3A_1495 : i32 to vector<16xi32>
        %eq3A_3317 = arith.cmpi eq, %iota3A, %eq3A_3316 : vector<16xi32>
        %select_n3A_3318 = arith.select %eq3A_3317, %add3A_3314, %select_n3A : vector<16xi1>, vector<16xf32>
        scf.yield %select_n3A_3318 : vector<16xf32>
      }
      %scan3A_1164 = arith.constant 8 : i32
      %get3A_1165 = arith.constant 0 : i32
      %get3A_1166 = arith.index_cast %get3A_1165 : i32 to index
      %get3A_1167 = arith.index_cast %multiple_of3A_1158 : i32 to index
      %get3A_1168 = tpu.vector_load %arg12[%get3A_1166, %get3A_1167] {strides = array<i32>} : memref<26x128xf32, #tpu.memory_space<vmem>>, vector<1x16xf32>,
      %get3A_1169 = vector.shape_cast %get3A_1168 : vector<1x16xf32> to vector<16xf32>
      %add3A_1170 = arith.constant 0 : i32
      %add3A_1171 = arith.addi %add3A_1170, %multiple_of3A_1158 : i32
      %get3A_1172 = arith.index_cast %add3A_1171 : i32 to index
      %get3A_1173 = tpu.vector_load %arg10[%get3A_1172] {strides = array<i32>} : memref<3328xf32, #tpu.memory_space<vmem>>, vector<16xf32>,
      %get3A_1174 = vector.shape_cast %get3A_1173 : vector<16xf32> to vector<16xf32>
      %mul3A_1175 = arith.mulf %get3A_1169, %get3A_1174 : vector<16xf32>
      %add3A_1176 = arith.addf %broadcast_in_dim3A_1145, %mul3A_1175 : vector<16xf32>
      %get3A_1177 = arith.constant 1 : i32
      %get3A_1178 = arith.index_cast %get3A_1177 : i32 to index
      %get3A_1179 = arith.index_cast %multiple_of3A_1158 : i32 to index
      %get3A_1180 = tpu.vector_load %arg12[%get3A_1178, %get3A_1179] {strides = array<i32>} : memref<26x128xf32, #tpu.memory_space<vmem>>, vector<1x16xf32>,
      %get3A_1181 = vector.shape_cast %get3A_1180 : vector<1x16xf32> to vector<16xf32>
      %add3A_1182 = arith.constant 128 : i32
      %add3A_1183 = arith.addi %add3A_1182, %multiple_of3A_1158 : i32
      %get3A_1184 = arith.index_cast %add3A_1183 : i32 to index
      %get3A_1185 = tpu.vector_load %arg10[%get3A_1184] {strides = array<i32>} : memref<3328xf32, #tpu.memory_space<vmem>>, vector<16xf32>,
      %get3A_1186 = vector.shape_cast %get3A_1185 : vector<16xf32> to vector<16xf32>
      %mul3A_1187 = arith.mulf %get3A_1181, %get3A_1186 : vector<16xf32>
      %add3A_1188 = arith.addf %add3A_1176, %mul3A_1187 : vector<16xf32>
      %get3A_1189 = arith.constant 2 : i32
      %get3A_1190 = arith.index_cast %get3A_1189 : i32 to index
      %get3A_1191 = arith.index_cast %multiple_of3A_1158 : i32 to index
      %get3A_1192 = tpu.vector_load %arg12[%get3A_1190, %get3A_1191] {strides = array<i32>} : memref<26x128xf32, #tpu.memory_space<vmem>>, vector<1x16xf32>,
      %get3A_1193 = vector.shape_cast %get3A_1192 : vector<1x16xf32> to vector<16xf32>
      %add3A_1194 = arith.constant 256 : i32
      %add3A_1195 = arith.addi %add3A_1194, %multiple_of3A_1158 : i32
      %get3A_1196 = arith.index_cast %add3A_1195 : i32 to index
      %get3A_1197 = tpu.vector_load %arg10[%get3A_1196] {strides = array<i32>} : memref<3328xf32, #tpu.memory_space<vmem>>, vector<16xf32>,
      %get3A_1198 = vector.shape_cast %get3A_1197 : vector<16xf32> to vector<16xf32>
      %mul3A_1199 = arith.mulf %get3A_1193, %get3A_1198 : vector<16xf32>
      %add3A_1200 = arith.addf %add3A_1188, %mul3A_1199 : vector<16xf32>
      %get3A_1201 = arith.constant 3 : i32
      %get3A_1202 = arith.index_cast %get3A_1201 : i32 to index
      %get3A_1203 = arith.index_cast %multiple_of3A_1158 : i32 to index
      %get3A_1204 = tpu.vector_load %arg12[%get3A_1202, %get3A_1203] {strides = array<i32>} : memref<26x128xf32, #tpu.memory_space<vmem>>, vector<1x16xf32>,
      %get3A_1205 = vector.shape_cast %get3A_1204 : vector<1x16xf32> to vector<16xf32>
      %add3A_1206 = arith.constant 384 : i32
      %add3A_1207 = arith.addi %add3A_1206, %multiple_of3A_1158 : i32
      %get3A_1208 = arith.index_cast %add3A_1207 : i32 to index
      %get3A_1209 = tpu.vector_load %arg10[%get3A_1208] {strides = array<i32>} : memref<3328xf32, #tpu.memory_space<vmem>>, vector<16xf32>,
      %get3A_1210 = vector.shape_cast %get3A_1209 : vector<16xf32> to vector<16xf32>
      %mul3A_1211 = arith.mulf %get3A_1205, %get3A_1210 : vector<16xf32>
      %add3A_1212 = arith.addf %add3A_1200, %mul3A_1211 : vector<16xf32>
      %get3A_1213 = arith.constant 4 : i32
      %get3A_1214 = arith.index_cast %get3A_1213 : i32 to index
      %get3A_1215 = arith.index_cast %multiple_of3A_1158 : i32 to index
      %get3A_1216 = tpu.vector_load %arg12[%get3A_1214, %get3A_1215] {strides = array<i32>} : memref<26x128xf32, #tpu.memory_space<vmem>>, vector<1x16xf32>,
      %get3A_1217 = vector.shape_cast %get3A_1216 : vector<1x16xf32> to vector<16xf32>
      %add3A_1218 = arith.constant 512 : i32
      %add3A_1219 = arith.addi %add3A_1218, %multiple_of3A_1158 : i32
      %get3A_1220 = arith.index_cast %add3A_1219 : i32 to index
      %get3A_1221 = tpu.vector_load %arg10[%get3A_1220] {strides = array<i32>} : memref<3328xf32, #tpu.memory_space<vmem>>, vector<16xf32>,
      %get3A_1222 = vector.shape_cast %get3A_1221 : vector<16xf32> to vector<16xf32>
      %mul3A_1223 = arith.mulf %get3A_1217, %get3A_1222 : vector<16xf32>
      %add3A_1224 = arith.addf %add3A_1212, %mul3A_1223 : vector<16xf32>
      %get3A_1225 = arith.constant 5 : i32
      %get3A_1226 = arith.index_cast %get3A_1225 : i32 to index
      %get3A_1227 = arith.index_cast %multiple_of3A_1158 : i32 to index
      %get3A_1228 = tpu.vector_load %arg12[%get3A_1226, %get3A_1227] {strides = array<i32>} : memref<26x128xf32, #tpu.memory_space<vmem>>, vector<1x16xf32>,
      %get3A_1229 = vector.shape_cast %get3A_1228 : vector<1x16xf32> to vector<16xf32>
      %add3A_1230 = arith.constant 640 : i32
      %add3A_1231 = arith.addi %add3A_1230, %multiple_of3A_1158 : i32
      %get3A_1232 = arith.index_cast %add3A_1231 : i32 to index
      %get3A_1233 = tpu.vector_load %arg10[%get3A_1232] {strides = array<i32>} : memref<3328xf32, #tpu.memory_space<vmem>>, vector<16xf32>,
      %get3A_1234 = vector.shape_cast %get3A_1233 : vector<16xf32> to vector<16xf32>
      %mul3A_1235 = arith.mulf %get3A_1229, %get3A_1234 : vector<16xf32>
      %add3A_1236 = arith.addf %add3A_1224, %mul3A_1235 : vector<16xf32>
      %get3A_1237 = arith.constant 6 : i32
      %get3A_1238 = arith.index_cast %get3A_1237 : i32 to index
      %get3A_1239 = arith.index_cast %multiple_of3A_1158 : i32 to index
      %get3A_1240 = tpu.vector_load %arg12[%get3A_1238, %get3A_1239] {strides = array<i32>} : memref<26x128xf32, #tpu.memory_space<vmem>>, vector<1x16xf32>,
      %get3A_1241 = vector.shape_cast %get3A_1240 : vector<1x16xf32> to vector<16xf32>
      %add3A_1242 = arith.constant 768 : i32
      %add3A_1243 = arith.addi %add3A_1242, %multiple_of3A_1158 : i32
      %get3A_1244 = arith.index_cast %add3A_1243 : i32 to index
      %get3A_1245 = tpu.vector_load %arg10[%get3A_1244] {strides = array<i32>} : memref<3328xf32, #tpu.memory_space<vmem>>, vector<16xf32>,
      %get3A_1246 = vector.shape_cast %get3A_1245 : vector<16xf32> to vector<16xf32>
      %mul3A_1247 = arith.mulf %get3A_1241, %get3A_1246 : vector<16xf32>
      %add3A_1248 = arith.addf %add3A_1236, %mul3A_1247 : vector<16xf32>
      %get3A_1249 = arith.constant 7 : i32
      %get3A_1250 = arith.index_cast %get3A_1249 : i32 to index
      %get3A_1251 = arith.index_cast %multiple_of3A_1158 : i32 to index
      %get3A_1252 = tpu.vector_load %arg12[%get3A_1250, %get3A_1251] {strides = array<i32>} : memref<26x128xf32, #tpu.memory_space<vmem>>, vector<1x16xf32>,
      %get3A_1253 = vector.shape_cast %get3A_1252 : vector<1x16xf32> to vector<16xf32>
      %add3A_1254 = arith.constant 896 : i32
      %add3A_1255 = arith.addi %add3A_1254, %multiple_of3A_1158 : i32
      %get3A_1256 = arith.index_cast %add3A_1255 : i32 to index
      %get3A_1257 = tpu.vector_load %arg10[%get3A_1256] {strides = array<i32>} : memref<3328xf32, #tpu.memory_space<vmem>>, vector<16xf32>,
      %get3A_1258 = vector.shape_cast %get3A_1257 : vector<16xf32> to vector<16xf32>
      %mul3A_1259 = arith.mulf %get3A_1253, %get3A_1258 : vector<16xf32>
      %add3A_1260 = arith.addf %add3A_1248, %mul3A_1259 : vector<16xf32>
      %get3A_1261 = arith.constant 8 : i32
      %get3A_1262 = arith.index_cast %get3A_1261 : i32 to index
      %get3A_1263 = arith.index_cast %multiple_of3A_1158 : i32 to index
      %get3A_1264 = tpu.vector_load %arg12[%get3A_1262, %get3A_1263] {strides = array<i32>} : memref<26x128xf32, #tpu.memory_space<vmem>>, vector<1x16xf32>,
      %get3A_1265 = vector.shape_cast %get3A_1264 : vector<1x16xf32> to vector<16xf32>
      %add3A_1266 = arith.constant 1024 : i32
      %add3A_1267 = arith.addi %add3A_1266, %multiple_of3A_1158 : i32
      %get3A_1268 = arith.index_cast %add3A_1267 : i32 to index
      %get3A_1269 = tpu.vector_load %arg10[%get3A_1268] {strides = array<i32>} : memref<3328xf32, #tpu.memory_space<vmem>>, vector<16xf32>,
      %get3A_1270 = vector.shape_cast %get3A_1269 : vector<16xf32> to vector<16xf32>
      %mul3A_1271 = arith.mulf %get3A_1265, %get3A_1270 : vector<16xf32>
      %add3A_1272 = arith.addf %add3A_1260, %mul3A_1271 : vector<16xf32>
      %get3A_1273 = arith.constant 9 : i32
      %get3A_1274 = arith.index_cast %get3A_1273 : i32 to index
      %get3A_1275 = arith.index_cast %multiple_of3A_1158 : i32 to index
      %get3A_1276 = tpu.vector_load %arg12[%get3A_1274, %get3A_1275] {strides = array<i32>} : memref<26x128xf32, #tpu.memory_space<vmem>>, vector<1x16xf32>,
      %get3A_1277 = vector.shape_cast %get3A_1276 : vector<1x16xf32> to vector<16xf32>
      %add3A_1278 = arith.constant 1152 : i32
      %add3A_1279 = arith.addi %add3A_1278, %multiple_of3A_1158 : i32
      %get3A_1280 = arith.index_cast %add3A_1279 : i32 to index
      %get3A_1281 = tpu.vector_load %arg10[%get3A_1280] {strides = array<i32>} : memref<3328xf32, #tpu.memory_space<vmem>>, vector<16xf32>,
      %get3A_1282 = vector.shape_cast %get3A_1281 : vector<16xf32> to vector<16xf32>
      %mul3A_1283 = arith.mulf %get3A_1277, %get3A_1282 : vector<16xf32>
      %add3A_1284 = arith.addf %add3A_1272, %mul3A_1283 : vector<16xf32>
      %get3A_1285 = arith.constant 10 : i32
      %get3A_1286 = arith.index_cast %get3A_1285 : i32 to index
      %get3A_1287 = arith.index_cast %multiple_of3A_1158 : i32 to index
      %get3A_1288 = tpu.vector_load %arg12[%get3A_1286, %get3A_1287] {strides = array<i32>} : memref<26x128xf32, #tpu.memory_space<vmem>>, vector<1x16xf32>,
      %get3A_1289 = vector.shape_cast %get3A_1288 : vector<1x16xf32> to vector<16xf32>
      %add3A_1290 = arith.constant 1280 : i32
      %add3A_1291 = arith.addi %add3A_1290, %multiple_of3A_1158 : i32
      %get3A_1292 = arith.index_cast %add3A_1291 : i32 to index
      %get3A_1293 = tpu.vector_load %arg10[%get3A_1292] {strides = array<i32>} : memref<3328xf32, #tpu.memory_space<vmem>>, vector<16xf32>,
      %get3A_1294 = vector.shape_cast %get3A_1293 : vector<16xf32> to vector<16xf32>
      %mul3A_1295 = arith.mulf %get3A_1289, %get3A_1294 : vector<16xf32>
      %add3A_1296 = arith.addf %add3A_1284, %mul3A_1295 : vector<16xf32>
      %get3A_1297 = arith.constant 11 : i32
      %get3A_1298 = arith.index_cast %get3A_1297 : i32 to index
      %get3A_1299 = arith.index_cast %multiple_of3A_1158 : i32 to index
      %get3A_1300 = tpu.vector_load %arg12[%get3A_1298, %get3A_1299] {strides = array<i32>} : memref<26x128xf32, #tpu.memory_space<vmem>>, vector<1x16xf32>,
      %get3A_1301 = vector.shape_cast %get3A_1300 : vector<1x16xf32> to vector<16xf32>
      %add3A_1302 = arith.constant 1408 : i32
      %add3A_1303 = arith.addi %add3A_1302, %multiple_of3A_1158 : i32
      %get3A_1304 = arith.index_cast %add3A_1303 : i32 to index
      %get3A_1305 = tpu.vector_load %arg10[%get3A_1304] {strides = array<i32>} : memref<3328xf32, #tpu.memory_space<vmem>>, vector<16xf32>,
      %get3A_1306 = vector.shape_cast %get3A_1305 : vector<16xf32> to vector<16xf32>
      %mul3A_1307 = arith.mulf %get3A_1301, %get3A_1306 : vector<16xf32>
      %add3A_1308 = arith.addf %add3A_1296, %mul3A_1307 : vector<16xf32>
      %get3A_1309 = arith.constant 12 : i32
      %get3A_1310 = arith.index_cast %get3A_1309 : i32 to index
      %get3A_1311 = arith.index_cast %multiple_of3A_1158 : i32 to index
      %get3A_1312 = tpu.vector_load %arg12[%get3A_1310, %get3A_1311] {strides = array<i32>} : memref<26x128xf32, #tpu.memory_space<vmem>>, vector<1x16xf32>,
      %get3A_1313 = vector.shape_cast %get3A_1312 : vector<1x16xf32> to vector<16xf32>
      %add3A_1314 = arith.constant 1536 : i32
      %add3A_1315 = arith.addi %add3A_1314, %multiple_of3A_1158 : i32
      %get3A_1316 = arith.index_cast %add3A_1315 : i32 to index
      %get3A_1317 = tpu.vector_load %arg10[%get3A_1316] {strides = array<i32>} : memref<3328xf32, #tpu.memory_space<vmem>>, vector<16xf32>,
      %get3A_1318 = vector.shape_cast %get3A_1317 : vector<16xf32> to vector<16xf32>
      %mul3A_1319 = arith.mulf %get3A_1313, %get3A_1318 : vector<16xf32>
      %add3A_1320 = arith.addf %add3A_1308, %mul3A_1319 : vector<16xf32>
      %get3A_1321 = arith.constant 13 : i32
      %get3A_1322 = arith.index_cast %get3A_1321 : i32 to index
      %get3A_1323 = arith.index_cast %multiple_of3A_1158 : i32 to index
      %get3A_1324 = tpu.vector_load %arg12[%get3A_1322, %get3A_1323] {strides = array<i32>} : memref<26x128xf32, #tpu.memory_space<vmem>>, vector<1x16xf32>,
      %get3A_1325 = vector.shape_cast %get3A_1324 : vector<1x16xf32> to vector<16xf32>
      %add3A_1326 = arith.constant 1664 : i32
      %add3A_1327 = arith.addi %add3A_1326, %multiple_of3A_1158 : i32
      %get3A_1328 = arith.index_cast %add3A_1327 : i32 to index
      %get3A_1329 = tpu.vector_load %arg10[%get3A_1328] {strides = array<i32>} : memref<3328xf32, #tpu.memory_space<vmem>>, vector<16xf32>,
      %get3A_1330 = vector.shape_cast %get3A_1329 : vector<16xf32> to vector<16xf32>
      %mul3A_1331 = arith.mulf %get3A_1325, %get3A_1330 : vector<16xf32>
      %add3A_1332 = arith.addf %add3A_1320, %mul3A_1331 : vector<16xf32>
      %get3A_1333 = arith.constant 14 : i32
      %get3A_1334 = arith.index_cast %get3A_1333 : i32 to index
      %get3A_1335 = arith.index_cast %multiple_of3A_1158 : i32 to index
      %get3A_1336 = tpu.vector_load %arg12[%get3A_1334, %get3A_1335] {strides = array<i32>} : memref<26x128xf32, #tpu.memory_space<vmem>>, vector<1x16xf32>,
      %get3A_1337 = vector.shape_cast %get3A_1336 : vector<1x16xf32> to vector<16xf32>
      %add3A_1338 = arith.constant 1792 : i32
      %add3A_1339 = arith.addi %add3A_1338, %multiple_of3A_1158 : i32
      %get3A_1340 = arith.index_cast %add3A_1339 : i32 to index
      %get3A_1341 = tpu.vector_load %arg10[%get3A_1340] {strides = array<i32>} : memref<3328xf32, #tpu.memory_space<vmem>>, vector<16xf32>,
      %get3A_1342 = vector.shape_cast %get3A_1341 : vector<16xf32> to vector<16xf32>
      %mul3A_1343 = arith.mulf %get3A_1337, %get3A_1342 : vector<16xf32>
      %add3A_1344 = arith.addf %add3A_1332, %mul3A_1343 : vector<16xf32>
      %get3A_1345 = arith.constant 15 : i32
      %get3A_1346 = arith.index_cast %get3A_1345 : i32 to index
      %get3A_1347 = arith.index_cast %multiple_of3A_1158 : i32 to index
      %get3A_1348 = tpu.vector_load %arg12[%get3A_1346, %get3A_1347] {strides = array<i32>} : memref<26x128xf32, #tpu.memory_space<vmem>>, vector<1x16xf32>,
      %get3A_1349 = vector.shape_cast %get3A_1348 : vector<1x16xf32> to vector<16xf32>
      %add3A_1350 = arith.constant 1920 : i32
      %add3A_1351 = arith.addi %add3A_1350, %multiple_of3A_1158 : i32
      %get3A_1352 = arith.index_cast %add3A_1351 : i32 to index
      %get3A_1353 = tpu.vector_load %arg10[%get3A_1352] {strides = array<i32>} : memref<3328xf32, #tpu.memory_space<vmem>>, vector<16xf32>,
      %get3A_1354 = vector.shape_cast %get3A_1353 : vector<16xf32> to vector<16xf32>
      %mul3A_1355 = arith.mulf %get3A_1349, %get3A_1354 : vector<16xf32>
      %add3A_1356 = arith.addf %add3A_1344, %mul3A_1355 : vector<16xf32>
      %get3A_1357 = arith.constant 16 : i32
      %get3A_1358 = arith.index_cast %get3A_1357 : i32 to index
      %get3A_1359 = arith.index_cast %multiple_of3A_1158 : i32 to index
      %get3A_1360 = tpu.vector_load %arg12[%get3A_1358, %get3A_1359] {strides = array<i32>} : memref<26x128xf32, #tpu.memory_space<vmem>>, vector<1x16xf32>,
      %get3A_1361 = vector.shape_cast %get3A_1360 : vector<1x16xf32> to vector<16xf32>
      %add3A_1362 = arith.constant 2048 : i32
      %add3A_1363 = arith.addi %add3A_1362, %multiple_of3A_1158 : i32
      %get3A_1364 = arith.index_cast %add3A_1363 : i32 to index
      %get3A_1365 = tpu.vector_load %arg10[%get3A_1364] {strides = array<i32>} : memref<3328xf32, #tpu.memory_space<vmem>>, vector<16xf32>,
      %get3A_1366 = vector.shape_cast %get3A_1365 : vector<16xf32> to vector<16xf32>
      %mul3A_1367 = arith.mulf %get3A_1361, %get3A_1366 : vector<16xf32>
      %add3A_1368 = arith.addf %add3A_1356, %mul3A_1367 : vector<16xf32>
      %get3A_1369 = arith.constant 17 : i32
      %get3A_1370 = arith.index_cast %get3A_1369 : i32 to index
      %get3A_1371 = arith.index_cast %multiple_of3A_1158 : i32 to index
      %get3A_1372 = tpu.vector_load %arg12[%get3A_1370, %get3A_1371] {strides = array<i32>} : memref<26x128xf32, #tpu.memory_space<vmem>>, vector<1x16xf32>,
      %get3A_1373 = vector.shape_cast %get3A_1372 : vector<1x16xf32> to vector<16xf32>
      %add3A_1374 = arith.constant 2176 : i32
      %add3A_1375 = arith.addi %add3A_1374, %multiple_of3A_1158 : i32
      %get3A_1376 = arith.index_cast %add3A_1375 : i32 to index
      %get3A_1377 = tpu.vector_load %arg10[%get3A_1376] {strides = array<i32>} : memref<3328xf32, #tpu.memory_space<vmem>>, vector<16xf32>,
      %get3A_1378 = vector.shape_cast %get3A_1377 : vector<16xf32> to vector<16xf32>
      %mul3A_1379 = arith.mulf %get3A_1373, %get3A_1378 : vector<16xf32>
      %add3A_1380 = arith.addf %add3A_1368, %mul3A_1379 : vector<16xf32>
      %get3A_1381 = arith.constant 18 : i32
      %get3A_1382 = arith.index_cast %get3A_1381 : i32 to index
      %get3A_1383 = arith.index_cast %multiple_of3A_1158 : i32 to index
      %get3A_1384 = tpu.vector_load %arg12[%get3A_1382, %get3A_1383] {strides = array<i32>} : memref<26x128xf32, #tpu.memory_space<vmem>>, vector<1x16xf32>,
      %get3A_1385 = vector.shape_cast %get3A_1384 : vector<1x16xf32> to vector<16xf32>
      %add3A_1386 = arith.constant 2304 : i32
      %add3A_1387 = arith.addi %add3A_1386, %multiple_of3A_1158 : i32
      %get3A_1388 = arith.index_cast %add3A_1387 : i32 to index
      %get3A_1389 = tpu.vector_load %arg10[%get3A_1388] {strides = array<i32>} : memref<3328xf32, #tpu.memory_space<vmem>>, vector<16xf32>,
      %get3A_1390 = vector.shape_cast %get3A_1389 : vector<16xf32> to vector<16xf32>
      %mul3A_1391 = arith.mulf %get3A_1385, %get3A_1390 : vector<16xf32>
      %add3A_1392 = arith.addf %add3A_1380, %mul3A_1391 : vector<16xf32>
      %get3A_1393 = arith.constant 19 : i32
      %get3A_1394 = arith.index_cast %get3A_1393 : i32 to index
      %get3A_1395 = arith.index_cast %multiple_of3A_1158 : i32 to index
      %get3A_1396 = tpu.vector_load %arg12[%get3A_1394, %get3A_1395] {strides = array<i32>} : memref<26x128xf32, #tpu.memory_space<vmem>>, vector<1x16xf32>,
      %get3A_1397 = vector.shape_cast %get3A_1396 : vector<1x16xf32> to vector<16xf32>
      %add3A_1398 = arith.constant 2432 : i32
      %add3A_1399 = arith.addi %add3A_1398, %multiple_of3A_1158 : i32
      %get3A_1400 = arith.index_cast %add3A_1399 : i32 to index
      %get3A_1401 = tpu.vector_load %arg10[%get3A_1400] {strides = array<i32>} : memref<3328xf32, #tpu.memory_space<vmem>>, vector<16xf32>,
      %get3A_1402 = vector.shape_cast %get3A_1401 : vector<16xf32> to vector<16xf32>
      %mul3A_1403 = arith.mulf %get3A_1397, %get3A_1402 : vector<16xf32>
      %add3A_1404 = arith.addf %add3A_1392, %mul3A_1403 : vector<16xf32>
      %get3A_1405 = arith.constant 20 : i32
      %get3A_1406 = arith.index_cast %get3A_1405 : i32 to index
      %get3A_1407 = arith.index_cast %multiple_of3A_1158 : i32 to index
      %get3A_1408 = tpu.vector_load %arg12[%get3A_1406, %get3A_1407] {strides = array<i32>} : memref<26x128xf32, #tpu.memory_space<vmem>>, vector<1x16xf32>,
      %get3A_1409 = vector.shape_cast %get3A_1408 : vector<1x16xf32> to vector<16xf32>
      %add3A_1410 = arith.constant 2560 : i32
      %add3A_1411 = arith.addi %add3A_1410, %multiple_of3A_1158 : i32
      %get3A_1412 = arith.index_cast %add3A_1411 : i32 to index
      %get3A_1413 = tpu.vector_load %arg10[%get3A_1412] {strides = array<i32>} : memref<3328xf32, #tpu.memory_space<vmem>>, vector<16xf32>,
      %get3A_1414 = vector.shape_cast %get3A_1413 : vector<16xf32> to vector<16xf32>
      %mul3A_1415 = arith.mulf %get3A_1409, %get3A_1414 : vector<16xf32>
      %add3A_1416 = arith.addf %add3A_1404, %mul3A_1415 : vector<16xf32>
      %get3A_1417 = arith.constant 21 : i32
      %get3A_1418 = arith.index_cast %get3A_1417 : i32 to index
      %get3A_1419 = arith.index_cast %multiple_of3A_1158 : i32 to index
      %get3A_1420 = tpu.vector_load %arg12[%get3A_1418, %get3A_1419] {strides = array<i32>} : memref<26x128xf32, #tpu.memory_space<vmem>>, vector<1x16xf32>,
      %get3A_1421 = vector.shape_cast %get3A_1420 : vector<1x16xf32> to vector<16xf32>
      %add3A_1422 = arith.constant 2688 : i32
      %add3A_1423 = arith.addi %add3A_1422, %multiple_of3A_1158 : i32
      %get3A_1424 = arith.index_cast %add3A_1423 : i32 to index
      %get3A_1425 = tpu.vector_load %arg10[%get3A_1424] {strides = array<i32>} : memref<3328xf32, #tpu.memory_space<vmem>>, vector<16xf32>,
      %get3A_1426 = vector.shape_cast %get3A_1425 : vector<16xf32> to vector<16xf32>
      %mul3A_1427 = arith.mulf %get3A_1421, %get3A_1426 : vector<16xf32>
      %add3A_1428 = arith.addf %add3A_1416, %mul3A_1427 : vector<16xf32>
      %get3A_1429 = arith.constant 22 : i32
      %get3A_1430 = arith.index_cast %get3A_1429 : i32 to index
      %get3A_1431 = arith.index_cast %multiple_of3A_1158 : i32 to index
      %get3A_1432 = tpu.vector_load %arg12[%get3A_1430, %get3A_1431] {strides = array<i32>} : memref<26x128xf32, #tpu.memory_space<vmem>>, vector<1x16xf32>,
      %get3A_1433 = vector.shape_cast %get3A_1432 : vector<1x16xf32> to vector<16xf32>
      %add3A_1434 = arith.constant 2816 : i32
      %add3A_1435 = arith.addi %add3A_1434, %multiple_of3A_1158 : i32
      %get3A_1436 = arith.index_cast %add3A_1435 : i32 to index
      %get3A_1437 = tpu.vector_load %arg10[%get3A_1436] {strides = array<i32>} : memref<3328xf32, #tpu.memory_space<vmem>>, vector<16xf32>,
      %get3A_1438 = vector.shape_cast %get3A_1437 : vector<16xf32> to vector<16xf32>
      %mul3A_1439 = arith.mulf %get3A_1433, %get3A_1438 : vector<16xf32>
      %add3A_1440 = arith.addf %add3A_1428, %mul3A_1439 : vector<16xf32>
      %get3A_1441 = arith.constant 23 : i32
      %get3A_1442 = arith.index_cast %get3A_1441 : i32 to index
      %get3A_1443 = arith.index_cast %multiple_of3A_1158 : i32 to index
      %get3A_1444 = tpu.vector_load %arg12[%get3A_1442, %get3A_1443] {strides = array<i32>} : memref<26x128xf32, #tpu.memory_space<vmem>>, vector<1x16xf32>,
      %get3A_1445 = vector.shape_cast %get3A_1444 : vector<1x16xf32> to vector<16xf32>
      %add3A_1446 = arith.constant 2944 : i32
      %add3A_1447 = arith.addi %add3A_1446, %multiple_of3A_1158 : i32
      %get3A_1448 = arith.index_cast %add3A_1447 : i32 to index
      %get3A_1449 = tpu.vector_load %arg10[%get3A_1448] {strides = array<i32>} : memref<3328xf32, #tpu.memory_space<vmem>>, vector<16xf32>,
      %get3A_1450 = vector.shape_cast %get3A_1449 : vector<16xf32> to vector<16xf32>
      %mul3A_1451 = arith.mulf %get3A_1445, %get3A_1450 : vector<16xf32>
      %add3A_1452 = arith.addf %add3A_1440, %mul3A_1451 : vector<16xf32>
      %get3A_1453 = arith.constant 24 : i32
      %get3A_1454 = arith.index_cast %get3A_1453 : i32 to index
      %get3A_1455 = arith.index_cast %multiple_of3A_1158 : i32 to index
      %get3A_1456 = tpu.vector_load %arg12[%get3A_1454, %get3A_1455] {strides = array<i32>} : memref<26x128xf32, #tpu.memory_space<vmem>>, vector<1x16xf32>,
      %get3A_1457 = vector.shape_cast %get3A_1456 : vector<1x16xf32> to vector<16xf32>
      %add3A_1458 = arith.constant 3072 : i32
      %add3A_1459 = arith.addi %add3A_1458, %multiple_of3A_1158 : i32
      %get3A_1460 = arith.index_cast %add3A_1459 : i32 to index
      %get3A_1461 = tpu.vector_load %arg10[%get3A_1460] {strides = array<i32>} : memref<3328xf32, #tpu.memory_space<vmem>>, vector<16xf32>,
      %get3A_1462 = vector.shape_cast %get3A_1461 : vector<16xf32> to vector<16xf32>
      %mul3A_1463 = arith.mulf %get3A_1457, %get3A_1462 : vector<16xf32>
      %add3A_1464 = arith.addf %add3A_1452, %mul3A_1463 : vector<16xf32>
      %get3A_1465 = arith.constant 25 : i32
      %get3A_1466 = arith.index_cast %get3A_1465 : i32 to index
      %get3A_1467 = arith.index_cast %multiple_of3A_1158 : i32 to index
      %get3A_1468 = tpu.vector_load %arg12[%get3A_1466, %get3A_1467] {strides = array<i32>} : memref<26x128xf32, #tpu.memory_space<vmem>>, vector<1x16xf32>,
      %get3A_1469 = vector.shape_cast %get3A_1468 : vector<1x16xf32> to vector<16xf32>
      %add3A_1470 = arith.constant 3200 : i32
      %add3A_1471 = arith.addi %add3A_1470, %multiple_of3A_1158 : i32
      %get3A_1472 = arith.index_cast %add3A_1471 : i32 to index
      %get3A_1473 = tpu.vector_load %arg10[%get3A_1472] {strides = array<i32>} : memref<3328xf32, #tpu.memory_space<vmem>>, vector<16xf32>,
      %get3A_1474 = vector.shape_cast %get3A_1473 : vector<16xf32> to vector<16xf32>
      %mul3A_1475 = arith.mulf %get3A_1469, %get3A_1474 : vector<16xf32>
      %add3A_1476 = arith.addf %add3A_1464, %mul3A_1475 : vector<16xf32>
      %add3A_1477 = arith.addf %scan3A_1163, %add3A_1476 : vector<16xf32>
      %add3A_1478 = arith.addf %add3A_1477, %get3A_1147 : vector<16xf32>
      %neg3A = arith.constant 0.000000e+00 : f32
      %neg3A_1479 = vector.broadcast %neg3A : f32 to vector<16xf32>
      %neg3A_1480 = arith.subf %neg3A_1479, %add3A_1478 : vector<16xf32>
      %exp3A = math.exp %neg3A_1480 : vector<16xf32>
      %add3A_1481 = arith.constant 1.000000e+00 : f32
      %add3A_1482 = vector.broadcast %add3A_1481 : f32 to vector<16xf32>
      %add3A_1483 = arith.addf %add3A_1482, %exp3A : vector<16xf32>
      %div3A = arith.constant 1.000000e+00 : f32
      %div3A_1484 = vector.broadcast %div3A : f32 to vector<16xf32>
      %div3A_1485 = arith.divf %div3A_1484, %add3A_1483 : vector<16xf32>
      %swap3A = arith.index_cast %multiple_of3A_1158 : i32 to index
      %swap3A_1486 = tpu.vector_load %arg15[%swap3A] {strides = array<i32>} : memref<128xf32, #tpu.memory_space<vmem>>, vector<16xf32>,
      %swap3A_1487 = vector.shape_cast %swap3A_1486 : vector<16xf32> to vector<16xf32>
      %swap3A_1488 = vector.shape_cast %div3A_1485 : vector<16xf32> to vector<16xf32>
      tpu.vector_store %arg15[%swap3A], %swap3A_1488 {strides = array<i32>} : memref<128xf32, #tpu.memory_space<vmem>>, vector<16xf32>,
      %scan3A_1489 = arith.constant 0 : i32
      scf.yield %scan3A_1489 : i32
    }
    %scan3A_1153 = arith.constant 8 : i32
    "tpu.region"() ({
      %run_scoped3A = tpu.sem_alloc : memref<!tpu.dma_semaphore, #tpu.memory_space<semaphore_mem>>
      %dma_start3A_1154 = tpu.memref_slice %arg8[%multiple_of3A] : memref<4096xf32, #tpu.memory_space<hbm>> -> memref<128xf32, #tpu.memory_space<hbm>>
      %dma_start3A_1155 = tpu.memref_slice %arg8[%multiple_of3A] : memref<4096xf32, #tpu.memory_space<hbm>> -> memref<128xf32, #tpu.memory_space<hbm>>
      tpu.enqueue_dma source(%arg15 : memref<128xf32, #tpu.memory_space<vmem>>) target(%dma_start3A_1155 : memref<128xf32, #tpu.memory_space<hbm>>) target_semaphore(%run_scoped3A : memref<!tpu.dma_semaphore, #tpu.memory_space<semaphore_mem>>)
      %dma_wait3A_1156 = tpu.memref_slice %arg8[%multiple_of3A] : memref<4096xf32, #tpu.memory_space<hbm>> -> memref<128xf32, #tpu.memory_space<hbm>>
      %dma_wait3A_1157 = tpu.memref_slice %arg8[%multiple_of3A] : memref<4096xf32, #tpu.memory_space<hbm>> -> memref<128xf32, #tpu.memory_space<hbm>>
      tpu.wait_dma2 semaphore(%run_scoped3A : memref<!tpu.dma_semaphore, #tpu.memory_space<semaphore_mem>>) src(%arg15 : memref<128xf32, #tpu.memory_space<vmem>>) dst(%dma_wait3A_1157 : memref<128xf32, #tpu.memory_space<hbm>>)
      tpu.yield
    }) : () -> ()
    return
  }
}

module attributes {stable_mosaic.version = 14 : i64} {
  func.func @body(%arg0: memref<832x256xf32, #tpu.memory_space<vmem>>, %arg1: memref<256x128xf32, #tpu.memory_space<vmem>>, %arg2: memref<128x1xf32, #tpu.memory_space<vmem>>, %arg3: memref<1x256xf32, #tpu.memory_space<vmem>>, %arg4: memref<1x128xf32, #tpu.memory_space<vmem>>, %arg5: memref<1x1xf32, #tpu.memory_space<vmem>>, %arg6: memref<1x1xf32, #tpu.memory_space<vmem>>, %arg7: memref<832x1xf32, #tpu.memory_space<vmem>>, %arg8: memref<1x1xf32, #tpu.memory_space<vmem>>) attributes {dimension_semantics = [], scalar_prefetch = 0 : i64, scratch_operands = 0 : i64, tpu.core_type = #tpu.core_type<tc>} {
    %get3A = arith.constant 0 : index
    %get3A_0 = arith.constant 0 : index
    %get3A_1 = vector.load %arg1[%get3A, %get3A_0] : memref<256x128xf32, #tpu.memory_space<vmem>>, vector<256x128xf32>
    %get3A_2 = arith.constant 0 : index
    %get3A_3 = arith.constant 0 : index
    %get3A_4 = vector.load %arg2[%get3A_2, %get3A_3] : memref<128x1xf32, #tpu.memory_space<vmem>>, vector<128x1xf32>
    %dot_general3A = arith.constant dense<0.000000e+00> : vector<256x1xf32>
    %dot_general3A_5 = tpu.matmul %get3A_1, %get3A_4, %dot_general3A {dimension_numbers = #tpu.dot_dimension_numbers<[1], [0], [0], [1], [0, 0, 1, 1], [], []>, transpose_lhs_hint = false} : vector<256x128xf32>, vector<128x1xf32>, vector<256x1xf32> -> vector<256x1xf32>
    %get3A_6 = arith.constant 0 : index
    %get3A_7 = arith.constant 0 : index
    %get3A_8 = vector.load %arg0[%get3A_6, %get3A_7] : memref<832x256xf32, #tpu.memory_space<vmem>>, vector<832x256xf32>
    %dot_general3A_9 = arith.constant dense<0.000000e+00> : vector<832x1xf32>
    %dot_general3A_10 = tpu.matmul %get3A_8, %dot_general3A_5, %dot_general3A_9 {dimension_numbers = #tpu.dot_dimension_numbers<[1], [0], [0], [1], [0, 0, 1, 1], [], []>, transpose_lhs_hint = false} : vector<832x256xf32>, vector<256x1xf32>, vector<832x1xf32> -> vector<832x1xf32>
    %swap3A = arith.constant 0 : index
    %swap3A_11 = arith.constant 0 : index
    %swap3A_12 = vector.load %arg7[%swap3A, %swap3A_11] : memref<832x1xf32, #tpu.memory_space<vmem>>, vector<832x1xf32>
    tpu.vector_store %arg7[%swap3A, %swap3A_11], %dot_general3A_10 {strides = array<i32>} : memref<832x1xf32, #tpu.memory_space<vmem>>, vector<832x1xf32>,
    %get3A_13 = arith.constant 0 : index
    %get3A_14 = arith.constant 0 : index
    %get3A_15 = vector.load %arg3[%get3A_13, %get3A_14] : memref<1x256xf32, #tpu.memory_space<vmem>>, vector<1x256xf32>
    %dot_general3A_16 = arith.constant dense<0.000000e+00> : vector<1x1xf32>
    %dot_general3A_17 = tpu.matmul %get3A_15, %dot_general3A_5, %dot_general3A_16 {dimension_numbers = #tpu.dot_dimension_numbers<[1], [0], [0], [1], [0, 0, 1, 1], [], []>, transpose_lhs_hint = false} : vector<1x256xf32>, vector<256x1xf32>, vector<1x1xf32> -> vector<1x1xf32>
    %get3A_18 = arith.constant 0 : index
    %get3A_19 = arith.constant 0 : index
    %get3A_20 = vector.load %arg4[%get3A_18, %get3A_19] : memref<1x128xf32, #tpu.memory_space<vmem>>, vector<1x128xf32>
    %get3A_21 = arith.constant 0 : index
    %get3A_22 = arith.constant 0 : index
    %get3A_23 = vector.load %arg2[%get3A_21, %get3A_22] : memref<128x1xf32, #tpu.memory_space<vmem>>, vector<128x1xf32>
    %dot_general3A_24 = arith.constant dense<0.000000e+00> : vector<1x1xf32>
    %dot_general3A_25 = tpu.matmul %get3A_20, %get3A_23, %dot_general3A_24 {dimension_numbers = #tpu.dot_dimension_numbers<[1], [0], [0], [1], [0, 0, 1, 1], [], []>, transpose_lhs_hint = false} : vector<1x128xf32>, vector<128x1xf32>, vector<1x1xf32> -> vector<1x1xf32>
    %add3A = arith.addf %dot_general3A_17, %dot_general3A_25 : vector<1x1xf32>
    %get3A_26 = arith.constant 0 : index
    %get3A_27 = arith.constant 0 : index
    %get3A_28 = vector.load %arg5[%get3A_26, %get3A_27] : memref<1x1xf32, #tpu.memory_space<vmem>>, vector<1x1xf32>
    %add3A_29 = arith.addf %add3A, %get3A_28 : vector<1x1xf32>
    %get3A_30 = arith.constant 0 : index
    %get3A_31 = arith.constant 0 : index
    %get3A_32 = vector.load %arg6[%get3A_30, %get3A_31] : memref<1x1xf32, #tpu.memory_space<vmem>>, vector<1x1xf32>
    %add3A_33 = arith.addf %add3A_29, %get3A_32 : vector<1x1xf32>
    %swap3A_34 = arith.constant 0 : index
    %swap3A_35 = arith.constant 0 : index
    %swap3A_36 = vector.load %arg8[%swap3A_34, %swap3A_35] : memref<1x1xf32, #tpu.memory_space<vmem>>, vector<1x1xf32>
    tpu.vector_store %arg8[%swap3A_34, %swap3A_35], %add3A_33 {strides = array<i32>} : memref<1x1xf32, #tpu.memory_space<vmem>>, vector<1x1xf32>,
    return
  }
}

</mosaic_0001>

<sc_bundles>
// kernel: kernel.4.cloned.1.call-start
scs
__scs_entry_jumppad:
0x0: {  	(pc) =	sbr.rel $0x88, $3  }
0x1: {  	(tag) =	ssettag $0x0;
	lr =	simm.s32 $0x1  }
0x2: {  	[smem:$0x3F96] =	sst lr;
	_ =	strace $0xD0000000  }
0x3: {  	_ = 	snop  }
0x4: {  	_ = 	snop  }
0x5: {  	_ = 	snop  }
0x6: {  	_ = 	snop  }
0x7: {  	_ = 	snop  }
__scs_overlays_trampoline_lowered:
0x8: {  	[smem:$0x3FA5] =	sst s0  }
0x9: {  	[smem:$0x3FA6] =	sst s1  }
0xa: {  	[smem:$0x3FA7] =	sst s2  }
0xb: {  	[smem:$0x3FA8] =	sst s3  }
0xc: {  	[smem:$0x3FA9] =	sst s4  }
0xd: {  	[smem:$0x3FAA] =	sst s5  }
0xe: {  	[smem:$0x3FAB] =	sst s6  }
0xf: {  	[smem:$0x3FAC] =	sst s7  }
0x10: {  	[smem:$0x3FAD] =	sst s8  }
0x11: {  	[smem:$0x3FAE] =	sst s9;
	s0 =	simm.s32 @!p0 $0x0  }
0x12: {  	s1 =	sld [smem:$0x3F94];
	s0 =	simm.s32 @p0 $0x1  }
0x13: {  	[smem:$0x3FAF] =	sst s0;
	s0 =	simm.s32 @!p1 $0x0  }
0x14: {  	s2 =	sld [smem:$0x3F93];
	s0 =	simm.s32 @p1 $0x1  }
0x15: {  	[smem:$0x3FB0] =	sst s0;
	s0 =	simm.s32 @!p2 $0x0  }
0x16: {  	s3 =	sld [smem:$0x3FDB];
	s0 =	simm.s32 @p2 $0x1  }
0x17: {  	s4 =	simm.s32 $0x1BF5;
	[smem:$0x3FB2] =	sst s0  }
0x18: {  	s0 =	sld [smem:$0x3F95];
	_ =	swait.ge [sflag:s4], $0x0  }
0x19: {  	s7 =	sld [smem:$0x3F96]  }
0x1a: {  	s8 =	sadd.s32 $0xFFFFE003, lr  }
0x1b: {  	s9 =	sadd.s32 $0xFFFFFEF7, lr;
	s5 =	simm.s32 $0xFFFFFFFF;
	p2 =	slt.u32 s8, $0xFFFFF086  }
0x1c: {  	p1 =	slt.u32 s9, $0xF7A;
	s5 =	simm.s32 @!p2 $0x0  }
0x1d: {  	s5 =	simm.s32 @p1 $0x1;
	p0 =	seq.s32 s7, s2  }
0x1e: {  	s7 =	smul.u32 @!p0 $0xF7A, s2;
	p2 =	seq.s32 @!p0 s5, $0x0  }
0x1f: {  	s9 =	smul.u32 $0xF7A, s1;
	s8 =	simm.s32 @!p0 $0x1BF5;
	p2 =	por !p2, p0  }
0x20: {  	[sflag:s8] =	ssyncset.s32 @!p0 $0xFFFFF086;
	s6 =	sadd.s32 @!p0 s3, s7;
	s7 =	simm.s32 @!p0 $0x108  }
0x21: {  	s3 =	sadd.s32 s3, s9;
	s6 =	sadd.s32 @!p0 $0x88, s6;
	s7 =	simm.s32 @p2 $0x1082  }
0x22: {  	[simem:s7], [sflag:s8] =	dma.local @!p0 [hbm:s6], $0xF7A  }
0x23: {  	s9 =	sor.u32 $0xD0000000, s2;
	s6 =	simm.s32 $0x108;
	_ =	swait.ge @!p0 [sflag:s8], $0x0  }
0x24: {  	s3 =	sadd.s32 $0x88, s3;
	s6 =	simm.s32 @!p1 $0x1082;
	[sflag:s4] =	ssyncset.s32 $0xFFFFF086  }
0x25: {  	[simem:s6], [sflag:s4] =	dma.local [hbm:s3], $0xF7A  }
0x26: {  	[smem:$0x3F96] =	sst s1;
	(tag) =	ssettag s2;
	_ =	strace s9  }
0x27: {  	s1 =	sld [smem:$0x3FA6]  }
0x28: {  	s2 =	sld [smem:$0x3FA7]  }
0x29: {  	s4 =	sld [smem:$0x3FA9]  }
0x2a: {  	p0 =	seq.s32 s5, $0x0;
	s5 =	sld [smem:$0x3FAA]  }
0x2b: {  	s6 =	sld [smem:$0x3FAB]  }
0x2c: {  	s7 =	sld [smem:$0x3FAC]  }
0x2d: {  	s3 =	simm.s32 $0x108;
	s8 =	sld [smem:$0x3FAD]  }
0x2e: {  	s3 =	simm.s32 @!p0 $0x1082;
	s9 =	sld [smem:$0x3FAE]  }
0x2f: {  	lr =	sadd.s32 s0, s3;
	s0 =	sld [smem:$0x3FA5]  }
0x30: {  	s3 =	sld [smem:$0x3FA8]  }
0x31: {  	[smem:$0x3FB1] =	sst s10  }
0x32: {  	s10 =	sld [smem:$0x3FAF];
	_ =	sdelay $0x3  }
0x33: {  	p0 =	seq.s32 s10, $0x1;
	s10 =	sld [smem:$0x3FB1];
	_ =	sdelay $0x3  }
0x34: {  	[smem:$0x3FB1] =	sst s10  }
0x35: {  	s10 =	sld [smem:$0x3FB0];
	_ =	sdelay $0x3  }
0x36: {  	p1 =	seq.s32 s10, $0x1;
	s10 =	sld [smem:$0x3FB1];
	_ =	sdelay $0x3  }
0x37: {  	[smem:$0x3FB1] =	sst s10  }
0x38: {  	s10 =	sld [smem:$0x3FB2]  }
0x39: {  	_ = 	snop;
	(pc) =	sbr.ind lr, $3  }
0x3a: {  	_ = 	snop  }
0x3b: {  	_ = 	snop  }
0x3c: {  	p2 =	seq.s32 s10, $0x1;
	s10 =	sld [smem:$0x3FB1]  }
0x3d: {  	_ =	shalt  }
0x3e: {  	_ =	shalt  }
0x3f: {  	_ =	shalt  }
0x40: {  	_ =	shalt  }
0x41: {  	_ =	shalt  }
0x42: {  	_ =	shalt  }
0x43: {  	_ =	shalt  }
0x44: {  	_ =	shalt  }
0x45: {  	_ =	shalt  }
0x46: {  	_ =	shalt  }
0x47: {  	_ =	shalt  }
0x48: {  	_ =	shalt  }
0x49: {  	_ =	shalt  }
0x4a: {  	_ =	shalt  }
0x4b: {  	_ =	shalt  }
0x4c: {  	_ =	shalt  }
0x4d: {  	_ =	shalt  }
0x4e: {  	_ =	shalt  }
0x4f: {  	_ =	shalt  }
0x50: {  	_ =	shalt  }
0x51: {  	_ =	shalt  }
0x52: {  	_ =	shalt  }
0x53: {  	_ =	shalt  }
0x54: {  	_ =	shalt  }
0x55: {  	_ =	shalt  }
0x56: {  	_ =	shalt  }
0x57: {  	_ =	shalt  }
0x58: {  	_ =	shalt  }
0x59: {  	_ =	shalt  }
0x5a: {  	_ =	shalt  }
0x5b: {  	_ =	shalt  }
0x5c: {  	_ =	shalt  }
0x5d: {  	_ =	shalt  }
0x5e: {  	_ =	shalt  }
0x5f: {  	_ =	shalt  }
0x60: {  	_ =	shalt  }
0x61: {  	_ =	shalt  }
0x62: {  	_ =	shalt  }
0x63: {  	_ =	shalt  }
0x64: {  	_ =	shalt  }
0x65: {  	_ =	shalt  }
0x66: {  	_ =	shalt  }
0x67: {  	_ =	shalt  }
0x68: {  	_ =	shalt  }
0x69: {  	_ =	shalt  }
0x6a: {  	_ =	shalt  }
0x6b: {  	_ =	shalt  }
0x6c: {  	_ =	shalt  }
0x6d: {  	_ =	shalt  }
0x6e: {  	_ =	shalt  }
0x6f: {  	_ =	shalt  }
0x70: {  	_ =	shalt  }
0x71: {  	_ =	shalt  }
0x72: {  	_ =	shalt  }
0x73: {  	_ =	shalt  }
0x74: {  	_ =	shalt  }
0x75: {  	_ =	shalt  }
0x76: {  	_ =	shalt  }
0x77: {  	_ =	shalt  }
0x78: {  	_ =	shalt  }
0x79: {  	_ =	shalt  }
0x7a: {  	_ =	shalt  }
0x7b: {  	_ =	shalt  }
0x7c: {  	_ =	shalt  }
0x7d: {  	_ =	shalt  }
0x7e: {  	_ =	shalt  }
0x7f: {  	_ =	shalt  }
0x80: {  	_ =	shalt  }
0x81: {  	_ =	shalt  }
0x82: {  	_ =	shalt  }
0x83: {  	_ =	shalt  }
0x84: {  	_ =	shalt  }
0x85: {  	_ =	shalt  }
0x86: {  	_ =	shalt  }
0x87: {  	_ =	shalt  }
.Lfunc_end0:
.L_simem_size_0:
called_computation_lowered:
.L_overlay_start_0:
0x88: {  	s2 =	sld [smem:$0x3FD9]  }
0x89: {  	s3 =	sld [smem:$0x3FFE];
	_ =	sdelay $0x1  }
0x8a: {  	s1 =	srdreg.scid  }
0x8b: {  	s0 =	sand.u32 $0x1, s1  }
0x8c: {  	s17 =	sshll.u32 s0, $0xA;
	s2 =	sadd.s32 s3, s2  }
0x8d: {  	s2 =	sadd.s32 s2, s17  }
0x8e: {  	[smem:$0x3FBD] =	sst s2  }
0x8f: {  	_ = 	snop  }
0x90: {  	s2 =	sld [smem:$0x3FD0];
	(tm) =	ssettm $0x1  }
0x91: {  	s18 =	sld [smem:$0x3FFB];
	_ =	sdelay $0x3  }
0x92: {  	_ =	strace s18  }
0x93: {  	s3 =	sld [smem:$0x3FFC];
	_ =	sdelay $0x3  }
0x94: {  	_ =	strace s3  }
0x95: {  	s3 =	sld [smem:$0x3FFD];
	_ =	sdelay $0x3  }
0x96: {  	_ =	strace s3  }
0x97: {  	_ =	strace $0x8FFFFFFF  }
0x98: {  	s19 =	sld [smem:$0x3FDB];
	_ =	sdelay $0x1  }
0x99: {  	s4 =	simm.s32 $_scs_section_size  }
0x9a: {  	s5 =	simm.s32 $_size__tile_overlayer_lowered;
	s6 =	simm.s32 $_tile_overlayer_lowered  }
0x9b: {  	s22 =	simm.s32 $0x1BFF;
	s21 =	sshll.u32 s6, $0x1;
	s3 =	sadd.s32 s4, s19  }
0x9c: {  	s7 =	simm.s32 $0x0;
	s20 =	sshll.u32 s5, $0x1;
	s5 =	sadd.s32 s21, s3  }
0x9d: {  	[timem:s7], [sflag:s22] =	dma.local [hbm:s5], s20  }
0x9e: {  	_ =	swait.ge [sflag:s22], s20  }
0x9f: {  	s4 =	ssub.s32 $0x0, s20;
	[sflag:s22] =	ssyncset.done $0x0  }
0xa0: {  	[sflag:s22] =	ssyncadd.s32 s4;
	_ =	sdelay $0x1  }
0xa1: {  	s23 =	simm.s32 $0x1B8B  }
0xa2: {  	_ =	swait.ge [sflag:s23], $0x1  }
0xa3: {  	[sflag:s23] =	ssyncset.done $0x0  }
0xa4: {  	s25 =	simm.s32 $0x1B8E;
	s24 =	sld [smem:$0x3FFE];
	[sflag:s23] =	ssyncadd.s32 $0xFFFFFFFF  }
0xa5: {  	s26 =	simm.s32 $execute0_lowered;
	[smem:$0x3FD2] =	sst s25  }
0xa6: {  	s5 =	sshll.u32 s26, $0x1;
	_ =	strace $0x80000046;
	[dreg:$0x1] =	wrdreg $0xFFFFFFFF  }
0xa7: {  	s28 =	simm.s32 $_size_execute0_lowered;
	s3 =	sadd.s32 s3, s5;
	[dreg:$0x0] =	wrdreg $0x0  }
0xa8: {  	s5 =	sshll.u32 s28, $0x1;
	[dreg:$0x2] =	wrdreg s3  }
0xa9: {  	[dreg:$0x3] =	wrdreg s5  }
0xaa: {  	[dreg:$0x4] =	wrdreg $0xC0  }
0xab: {  	_ =	task [dreg:s7], $0x5FFFF  }
0xac: {  	[dreg:$0x1] =	wrdreg $0xFFFFFFFF  }
0xad: {  	[dreg:$0x0] =	wrdreg $0x60  }
0xae: {  	[dreg:$0x2] =	wrdreg s24  }
0xaf: {  	[dreg:$0x3] =	wrdreg s2  }
0xb0: {  	[dreg:$0x4] =	wrdreg $0x9  }
0xb1: {  	_ =	task.clear_ibuf [dreg:s7], $0x5FFFF;
	_ =	strace $0x90000046  }
0xb2: {  	s29 =	simm.s32 $0x9;
	_ =	strace $0x80000048  }
0xb3: {  	_ =	swait.ge [sflag:s29], $0x1  }
0xb4: {  	[sflag:s29] =	ssyncadd.s32 $0xFFFFFFFF  }
0xb5: {  	_ =	strace $0x90000048  }
0xb6: {  	_ =	sfence  }
0xb7: {  	s30 =	sld [smem:$0x0];
	_ =	sdelay $0x2  }
0xb8: {  	s31 =	sshll.u32 s1, $0xD;
	s1 =	sshrl.u32 s1, $0x2  }
0xb9: {  	s3 =	sand.u32 $0x4000, s31;
	s1 =	sadd.s32 s1, s30  }
0xba: {  	s0 =	sor.u32 s3, s0;
	s1 =	sshll.u32 s1, $0x11  }
0xbb: {  	s0 =	sor.u32 s1, s0  }
0xbc: {  	s0 =	sadd.s32 $0x8F2B, s0  }
0xbd: {  	[sflag:s0] =	ssyncadd.remote.s32 $0x1  }
0xbe: {  	_ =	sfence.sel $0xFFFF  }
0xbf: {  	[dreg:$0x0] =	wrdreg $0xFFFFFFFF;
	(pc) =	sbr.abs _section_cstart, $3  }
0xc0: {  	[dreg:$0x1] =	wrdreg $0xFFFFFFFF  }
0xc1: {  	_ =	task.clear_ibuf [dreg:s7], $0x2FFFF;
	_ =	strace $0x9FFFFFFF  }
0xc2: {  	(tm) =	ssettm $0x7FFFFFFF  }
0xc3: {  	_ =	shalt  }
tec
execute0_lowered:
.L_overlay_start_1:
0x0: {  	(tag) =	ssettag $0x1  }
0x1: {  	s0 =	srdreg.scid;
	s2 =	stileid.u32  }
0x2: {  	s1 =	rddreg [dreg:$0x0];
	s17 =	simm.s32 $0x680;
	s31 =	simm.s32 $0x780;
	v0 =	vimm.s32 $0xEFCDAB89;
	v1 =	vimm.s32 $0x67452301  }
0x3: {  	s5 =	rddreg [dreg:$0x1];
	s20 =	simm.s32 $0x800;
	s30 =	simm.s32 $0x880;
	v2 =	vimm.s32 $0xDCFE98BA;
	v3 =	vimm.s32 $0x54761032  }
0x4: {  	s11 =	simm.s32 $0x3;
	s21 =	simm.s32 $0x900;
	s15 =	simm.s32 $0x980;
	v4 =	vimm.s32 $0xBA98FEDC;
	v5 =	vimm.s32 $0x32107654  }
0x5: {  	s12 =	simm.s32 $0x80;
	s13 =	simm.s32 $0xA80;
	v6 =	vimm.s32 $0xFEDCBA98;
	s16 =	simm.s32 $0xB00;
	v7 =	vimm.s32 $0x76543210  }
0x6: {  	s19 =	simm.s32 $0xB80;
	s22 =	simm.s32 $0xC00;
	s29 =	simm.s32 $0x1;
	v0 =	vunpack.c.l.s4.s8 v0;
	v1 =	vunpack.c.l.s4.s8 v1;
	v2 =	vunpack.c.l.s4.s8 v2  }
0x7: {  	s14 =	simm.s32 $0x0;
	s0 =	sand.u32 $0x1, s0;
	s2 =	sshll.u32 s2, $0x1;
	v3 =	vunpack.c.l.s4.s8 v3;
	v4 =	vunpack.c.l.s4.s8 v4;
	v5 =	vunpack.c.l.s4.s8 v5  }
0x8: {  	s4 =	sadd.s32 $0x7800, s1;
	s8 =	sadd.s32 $0x7600, s1;
	v6 =	vunpack.c.l.s4.s8 v6;
	s6 =	sor.u32 s0, s2;
	v0 =	vunpack.c.0.s8.s32 v0;
	v1 =	vunpack.c.0.s8.s32 v1  }
0x9: {  	v7 =	vunpack.c.l.s4.s8 v7;
	s2 =	simm.s32 $0x0;
	s0 =	ssub.s32 $0x2, s0;
	s3 =	smul.u32 $0x1A0, s6;
	v2 =	vunpack.c.0.s8.s32 v2;
	v3 =	vunpack.c.0.s8.s32 v3  }
0xa: {  	[smem:$0x7FF] =	sst s2;
	s24 =	sshrl.u32 s0, $0x1;
	s26 =	sshll.u32 s6, $0x4;
	v4 =	vunpack.c.0.s8.s32 v4;
	v5 =	vunpack.c.0.s8.s32 v5;
	v0 =	vcombine.low v1, v0  }
0xb: {  	v58 =	vunpack.c.0.s8.s32 v6;
	_ =	strace $0x80000047;
	[dreg:$0x3] =	wrdreg s8;
	s0 =	ssub.s32 s0, s24;
	v57 =	vcombine.low v3, v2  }
0xc: {  	v60 =	vunpack.c.0.s8.s32 v7;
	s9 =	sadd.s32 s5, s26;
	s24 =	simm.s32 $0x700;
	s26 =	simm.s32 $0xA00;
	v59 =	vcombine.low v5, v4;
	v0 =	vand.u32 $0xF, v0  }
0xd: {  	s7 =	sadd.s32 s3, s1;
	s3 =	sadd.s32 $0x187600, s1;
	s1 =	sadd.s32 $0xA00, s1;
	v62 =	vand.u32 $0xF, v58;
	v61 =	vand.u32 $0xF, v57;
	[tilespmem:$0x1FFC0] =	vst v0  }
0xe: {  	s10 =	smax.u32 s0, $0x1;
	[dreg:$0x4] =	wrdreg s1;
	s25 =	sadd.s32 $0x4000, s7;
	v63 =	vand.u32 $0xF, v59;
	[tilespmem:$0x1FFD0] =	vst v61;
	v0 =	vcombine.low v62, v60  }
0xf: {  	s0 =	simm.s32 $0x600;
	s28 =	sadd.s32 $0xC00, s7;
	[dreg:$0x5] =	wrdreg s25;
	[tilespmem:$0x1FFE0] =	vst v63  }
0x10: {  	s1 =	simm.s32 $0x2;
	[dreg:$0x6] =	wrdreg s28;
	s25 =	simm.s32 $0xC80;
	[tilespmem:$0x1FFF0] =	vst v0  }
.LBB2_1:
0x11: {  	s5 =	rddreg [dreg:$0x5]  }
0x12: {  	[tilespmem:s2], [sflag:$0x3] =	stream.linear.gather [hbm4b:s5+s2], $0xD00, $0x38;
	[tilespmem:$0x1CAD0] =	vst v63  }
0x13: {  	_ =	swait.ge [sflag:s11], $0xD00  }
0x14: {  	[sflag:s11] =	ssyncset.done $0x0  }
0x15: {  	s18 =	simm.s32 $0x1A00;
	[sflag:s11] =	ssyncadd.s32 $0xFFFFF300  }
0x16: {  	[tilespmem:s18], [sflag:$0x1] =	stream.indirect.gather [hbm4b:s3+s12], $0x20, s2, s12, $0xb8;
	[tilespmem:$0x1CAD0] =	vst v63  }
0x17: {  	s7 =	simm.s32 $0x1BA00  }
0x18: {  	[tilespmem:s7], [sflag:$0x2] =	stream.indirect.gather [hbm4b:s4+s12], $0x1, s2, s12, $0xb8;
	[tilespmem:$0x1CAD0] =	vst v63  }
0x19: {  	s8 =	simm.s32 $0x2A00  }
0x1a: {  	[tilespmem:s8], [sflag:$0x1] =	stream.indirect.gather [hbm4b:s3+s12], $0x20, s12, s12, $0xb8;
	[tilespmem:$0x1CAD0] =	vst v63  }
0x1b: {  	s23 =	simm.s32 $0x1BA80  }
0x1c: {  	[tilespmem:s23], [sflag:$0x2] =	stream.indirect.gather [hbm4b:s4+s12], $0x1, s12, s12, $0xb8;
	[tilespmem:$0x1CAD0] =	vst v63  }
0x1d: {  	s28 =	simm.s32 $0x100;
	s6 =	simm.s32 $0x3A00  }
0x1e: {  	[tilespmem:s6], [sflag:$0x1] =	stream.indirect.gather [hbm4b:s3+s12], $0x20, s28, s12, $0xb8;
	[tilespmem:$0x1CAD0] =	vst v63  }
0x1f: {  	s7 =	simm.s32 $0x1BB00  }
0x20: {  	[tilespmem:s7], [sflag:$0x2] =	stream.indirect.gather [hbm4b:s4+s12], $0x1, s28, s12, $0xb8;
	[tilespmem:$0x1CAD0] =	vst v63  }
0x21: {  	s8 =	simm.s32 $0x180;
	s23 =	simm.s32 $0x4A00  }
0x22: {  	[tilespmem:s23], [sflag:$0x1] =	stream.indirect.gather [hbm4b:s3+s12], $0x20, s8, s12, $0xb8;
	[tilespmem:$0x1CAD0] =	vst v63  }
0x23: {  	s28 =	simm.s32 $0x1BB80  }
0x24: {  	[tilespmem:s28], [sflag:$0x2] =	stream.indirect.gather [hbm4b:s4+s12], $0x1, s8, s12, $0xb8;
	[tilespmem:$0x1CAD0] =	vst v63  }
0x25: {  	s7 =	simm.s32 $0x200;
	s8 =	simm.s32 $0x5A00  }
0x26: {  	[tilespmem:s8], [sflag:$0x1] =	stream.indirect.gather [hbm4b:s3+s12], $0x20, s7, s12, $0xb8;
	[tilespmem:$0x1CAD0] =	vst v63  }
0x27: {  	s23 =	simm.s32 $0x1BC00  }
0x28: {  	[tilespmem:s23], [sflag:$0x2] =	stream.indirect.gather [hbm4b:s4+s12], $0x1, s7, s12, $0xb8;
	[tilespmem:$0x1CAD0] =	vst v63  }
0x29: {  	s28 =	simm.s32 $0x280;
	s7 =	simm.s32 $0x6A00  }
0x2a: {  	[tilespmem:s7], [sflag:$0x1] =	stream.indirect.gather [hbm4b:s3+s12], $0x20, s28, s12, $0xb8;
	[tilespmem:$0x1CAD0] =	vst v63  }
0x2b: {  	s8 =	simm.s32 $0x1BC80  }
0x2c: {  	[tilespmem:s8], [sflag:$0x2] =	stream.indirect.gather [hbm4b:s4+s12], $0x1, s28, s12, $0xb8;
	[tilespmem:$0x1CAD0] =	vst v63  }
0x2d: {  	s23 =	simm.s32 $0x300;
	s28 =	simm.s32 $0x7A00  }
0x2e: {  	[tilespmem:s28], [sflag:$0x1] =	stream.indirect.gather [hbm4b:s3+s12], $0x20, s23, s12, $0xb8;
	[tilespmem:$0x1CAD0] =	vst v63  }
0x2f: {  	s7 =	simm.s32 $0x1BD00  }
0x30: {  	[tilespmem:s7], [sflag:$0x2] =	stream.indirect.gather [hbm4b:s4+s12], $0x1, s23, s12, $0xb8;
	[tilespmem:$0x1CAD0] =	vst v63  }
0x31: {  	s8 =	simm.s32 $0x380;
	s23 =	simm.s32 $0x8A00  }
0x32: {  	[tilespmem:s23], [sflag:$0x1] =	stream.indirect.gather [hbm4b:s3+s12], $0x20, s8, s12, $0xb8;
	[tilespmem:$0x1CAD0] =	vst v63  }
0x33: {  	s28 =	simm.s32 $0x1BD80  }
0x34: {  	[tilespmem:s28], [sflag:$0x2] =	stream.indirect.gather [hbm4b:s4+s12], $0x1, s8, s12, $0xb8;
	[tilespmem:$0x1CAD0] =	vst v63  }
0x35: {  	s7 =	simm.s32 $0x400;
	s8 =	simm.s32 $0x9A00  }
0x36: {  	[tilespmem:s8], [sflag:$0x1] =	stream.indirect.gather [hbm4b:s3+s12], $0x20, s7, s12, $0xb8;
	[tilespmem:$0x1CAD0] =	vst v63  }
0x37: {  	s23 =	simm.s32 $0x1BE00  }
0x38: {  	[tilespmem:s23], [sflag:$0x2] =	stream.indirect.gather [hbm4b:s4+s12], $0x1, s7, s12, $0xb8;
	[tilespmem:$0x1CAD0] =	vst v63  }
0x39: {  	s28 =	simm.s32 $0x480;
	s7 =	simm.s32 $0xAA00  }
0x3a: {  	[tilespmem:s7], [sflag:$0x1] =	stream.indirect.gather [hbm4b:s3+s12], $0x20, s28, s12, $0xb8;
	[tilespmem:$0x1CAD0] =	vst v63  }
0x3b: {  	s8 =	simm.s32 $0x1BE80  }
0x3c: {  	[tilespmem:s8], [sflag:$0x2] =	stream.indirect.gather [hbm4b:s4+s12], $0x1, s28, s12, $0xb8;
	[tilespmem:$0x1CAD0] =	vst v63  }
0x3d: {  	s23 =	simm.s32 $0x500;
	s28 =	simm.s32 $0xBA00  }
0x3e: {  	[tilespmem:s28], [sflag:$0x1] =	stream.indirect.gather [hbm4b:s3+s12], $0x20, s23, s12, $0xb8;
	[tilespmem:$0x1CAD0] =	vst v63  }
0x3f: {  	s7 =	simm.s32 $0x1BF00  }
0x40: {  	[tilespmem:s7], [sflag:$0x2] =	stream.indirect.gather [hbm4b:s4+s12], $0x1, s23, s12, $0xb8;
	[tilespmem:$0x1CAD0] =	vst v63  }
0x41: {  	s8 =	simm.s32 $0x580;
	s23 =	simm.s32 $0xCA00  }
0x42: {  	[tilespmem:s23], [sflag:$0x1] =	stream.indirect.gather [hbm4b:s3+s12], $0x20, s8, s12, $0xb8;
	[tilespmem:$0x1CAD0] =	vst v63  }
0x43: {  	s28 =	simm.s32 $0x1BF80  }
0x44: {  	[tilespmem:s28], [sflag:$0x2] =	stream.indirect.gather [hbm4b:s4+s12], $0x1, s8, s12, $0xb8;
	[tilespmem:$0x1CAD0] =	vst v63  }
0x45: {  	s6 =	simm.s32 $0xDA00  }
0x46: {  	[tilespmem:s6], [sflag:$0x1] =	stream.indirect.gather [hbm4b:s3+s12], $0x20, s0, s12, $0xb8;
	[tilespmem:$0x1CAD0] =	vst v63  }
0x47: {  	s7 =	simm.s32 $0x1C000  }
0x48: {  	[tilespmem:s7], [sflag:$0x2] =	stream.indirect.gather [hbm4b:s4+s12], $0x1, s0, s12, $0xb8;
	[tilespmem:$0x1CAD0] =	vst v63  }
0x49: {  	s8 =	simm.s32 $0xEA00  }
0x4a: {  	[tilespmem:s8], [sflag:$0x1] =	stream.indirect.gather [hbm4b:s3+s12], $0x20, s17, s12, $0xb8;
	[tilespmem:$0x1CAD0] =	vst v63  }
0x4b: {  	s23 =	simm.s32 $0x1C080  }
0x4c: {  	[tilespmem:s23], [sflag:$0x2] =	stream.indirect.gather [hbm4b:s4+s12], $0x1, s17, s12, $0xb8;
	[tilespmem:$0x1CAD0] =	vst v63  }
0x4d: {  	s28 =	simm.s32 $0xFA00  }
0x4e: {  	[tilespmem:s28], [sflag:$0x1] =	stream.indirect.gather [hbm4b:s3+s12], $0x20, s24, s12, $0xb8;
	[tilespmem:$0x1CAD0] =	vst v63  }
0x4f: {  	s6 =	simm.s32 $0x1C100  }
0x50: {  	[tilespmem:s6], [sflag:$0x2] =	stream.indirect.gather [hbm4b:s4+s12], $0x1, s24, s12, $0xb8;
	[tilespmem:$0x1CAD0] =	vst v63  }
0x51: {  	s7 =	simm.s32 $0x10A00  }
0x52: {  	[tilespmem:s7], [sflag:$0x1] =	stream.indirect.gather [hbm4b:s3+s12], $0x20, s31, s12, $0xb8;
	[tilespmem:$0x1CAD0] =	vst v63  }
0x53: {  	s8 =	simm.s32 $0x1C180  }
0x54: {  	[tilespmem:s8], [sflag:$0x2] =	stream.indirect.gather [hbm4b:s4+s12], $0x1, s31, s12, $0xb8;
	[tilespmem:$0x1CAD0] =	vst v63  }
0x55: {  	s23 =	simm.s32 $0x11A00  }
0x56: {  	[tilespmem:s23], [sflag:$0x1] =	stream.indirect.gather [hbm4b:s3+s12], $0x20, s20, s12, $0xb8;
	[tilespmem:$0x1CAD0] =	vst v63  }
0x57: {  	s28 =	simm.s32 $0x1C200  }
0x58: {  	[tilespmem:s28], [sflag:$0x2] =	stream.indirect.gather [hbm4b:s4+s12], $0x1, s20, s12, $0xb8;
	[tilespmem:$0x1CAD0] =	vst v63  }
0x59: {  	s6 =	simm.s32 $0x12A00  }
0x5a: {  	[tilespmem:s6], [sflag:$0x1] =	stream.indirect.gather [hbm4b:s3+s12], $0x20, s30, s12, $0xb8;
	[tilespmem:$0x1CAD0] =	vst v63  }
0x5b: {  	s7 =	simm.s32 $0x1C280  }
0x5c: {  	[tilespmem:s7], [sflag:$0x2] =	stream.indirect.gather [hbm4b:s4+s12], $0x1, s30, s12, $0xb8;
	[tilespmem:$0x1CAD0] =	vst v63  }
0x5d: {  	s8 =	simm.s32 $0x13A00  }
0x5e: {  	[tilespmem:s8], [sflag:$0x1] =	stream.indirect.gather [hbm4b:s3+s12], $0x20, s21, s12, $0xb8;
	[tilespmem:$0x1CAD0] =	vst v63  }
0x5f: {  	s23 =	simm.s32 $0x1C300  }
0x60: {  	[tilespmem:s23], [sflag:$0x2] =	stream.indirect.gather [hbm4b:s4+s12], $0x1, s21, s12, $0xb8;
	[tilespmem:$0x1CAD0] =	vst v63  }
0x61: {  	s28 =	simm.s32 $0x14A00  }
0x62: {  	[tilespmem:s28], [sflag:$0x1] =	stream.indirect.gather [hbm4b:s3+s12], $0x20, s15, s12, $0xb8;
	[tilespmem:$0x1CAD0] =	vst v63  }
0x63: {  	s6 =	simm.s32 $0x1C380  }
0x64: {  	[tilespmem:s6], [sflag:$0x2] =	stream.indirect.gather [hbm4b:s4+s12], $0x1, s15, s12, $0xb8;
	[tilespmem:$0x1CAD0] =	vst v63  }
0x65: {  	s7 =	simm.s32 $0x15A00  }
0x66: {  	[tilespmem:s7], [sflag:$0x1] =	stream.indirect.gather [hbm4b:s3+s12], $0x20, s26, s12, $0xb8;
	[tilespmem:$0x1CAD0] =	vst v63  }
0x67: {  	s8 =	simm.s32 $0x1C400  }
0x68: {  	[tilespmem:s8], [sflag:$0x2] =	stream.indirect.gather [hbm4b:s4+s12], $0x1, s26, s12, $0xb8;
	[tilespmem:$0x1CAD0] =	vst v63  }
0x69: {  	s23 =	simm.s32 $0x16A00  }
0x6a: {  	[tilespmem:s23], [sflag:$0x1] =	stream.indirect.gather [hbm4b:s3+s12], $0x20, s13, s12, $0xb8;
	[tilespmem:$0x1CAD0] =	vst v63  }
0x6b: {  	s28 =	simm.s32 $0x1C480  }
0x6c: {  	[tilespmem:s28], [sflag:$0x2] =	stream.indirect.gather [hbm4b:s4+s12], $0x1, s13, s12, $0xb8;
	[tilespmem:$0x1CAD0] =	vst v63  }
0x6d: {  	s6 =	simm.s32 $0x17A00  }
0x6e: {  	[tilespmem:s6], [sflag:$0x1] =	stream.indirect.gather [hbm4b:s3+s12], $0x20, s16, s12, $0xb8;
	[tilespmem:$0x1CAD0] =	vst v63  }
0x6f: {  	s7 =	simm.s32 $0x1C500  }
0x70: {  	[tilespmem:s7], [sflag:$0x2] =	stream.indirect.gather [hbm4b:s4+s12], $0x1, s16, s12, $0xb8;
	[tilespmem:$0x1CAD0] =	vst v63  }
0x71: {  	s8 =	simm.s32 $0x18A00  }
0x72: {  	[tilespmem:s8], [sflag:$0x1] =	stream.indirect.gather [hbm4b:s3+s12], $0x20, s19, s12, $0xb8;
	[tilespmem:$0x1CAD0] =	vst v63  }
0x73: {  	s23 =	simm.s32 $0x1C580  }
0x74: {  	[tilespmem:s23], [sflag:$0x2] =	stream.indirect.gather [hbm4b:s4+s12], $0x1, s19, s12, $0xb8;
	[tilespmem:$0x1CAD0] =	vst v63  }
0x75: {  	s28 =	simm.s32 $0x19A00  }
0x76: {  	[tilespmem:s28], [sflag:$0x1] =	stream.indirect.gather [hbm4b:s3+s12], $0x20, s22, s12, $0xb8;
	[tilespmem:$0x1CAD0] =	vst v63  }
0x77: {  	s6 =	simm.s32 $0x1C600  }
0x78: {  	[tilespmem:s6], [sflag:$0x2] =	stream.indirect.gather [hbm4b:s4+s12], $0x1, s22, s12, $0xb8;
	[tilespmem:$0x1CAD0] =	vst v63  }
0x79: {  	s7 =	simm.s32 $0x1AA00  }
0x7a: {  	[tilespmem:s7], [sflag:$0x1] =	stream.indirect.gather [hbm4b:s3+s12], $0x20, s25, s12, $0xb8;
	[tilespmem:$0x1CAD0] =	vst v63  }
0x7b: {  	s8 =	simm.s32 $0x1C680  }
0x7c: {  	[tilespmem:s8], [sflag:$0x2] =	stream.indirect.gather [hbm4b:s4+s12], $0x1, s25, s12, $0xb8;
	[tilespmem:$0x1CAD0] =	vst v63  }
0x7d: {  	s23 =	rddreg [dreg:$0x6];
	s28 =	simm.s32 $0xD00  }
0x7e: {  	[tilespmem:s28], [sflag:$0x3] =	stream.linear.gather [hbm4b:s23+s2], $0xD00, $0x38;
	[tilespmem:$0x1CAD0] =	vst v63  }
0x7f: {  	_ =	swait.ge [sflag:s11], $0xD00  }
0x80: {  	[sflag:s11] =	ssyncset.done $0x0  }
0x81: {  	s8 =	simm.s32 $0x1C700;
	s7 =	rddreg [dreg:$0x3];
	[sflag:s11] =	ssyncadd.s32 $0xFFFFF300  }
0x82: {  	[tilespmem:s8], [sflag:$0x3] =	stream.linear.gather [hbm4b:s7+s2], $0x340, $0x38;
	[tilespmem:$0x1CAD0] =	vst v63  }
0x83: {  	_ =	swait.ge [sflag:s11], $0x340  }
0x84: {  	[sflag:s11] =	ssyncset.done $0x0  }
0x85: {  	s28 =	simm.s32 $0x1CA40;
	s23 =	rddreg [dreg:$0x4];
	[sflag:s11] =	ssyncadd.s32 $0xFFFFFCC0  }
0x86: {  	[tilespmem:s28], [sflag:$0x3] =	stream.linear.gather [hbm4b:s23+s2], $0x10, $0x38;
	[tilespmem:$0x1CAD0] =	vst v63  }
0x87: {  	_ =	swait.ge [sflag:s11], $0x10  }
0x88: {  	[sflag:s11] =	ssyncset.done $0x0  }
0x89: {  	[sflag:s11] =	ssyncadd.s32 $0xFFFFFFF0  }
0x8a: {  	_ =	swait.ge [sflag:s29], $0x1000  }
0x8b: {  	[sflag:s29] =	ssyncset.done $0x0  }
0x8c: {  	[sflag:s29] =	ssyncadd.s32 $0xFFFFF000  }
0x8d: {  	_ =	swait.ge [sflag:s1], $0x80  }
0x8e: {  	[sflag:s1] =	ssyncset.done $0x0  }
0x8f: {  	[sflag:s1] =	ssyncadd.s32 $0xFFFFFF80  }
0x90: {  	_ =	swait.ge [sflag:s29], $0x1000  }
0x91: {  	[sflag:s29] =	ssyncset.done $0x0  }
0x92: {  	[sflag:s29] =	ssyncadd.s32 $0xFFFFF000  }
0x93: {  	_ =	swait.ge [sflag:s1], $0x80  }
0x94: {  	[sflag:s1] =	ssyncset.done $0x0  }
0x95: {  	[sflag:s1] =	ssyncadd.s32 $0xFFFFFF80  }
0x96: {  	_ =	swait.ge [sflag:s29], $0x1000  }
0x97: {  	[sflag:s29] =	ssyncset.done $0x0  }
0x98: {  	[sflag:s29] =	ssyncadd.s32 $0xFFFFF000  }
0x99: {  	_ =	swait.ge [sflag:s1], $0x80  }
0x9a: {  	[sflag:s1] =	ssyncset.done $0x0  }
0x9b: {  	[sflag:s1] =	ssyncadd.s32 $0xFFFFFF80  }
0x9c: {  	_ =	swait.ge [sflag:s29], $0x1000  }
0x9d: {  	[sflag:s29] =	ssyncset.done $0x0  }
0x9e: {  	[sflag:s29] =	ssyncadd.s32 $0xFFFFF000  }
0x9f: {  	_ =	swait.ge [sflag:s1], $0x80  }
0xa0: {  	[sflag:s1] =	ssyncset.done $0x0  }
0xa1: {  	[sflag:s1] =	ssyncadd.s32 $0xFFFFFF80  }
0xa2: {  	_ =	swait.ge [sflag:s29], $0x1000  }
0xa3: {  	[sflag:s29] =	ssyncset.done $0x0  }
0xa4: {  	[sflag:s29] =	ssyncadd.s32 $0xFFFFF000  }
0xa5: {  	_ =	swait.ge [sflag:s1], $0x80  }
0xa6: {  	[sflag:s1] =	ssyncset.done $0x0  }
0xa7: {  	[sflag:s1] =	ssyncadd.s32 $0xFFFFFF80  }
0xa8: {  	_ =	swait.ge [sflag:s29], $0x1000  }
0xa9: {  	[sflag:s29] =	ssyncset.done $0x0  }
0xaa: {  	[sflag:s29] =	ssyncadd.s32 $0xFFFFF000  }
0xab: {  	_ =	swait.ge [sflag:s1], $0x80  }
0xac: {  	[sflag:s1] =	ssyncset.done $0x0  }
0xad: {  	[sflag:s1] =	ssyncadd.s32 $0xFFFFFF80  }
0xae: {  	_ =	swait.ge [sflag:s29], $0x1000  }
0xaf: {  	[sflag:s29] =	ssyncset.done $0x0  }
0xb0: {  	[sflag:s29] =	ssyncadd.s32 $0xFFFFF000  }
0xb1: {  	_ =	swait.ge [sflag:s1], $0x80  }
0xb2: {  	[sflag:s1] =	ssyncset.done $0x0  }
0xb3: {  	[sflag:s1] =	ssyncadd.s32 $0xFFFFFF80  }
0xb4: {  	_ =	swait.ge [sflag:s29], $0x1000  }
0xb5: {  	[sflag:s29] =	ssyncset.done $0x0  }
0xb6: {  	[sflag:s29] =	ssyncadd.s32 $0xFFFFF000  }
0xb7: {  	_ =	swait.ge [sflag:s1], $0x80  }
0xb8: {  	[sflag:s1] =	ssyncset.done $0x0  }
0xb9: {  	[sflag:s1] =	ssyncadd.s32 $0xFFFFFF80  }
0xba: {  	_ =	swait.ge [sflag:s29], $0x1000  }
0xbb: {  	[sflag:s29] =	ssyncset.done $0x0  }
0xbc: {  	[sflag:s29] =	ssyncadd.s32 $0xFFFFF000  }
0xbd: {  	_ =	swait.ge [sflag:s1], $0x80  }
0xbe: {  	[sflag:s1] =	ssyncset.done $0x0  }
0xbf: {  	[sflag:s1] =	ssyncadd.s32 $0xFFFFFF80  }
0xc0: {  	_ =	swait.ge [sflag:s29], $0x1000  }
0xc1: {  	[sflag:s29] =	ssyncset.done $0x0  }
0xc2: {  	[sflag:s29] =	ssyncadd.s32 $0xFFFFF000  }
0xc3: {  	_ =	swait.ge [sflag:s1], $0x80  }
0xc4: {  	[sflag:s1] =	ssyncset.done $0x0  }
0xc5: {  	[sflag:s1] =	ssyncadd.s32 $0xFFFFFF80  }
0xc6: {  	_ =	swait.ge [sflag:s29], $0x1000  }
0xc7: {  	[sflag:s29] =	ssyncset.done $0x0  }
0xc8: {  	[sflag:s29] =	ssyncadd.s32 $0xFFFFF000  }
0xc9: {  	_ =	swait.ge [sflag:s1], $0x80  }
0xca: {  	[sflag:s1] =	ssyncset.done $0x0  }
0xcb: {  	[sflag:s1] =	ssyncadd.s32 $0xFFFFFF80  }
0xcc: {  	_ =	swait.ge [sflag:s29], $0x1000  }
0xcd: {  	[sflag:s29] =	ssyncset.done $0x0  }
0xce: {  	[sflag:s29] =	ssyncadd.s32 $0xFFFFF000  }
0xcf: {  	_ =	swait.ge [sflag:s1], $0x80  }
0xd0: {  	[sflag:s1] =	ssyncset.done $0x0  }
0xd1: {  	[sflag:s1] =	ssyncadd.s32 $0xFFFFFF80  }
0xd2: {  	_ =	swait.ge [sflag:s29], $0x1000  }
0xd3: {  	[sflag:s29] =	ssyncset.done $0x0  }
0xd4: {  	[sflag:s29] =	ssyncadd.s32 $0xFFFFF000  }
0xd5: {  	_ =	swait.ge [sflag:s1], $0x80  }
0xd6: {  	[sflag:s1] =	ssyncset.done $0x0  }
0xd7: {  	[sflag:s1] =	ssyncadd.s32 $0xFFFFFF80  }
0xd8: {  	_ =	swait.ge [sflag:s29], $0x1000  }
0xd9: {  	[sflag:s29] =	ssyncset.done $0x0  }
0xda: {  	[sflag:s29] =	ssyncadd.s32 $0xFFFFF000  }
0xdb: {  	_ =	swait.ge [sflag:s1], $0x80  }
0xdc: {  	[sflag:s1] =	ssyncset.done $0x0  }
0xdd: {  	[sflag:s1] =	ssyncadd.s32 $0xFFFFFF80  }
0xde: {  	_ =	swait.ge [sflag:s29], $0x1000  }
0xdf: {  	[sflag:s29] =	ssyncset.done $0x0  }
0xe0: {  	[sflag:s29] =	ssyncadd.s32 $0xFFFFF000  }
0xe1: {  	_ =	swait.ge [sflag:s1], $0x80  }
0xe2: {  	[sflag:s1] =	ssyncset.done $0x0  }
0xe3: {  	[sflag:s1] =	ssyncadd.s32 $0xFFFFFF80  }
0xe4: {  	_ =	swait.ge [sflag:s29], $0x1000  }
0xe5: {  	[sflag:s29] =	ssyncset.done $0x0  }
0xe6: {  	[sflag:s29] =	ssyncadd.s32 $0xFFFFF000  }
0xe7: {  	_ =	swait.ge [sflag:s1], $0x80  }
0xe8: {  	[sflag:s1] =	ssyncset.done $0x0  }
0xe9: {  	[sflag:s1] =	ssyncadd.s32 $0xFFFFFF80  }
0xea: {  	_ =	swait.ge [sflag:s29], $0x1000  }
0xeb: {  	[sflag:s29] =	ssyncset.done $0x0  }
0xec: {  	[sflag:s29] =	ssyncadd.s32 $0xFFFFF000  }
0xed: {  	_ =	swait.ge [sflag:s1], $0x80  }
0xee: {  	[sflag:s1] =	ssyncset.done $0x0  }
0xef: {  	[sflag:s1] =	ssyncadd.s32 $0xFFFFFF80  }
0xf0: {  	_ =	swait.ge [sflag:s29], $0x1000  }
0xf1: {  	[sflag:s29] =	ssyncset.done $0x0  }
0xf2: {  	[sflag:s29] =	ssyncadd.s32 $0xFFFFF000  }
0xf3: {  	_ =	swait.ge [sflag:s1], $0x80  }
0xf4: {  	[sflag:s1] =	ssyncset.done $0x0  }
0xf5: {  	[sflag:s1] =	ssyncadd.s32 $0xFFFFFF80  }
0xf6: {  	_ =	swait.ge [sflag:s29], $0x1000  }
0xf7: {  	[sflag:s29] =	ssyncset.done $0x0  }
0xf8: {  	[sflag:s29] =	ssyncadd.s32 $0xFFFFF000  }
0xf9: {  	_ =	swait.ge [sflag:s1], $0x80  }
0xfa: {  	[sflag:s1] =	ssyncset.done $0x0  }
0xfb: {  	[sflag:s1] =	ssyncadd.s32 $0xFFFFFF80  }
0xfc: {  	_ =	swait.ge [sflag:s29], $0x1000  }
0xfd: {  	[sflag:s29] =	ssyncset.done $0x0  }
0xfe: {  	[sflag:s29] =	ssyncadd.s32 $0xFFFFF000  }
0xff: {  	_ =	swait.ge [sflag:s1], $0x80  }
0x100: {  	[sflag:s1] =	ssyncset.done $0x0  }
0x101: {  	[sflag:s1] =	ssyncadd.s32 $0xFFFFFF80  }
0x102: {  	_ =	swait.ge [sflag:s29], $0x1000  }
0x103: {  	[sflag:s29] =	ssyncset.done $0x0  }
0x104: {  	[sflag:s29] =	ssyncadd.s32 $0xFFFFF000  }
0x105: {  	_ =	swait.ge [sflag:s1], $0x80  }
0x106: {  	[sflag:s1] =	ssyncset.done $0x0  }
0x107: {  	[sflag:s1] =	ssyncadd.s32 $0xFFFFFF80  }
0x108: {  	_ =	swait.ge [sflag:s29], $0x1000  }
0x109: {  	[sflag:s29] =	ssyncset.done $0x0  }
0x10a: {  	[sflag:s29] =	ssyncadd.s32 $0xFFFFF000  }
0x10b: {  	_ =	swait.ge [sflag:s1], $0x80  }
0x10c: {  	[sflag:s1] =	ssyncset.done $0x0  }
0x10d: {  	[sflag:s1] =	ssyncadd.s32 $0xFFFFFF80  }
0x10e: {  	_ =	swait.ge [sflag:s29], $0x1000  }
0x10f: {  	[sflag:s29] =	ssyncset.done $0x0  }
0x110: {  	[sflag:s29] =	ssyncadd.s32 $0xFFFFF000  }
0x111: {  	_ =	swait.ge [sflag:s1], $0x80  }
0x112: {  	[sflag:s1] =	ssyncset.done $0x0  }
0x113: {  	[sflag:s1] =	ssyncadd.s32 $0xFFFFFF80  }
0x114: {  	_ =	swait.ge [sflag:s29], $0x1000  }
0x115: {  	[sflag:s29] =	ssyncset.done $0x0  }
0x116: {  	[sflag:s29] =	ssyncadd.s32 $0xFFFFF000  }
0x117: {  	_ =	swait.ge [sflag:s1], $0x80  }
0x118: {  	[sflag:s1] =	ssyncset.done $0x0  }
0x119: {  	[sflag:s1] =	ssyncadd.s32 $0xFFFFFF80  }
0x11a: {  	_ =	swait.ge [sflag:s29], $0x1000  }
0x11b: {  	[sflag:s29] =	ssyncset.done $0x0  }
0x11c: {  	[sflag:s29] =	ssyncadd.s32 $0xFFFFF000  }
0x11d: {  	_ =	swait.ge [sflag:s1], $0x80  }
0x11e: {  	[sflag:s1] =	ssyncset.done $0x0  }
0x11f: {  	[sflag:s1] =	ssyncadd.s32 $0xFFFFFF80  }
0x120: {  	_ =	swait.ge [sflag:s29], $0x1000  }
0x121: {  	[sflag:s29] =	ssyncset.done $0x0  }
0x122: {  	[sflag:s29] =	ssyncadd.s32 $0xFFFFF000  }
0x123: {  	_ =	swait.ge [sflag:s1], $0x80  }
0x124: {  	[sflag:s1] =	ssyncset.done $0x0  }
0x125: {  	[sflag:s1] =	ssyncadd.s32 $0xFFFFFF80  }
0x126: {  	v0 =	vld [tilespmem:$0x1CA40];
	_ =	sdelay $0x4  }
0x127: {  	s5 =	simm.s32 $0x0;
	[tilespmem:$0x1FFB0] =	vst v0  }
.LBB2_2:
0x128: {  	s23 =	sshll.u32 s5, $0x4  }
0x129: {  	v53 =	vld [tilespmem:s23+$0xD00]  }
0x12a: {  	v51 =	vld [tilespmem:s23+$0xD80]  }
0x12b: {  	v55 =	vld [tilespmem:s23+$0xE00]  }
0x12c: {  	v63 =	vld [tilespmem:s23+$0xE80]  }
0x12d: {  	v62 =	vld [tilespmem:s23+$0xF00]  }
0x12e: {  	v61 =	vld [tilespmem:s23+$0x1000]  }
0x12f: {  	v50 =	vld [tilespmem:s23+$0x1080]  }
0x130: {  	v58 =	vld [tilespmem:s23+$0x1180]  }
0x131: {  	v56 =	vld [tilespmem:s23+$0x1200]  }
0x132: {  	v52 =	vld [tilespmem:s23+$0x1300]  }
0x133: {  	v59 =	vld [tilespmem:s23+$0x1380]  }
0x134: {  	v57 =	vld [tilespmem:s23+$0x1480]  }
0x135: {  	v49 =	vld [tilespmem:s23+$0x1500]  }
0x136: {  	v48 =	vld [tilespmem:s23+$0x1580]  }
0x137: {  	v46 =	vld [tilespmem:s23+$0x1600]  }
0x138: {  	v32 =	vld [tilespmem:s23+$0x1680]  }
0x139: {  	v0 =	vld [tilespmem:s23+$0x1980]  }
0x13a: {  	v28 =	vmov s18;
	v1 =	vld [tilespmem:s23+$0x1900]  }
0x13b: {  	v2 =	vld [tilespmem:s23+$0x1880]  }
0x13c: {  	v3 =	vld [tilespmem:s23+$0x1800]  }
0x13d: {  	v4 =	vld [tilespmem:s23+$0x1780]  }
0x13e: {  	s28 =	simm.s32 $0x0;
	v5 =	vld [tilespmem:s23+$0x1700]  }
0x13f: {  	v6 =	vld.idx.msk [tilespmem:v28+s28+$0x19020 ss:$0x1], $0xffff  }
0x140: {  	v7 =	vld.idx.msk [tilespmem:v28+s28+$0x19030 ss:$0x1], $0xffff  }
0x141: {  	v8 =	vld.idx.msk [tilespmem:v28+s28+$0x19000 ss:$0x1], $0xffff  }
0x142: {  	v9 =	vld.idx.msk [tilespmem:v28+s28+$0x19010 ss:$0x1], $0xffff  }
0x143: {  	v10 =	vld.idx.msk [tilespmem:v28+s28+$0x18020 ss:$0x1], $0xffff  }
0x144: {  	v11 =	vld.idx.msk [tilespmem:v28+s28+$0x18030 ss:$0x1], $0xffff  }
0x145: {  	v12 =	vld.idx.msk [tilespmem:v28+s28+$0x18000 ss:$0x1], $0xffff  }
0x146: {  	v13 =	vld.idx.msk [tilespmem:v28+s28+$0x18010 ss:$0x1], $0xffff  }
0x147: {  	v14 =	vld.idx.msk [tilespmem:v28+s28+$0x17020 ss:$0x1], $0xffff  }
0x148: {  	v15 =	vld.idx.msk [tilespmem:v28+s28+$0x17030 ss:$0x1], $0xffff  }
0x149: {  	v16 =	vld.idx.msk [tilespmem:v28+s28+$0x17000 ss:$0x1], $0xffff  }
0x14a: {  	v17 =	vld.idx.msk [tilespmem:v28+s28+$0x17010 ss:$0x1], $0xffff  }
0x14b: {  	s6 =	simm.s32 $0x0;
	s7 =	simm.s32 $0x1;
	v18 =	vld.idx.msk [tilespmem:v28+s28+$0x16020 ss:$0x1], $0xffff  }
0x14c: {  	v39 =	vmov s6;
	v54 =	vmov s7;
	v19 =	vld.idx.msk [tilespmem:v28+s28+$0x16030 ss:$0x1], $0xffff  }
0x14d: {  	v26 =	vld.idx.msk [tilespmem:v28+s28+$0x14020 ss:$0x1], $0xffff;
	v33 =	vperm.xlane v0, v39;
	v0 =	vperm.xlane v0, v54  }
0x14e: {  	v27 =	vld.idx.msk [tilespmem:v28+s28+$0x14030 ss:$0x1], $0xffff;
	v35 =	vperm.xlane v1, v39  }
0x14f: {  	v20 =	vld.idx.msk [tilespmem:v28+s28+$0x16000 ss:$0x1], $0xffff;
	[tilespmem:$0x1F8F0] =	vst v32;
	v37 =	vperm.xlane v2, v39;
	v6 =	vmul.f32 v6, v0  }
0x150: {  	v21 =	vld.idx.msk [tilespmem:v28+s28+$0x16010 ss:$0x1], $0xffff;
	v43 =	vperm.xlane v5, v39;
	[tilespmem:$0x1FA20] =	vst v48;
	v0 =	vmul.f32 v7, v0  }
0x151: {  	v22 =	vld.idx.msk [tilespmem:v28+s28+$0x15020 ss:$0x1], $0xffff;
	v5 =	vperm.xlane v5, v54;
	v7 =	vmul.f32 v9, v33;
	[tilespmem:$0x1F900] =	vst v6  }
0x152: {  	v23 =	vld.idx.msk [tilespmem:v28+s28+$0x15030 ss:$0x1], $0xffff;
	v1 =	vperm.xlane v1, v54;
	v9 =	vmul.f32 v17, v37;
	[tilespmem:$0x1F910] =	vst v0  }
0x153: {  	v24 =	vld.idx.msk [tilespmem:v28+s28+$0x15000 ss:$0x1], $0xffff;
	v60 =	vmul.f32 v26, v5;
	v5 =	vmul.f32 v27, v5;
	[tilespmem:$0x1F930] =	vst v7  }
0x154: {  	v25 =	vld.idx.msk [tilespmem:v28+s28+$0x15010 ss:$0x1], $0xffff;
	v0 =	vmul.f32 v8, v33;
	[tilespmem:$0x1F990] =	vst v9  }
0x155: {  	v31 =	vld.idx.msk [tilespmem:v28+s28+$0x14000 ss:$0x1], $0xffff;
	v45 =	vperm.xlane v3, v39;
	v7 =	vmul.f32 v10, v1;
	[tilespmem:$0x1FDD0] =	vst v5  }
0x156: {  	v36 =	vld.idx.msk [tilespmem:v28+s28+$0x13020 ss:$0x1], $0xffff;
	v3 =	vperm.xlane v3, v54;
	v1 =	vmul.f32 v11, v1;
	[tilespmem:$0x1F920] =	vst v0  }
0x157: {  	v38 =	vld.idx.msk [tilespmem:v28+s28+$0x13030 ss:$0x1], $0xffff;
	v41 =	vperm.xlane v4, v39;
	v8 =	vmul.f32 v13, v35;
	[tilespmem:$0x1F940] =	vst v7  }
0x158: {  	v40 =	vld.idx.msk [tilespmem:v28+s28+$0x13000 ss:$0x1], $0xffff;
	v4 =	vperm.xlane v4, v54;
	v9 =	vmul.f32 v18, v3;
	[tilespmem:$0x1F950] =	vst v1  }
0x159: {  	v42 =	vld.idx.msk [tilespmem:v28+s28+$0x13010 ss:$0x1], $0xffff;
	v3 =	vmul.f32 v19, v3;
	[tilespmem:$0x1F970] =	vst v8  }
0x15a: {  	v44 =	vld.idx.msk [tilespmem:v28+s28+$0x12020 ss:$0x1], $0xffff;
	v29 =	vperm.xlane v32, v39;
	v10 =	vmul.f32 v22, v4;
	[tilespmem:$0x1FD10] =	vst v9  }
0x15b: {  	v47 =	vmul.f32 v23, v4;
	v17 =	vld.idx.msk [tilespmem:v28+s28+$0x4020 ss:$0x1], $0xffff;
	v4 =	vmul.f32 v24, v41;
	[tilespmem:$0x1FCD0] =	vst v3  }
0x15c: {  	v32 =	vperm.xlane v32, v54;
	v6 =	vld.idx.msk [tilespmem:v28+s28+$0x12030 ss:$0x1], $0xffff;
	v11 =	vmul.f32 v25, v41;
	[tilespmem:$0x1FD60] =	vst v10  }
0x15d: {  	v5 =	vmul.f32 v31, v43;
	v18 =	vld.idx.msk [tilespmem:v28+s28+$0x3030 ss:$0x1], $0xffff;
	[tilespmem:$0x1F9B0] =	vst v4  }
0x15e: {  	v2 =	vperm.xlane v2, v54;
	v13 =	vmul.f32 v38, v32;
	v0 =	vld.idx.msk [tilespmem:v28+s28+$0x12000 ss:$0x1], $0xffff;
	[tilespmem:$0x1F9C0] =	vst v11  }
0x15f: {  	v7 =	vld.idx.msk [tilespmem:v28+s28+$0x12010 ss:$0x1], $0xffff;
	v1 =	vmul.f32 v12, v35;
	[tilespmem:$0x1F9D0] =	vst v5  }
0x160: {  	v8 =	vmul.f32 v14, v2;
	v2 =	vmul.f32 v15, v2;
	v9 =	vld.idx.msk [tilespmem:v28+s28+$0x11010 ss:$0x1], $0xffff;
	[tilespmem:$0x1FE60] =	vst v13  }
0x161: {  	v10 =	vld.idx.msk [tilespmem:v28+s28+$0x10030 ss:$0x1], $0xffff;
	[tilespmem:$0x1F960] =	vst v1  }
0x162: {  	v30 =	vperm.xlane v46, v39;
	v1 =	vld.idx.msk [tilespmem:v28+s28+$0x11020 ss:$0x1], $0xffff;
	[tilespmem:$0x1FC90] =	vst v2;
	v2 =	vmul.f32 v16, v37  }
0x163: {  	v3 =	vmul.f32 v20, v45;
	[tilespmem:$0x1FC80] =	vst v8;
	v8 =	vld.idx.msk [tilespmem:v28+s28+$0x11030 ss:$0x1], $0xffff  }
0x164: {  	[tilespmem:$0x1F980] =	vst v2;
	v2 =	vld.idx.msk [tilespmem:v28+s28+$0x11000 ss:$0x1], $0xffff;
	v0 =	vmul.f32 v0, v30  }
0x165: {  	v4 =	vld.idx.msk [tilespmem:v28+s28+$0x10000 ss:$0x1], $0xffff;
	[tilespmem:$0x1F9A0] =	vst v3;
	v7 =	vmul.f32 v7, v30  }
0x166: {  	v11 =	vld.idx.msk [tilespmem:v28+s28+$0x10010 ss:$0x1], $0xffff;
	v12 =	vmul.f32 v36, v32;
	[tilespmem:$0x1FA00] =	vst v0;
	v0 =	vperm.xlane v48, v54  }
0x167: {  	v5 =	vld.idx.msk [tilespmem:v28+s28+$0xF020 ss:$0x1], $0xffff;
	v14 =	vmul.f32 v40, v29;
	[tilespmem:$0x1FA10] =	vst v7;
	v7 =	vperm.xlane v48, v39  }
0x168: {  	v45 =	vmul.f32 v21, v45;
	v3 =	vld.idx.msk [tilespmem:v28+s28+$0x10020 ss:$0x1], $0xffff;
	[tilespmem:$0x1FDC0] =	vst v12;
	v1 =	vmul.f32 v1, v0  }
0x169: {  	v21 =	vld.idx.msk [tilespmem:v28+s28+$0x1000 ss:$0x1], $0xffff;
	[tilespmem:$0x1F9F0] =	vst v14;
	v48 =	vmul.f32 v8, v0;
	v0 =	vmul.f32 v2, v7  }
0x16a: {  	v12 =	vld.idx.msk [tilespmem:v28+s28+$0xF030 ss:$0x1], $0xffff;
	[tilespmem:$0x1FEC0] =	vst v1;
	v1 =	vmul.f32 v9, v7  }
0x16b: {  	v24 =	vperm.xlane v51, v39;
	v14 =	vld.idx.msk [tilespmem:v28+s28+$0xD020 ss:$0x1], $0xffff;
	[tilespmem:$0x1FA30] =	vst v0;
	v0 =	vperm.xlane v49, v54  }
0x16c: {  	v13 =	vperm.xlane v46, v54;
	v16 =	vld.idx.msk [tilespmem:v28+s28+$0xA030 ss:$0x1], $0xffff;
	[tilespmem:$0x1FA40] =	vst v1;
	v1 =	vperm.xlane v49, v39  }
0x16d: {  	[tilespmem:$0x1FA50] =	vst v49;
	v8 =	vld.idx.msk [tilespmem:v28+s28+$0xA020 ss:$0x1], $0xffff;
	v49 =	vmul.f32 v3, v0;
	v0 =	vmul.f32 v10, v0  }
0x16e: {  	[tilespmem:$0x1F9E0] =	vst v46;
	v15 =	vmul.f32 v44, v13;
	v44 =	vmul.f32 v6, v13;
	v6 =	vld.idx.msk [tilespmem:v28+s28+$0xD030 ss:$0x1], $0xffff  }
0x16f: {  	v46 =	vmul.f32 v42, v29;
	v13 =	vld.idx.msk [tilespmem:v28+s28+$0xC020 ss:$0x1], $0xffff;
	[tilespmem:$0x1FE90] =	vst v0;
	v0 =	vmul.f32 v4, v1  }
0x170: {  	[tilespmem:$0x1FD80] =	vst v15;
	v15 =	vld.idx.msk [tilespmem:v28+s28+$0xC030 ss:$0x1], $0xffff;
	v21 =	vmul.f32 v21, v24;
	v4 =	vperm.xlane v56, v54  }
0x171: {  	v7 =	vld.idx.msk [tilespmem:v28+s28+$0x9020 ss:$0x1], $0xffff;
	v1 =	vmul.f32 v11, v1;
	[tilespmem:$0x1FA60] =	vst v0;
	v0 =	vperm.xlane v57, v54  }
0x172: {  	v2 =	vperm.xlane v59, v54;
	v10 =	vld.idx.msk [tilespmem:v28+s28+$0x7020 ss:$0x1], $0xffff;
	v3 =	vmul.f32 v8, v4  }
0x173: {  	v9 =	vld.idx.msk [tilespmem:v28+s28+$0x9030 ss:$0x1], $0xffff;
	[tilespmem:$0x1FA70] =	vst v1;
	v4 =	vmul.f32 v16, v4;
	v1 =	vmul.f32 v5, v0  }
0x174: {  	v11 =	vld.idx.msk [tilespmem:v28+s28+$0x7030 ss:$0x1], $0xffff;
	v16 =	vperm.xlane v50, v54;
	v0 =	vmul.f32 v12, v0  }
0x175: {  	v12 =	vld.idx.msk [tilespmem:v28+s28+$0x6020 ss:$0x1], $0xffff;
	v5 =	vmul.f32 v6, v2;
	v6 =	vperm.xlane v58, v54;
	[tilespmem:$0x1FF10] =	vst v1  }
0x176: {  	[tilespmem:$0x1FE50] =	vst v0;
	v1 =	vmul.f32 v14, v2;
	v0 =	vperm.xlane v52, v54;
	v14 =	vld.idx.msk [tilespmem:v28+s28+$0x6030 ss:$0x1], $0xffff  }
0x177: {  	v19 =	vld.idx.msk [tilespmem:v28+s28+$0x1020 ss:$0x1], $0xffff;
	v8 =	vmul.f32 v10, v16;
	v10 =	vperm.xlane v61, v54  }
0x178: {  	v7 =	vmul.f32 v7, v6;
	v2 =	vmul.f32 v13, v0;
	v13 =	vld.idx.msk [tilespmem:v28+s28+$0x4030 ss:$0x1], $0xffff  }
0x179: {  	v6 =	vmul.f32 v9, v6;
	v0 =	vmul.f32 v15, v0;
	v15 =	vld.idx.msk [tilespmem:v28+s28+$0x3020 ss:$0x1], $0xffff  }
0x17a: {  	v20 =	vld.idx.msk [tilespmem:v28+s28+$0x1030 ss:$0x1], $0xffff;
	v9 =	vmul.f32 v11, v16;
	v16 =	vperm.xlane v62, v54  }
0x17b: {  	v11 =	vmul.f32 v12, v10;
	v10 =	vmul.f32 v14, v10;
	v14 =	vld.idx.msk [tilespmem:v28+s28+$0x1010 ss:$0x1], $0xffff  }
0x17c: {  	v23 =	vld.idx.msk [tilespmem:v28+s28+$0x30 ss:$0x1], $0xffff;
	v12 =	vmul.f32 v17, v16;
	v17 =	vperm.xlane v63, v54  }
0x17d: {  	v22 =	vld.idx.msk [tilespmem:v28+s28+$0x20 ss:$0x1], $0xffff;
	v13 =	vmul.f32 v13, v16;
	v16 =	vperm.xlane v51, v54  }
0x17e: {  	v25 =	vld.idx.msk [tilespmem:v28+s28+$0x10 ss:$0x1], $0xffff;
	v15 =	vmul.f32 v15, v17;
	v17 =	vmul.f32 v18, v17  }
0x17f: {  	v18 =	vld.idx.msk [tilespmem:v28+s28+$0x0 ss:$0x1], $0xffff;
	v19 =	vmul.f32 v19, v16;
	v16 =	vmul.f32 v20, v16  }
0x180: {  	v26 =	vld.idx.msk [tilespmem:v28+s28+$0x2020 ss:$0x1], $0xffff;
	v20 =	vperm.xlane v53, v54;
	v14 =	vmul.f32 v14, v24  }
0x181: {  	[tilespmem:$0x1FA90] =	vst v53;
	v36 =	vld [tilespmem:$0x1C700];
	v24 =	vperm.xlane v53, v39;
	v53 =	vmul.f32 v21, v21  }
0x182: {  	v38 =	vld [tilespmem:$0x1C710];
	v22 =	vmul.f32 v22, v20;
	v20 =	vmul.f32 v23, v20  }
0x183: {  	v23 =	vperm.xlane v55, v54;
	v30 =	vmul.f32 v16, v16  }
0x184: {  	v18 =	vmul.f32 v18, v24;
	v24 =	vmul.f32 v25, v24  }
0x185: {  	[tilespmem:$0x1FA80] =	vst v51;
	v40 =	vld [tilespmem:$0x1C730];
	v51 =	vmul.f32 v14, v14;
	v25 =	vmul.f32 v26, v23  }
0x186: {  	v27 =	vmul.f32 v20, v20;
	v29 =	vmul.f32 v22, v36  }
0x187: {  	[tilespmem:$0x1FDA0] =	vst v57;
	v37 =	vld [tilespmem:$0x1C720];
	v57 =	vmul.f32 v22, v22;
	v41 =	vadd.f32 $0.0e+00, v20;
	v20 =	vmul.f32 v20, v38  }
0x188: {  	v26 =	vld.idx.msk [tilespmem:v28+s28+$0x2030 ss:$0x1], $0xffff;
	v22 =	vadd.f32 $0.0e+00, v22;
	v31 =	vmul.f32 v24, v24;
	v42 =	vmul.f32 v18, v36  }
0x189: {  	v27 =	vadd.f32 v30, v27;
	v30 =	vmul.f32 v18, v18;
	v29 =	vadd.f32 $0.0e+00, v29  }
0x18a: {  	v18 =	vadd.f32 $0.0e+00, v18;
	v35 =	vadd.f32 v16, v41;
	v16 =	vmul.f32 v16, v40  }
0x18b: {  	v20 =	vadd.f32 $0.0e+00, v20;
	v31 =	vadd.f32 v51, v31;
	v51 =	vmul.f32 v19, v19  }
0x18c: {  	v32 =	vld.idx.msk [tilespmem:v28+s28+$0x2000 ss:$0x1], $0xffff;
	v33 =	vadd.f32 $0.0e+00, v42;
	v18 =	vadd.f32 v21, v18;
	v21 =	vmul.f32 v21, v37  }
0x18d: {  	v41 =	vld [tilespmem:$0x1C740];
	v16 =	vadd.f32 v16, v20;
	v20 =	vadd.f32 $0.0e+00, v24;
	v23 =	vmul.f32 v26, v23  }
0x18e: {  	v26 =	vadd.f32 v53, v30;
	v30 =	vadd.f32 v51, v57;
	v53 =	vmul.f32 v19, v37  }
0x18f: {  	v42 =	vld [tilespmem:$0x1C750];
	v19 =	vadd.f32 v19, v22;
	v22 =	vperm.xlane v55, v39;
	v51 =	vmul.f32 v24, v38  }
0x190: {  	v20 =	vadd.f32 v14, v20;
	v14 =	vmul.f32 v14, v40;
	v29 =	vadd.f32 v53, v29  }
0x191: {  	[tilespmem:$0x1FAA0] =	vst v55;
	v57 =	vld.idx.msk [tilespmem:v28+s28+$0x2010 ss:$0x1], $0xffff;
	v32 =	vmul.f32 v32, v22;
	v24 =	vadd.f32 $0.0e+00, v51;
	v53 =	vmul.f32 v23, v23  }
0x192: {  	[tilespmem:$0x1FAD0] =	vst v38;
	v21 =	vadd.f32 v21, v33;
	v51 =	vmul.f32 v25, v41;
	v19 =	vadd.f32 v25, v19  }
0x193: {  	[tilespmem:$0x1FAE0] =	vst v40;
	v27 =	vadd.f32 v53, v27;
	v40 =	vmul.f32 v32, v32;
	v14 =	vadd.f32 v14, v24  }
0x194: {  	[tilespmem:$0x1FAB0] =	vst v36;
	v38 =	vld [tilespmem:$0x1C760];
	v53 =	vmul.f32 v23, v42;
	v23 =	vadd.f32 v23, v35;
	v29 =	vadd.f32 v51, v29  }
0x195: {  	[tilespmem:$0x1FB00] =	vst v41;
	v18 =	vadd.f32 v32, v18;
	v32 =	vmul.f32 v32, v41;
	v41 =	vmul.f32 v17, v17  }
0x196: {  	v36 =	vld.idx.msk [tilespmem:v28+s28+$0x3010 ss:$0x1], $0xffff;
	v19 =	vadd.f32 v15, v19;
	v22 =	vmul.f32 v57, v22;
	v57 =	vmul.f32 v25, v25  }
0x197: {  	v33 =	vld.idx.msk [tilespmem:v28+s28+$0x3000 ss:$0x1], $0xffff;
	v51 =	vmul.f32 v15, v15;
	v26 =	vadd.f32 v40, v26;
	v16 =	vadd.f32 v53, v16  }
0x198: {  	v21 =	vadd.f32 v32, v21;
	v55 =	vmul.f32 v22, v22;
	v30 =	vadd.f32 v57, v30;
	v57 =	vld.idx.msk [tilespmem:v28+s28+$0x4010 ss:$0x1], $0xffff  }
0x199: {  	[tilespmem:$0x1FAF0] =	vst v63;
	v15 =	vmul.f32 v15, v38;
	v27 =	vadd.f32 v41, v27;
	v20 =	vadd.f32 v22, v20  }
0x19a: {  	[tilespmem:$0x1FB20] =	vst v62;
	v22 =	vmul.f32 v22, v42;
	v24 =	vadd.f32 v55, v31;
	v31 =	vperm.xlane v63, v39;
	v63 =	vld [tilespmem:$0x1C770]  }
0x19b: {  	[tilespmem:$0x1FB10] =	vst v42;
	v19 =	vadd.f32 v12, v19;
	v42 =	vperm.xlane v62, v39;
	v62 =	vmul.f32 v13, v13  }
0x19c: {  	v15 =	vadd.f32 v15, v29;
	v55 =	vld.idx.msk [tilespmem:v28+s28+$0x4000 ss:$0x1], $0xffff;
	v25 =	vmul.f32 v33, v31;
	v31 =	vmul.f32 v36, v31  }
0x19d: {  	v41 =	vld [tilespmem:$0x1C780];
	v14 =	vadd.f32 v22, v14;
	v30 =	vadd.f32 v51, v30;
	v32 =	vmul.f32 v57, v42  }
0x19e: {  	v27 =	vadd.f32 v62, v27;
	v36 =	vmul.f32 v31, v31;
	v53 =	vmul.f32 v25, v25  }
0x19f: {  	v18 =	vadd.f32 v25, v18;
	v20 =	vadd.f32 v31, v20;
	v57 =	vmul.f32 v17, v63  }
0x1a0: {  	v29 =	vld.idx.msk [tilespmem:v28+s28+$0x5030 ss:$0x1], $0xffff;
	v17 =	vadd.f32 v17, v23;
	v23 =	vmul.f32 v25, v38;
	v40 =	vmul.f32 v32, v32  }
0x1a1: {  	v22 =	vadd.f32 v36, v24;
	v24 =	vmul.f32 v55, v42;
	v26 =	vadd.f32 v53, v26;
	v55 =	vld [tilespmem:s23+$0xF80]  }
0x1a2: {  	[tilespmem:$0x1FB30] =	vst v38;
	v38 =	vld [tilespmem:$0x1C790];
	v42 =	vmul.f32 v12, v12;
	v12 =	vmul.f32 v12, v41;
	v20 =	vadd.f32 v32, v20  }
0x1a3: {  	v25 =	vld.idx.msk [tilespmem:v28+s28+$0x5020 ss:$0x1], $0xffff;
	v16 =	vadd.f32 v57, v16;
	v21 =	vadd.f32 v23, v21;
	v23 =	vmul.f32 v31, v63  }
0x1a4: {  	v31 =	vld.idx.msk [tilespmem:v28+s28+$0x5000 ss:$0x1], $0xffff;
	v17 =	vadd.f32 v13, v17;
	v51 =	vmul.f32 v24, v24;
	v22 =	vadd.f32 v40, v22  }
0x1a5: {  	v30 =	vadd.f32 v42, v30;
	v57 =	vmul.f32 v24, v41;
	v14 =	vadd.f32 v23, v14;
	v23 =	vld.idx.msk [tilespmem:v28+s28+$0x5010 ss:$0x1], $0xffff  }
0x1a6: {  	[tilespmem:$0x1FB40] =	vst v63;
	v18 =	vadd.f32 v24, v18;
	v12 =	vadd.f32 v12, v15;
	v63 =	vperm.xlane v55, v54  }
0x1a7: {  	v26 =	vadd.f32 v51, v26;
	v13 =	vmul.f32 v13, v38;
	v53 =	vperm.xlane v55, v39  }
0x1a8: {  	v62 =	vld [tilespmem:$0x1C7B0];
	v15 =	vadd.f32 v57, v21;
	[tilespmem:$0x1FB70] =	vst v38;
	v24 =	vmul.f32 v32, v38;
	v25 =	vmul.f32 v25, v63  }
0x1a9: {  	v13 =	vadd.f32 v13, v16;
	v16 =	vld.idx.msk [tilespmem:v28+s28+$0x6000 ss:$0x1], $0xffff;
	v29 =	vmul.f32 v29, v63;
	v31 =	vmul.f32 v31, v53  }
0x1aa: {  	[tilespmem:$0x1FB50] =	vst v55;
	v55 =	vld [tilespmem:$0x1C7A0];
	v14 =	vadd.f32 v24, v14;
	v24 =	vperm.xlane v61, v39;
	v23 =	vmul.f32 v23, v53  }
0x1ab: {  	v63 =	vld.idx.msk [tilespmem:v28+s28+$0x6010 ss:$0x1], $0xffff;
	v21 =	vmul.f32 v29, v29;
	v38 =	vmul.f32 v31, v31;
	v19 =	vadd.f32 v25, v19  }
0x1ac: {  	[tilespmem:$0x1FAC0] =	vst v37;
	v17 =	vadd.f32 v29, v17;
	v18 =	vadd.f32 v31, v18;
	v37 =	vmul.f32 v23, v23  }
0x1ad: {  	v20 =	vadd.f32 v23, v20;
	v21 =	vadd.f32 v21, v27;
	v27 =	vmul.f32 v25, v25  }
0x1ae: {  	v23 =	vmul.f32 v23, v62;
	v26 =	vadd.f32 v38, v26;
	v16 =	vmul.f32 v16, v24  }
0x1af: {  	v40 =	vld [tilespmem:$0x1C7C0];
	v27 =	vadd.f32 v27, v30;
	v30 =	vmul.f32 v25, v55;
	v25 =	vmul.f32 v29, v62  }
0x1b0: {  	[tilespmem:$0x1FB60] =	vst v41;
	v41 =	vld [tilespmem:$0x1C7D0];
	v19 =	vadd.f32 v11, v19;
	v22 =	vadd.f32 v37, v22;
	v24 =	vmul.f32 v63, v24  }
0x1b1: {  	v14 =	vadd.f32 v23, v14;
	v29 =	vld.idx.msk [tilespmem:v28+s28+$0x7000 ss:$0x1], $0xffff;
	v13 =	vadd.f32 v25, v13;
	v25 =	vmul.f32 v31, v55  }
0x1b2: {  	v42 =	vmul.f32 v16, v16;
	v19 =	vadd.f32 v8, v19;
	v31 =	vmul.f32 v10, v10  }
0x1b3: {  	v51 =	vld [tilespmem:$0x1C7E0];
	v32 =	vmul.f32 v24, v24;
	v12 =	vadd.f32 v30, v12;
	v15 =	vadd.f32 v25, v15  }
0x1b4: {  	v30 =	vld.idx.msk [tilespmem:v28+s28+$0x7010 ss:$0x1], $0xffff;
	v25 =	vperm.xlane v50, v39;
	v21 =	vadd.f32 v31, v21;
	v31 =	vmul.f32 v11, v11  }
0x1b5: {  	v26 =	vadd.f32 v42, v26;
	v22 =	vadd.f32 v32, v22;
	v11 =	vmul.f32 v11, v40  }
0x1b6: {  	v23 =	vmul.f32 v29, v25;
	v27 =	vadd.f32 v31, v27;
	v29 =	vmul.f32 v10, v41  }
0x1b7: {  	[tilespmem:$0x1FBB0] =	vst v50;
	v53 =	vld [tilespmem:$0x1C7F0];
	v10 =	vadd.f32 v10, v17;
	v17 =	vadd.f32 v16, v18;
	v16 =	vmul.f32 v16, v40  }
0x1b8: {  	[tilespmem:$0x1FB90] =	vst v55;
	v50 =	vld [tilespmem:s23+$0x1100];
	v11 =	vadd.f32 v11, v12;
	v31 =	vmul.f32 v8, v8;
	v8 =	vmul.f32 v8, v51  }
0x1b9: {  	v18 =	vld.idx.msk [tilespmem:v28+s28+$0x8020 ss:$0x1], $0xffff;
	v25 =	vmul.f32 v30, v25;
	v12 =	vadd.f32 v29, v13;
	v29 =	vmul.f32 v9, v9  }
0x1ba: {  	v13 =	vld.idx.msk [tilespmem:v28+s28+$0x8030 ss:$0x1], $0xffff;
	v15 =	vadd.f32 v16, v15;
	v16 =	vadd.f32 v24, v20;
	v20 =	vmul.f32 v24, v41  }
0x1bb: {  	v24 =	vld.idx.msk [tilespmem:v28+s28+$0x8000 ss:$0x1], $0xffff;
	v55 =	vmul.f32 v23, v23;
	v27 =	vadd.f32 v31, v27;
	v10 =	vadd.f32 v9, v10  }
0x1bc: {  	v9 =	vmul.f32 v9, v53;
	v30 =	vmul.f32 v25, v25;
	v14 =	vadd.f32 v20, v14;
	v20 =	vld.idx.msk [tilespmem:v28+s28+$0x8010 ss:$0x1], $0xffff  }
0x1bd: {  	v17 =	vadd.f32 v23, v17;
	v21 =	vadd.f32 v29, v21;
	v29 =	vperm.xlane v50, v54  }
0x1be: {  	v8 =	vadd.f32 v8, v11;
	v22 =	vadd.f32 v30, v22;
	v30 =	vperm.xlane v50, v39  }
0x1bf: {  	v26 =	vadd.f32 v55, v26;
	v18 =	vmul.f32 v18, v29;
	v13 =	vmul.f32 v13, v29  }
0x1c0: {  	v9 =	vadd.f32 v9, v12;
	v12 =	vld.idx.msk [tilespmem:v28+s28+$0x9000 ss:$0x1], $0xffff;
	v24 =	vmul.f32 v24, v30;
	v29 =	vmul.f32 v23, v51  }
0x1c1: {  	v57 =	vld [tilespmem:$0x1C810];
	v16 =	vadd.f32 v25, v16;
	v23 =	vmul.f32 v25, v53;
	v20 =	vmul.f32 v20, v30  }
0x1c2: {  	[tilespmem:$0x1FD40] =	vst v54;
	v31 =	vld [tilespmem:$0x1C800];
	v11 =	vadd.f32 v29, v15;
	v15 =	vmul.f32 v13, v13;
	v30 =	vmul.f32 v24, v24  }
0x1c3: {  	v25 =	vld.idx.msk [tilespmem:v28+s28+$0x9010 ss:$0x1], $0xffff;
	v14 =	vadd.f32 v23, v14;
	v23 =	vperm.xlane v58, v39;
	v10 =	vadd.f32 v13, v10  }
0x1c4: {  	v34 =	vld.idx.msk [tilespmem:v28+s28+$0x14010 ss:$0x1], $0xffff;
	v17 =	vadd.f32 v24, v17;
	v15 =	vadd.f32 v15, v21;
	v21 =	vmul.f32 v18, v18  }
0x1c5: {  	[tilespmem:$0x1FDB0] =	vst v39;
	v33 =	vld [tilespmem:$0x1C9E0];
	v29 =	vmul.f32 v20, v20;
	v26 =	vadd.f32 v30, v26;
	v12 =	vmul.f32 v12, v23  }
0x1c6: {  	[tilespmem:$0x1FC10] =	vst v58;
	v58 =	vld [tilespmem:$0x1C840];
	v16 =	vadd.f32 v20, v16;
	v20 =	vmul.f32 v20, v57;
	v21 =	vadd.f32 v21, v27  }
0x1c7: {  	[tilespmem:$0x1FB80] =	vst v61;
	v30 =	vld [tilespmem:$0x1C820];
	v27 =	vmul.f32 v18, v31;
	v18 =	vadd.f32 v18, v19;
	v19 =	vmul.f32 v13, v57  }
0x1c8: {  	v23 =	vmul.f32 v25, v23;
	v25 =	vmul.f32 v6, v6;
	v22 =	vadd.f32 v29, v22;
	v13 =	vld.idx.msk [tilespmem:v28+s28+$0xA000 ss:$0x1], $0xffff  }
0x1c9: {  	v29 =	vmul.f32 v12, v12;
	v9 =	vadd.f32 v19, v9;
	v19 =	vmul.f32 v24, v31;
	v24 =	vld.idx.msk [tilespmem:v28+s28+$0xA010 ss:$0x1], $0xffff  }
0x1ca: {  	[tilespmem:$0x1FC20] =	vst v31;
	v14 =	vadd.f32 v20, v14;
	v15 =	vadd.f32 v25, v15;
	v25 =	vmul.f32 v7, v7;
	v31 =	vld [tilespmem:$0x1C830]  }
0x1cb: {  	[tilespmem:$0x1FC40] =	vst v56;
	v36 =	vld [tilespmem:$0x1C9D0];
	v8 =	vadd.f32 v27, v8;
	v27 =	vmul.f32 v23, v23;
	v18 =	vadd.f32 v7, v18  }
0x1cc: {  	[tilespmem:$0x1FCC0] =	vst v52;
	v61 =	vld [tilespmem:$0x1C890];
	v7 =	vmul.f32 v7, v30;
	v11 =	vadd.f32 v19, v11;
	v19 =	vperm.xlane v56, v39  }
0x1cd: {  	[tilespmem:$0x1FD00] =	vst v59;
	v63 =	vld [tilespmem:$0x1C8B0];
	v20 =	vadd.f32 v27, v22;
	v22 =	vadd.f32 v29, v26;
	v26 =	vmul.f32 v3, v3  }
0x1ce: {  	[tilespmem:$0x1FBA0] =	vst v62;
	v37 =	vld [tilespmem:$0x1C8D0];
	v18 =	vadd.f32 v3, v18;
	v3 =	vmul.f32 v3, v58;
	v13 =	vmul.f32 v13, v19  }
0x1cf: {  	[tilespmem:$0x1FBC0] =	vst v40;
	v21 =	vadd.f32 v25, v21;
	v29 =	vld [tilespmem:s23+$0x1280];
	v19 =	vmul.f32 v24, v19;
	v24 =	vmul.f32 v6, v31  }
0x1d0: {  	[tilespmem:$0x1FBD0] =	vst v41;
	v62 =	vld [tilespmem:$0x1C8A0];
	v6 =	vadd.f32 v6, v10;
	v10 =	vadd.f32 v12, v17;
	v12 =	vmul.f32 v12, v30  }
0x1d1: {  	v7 =	vadd.f32 v7, v8;
	v17 =	vld.idx.msk [tilespmem:v28+s28+$0xB020 ss:$0x1], $0xffff;
	v8 =	vadd.f32 v24, v9;
	v24 =	vmul.f32 v4, v4  }
0x1d2: {  	v9 =	vld.idx.msk [tilespmem:v28+s28+$0xB030 ss:$0x1], $0xffff;
	v11 =	vadd.f32 v12, v11;
	v12 =	vadd.f32 v23, v16;
	v16 =	vmul.f32 v23, v31  }
0x1d3: {  	[tilespmem:$0x1FC50] =	vst v30;
	v21 =	vadd.f32 v26, v21;
	v30 =	vld [tilespmem:$0x1C850];
	v3 =	vadd.f32 v3, v7;
	v25 =	vmul.f32 v19, v19  }
0x1d4: {  	v15 =	vadd.f32 v24, v15;
	v24 =	vperm.xlane v29, v54;
	v14 =	vadd.f32 v16, v14;
	v16 =	vld.idx.msk [tilespmem:v28+s28+$0xB010 ss:$0x1], $0xffff  }
0x1d5: {  	v27 =	vmul.f32 v13, v13;
	v23 =	vld.idx.msk [tilespmem:v28+s28+$0xB000 ss:$0x1], $0xffff;
	v6 =	vadd.f32 v4, v6;
	v10 =	vadd.f32 v13, v10  }
0x1d6: {  	[tilespmem:$0x1FBF0] =	vst v51;
	v42 =	vld [tilespmem:$0x1C8C0];
	v20 =	vadd.f32 v25, v20;
	v25 =	vperm.xlane v29, v39;
	v17 =	vmul.f32 v17, v24  }
0x1d7: {  	v32 =	vmovc v47;
	v47 =	vld [tilespmem:$0x1C900];
	v22 =	vadd.f32 v27, v22;
	v9 =	vmul.f32 v9, v24;
	v24 =	vmul.f32 v13, v58  }
0x1d8: {  	[tilespmem:$0x1FC30] =	vst v57;
	v26 =	vld [tilespmem:$0x1C860];
	v12 =	vadd.f32 v19, v12;
	v4 =	vmul.f32 v4, v30;
	v13 =	vmul.f32 v19, v30  }
0x1d9: {  	[tilespmem:$0x1FC70] =	vst v29;
	v29 =	vld [tilespmem:$0x1C870];
	v16 =	vmul.f32 v16, v25;
	v7 =	vadd.f32 v24, v11;
	v11 =	vmul.f32 v9, v9  }
0x1da: {  	[tilespmem:$0x1FD30] =	vst v61;
	v40 =	vld [tilespmem:$0x1C8E0];
	v23 =	vmul.f32 v23, v25;
	v4 =	vadd.f32 v4, v8;
	v13 =	vadd.f32 v13, v14  }
0x1db: {  	v8 =	vld.idx.msk [tilespmem:v28+s28+$0xC000 ss:$0x1], $0xffff;
	v24 =	vmul.f32 v16, v16;
	v11 =	vadd.f32 v11, v15;
	v15 =	vmul.f32 v17, v17  }
0x1dc: {  	v19 =	vld.idx.msk [tilespmem:v28+s28+$0xC010 ss:$0x1], $0xffff;
	v25 =	vmul.f32 v23, v23;
	v6 =	vadd.f32 v9, v6;
	v10 =	vadd.f32 v23, v10  }
0x1dd: {  	[tilespmem:$0x1FBE0] =	vst v50;
	v50 =	vld [tilespmem:$0x1FD60];
	v14 =	vadd.f32 v24, v20;
	v20 =	vperm.xlane v52, v39;
	v15 =	vadd.f32 v15, v21  }
0x1de: {  	[tilespmem:$0x1FC00] =	vst v53;
	v53 =	vld [tilespmem:$0x1C9C0];
	v21 =	vmul.f32 v17, v26;
	v17 =	vadd.f32 v17, v18;
	v18 =	vmul.f32 v9, v29  }
0x1df: {  	[tilespmem:$0x1FCB0] =	vst v30;
	v30 =	vld [tilespmem:$0x1C880];
	v22 =	vadd.f32 v25, v22;
	v12 =	vadd.f32 v16, v12;
	v16 =	vmul.f32 v16, v29  }
0x1e0: {  	v9 =	vld.idx.msk [tilespmem:v28+s28+$0xD000 ss:$0x1], $0xffff;
	v8 =	vmul.f32 v8, v20;
	v4 =	vadd.f32 v18, v4;
	v18 =	vmul.f32 v23, v26  }
0x1e1: {  	v19 =	vmul.f32 v19, v20;
	v3 =	vadd.f32 v21, v3;
	v20 =	vld.idx.msk [tilespmem:v28+s28+$0xD010 ss:$0x1], $0xffff;
	v21 =	vmul.f32 v0, v0  }
0x1e2: {  	[tilespmem:$0x1FD90] =	vst v63;
	v51 =	vld [tilespmem:$0x1C9B0];
	v17 =	vadd.f32 v2, v17;
	v7 =	vadd.f32 v18, v7;
	v18 =	vperm.xlane v59, v39  }
0x1e3: {  	[tilespmem:$0x1FC60] =	vst v31;
	v31 =	vld [tilespmem:$0x1FC90];
	v23 =	vmul.f32 v19, v19;
	v11 =	vadd.f32 v21, v11;
	v21 =	vmul.f32 v2, v2  }
0x1e4: {  	[tilespmem:$0x1FDF0] =	vst v37;
	v27 =	vld [tilespmem:$0x1FC80];
	v13 =	vadd.f32 v16, v13;
	v24 =	vmul.f32 v8, v8;
	v2 =	vmul.f32 v2, v30  }
0x1e5: {  	[tilespmem:$0x1FCA0] =	vst v58;
	v58 =	vld [tilespmem:$0x1C930];
	v17 =	vadd.f32 v1, v17;
	v14 =	vadd.f32 v23, v14;
	v9 =	vmul.f32 v9, v18  }
0x1e6: {  	[tilespmem:$0x1FCF0] =	vst v29;
	v29 =	vld [tilespmem:s23+$0x1400];
	v15 =	vadd.f32 v21, v15;
	v2 =	vadd.f32 v2, v3;
	v16 =	vmul.f32 v20, v18  }
0x1e7: {  	[tilespmem:$0x1FD70] =	vst v62;
	v52 =	vld [tilespmem:$0x1C960];
	v18 =	vadd.f32 v24, v22;
	v20 =	vmul.f32 v0, v61;
	v0 =	vadd.f32 v0, v6  }
0x1e8: {  	[tilespmem:$0x1FCE0] =	vst v26;
	v26 =	vld [tilespmem:$0x1C940];
	v6 =	vadd.f32 v8, v10;
	v8 =	vmul.f32 v8, v30;
	v22 =	vmul.f32 v1, v1  }
0x1e9: {  	v10 =	vld.idx.msk [tilespmem:v28+s28+$0xE020 ss:$0x1], $0xffff;
	v1 =	vmul.f32 v1, v62;
	v3 =	vadd.f32 v20, v4;
	v20 =	vmul.f32 v5, v5  }
0x1ea: {  	v4 =	vld.idx.msk [tilespmem:v28+s28+$0xE030 ss:$0x1], $0xffff;
	v7 =	vadd.f32 v8, v7;
	v8 =	vadd.f32 v19, v12;
	v12 =	vmul.f32 v19, v61  }
0x1eb: {  	v23 =	vmul.f32 v9, v9;
	v19 =	vld.idx.msk [tilespmem:v28+s28+$0xE000 ss:$0x1], $0xffff;
	v21 =	vmul.f32 v16, v16;
	v15 =	vadd.f32 v22, v15  }
0x1ec: {  	v11 =	vadd.f32 v20, v11;
	v20 =	vperm.xlane v29, v54;
	v12 =	vadd.f32 v12, v13;
	v13 =	vld.idx.msk [tilespmem:v28+s28+$0xE010 ss:$0x1], $0xffff  }
0x1ed: {  	[tilespmem:$0x1FDE0] =	vst v42;
	v22 =	vmul.f32 v9, v62;
	v6 =	vadd.f32 v9, v6;
	v2 =	vadd.f32 v1, v2;
	v9 =	vld [tilespmem:$0x1FDA0]  }
0x1ee: {  	[tilespmem:$0x1FF20] =	vst v47;
	v59 =	vld [tilespmem:$0x1FE50];
	v14 =	vadd.f32 v21, v14;
	v21 =	vperm.xlane v29, v39;
	v10 =	vmul.f32 v10, v20  }
0x1ef: {  	v1 =	vld.idx.msk [tilespmem:v28+s28+$0xF010 ss:$0x1], $0xffff;
	v4 =	vmul.f32 v4, v20;
	v20 =	vadd.f32 v5, v0;
	v0 =	vmul.f32 v5, v63  }
0x1f0: {  	v18 =	vadd.f32 v23, v18;
	v7 =	vadd.f32 v22, v7;
	v19 =	vmul.f32 v19, v21;
	v5 =	vld.idx.msk [tilespmem:v28+s28+$0xF000 ss:$0x1], $0xffff  }
0x1f1: {  	[tilespmem:$0x1FFA0] =	vst v40;
	v24 =	vld [tilespmem:$0x1FD10];
	v13 =	vmul.f32 v13, v21;
	v38 =	vadd.f32 v0, v3;
	v0 =	vmul.f32 v4, v4  }
0x1f2: {  	[tilespmem:$0x1FD20] =	vst v30;
	v30 =	vld [tilespmem:$0x1C990];
	v8 =	vadd.f32 v16, v8;
	v3 =	vmul.f32 v16, v63;
	v16 =	vperm.xlane v9, v39  }
0x1f3: {  	[tilespmem:$0x1FEF0] =	vst v58;
	v23 =	vld [tilespmem:$0x1C980];
	v21 =	vmul.f32 v19, v19;
	v11 =	vadd.f32 v0, v11;
	v0 =	vmul.f32 v13, v13  }
0x1f4: {  	[tilespmem:$0x1FD50] =	vst v29;
	v61 =	vld [tilespmem:$0x1C9A0];
	v9 =	vadd.f32 v3, v12;
	v3 =	vmul.f32 v10, v10;
	v12 =	vmul.f32 v1, v16  }
0x1f5: {  	[tilespmem:$0x1FE40] =	vst v52;
	v22 =	vld [tilespmem:$0x1FD80];
	v1 =	vadd.f32 v4, v20;
	v55 =	vmul.f32 v5, v16;
	v16 =	vadd.f32 v21, v18  }
0x1f6: {  	[tilespmem:$0x1FE80] =	vst v26;
	v29 =	vld [tilespmem:$0x1C950];
	v5 =	vmul.f32 v10, v42;
	v14 =	vadd.f32 v0, v14;
	v15 =	vadd.f32 v3, v15  }
0x1f7: {  	v39 =	vld [tilespmem:$0x1C970];
	v0 =	vadd.f32 v10, v17;
	v17 =	vmul.f32 v19, v42;
	v3 =	vadd.f32 v19, v6;
	v19 =	vmovc v60  }
0x1f8: {  	[tilespmem:$0x1FE30] =	vst v30;
	v20 =	vld [tilespmem:$0x1FDD0];
	v18 =	vmul.f32 v13, v37;
	v5 =	vadd.f32 v5, v2;
	v2 =	vmul.f32 v19, v23  }
0x1f9: {  	[tilespmem:$0x1FE10] =	vst v23;
	v10 =	vmul.f32 v4, v37;
	v4 =	vadd.f32 v13, v8;
	v13 =	vld [tilespmem:$0x1C920]  }
0x1fa: {  	v9 =	vadd.f32 v18, v9;
	v18 =	vld [tilespmem:$0x1FEC0];
	[tilespmem:$0x1FE20] =	vst v2;
	v2 =	vmul.f32 v59, v59  }
0x1fb: {  	[tilespmem:$0x1FEA0] =	vst v29;
	v6 =	vmul.f32 v50, v61;
	v23 =	vld [tilespmem:$0x1C910]  }
0x1fc: {  	v54 =	vld [tilespmem:$0x1C9F0];
	[tilespmem:$0x1FE70] =	vst v39;
	v8 =	vadd.f32 v2, v11;
	v2 =	vmul.f32 v44, v29  }
0x1fd: {  	[tilespmem:$0x1FE00] =	vst v6;
	v6 =	vadd.f32 v10, v38;
	v38 =	vmul.f32 v22, v26;
	v26 =	vld [tilespmem:$0x1FE90]  }
0x1fe: {  	v37 =	vmov v12;
	[tilespmem:$0x1FEB0] =	vst v2;
	v2 =	vmul.f32 v12, v12;
	v12 =	vld [tilespmem:$0x1FF10]  }
0x1ff: {  	v42 =	vmul.f32 v20, v30;
	v30 =	vld [tilespmem:$0x1C8F0];
	[tilespmem:$0x1FED0] =	vst v13;
	v10 =	vmul.f32 v18, v13  }
0x200: {  	v43 =	vmul.f32 v34, v43;
	v25 =	vld [tilespmem:$0x1FCD0];
	v13 =	vmul.f32 v49, v47;
	[tilespmem:$0x1FF40] =	vst v23  }
0x201: {  	v62 =	vmul.f32 v27, v33;
	v21 =	vld [tilespmem:$0x1FDC0];
	[tilespmem:$0x1FEE0] =	vst v10;
	v10 =	vadd.f32 v2, v14;
	v2 =	vmul.f32 v48, v58  }
0x202: {  	v56 =	vmul.f32 v24, v53;
	v7 =	vadd.f32 v17, v7;
	v17 =	vld [tilespmem:$0x1FE60];
	[tilespmem:$0x1FF30] =	vst v13;
	v13 =	vmul.f32 v26, v23  }
0x203: {  	v41 =	vmul.f32 v31, v54;
	[tilespmem:$0x1FF00] =	vst v2;
	v2 =	vmul.f32 v12, v12  }
0x204: {  	v63 =	vmul.f32 v32, v51;
	[tilespmem:$0x1FF50] =	vst v13;
	v13 =	vmul.f32 v59, v30;
	v23 =	vmov v12  }
0x205: {  	v11 =	vmul.f32 v55, v55;
	[tilespmem:$0x1FF70] =	vst v30;
	v12 =	vadd.f32 v2, v15;
	v2 =	vmul.f32 v23, v40  }
0x206: {  	v60 =	vmul.f32 v25, v36;
	v35 =	vmul.f32 v21, v52;
	[tilespmem:$0x1FF80] =	vst v13  }
0x207: {  	v39 =	vmul.f32 v17, v39;
	v11 =	vadd.f32 v11, v16;
	[tilespmem:$0x1FF60] =	vst v2;
	v2 =	vimm.f32 $0.0e+00  }
0x208: {  	s28 =	simm.s32 $0x100;
	v14 =	vmul.f32 v55, v40;
	v30 =	vmov v59;
	v13 =	vmul.f32 v26, v26;
	[tilespmem:$0x1FF90] =	vst v2  }
.LBB2_3:
0x209: {  	v2 =	vld [tilespmem:$0x1FF70];
	_ =	sdelay $0x4  }
0x20a: {  	v15 =	vmul.f32 v37, v2;
	v2 =	vld [tilespmem:$0x1FF60];
	_ =	sdelay $0x4  }
0x20b: {  	v2 =	vadd.f32 v2, v5;
	v5 =	vld [tilespmem:$0x1FF80];
	_ =	sdelay $0x2  }
0x20c: {  	v1 =	vadd.f32 v30, v1;
	v30 =	vld [tilespmem:$0x1FA70];
	_ =	sdelay $0x1  }
0x20d: {  	v5 =	vadd.f32 v5, v6;
	v6 =	vmul.f32 v49, v49  }
0x20e: {  	v0 =	vadd.f32 v23, v0;
	v23 =	vld [tilespmem:$0x1FA60]  }
0x20f: {  	v6 =	vadd.f32 v6, v12;
	v12 =	vld [tilespmem:$0x1FF20]  }
0x210: {  	v16 =	vmul.f32 v30, v30;
	_ =	sdelay $0x1  }
0x211: {  	v3 =	vadd.f32 v55, v3;
	v10 =	vadd.f32 v16, v10;
	v16 =	vld [tilespmem:$0x1FF30]  }
0x212: {  	v7 =	vadd.f32 v14, v7;
	v14 =	vmul.f32 v23, v23  }
0x213: {  	v3 =	vadd.f32 v23, v3;
	v12 =	vmul.f32 v23, v12;
	v23 =	vld [tilespmem:$0x1FA30]  }
0x214: {  	v11 =	vadd.f32 v14, v11;
	v14 =	vld [tilespmem:$0x1FF40];
	_ =	sdelay $0x1  }
0x215: {  	v2 =	vadd.f32 v16, v2;
	v16 =	vld [tilespmem:$0x1FF50];
	_ =	sdelay $0x1  }
0x216: {  	v7 =	vadd.f32 v12, v7;
	v12 =	vmul.f32 v23, v23  }
0x217: {  	v1 =	vadd.f32 v26, v1;
	v26 =	vld [tilespmem:$0x1FA40];
	v9 =	vadd.f32 v15, v9;
	v14 =	vmul.f32 v30, v14  }
0x218: {  	v0 =	vadd.f32 v49, v0;
	v11 =	vadd.f32 v12, v11;
	v12 =	vld [tilespmem:$0x1FED0]  }
0x219: {  	v9 =	vadd.f32 v14, v9;
	v14 =	vld [tilespmem:$0x1FEF0];
	v5 =	vadd.f32 v16, v5;
	v16 =	vmul.f32 v18, v18  }
0x21a: {  	v0 =	vadd.f32 v18, v0;
	v18 =	vld [tilespmem:$0x1FA00]  }
0x21b: {  	v6 =	vadd.f32 v16, v6;
	v16 =	vld [tilespmem:$0x1FEE0];
	_ =	sdelay $0x1  }
0x21c: {  	v12 =	vmul.f32 v23, v12;
	_ =	sdelay $0x1  }
0x21d: {  	v7 =	vadd.f32 v12, v7;
	v12 =	vmul.f32 v18, v18  }
0x21e: {  	v14 =	vmul.f32 v26, v14;
	v2 =	vadd.f32 v16, v2;
	v16 =	vld [tilespmem:$0x1FF00]  }
0x21f: {  	v11 =	vadd.f32 v12, v11;
	v12 =	vld [tilespmem:$0x1FE80]  }
0x220: {  	v9 =	vadd.f32 v14, v9;
	v14 =	vld [tilespmem:$0x1FEA0]  }
0x221: {  	v3 =	vadd.f32 v23, v3;
	v23 =	vld [tilespmem:$0x1FA10]  }
0x222: {  	v4 =	vadd.f32 v37, v4  }
0x223: {  	v8 =	vadd.f32 v13, v8;
	v13 =	vmul.f32 v48, v48;
	v5 =	vadd.f32 v16, v5  }
0x224: {  	v16 =	vmul.f32 v22, v22;
	v3 =	vadd.f32 v18, v3;
	v12 =	vmul.f32 v18, v12;
	v18 =	vld [tilespmem:$0x1F9F0]  }
0x225: {  	v8 =	vadd.f32 v13, v8;
	v13 =	vmul.f32 v44, v44;
	v1 =	vadd.f32 v48, v1  }
0x226: {  	v4 =	vadd.f32 v30, v4;
	v6 =	vadd.f32 v16, v6;
	v16 =	vld [tilespmem:$0x1FEB0];
	v14 =	vmul.f32 v23, v14  }
0x227: {  	v8 =	vadd.f32 v13, v8;
	v1 =	vadd.f32 v44, v1  }
0x228: {  	v13 =	vmul.f32 v17, v17;
	v4 =	vadd.f32 v26, v4;
	v9 =	vadd.f32 v14, v9;
	v14 =	vld [tilespmem:$0x1FE70]  }
0x229: {  	v0 =	vadd.f32 v22, v0;
	v7 =	vadd.f32 v12, v7;
	v12 =	vmul.f32 v18, v18  }
0x22a: {  	v15 =	vmul.f32 v26, v26;
	v8 =	vadd.f32 v13, v8;
	v2 =	vadd.f32 v38, v2  }
0x22b: {  	v5 =	vadd.f32 v16, v5;
	v16 =	vmul.f32 v21, v21;
	v11 =	vadd.f32 v12, v11;
	v12 =	vld [tilespmem:$0x1FE40]  }
0x22c: {  	v10 =	vadd.f32 v15, v10;
	v0 =	vadd.f32 v21, v0;
	v15 =	vmul.f32 v23, v23  }
0x22d: {  	v6 =	vadd.f32 v16, v6;
	v16 =	vadd.f32 v35, v2;
	v14 =	vmul.f32 v46, v14  }
0x22e: {  	v13 =	vmul.f32 v20, v20;
	v4 =	vadd.f32 v23, v4;
	v10 =	vadd.f32 v15, v10  }
0x22f: {  	v2 =	vmul.f32 v19, v19;
	v9 =	vadd.f32 v14, v9;
	v14 =	vadd.f32 v19, v0;
	v0 =	vld [tilespmem:$0x1FE30]  }
0x230: {  	v15 =	vmul.f32 v46, v46;
	v3 =	vadd.f32 v18, v3;
	v12 =	vmul.f32 v18, v12;
	v18 =	vld [tilespmem:$0x1F9D0]  }
0x231: {  	v8 =	vadd.f32 v13, v8;
	v13 =	vmul.f32 v32, v32;
	v23 =	vld [tilespmem:$0x1F9C0];
	v6 =	vadd.f32 v2, v6  }
0x232: {  	v2 =	vld [tilespmem:$0x1FE10];
	v4 =	vadd.f32 v46, v4;
	v10 =	vadd.f32 v15, v10;
	v15 =	vmul.f32 v43, v43  }
0x233: {  	v1 =	vadd.f32 v17, v1;
	v8 =	vadd.f32 v13, v8;
	v21 =	vmul.f32 v50, v50  }
0x234: {  	v26 =	vld [tilespmem:$0x1F9B0];
	v4 =	vadd.f32 v43, v4;
	v10 =	vadd.f32 v15, v10;
	v17 =	vmul.f32 v43, v0  }
0x235: {  	v52 =	vld [tilespmem:$0x1FFF0];
	v15 =	vadd.f32 v20, v1;
	v7 =	vadd.f32 v12, v7;
	v12 =	vmul.f32 v18, v18  }
0x236: {  	v47 =	vld [tilespmem:$0x1FFE0];
	v4 =	vadd.f32 v23, v4;
	v9 =	vadd.f32 v17, v9;
	v17 =	vmul.f32 v23, v51  }
0x237: {  	v1 =	vld [tilespmem:$0x1FE20];
	v15 =	vadd.f32 v32, v15;
	v11 =	vadd.f32 v12, v11;
	v12 =	vmul.f32 v18, v2  }
0x238: {  	v19 =	vmul.f32 v23, v23;
	v23 =	vld [tilespmem:$0x1F9A0];
	v9 =	vadd.f32 v17, v9;
	v17 =	vmul.f32 v45, v36  }
0x239: {  	v6 =	vadd.f32 v21, v6;
	v21 =	vld [tilespmem:$0x1FE00];
	v7 =	vadd.f32 v12, v7;
	v12 =	vmul.f32 v26, v26  }
0x23a: {  	v57 =	vld [tilespmem:$0x1FFD0];
	s7 =	sshra.s32 s28, $0x2;
	v15 =	vadd.f32 v25, v15;
	v9 =	vadd.f32 v17, v9  }
0x23b: {  	v17 =	vld.idx.msk [tilespmem:v28+s7+$0x18000 ss:$0x1], $0xffff;
	v18 =	vadd.f32 v18, v3;
	v11 =	vadd.f32 v12, v11;
	v12 =	vmul.f32 v26, v61  }
0x23c: {  	v59 =	vld [tilespmem:$0x1FFC0];
	v13 =	vmul.f32 v25, v25;
	v16 =	vadd.f32 v1, v16;
	v14 =	vadd.f32 v50, v14  }
0x23d: {  	v25 =	vld [tilespmem:$0x1F980];
	v18 =	vadd.f32 v26, v18;
	v7 =	vadd.f32 v12, v7;
	v12 =	vmul.f32 v23, v23  }
0x23e: {  	v16 =	vadd.f32 v21, v16;
	v21 =	vmul.f32 v24, v24;
	v14 =	vadd.f32 v24, v14;
	v24 =	vld.idx.msk [tilespmem:v28+s7+$0x18020 ss:$0x1], $0xffff  }
0x23f: {  	v18 =	vadd.f32 v23, v18;
	v11 =	vadd.f32 v12, v11;
	v12 =	vmul.f32 v23, v53;
	v23 =	vld [tilespmem:$0x1F990]  }
0x240: {  	v8 =	vadd.f32 v13, v8;
	v13 =	vmul.f32 v31, v31;
	[tilespmem:$0x1F020] =	vst v17;
	v17 =	vld.idx.msk [tilespmem:v28+s7+$0x18010 ss:$0x1], $0xffff  }
0x241: {  	v6 =	vadd.f32 v21, v6;
	v21 =	vld.idx.msk [tilespmem:v28+s7+$0x19010 ss:$0x1], $0xffff  }
0x242: {  	v8 =	vadd.f32 v13, v8;
	v13 =	vld.idx.msk [tilespmem:v28+s7+$0x18030 ss:$0x1], $0xffff;
	v10 =	vadd.f32 v19, v10;
	v19 =	vmul.f32 v45, v45  }
0x243: {  	v4 =	vadd.f32 v45, v4;
	[tilespmem:$0x1F000] =	vst v24;
	v24 =	vld [tilespmem:$0x1F950]  }
0x244: {  	v40 =	vld [tilespmem:s23+$0x1900];
	v10 =	vadd.f32 v19, v10;
	v7 =	vadd.f32 v12, v7;
	v19 =	vmul.f32 v23, v23  }
0x245: {  	[tilespmem:$0x1F030] =	vst v17;
	v12 =	vmul.f32 v25, v25;
	v17 =	vmul.f32 v23, v54;
	v4 =	vadd.f32 v23, v4;
	v23 =	vld [tilespmem:$0x1F970]  }
0x246: {  	[tilespmem:$0x1EFF0] =	vst v21;
	v21 =	vmul.f32 v27, v27;
	v10 =	vadd.f32 v19, v10;
	v19 =	vld.idx.msk [tilespmem:v28+s7+$0x17020 ss:$0x1], $0xffff  }
0x247: {  	v18 =	vadd.f32 v25, v18;
	v11 =	vadd.f32 v12, v11;
	v12 =	vmul.f32 v25, v33;
	v25 =	vld.idx.msk [tilespmem:v28+s7+$0x17000 ss:$0x1], $0xffff  }
0x248: {  	[tilespmem:$0x1F010] =	vst v13;
	v5 =	vadd.f32 v39, v5;
	v20 =	vld [tilespmem:$0x1CA00];
	v13 =	vmul.f32 v24, v24  }
0x249: {  	v6 =	vadd.f32 v21, v6;
	v21 =	vld.idx.msk [tilespmem:v28+s7+$0x17030 ss:$0x1], $0xffff  }
0x24a: {  	v5 =	vadd.f32 v42, v5;
	v8 =	vadd.f32 v13, v8;
	v13 =	vld.idx.msk [tilespmem:v28+s7+$0x17010 ss:$0x1], $0xffff  }
0x24b: {  	v26 =	vld [tilespmem:$0x1F940];
	[tilespmem:$0x1F040] =	vst v19;
	v19 =	vmul.f32 v23, v23  }
0x24c: {  	v5 =	vadd.f32 v63, v5;
	[tilespmem:$0x1F060] =	vst v25;
	v25 =	vld [tilespmem:$0x1F960]  }
0x24d: {  	v10 =	vadd.f32 v19, v10;
	v19 =	vld.idx.msk [tilespmem:v28+s7+$0x16000 ss:$0x1], $0xffff  }
0x24e: {  	v22 =	vld [tilespmem:$0x1CA10];
	v5 =	vadd.f32 v60, v5;
	v16 =	vadd.f32 v56, v16  }
0x24f: {  	v37 =	vld [tilespmem:s23+$0x1780]  }
0x250: {  	v44 =	vld.idx.msk [tilespmem:v28+s7+$0x19020 ss:$0x1], $0xffff;
	v5 =	vadd.f32 v41, v5;
	v16 =	vadd.f32 v62, v16;
	[tilespmem:$0x1F050] =	vst v21  }
0x251: {  	v38 =	vld [tilespmem:s23+$0x1800];
	[tilespmem:$0x1F070] =	vst v13;
	v21 =	vmul.f32 v26, v26;
	v7 =	vadd.f32 v12, v7;
	v12 =	vmul.f32 v25, v25  }
0x252: {  	v13 =	vmul.f32 v26, v20;
	[tilespmem:$0x1F0A0] =	vst v19;
	v19 =	vmul.f32 v25, v20;
	v20 =	vld.idx.msk [tilespmem:v28+s7+$0x16010 ss:$0x1], $0xffff  }
0x253: {  	v6 =	vadd.f32 v21, v6;
	v21 =	vld [tilespmem:$0x1F910];
	v11 =	vadd.f32 v12, v11;
	v12 =	vmul.f32 v24, v22  }
0x254: {  	v13 =	vadd.f32 v13, v16;
	v16 =	vld.idx.msk [tilespmem:v28+s7+$0x15030 ss:$0x1], $0xffff  }
0x255: {  	v5 =	vadd.f32 v12, v5;
	v12 =	vld.idx.msk [tilespmem:v28+s7+$0x15020 ss:$0x1], $0xffff  }
0x256: {  	v7 =	vadd.f32 v19, v7;
	v19 =	vld [tilespmem:$0x1F930]  }
0x257: {  	[tilespmem:$0x1F0B0] =	vst v20;
	v20 =	vmul.f32 v23, v22;
	v22 =	vld [tilespmem:$0x1F920]  }
0x258: {  	v15 =	vadd.f32 v31, v15;
	v4 =	vadd.f32 v23, v4;
	v23 =	vld [tilespmem:$0x1F900]  }
0x259: {  	v39 =	vld [tilespmem:s23+$0x1880];
	v14 =	vadd.f32 v27, v14  }
0x25a: {  	v1 =	vld [tilespmem:$0x1C9E0];
	v15 =	vadd.f32 v24, v15;
	v18 =	vadd.f32 v25, v18  }
0x25b: {  	v14 =	vadd.f32 v26, v14;
	v9 =	vadd.f32 v17, v9;
	v17 =	vld.idx.msk [tilespmem:v28+s7+$0x16020 ss:$0x1], $0xffff  }
0x25c: {  	[tilespmem:$0x1F0D0] =	vst v16;
	v16 =	vadd.f32 v22, v18;
	v18 =	vld.idx.msk [tilespmem:v28+s7+$0x15000 ss:$0x1], $0xffff  }
0x25d: {  	v0 =	vld [tilespmem:$0x1CA30];
	v15 =	vadd.f32 v21, v15;
	[tilespmem:$0x1F0C0] =	vst v12;
	v12 =	vmul.f32 v19, v19;
	v14 =	vadd.f32 v23, v14  }
0x25e: {  	v2 =	vld [tilespmem:$0x1CA20];
	v4 =	vadd.f32 v19, v4  }
0x25f: {  	v10 =	vadd.f32 v12, v10;
	v12 =	vmul.f32 v14, v14;
	v14 =	vmul.f32 v15, v15;
	v15 =	vld.idx.msk [tilespmem:v28+s7+$0x14030 ss:$0x1], $0xffff  }
0x260: {  	[tilespmem:$0x1F080] =	vst v17;
	v17 =	vld.idx.msk [tilespmem:v28+s7+$0x16030 ss:$0x1], $0xffff;
	v4 =	vmul.f32 v4, v4;
	v16 =	vmul.f32 v16, v16  }
0x261: {  	v24 =	vld.idx.msk [tilespmem:v28+s7+$0x15010 ss:$0x1], $0xffff;
	[tilespmem:$0x1F0E0] =	vst v18;
	v18 =	vmul.f32 v22, v22  }
0x262: {  	v9 =	vadd.f32 v20, v9;
	v20 =	vld.idx.msk [tilespmem:v28+s7+$0x14020 ss:$0x1], $0xffff;
	v4 =	vadd.f32 v4, v16  }
0x263: {  	v16 =	vld.idx.msk [tilespmem:v28+s7+$0x14000 ss:$0x1], $0xffff;
	v12 =	vadd.f32 v14, v12;
	v11 =	vadd.f32 v18, v11  }
0x264: {  	v14 =	vld.idx.msk [tilespmem:v28+s7+$0x14010 ss:$0x1], $0xffff;
	[tilespmem:$0x1F110] =	vst v15;
	v15 =	vmul.f32 v23, v2;
	v2 =	vmul.f32 v22, v2  }
0x265: {  	[tilespmem:$0x1F090] =	vst v17;
	v4 =	vsub.f32 v4, v11;
	v11 =	vld.idx.msk [tilespmem:v28+s7+$0x13020 ss:$0x1], $0xffff  }
0x266: {  	[tilespmem:$0x1F0F0] =	vst v24;
	v2 =	vadd.f32 v2, v7;
	v7 =	vld.idx.msk [tilespmem:v28+s7+$0x13030 ss:$0x1], $0xffff  }
0x267: {  	v3 =	vld [tilespmem:$0x1C9F0];
	[tilespmem:$0x1F100] =	vst v20  }
0x268: {  	v35 =	vld [tilespmem:s23+$0x1700];
	[tilespmem:$0x1F120] =	vst v16  }
0x269: {  	v42 =	vld [tilespmem:s23+$0x1980];
	[tilespmem:$0x1F130] =	vst v14  }
0x26a: {  	v46 =	vld.idx.msk [tilespmem:v28+s7+$0x19030 ss:$0x1], $0xffff;
	v14 =	vmul.f32 v19, v0;
	[tilespmem:$0x1F140] =	vst v11  }
0x26b: {  	v51 =	vld.idx.msk [tilespmem:v28+s7+$0x19000 ss:$0x1], $0xffff;
	[tilespmem:$0x1F150] =	vst v7  }
0x26c: {  	v17 =	vmul.f32 v21, v21;
	v7 =	vadd.f32 v14, v9;
	v9 =	vmovc v1;
	v1 =	vmov v3;
	v3 =	vld.idx.msk [tilespmem:v28+s7+$0x13010 ss:$0x1], $0xffff;
	_ =	sdelay $0x1  }
0x26d: {  	v8 =	vadd.f32 v17, v8;
	v17 =	vmul.f32 v23, v23;
	v16 =	vld [tilespmem:$0x1FD50]  }
0x26e: {  	v4 =	vsub.f32 v4, v10;
	[tilespmem:$0x1F3A0] =	vst v1;
	v1 =	vld.idx.msk [tilespmem:v28+s7+$0x13000 ss:$0x1], $0xffff  }
0x26f: {  	v6 =	vadd.f32 v17, v6  }
0x270: {  	s6 =	sadd.s32 $0x2, s6;
	v2 =	vadd.f32 v7, v2;
	[tilespmem:$0x1F170] =	vst v3;
	v3 =	vmul.f32 $5.000000000e-01, v4  }
0x271: {  	v6 =	vsub.f32 v12, v6;
	v10 =	vmov s6  }
0x272: {  	v0 =	vmul.f32 v21, v0;
	v14 =	vld [tilespmem:$0x1FD00];
	v2 =	vadd.f32 v3, v2;
	v3 =	vperm.xlane v16, v10  }
0x273: {  	v13 =	vadd.f32 v15, v13;
	v21 =	vld [tilespmem:$0x1FCC0];
	[tilespmem:$0x1F160] =	vst v1  }
0x274: {  	v0 =	vadd.f32 v0, v5;
	v1 =	vsub.f32 v6, v8;
	[tilespmem:$0x1F280] =	vst v3;
	v3 =	vld.idx.msk [tilespmem:v28+s7+$0x12000 ss:$0x1], $0xffff;
	_ =	sdelay $0x1  }
0x275: {  	v0 =	vadd.f32 v0, v13;
	v1 =	vmul.f32 $5.000000000e-01, v1;
	_ =	sdelay $0x1  }
0x276: {  	v0 =	vadd.f32 v1, v0;
	v1 =	vperm.xlane v14, v10  }
0x277: {  	[tilespmem:$0x1F1A0] =	vst v3;
	v3 =	vperm.xlane v21, v10  }
0x278: {  	[tilespmem:$0x1F2A0] =	vst v1;
	v1 =	vld.idx.msk [tilespmem:v28+s7+$0x12010 ss:$0x1], $0xffff  }
0x279: {  	[tilespmem:$0x1F2B0] =	vst v3;
	v3 =	vld.idx.msk [tilespmem:v28+s7+$0x11020 ss:$0x1], $0xffff;
	_ =	sdelay $0x3  }
0x27a: {  	[tilespmem:$0x1F1B0] =	vst v1  }
0x27b: {  	v1 =	vperm.xlane v2, v59;
	[tilespmem:$0x1F1C0] =	vst v3;
	v3 =	vperm.xlane v0, v59;
	v59 =	vld [tilespmem:$0x1FBE0];
	_ =	sdelay $0x1  }
0x27c: {  	v25 =	vld [tilespmem:$0x1FC10];
	_ =	sdelay $0x2  }
0x27d: {  	v1 =	vadd.f32 v2, v1;
	v2 =	vperm.xlane v59, v10;
	_ =	sdelay $0x1  }
0x27e: {  	[tilespmem:$0x1F2F0] =	vst v2;
	v2 =	vperm.xlane v25, v10  }
0x27f: {  	v26 =	vld [tilespmem:$0x1FBB0]  }
0x280: {  	[tilespmem:$0x1F2E0] =	vst v2;
	v2 =	vld.idx.msk [tilespmem:v28+s7+$0x11000 ss:$0x1], $0xffff;
	_ =	sdelay $0x2  }
0x281: {  	v27 =	vld [tilespmem:$0x1FB80];
	_ =	sdelay $0x1  }
0x282: {  	[tilespmem:$0x1F1E0] =	vst v2;
	v2 =	vperm.xlane v26, v10;
	_ =	sdelay $0x1  }
0x283: {  	[tilespmem:$0x1F300] =	vst v2;
	v2 =	vld.idx.msk [tilespmem:v28+s7+$0x11010 ss:$0x1], $0xffff  }
0x284: {  	v0 =	vadd.f32 v0, v3;
	v3 =	vperm.xlane v27, v10  }
0x285: {  	v31 =	vld [tilespmem:$0x1FAA0]  }
0x286: {  	[tilespmem:$0x1F310] =	vst v3;
	v3 =	vld.idx.msk [tilespmem:v28+s7+$0x10020 ss:$0x1], $0xffff  }
0x287: {  	v30 =	vld [tilespmem:$0x1FAF0]  }
0x288: {  	[tilespmem:$0x1F1F0] =	vst v2;
	v2 =	vperm.xlane v1, v57;
	_ =	sdelay $0x1  }
0x289: {  	v1 =	vadd.f32 v1, v2;
	v2 =	vperm.xlane v31, v10  }
0x28a: {  	[tilespmem:$0x1F200] =	vst v3;
	v3 =	vperm.xlane v0, v57  }
0x28b: {  	v4 =	vld.idx.msk [tilespmem:v28+s7+$0x12020 ss:$0x1], $0xffff;
	[tilespmem:$0x1F350] =	vst v2;
	v2 =	vperm.xlane v30, v10  }
0x28c: {  	v3 =	vadd.f32 v0, v3;
	v0 =	vld [tilespmem:$0x1FA80]  }
0x28d: {  	[tilespmem:$0x1F340] =	vst v2;
	v2 =	vld.idx.msk [tilespmem:v28+s7+$0x10000 ss:$0x1], $0xffff;
	_ =	sdelay $0x2  }
0x28e: {  	v23 =	vld [tilespmem:$0x1FC40]  }
0x28f: {  	[tilespmem:$0x1F180] =	vst v4;
	v4 =	vld.idx.msk [tilespmem:v28+s7+$0x12030 ss:$0x1], $0xffff  }
0x290: {  	[tilespmem:$0x1F220] =	vst v2;
	v2 =	vperm.xlane v0, v10  }
0x291: {  	v15 =	vld [tilespmem:$0x1FC70]  }
0x292: {  	[tilespmem:$0x1F370] =	vst v2;
	v2 =	vld.idx.msk [tilespmem:v28+s7+$0x10010 ss:$0x1], $0xffff;
	_ =	sdelay $0x1  }
0x293: {  	v8 =	vld.idx.msk [tilespmem:v28+s7+$0xF030 ss:$0x1], $0xffff;
	[tilespmem:$0x1F190] =	vst v4;
	v4 =	vperm.xlane v23, v10;
	_ =	sdelay $0x1  }
0x294: {  	v29 =	vld [tilespmem:$0x1FB20];
	[tilespmem:$0x1F2D0] =	vst v4;
	v4 =	vperm.xlane v15, v10  }
0x295: {  	v34 =	vld [tilespmem:$0x1FB50];
	[tilespmem:$0x1F230] =	vst v2;
	v2 =	vperm.xlane v1, v47  }
0x296: {  	[tilespmem:$0x1F2C0] =	vst v4;
	v4 =	vld.idx.msk [tilespmem:v28+s7+$0x11030 ss:$0x1], $0xffff  }
0x297: {  	[tilespmem:$0x1F250] =	vst v8;
	v8 =	vadd.f32 v1, v2;
	v1 =	vld.idx.msk [tilespmem:v28+s7+$0xF000 ss:$0x1], $0xffff  }
0x298: {  	v2 =	vld [tilespmem:$0x1FDB0];
	_ =	sdelay $0x1  }
0x299: {  	[tilespmem:$0x1F560] =	vst v9  }
0x29a: {  	v5 =	vld [tilespmem:$0x1F8F0];
	[tilespmem:$0x1F1D0] =	vst v4;
	v4 =	vperm.xlane v29, v10  }
0x29b: {  	v9 =	vld [tilespmem:$0x1FA50];
	[tilespmem:$0x1F260] =	vst v1;
	v1 =	vlaneseq.u32  }
0x29c: {  	[tilespmem:$0x1F330] =	vst v4;
	v4 =	vperm.xlane v34, v10;
	vm0 =	veq.s32 v2, v1;
	v2 =	vld.idx.msk [tilespmem:v28+s7+$0xE020 ss:$0x1], $0xffff  }
0x29d: {  	v32 =	vld [tilespmem:$0x1FA90]  }
0x29e: {  	[tilespmem:$0x1F320] =	vst v4;
	v4 =	vld.idx.msk [tilespmem:v28+s7+$0x10030 ss:$0x1], $0xffff  }
0x29f: {  	v13 =	vld [tilespmem:$0x1FDA0];
	_ =	sdelay $0x1  }
0x2a0: {  	[tilespmem:$0x1F270] =	vst v2;
	v2 =	vld [tilespmem:$0x1FD40]  }
0x2a1: {  	s8 =	sadd.s32 $0x1, s6;
	v53 =	vperm.xlane v5, v10  }
0x2a2: {  	v11 =	vmov s8;
	v7 =	vld [tilespmem:$0x1FA20];
	v43 =	vperm.xlane v9, v10;
	[tilespmem:$0x1F210] =	vst v4;
	v4 =	vperm.xlane v32, v10  }
0x2a3: {  	v6 =	vld [tilespmem:$0x1F9E0];
	v45 =	vperm.xlane v13, v10;
	v18 =	vperm.xlane v9, v11  }
0x2a4: {  	v19 =	vperm.xlane v13, v11;
	v20 =	vperm.xlane v14, v11;
	[tilespmem:$0x1F390] =	vst v4;
	v4 =	vld.idx.msk [tilespmem:v28+s7+$0xF020 ss:$0x1], $0xffff  }
0x2a5: {  	v24 =	vperm.xlane v23, v11;
	v41 =	vperm.xlane v15, v11;
	vm1 =	veq.s32 v2, v1;
	v1 =	vld.idx.msk [tilespmem:v28+s7+$0xE000 ss:$0x1], $0xffff  }
0x2a6: {  	v58 =	vperm.xlane v25, v11;
	v54 =	vperm.xlane v34, v11  }
0x2a7: {  	v48 =	vperm.xlane v7, v10;
	v17 =	vperm.xlane v7, v11  }
0x2a8: {  	v16 =	vperm.xlane v16, v11;
	v9 =	vperm.xlane v8, v52  }
0x2a9: {  	v49 =	vperm.xlane v6, v10;
	[tilespmem:$0x1F240] =	vst v4;
	v4 =	vperm.xlane v3, v47  }
0x2aa: {  	v36 =	vperm.xlane v6, v11;
	v21 =	vperm.xlane v21, v11;
	[tilespmem:$0x1F290] =	vst v1;
	v1 =	vld [tilespmem:$0x1FF90]  }
0x2ab: {  	v15 =	vperm.xlane v26, v11;
	v12 =	vadd.f32 v3, v4;
	v14 =	vadd.f32 v8, v9  }
0x2ac: {  	v63 =	vperm.xlane v59, v11;
	v57 =	vperm.xlane v27, v11;
	v9 =	vmov v11  }
0x2ad: {  	v13 =	vperm.xlane v12, v52;
	v0 =	vperm.xlane v0, v9  }
0x2ae: {  	v47 =	vperm.xlane v5, v11;
	v52 =	vperm.xlane v29, v11  }
0x2af: {  	[tilespmem:$0x1F360] =	vst v0;
	v0 =	vperm.xlane v42, v9;
	v62 =	vsel vm0, v14, v1;
	v14 =	vmov v10  }
0x2b0: {  	v2 =	vperm.xlane v42, v14;
	v4 =	vperm.xlane v40, v14  }
0x2b1: {  	v6 =	vperm.xlane v39, v14;
	v8 =	vperm.xlane v38, v14  }
0x2b2: {  	v10 =	vperm.xlane v37, v14;
	v11 =	vperm.xlane v35, v14  }
0x2b3: {  	[tilespmem:$0x1FDB0] =	vst v14;
	v14 =	vmul.f32 v44, v0;
	v0 =	vmul.f32 v46, v0;
	_ =	sdelay $0x1  }
0x2b4: {  	[tilespmem:$0x1F910] =	vst v0;
	v0 =	vmul.f32 v51, v2;
	_ =	sdelay $0x1  }
0x2b5: {  	[tilespmem:$0x1F920] =	vst v0;
	v0 =	vld [tilespmem:$0x1EFF0];
	_ =	sdelay $0x4  }
0x2b6: {  	v13 =	vadd.f32 v12, v13;
	v0 =	vmul.f32 v0, v2;
	_ =	sdelay $0x1  }
0x2b7: {  	v1 =	vsel vm1, v13, v62;
	[tilespmem:$0x1F930] =	vst v0;
	v0 =	vld [tilespmem:$0x1F000]  }
0x2b8: {  	[tilespmem:$0x1FF90] =	vst v1;
	v1 =	vperm.xlane v32, v9;
	_ =	sdelay $0x1  }
0x2b9: {  	[tilespmem:$0x1F380] =	vst v1;
	v1 =	vperm.xlane v40, v9;
	_ =	sdelay $0x1  }
0x2ba: {  	v0 =	vmul.f32 v0, v1;
	_ =	sdelay $0x1  }
0x2bb: {  	[tilespmem:$0x1F940] =	vst v0;
	v0 =	vld [tilespmem:$0x1F010];
	_ =	sdelay $0x4  }
0x2bc: {  	v0 =	vmul.f32 v0, v1;
	_ =	sdelay $0x1  }
0x2bd: {  	[tilespmem:$0x1F950] =	vst v0;
	v0 =	vld [tilespmem:$0x1F020];
	_ =	sdelay $0x4  }
0x2be: {  	v0 =	vmul.f32 v0, v4;
	_ =	sdelay $0x1  }
0x2bf: {  	[tilespmem:$0x1F960] =	vst v0;
	v0 =	vld [tilespmem:$0x1F030];
	_ =	sdelay $0x4  }
0x2c0: {  	v0 =	vmul.f32 v0, v4;
	_ =	sdelay $0x1  }
0x2c1: {  	[tilespmem:$0x1F970] =	vst v0;
	v0 =	vld [tilespmem:$0x1F040];
	_ =	sdelay $0x2  }
0x2c2: {  	v3 =	vperm.xlane v39, v9;
	_ =	sdelay $0x1  }
0x2c3: {  	v62 =	vmul.f32 v0, v3;
	v0 =	vld [tilespmem:$0x1F050];
	_ =	sdelay $0x4  }
0x2c4: {  	v0 =	vmul.f32 v0, v3;
	_ =	sdelay $0x1  }
0x2c5: {  	[tilespmem:$0x1FC90] =	vst v0;
	v0 =	vld [tilespmem:$0x1F060];
	_ =	sdelay $0x4  }
0x2c6: {  	v0 =	vmul.f32 v0, v6;
	_ =	sdelay $0x1  }
0x2c7: {  	[tilespmem:$0x1F980] =	vst v0;
	v0 =	vld [tilespmem:$0x1F070];
	_ =	sdelay $0x4  }
0x2c8: {  	v0 =	vmul.f32 v0, v6;
	_ =	sdelay $0x1  }
0x2c9: {  	[tilespmem:$0x1F990] =	vst v0;
	v0 =	vld [tilespmem:$0x1F080];
	_ =	sdelay $0x2  }
0x2ca: {  	v5 =	vperm.xlane v38, v9;
	_ =	sdelay $0x1  }
0x2cb: {  	v0 =	vmul.f32 v0, v5;
	_ =	sdelay $0x1  }
0x2cc: {  	[tilespmem:$0x1FD10] =	vst v0;
	v0 =	vld [tilespmem:$0x1F090];
	_ =	sdelay $0x4  }
0x2cd: {  	v0 =	vmul.f32 v0, v5;
	v5 =	vld [tilespmem:$0x1F180];
	_ =	sdelay $0x4  }
0x2ce: {  	v5 =	vmul.f32 v5, v36;
	_ =	sdelay $0x1  }
0x2cf: {  	[tilespmem:$0x1FD80] =	vst v5;
	v5 =	vld [tilespmem:$0x1F190];
	_ =	sdelay $0x4  }
0x2d0: {  	v5 =	vmul.f32 v5, v36;
	_ =	sdelay $0x1  }
0x2d1: {  	[tilespmem:$0x1F3B0] =	vst v5;
	v5 =	vld [tilespmem:$0x1F1A0];
	_ =	sdelay $0x4  }
0x2d2: {  	[tilespmem:$0x1EFA0] =	vst v40;
	v40 =	vmul.f32 v5, v49;
	v5 =	vld [tilespmem:$0x1F1B0];
	_ =	sdelay $0x4  }
0x2d3: {  	[tilespmem:$0x1EF90] =	vst v42;
	v42 =	vmul.f32 v5, v49;
	v5 =	vld [tilespmem:$0x1F1C0];
	_ =	sdelay $0x4  }
0x2d4: {  	[tilespmem:$0x1FA00] =	vst v40;
	v40 =	vmul.f32 v5, v17;
	v5 =	vld [tilespmem:$0x1F1D0];
	_ =	sdelay $0x4  }
0x2d5: {  	v5 =	vmul.f32 v5, v17;
	_ =	sdelay $0x1  }
0x2d6: {  	[tilespmem:$0x1F3C0] =	vst v5;
	v5 =	vld [tilespmem:$0x1F1E0];
	_ =	sdelay $0x4  }
0x2d7: {  	v17 =	vmul.f32 v5, v48;
	v5 =	vld [tilespmem:$0x1F1F0];
	_ =	sdelay $0x4  }
0x2d8: {  	[tilespmem:$0x1FA30] =	vst v17;
	v17 =	vmul.f32 v5, v48;
	v5 =	vld [tilespmem:$0x1F200];
	_ =	sdelay $0x1  }
0x2d9: {  	[tilespmem:$0x1FCD0] =	vst v0;
	v0 =	vld [tilespmem:$0x1F0A0];
	_ =	sdelay $0x2  }
0x2da: {  	v5 =	vmul.f32 v5, v18;
	_ =	sdelay $0x1  }
0x2db: {  	v0 =	vmul.f32 v0, v8;
	[tilespmem:$0x1F3D0] =	vst v5;
	v5 =	vld [tilespmem:$0x1F210];
	_ =	sdelay $0x1  }
0x2dc: {  	[tilespmem:$0x1F9A0] =	vst v0;
	v0 =	vld [tilespmem:$0x1F0B0];
	_ =	sdelay $0x2  }
0x2dd: {  	[tilespmem:$0x1EFC0] =	vst v38;
	v38 =	vmul.f32 v5, v18;
	v5 =	vld [tilespmem:$0x1F220];
	_ =	sdelay $0x1  }
0x2de: {  	v0 =	vmul.f32 v0, v8;
	_ =	sdelay $0x1  }
0x2df: {  	[tilespmem:$0x1F410] =	vst v0;
	v0 =	vld [tilespmem:$0x1F0C0]  }
0x2e0: {  	[tilespmem:$0x1FA40] =	vst v17;
	v17 =	vmul.f32 v5, v43;
	v5 =	vld [tilespmem:$0x1F230];
	_ =	sdelay $0x1  }
0x2e1: {  	v7 =	vperm.xlane v37, v9;
	_ =	sdelay $0x1  }
0x2e2: {  	v0 =	vmul.f32 v0, v7  }
0x2e3: {  	[tilespmem:$0x1FA60] =	vst v17;
	v17 =	vmul.f32 v5, v43;
	v5 =	vld [tilespmem:$0x1F240]  }
0x2e4: {  	[tilespmem:$0x1FD60] =	vst v0;
	v0 =	vld [tilespmem:$0x1F0D0];
	_ =	sdelay $0x3  }
0x2e5: {  	v5 =	vmul.f32 v5, v19  }
0x2e6: {  	v0 =	vmul.f32 v0, v7  }
0x2e7: {  	[tilespmem:$0x1FF10] =	vst v5;
	v5 =	vld [tilespmem:$0x1F250]  }
0x2e8: {  	[tilespmem:$0x1F480] =	vst v0;
	v0 =	vld [tilespmem:$0x1F0E0];
	_ =	sdelay $0x2  }
0x2e9: {  	v61 =	vld.idx.msk [tilespmem:v28+s7+$0xF010 ss:$0x1], $0xffff  }
0x2ea: {  	v51 =	vmul.f32 v5, v19;
	v5 =	vld [tilespmem:$0x1F260]  }
0x2eb: {  	v0 =	vmul.f32 v0, v10;
	_ =	sdelay $0x1  }
0x2ec: {  	[tilespmem:$0x1F9B0] =	vst v0;
	v0 =	vld [tilespmem:$0x1F0F0];
	_ =	sdelay $0x1  }
0x2ed: {  	[tilespmem:$0x1FA70] =	vst v17;
	v17 =	vmul.f32 v5, v45;
	v5 =	vmul.f32 v61, v45;
	_ =	sdelay $0x1  }
0x2ee: {  	[tilespmem:$0x1F450] =	vst v5;
	v5 =	vld [tilespmem:$0x1F270]  }
0x2ef: {  	v0 =	vmul.f32 v0, v10  }
0x2f0: {  	v60 =	vld.idx.msk [tilespmem:v28+s7+$0xE030 ss:$0x1], $0xffff  }
0x2f1: {  	[tilespmem:$0x1F9C0] =	vst v0;
	v0 =	vld [tilespmem:$0x1F100]  }
0x2f2: {  	v6 =	vld [tilespmem:$0x1F290]  }
0x2f3: {  	v59 =	vperm.xlane v31, v9;
	[tilespmem:$0x1FA10] =	vst v42;
	v42 =	vmul.f32 v5, v16;
	v5 =	vld [tilespmem:$0x1F280]  }
0x2f4: {  	v50 =	vperm.xlane v30, v9;
	[tilespmem:$0x1FD40] =	vst v9;
	v9 =	vperm.xlane v35, v9  }
0x2f5: {  	v56 =	vld.idx.msk [tilespmem:v28+s7+$0xE010 ss:$0x1], $0xffff  }
0x2f6: {  	v23 =	vmul.f32 v0, v9;
	v0 =	vld [tilespmem:$0x1F110];
	_ =	sdelay $0x1  }
0x2f7: {  	[tilespmem:$0x1EFD0] =	vst v37;
	v37 =	vmul.f32 v60, v16;
	v16 =	vmul.f32 v6, v5  }
0x2f8: {  	v13 =	vld.idx.msk [tilespmem:v28+s7+$0xD000 ss:$0x1], $0xffff  }
0x2f9: {  	[tilespmem:$0x1F8B0] =	vst v16;
	v16 =	vmul.f32 v56, v5;
	v5 =	vld [tilespmem:$0x1F2A0]  }
0x2fa: {  	v0 =	vmul.f32 v0, v9  }
0x2fb: {  	v32 =	vld.idx.msk [tilespmem:v28+s7+$0xD010 ss:$0x1], $0xffff  }
0x2fc: {  	[tilespmem:$0x1FDD0] =	vst v0;
	v0 =	vld [tilespmem:$0x1F120];
	_ =	sdelay $0x1  }
0x2fd: {  	v13 =	vmul.f32 v13, v5  }
0x2fe: {  	v22 =	vld.idx.msk [tilespmem:v28+s7+$0xC000 ss:$0x1], $0xffff  }
0x2ff: {  	[tilespmem:$0x1F850] =	vst v13;
	v13 =	vmul.f32 v32, v5;
	v5 =	vld [tilespmem:$0x1F2B0]  }
0x300: {  	v55 =	vld.idx.msk [tilespmem:v28+s7+$0xD020 ss:$0x1], $0xffff;
	v0 =	vmul.f32 v0, v11  }
0x301: {  	v30 =	vld.idx.msk [tilespmem:v28+s7+$0xC010 ss:$0x1], $0xffff  }
0x302: {  	[tilespmem:$0x1F9D0] =	vst v0;
	v0 =	vld [tilespmem:$0x1F130]  }
0x303: {  	v33 =	vld.idx.msk [tilespmem:v28+s7+$0xB020 ss:$0x1], $0xffff  }
0x304: {  	v34 =	vld.idx.msk [tilespmem:v28+s7+$0x9030 ss:$0x1], $0xffff;
	[tilespmem:$0x1F810] =	vst v13;
	v13 =	vmul.f32 v22, v5  }
0x305: {  	v25 =	vld.idx.msk [tilespmem:v28+s7+$0xB000 ss:$0x1], $0xffff  }
0x306: {  	[tilespmem:$0x1F7F0] =	vst v13;
	v13 =	vmul.f32 v30, v5;
	v5 =	vld [tilespmem:$0x1F2C0]  }
0x307: {  	v27 =	vld.idx.msk [tilespmem:v28+s7+$0xB010 ss:$0x1], $0xffff;
	v0 =	vmul.f32 v0, v11  }
0x308: {  	v12 =	vld.idx.msk [tilespmem:v28+s7+$0xC020 ss:$0x1], $0xffff  }
0x309: {  	[tilespmem:$0x1F5F0] =	vst v0;
	v0 =	vld [tilespmem:$0x1F140]  }
0x30a: {  	v31 =	vld.idx.msk [tilespmem:v28+s7+$0xC030 ss:$0x1], $0xffff  }
0x30b: {  	v26 =	vld.idx.msk [tilespmem:v28+s7+$0xB030 ss:$0x1], $0xffff;
	v22 =	vmul.f32 v25, v5  }
0x30c: {  	v3 =	vld.idx.msk [tilespmem:v28+s7+$0xA010 ss:$0x1], $0xffff  }
0x30d: {  	[tilespmem:$0x1F790] =	vst v22;
	v22 =	vmul.f32 v27, v5;
	v5 =	vld [tilespmem:$0x1F2D0]  }
0x30e: {  	v44 =	vmul.f32 v0, v47;
	v0 =	vld [tilespmem:$0x1F150]  }
0x30f: {  	v12 =	vmul.f32 v12, v21;
	v21 =	vmul.f32 v31, v21;
	v31 =	vld.idx.msk [tilespmem:v28+s7+$0x4030 ss:$0x1], $0xffff  }
0x310: {  	v46 =	vld.idx.msk [tilespmem:v28+s7+$0x9020 ss:$0x1], $0xffff  }
0x311: {  	v60 =	vld.idx.msk [tilespmem:v28+s7+$0x5030 ss:$0x1], $0xffff  }
0x312: {  	v1 =	vld.idx.msk [tilespmem:v28+s7+$0x9000 ss:$0x1], $0xffff;
	v3 =	vmul.f32 v3, v5  }
0x313: {  	[tilespmem:$0x1EFB0] =	vst v39;
	v39 =	vmul.f32 v0, v47;
	v0 =	vld [tilespmem:$0x1F160]  }
0x314: {  	[tilespmem:$0x1F6F0] =	vst v3;
	v3 =	vld [tilespmem:$0x1F2E0]  }
0x315: {  	v2 =	vld.idx.msk [tilespmem:v28+s7+$0xA030 ss:$0x1], $0xffff  }
0x316: {  	v7 =	vld.idx.msk [tilespmem:v28+s7+$0x9010 ss:$0x1], $0xffff  }
0x317: {  	v4 =	vld.idx.msk [tilespmem:v28+s7+$0xA000 ss:$0x1], $0xffff  }
0x318: {  	v10 =	vld.idx.msk [tilespmem:v28+s7+$0x8020 ss:$0x1], $0xffff;
	v0 =	vmul.f32 v0, v53  }
0x319: {  	v11 =	vld.idx.msk [tilespmem:v28+s7+$0x8000 ss:$0x1], $0xffff;
	v1 =	vmul.f32 v1, v3  }
0x31a: {  	[tilespmem:$0x1F9F0] =	vst v0;
	v0 =	vld [tilespmem:$0x1F170]  }
0x31b: {  	[tilespmem:$0x1F6D0] =	vst v1;
	v1 =	vmul.f32 v7, v3;
	v3 =	vld [tilespmem:$0x1F2F0]  }
0x31c: {  	v36 =	vld.idx.msk [tilespmem:v28+s7+$0x5010 ss:$0x1], $0xffff  }
0x31d: {  	v47 =	vld.idx.msk [tilespmem:v28+s7+$0x8010 ss:$0x1], $0xffff  }
0x31e: {  	v8 =	vld.idx.msk [tilespmem:v28+s7+$0x7030 ss:$0x1], $0xffff  }
0x31f: {  	v49 =	vld.idx.msk [tilespmem:v28+s7+$0x7010 ss:$0x1], $0xffff;
	v0 =	vmul.f32 v0, v53  }
0x320: {  	v53 =	vld.idx.msk [tilespmem:v28+s7+$0x7000 ss:$0x1], $0xffff;
	v7 =	vmul.f32 v10, v63;
	v10 =	vmul.f32 v11, v3  }
0x321: {  	[tilespmem:$0x1F620] =	vst v0;
	v0 =	vld.idx.msk [tilespmem:v28+s7+$0x7020 ss:$0x1], $0xffff  }
0x322: {  	[tilespmem:$0x1F670] =	vst v10;
	v10 =	vmul.f32 v47, v3;
	v3 =	vld [tilespmem:$0x1F300]  }
0x323: {  	v48 =	vld.idx.msk [tilespmem:v28+s7+$0x6020 ss:$0x1], $0xffff  }
0x324: {  	v9 =	vld.idx.msk [tilespmem:v28+s7+$0x8030 ss:$0x1], $0xffff  }
0x325: {  	v43 =	vld.idx.msk [tilespmem:v28+s7+$0x6000 ss:$0x1], $0xffff  }
0x326: {  	v11 =	vmul.f32 v8, v15;
	[tilespmem:$0x1F630] =	vst v10;
	v10 =	vmul.f32 v0, v15;
	v15 =	vld [tilespmem:$0x1F310]  }
0x327: {  	v19 =	vld.idx.msk [tilespmem:v28+s7+$0x6010 ss:$0x1], $0xffff;
	v8 =	vmul.f32 v53, v3  }
0x328: {  	[tilespmem:$0x1F690] =	vst v1;
	v1 =	vld.idx.msk [tilespmem:v28+s7+$0x2020 ss:$0x1], $0xffff  }
0x329: {  	v61 =	vld.idx.msk [tilespmem:v28+s7+$0x5020 ss:$0x1], $0xffff;
	[tilespmem:$0x1F5D0] =	vst v8;
	v8 =	vmul.f32 v49, v3  }
0x32a: {  	v45 =	vld.idx.msk [tilespmem:v28+s7+$0x4020 ss:$0x1], $0xffff;
	[tilespmem:$0x1F600] =	vst v17  }
0x32b: {  	v17 =	vld.idx.msk [tilespmem:v28+s7+$0x5000 ss:$0x1], $0xffff;
	[tilespmem:$0x1F590] =	vst v8;
	v8 =	vmul.f32 v43, v15  }
0x32c: {  	[tilespmem:$0x1EFE0] =	vst v35;
	v35 =	vmul.f32 v55, v20;
	v0 =	vld.idx.msk [tilespmem:v28+s7+$0x2010 ss:$0x1], $0xffff  }
0x32d: {  	[tilespmem:$0x1F520] =	vst v8;
	v8 =	vmul.f32 v19, v15;
	v19 =	vmul.f32 v1, v59;
	v1 =	vld [tilespmem:$0x1F350]  }
0x32e: {  	v55 =	vmul.f32 v26, v41;
	v6 =	vmul.f32 v2, v24;
	v2 =	vld.idx.msk [tilespmem:v28+s7+$0x3030 ss:$0x1], $0xffff;
	[tilespmem:$0x1F870] =	vst v16  }
0x32f: {  	v16 =	vmul.f32 v9, v63;
	v9 =	vld.idx.msk [tilespmem:v28+s7+$0x2030 ss:$0x1], $0xffff;
	[tilespmem:$0x1F7B0] =	vst v13;
	v13 =	vmul.f32 v33, v41  }
0x330: {  	v41 =	vmul.f32 v31, v52;
	v49 =	vld.idx.msk [tilespmem:v28+s7+$0x1020 ss:$0x1], $0xffff;
	[tilespmem:$0x1F4E0] =	vst v8;
	v8 =	vmul.f32 v61, v54  }
0x331: {  	v3 =	vmul.f32 v48, v57;
	v48 =	vld.idx.msk [tilespmem:v28+s7+$0x1030 ss:$0x1], $0xffff;
	v43 =	vmul.f32 v45, v52  }
0x332: {  	[tilespmem:$0x1F3E0] =	vst v8;
	v8 =	vmul.f32 v60, v54;
	v52 =	vmul.f32 v0, v1;
	v0 =	vld [tilespmem:$0x1F360]  }
0x333: {  	v27 =	vld.idx.msk [tilespmem:v28+s7+$0x3020 ss:$0x1], $0xffff  }
0x334: {  	[tilespmem:$0x1F3F0] =	vst v8;
	v8 =	vld [tilespmem:$0x1F320]  }
0x335: {  	v53 =	vld.idx.msk [tilespmem:v28+s7+$0x1000 ss:$0x1], $0xffff  }
0x336: {  	v61 =	vld.idx.msk [tilespmem:v28+s7+$0x1010 ss:$0x1], $0xffff  }
0x337: {  	v49 =	vmul.f32 v49, v0;
	v48 =	vmul.f32 v48, v0;
	v0 =	vld [tilespmem:$0x1F370]  }
0x338: {  	v30 =	vld.idx.msk [tilespmem:v28+s7+$0x4000 ss:$0x1], $0xffff;
	v4 =	vmul.f32 v4, v5  }
0x339: {  	v63 =	vld.idx.msk [tilespmem:v28+s7+$0x30 ss:$0x1], $0xffff;
	v15 =	vmul.f32 v17, v8;
	v8 =	vmul.f32 v36, v8  }
0x33a: {  	v32 =	vmul.f32 v27, v50;
	[tilespmem:$0x1F730] =	vst v4;
	v4 =	vmul.f32 v34, v58;
	v17 =	vld.idx.msk [tilespmem:v28+s7+$0x20 ss:$0x1], $0xffff  }
0x33b: {  	v34 =	vmul.f32 v2, v50;
	v50 =	vmul.f32 v9, v59;
	[tilespmem:$0x1F460] =	vst v8;
	v8 =	vld [tilespmem:$0x1F330]  }
0x33c: {  	v53 =	vmul.f32 v53, v0;
	v59 =	vmul.f32 v61, v0;
	v0 =	vld [tilespmem:$0x1F380];
	_ =	sdelay $0x2  }
0x33d: {  	v2 =	vld.idx.msk [tilespmem:v28+s7+$0x10 ss:$0x1], $0xffff  }
0x33e: {  	v5 =	vmul.f32 v46, v58;
	v46 =	vmul.f32 v30, v8;
	v30 =	vld.idx.msk [tilespmem:v28+s7+$0x0 ss:$0x1], $0xffff  }
0x33f: {  	v17 =	vmul.f32 v17, v0;
	v45 =	vmul.f32 v63, v0;
	v0 =	vld [tilespmem:$0x1F390];
	_ =	sdelay $0x4  }
0x340: {  	v60 =	vmul.f32 v30, v0;
	v61 =	vmul.f32 v2, v0;
	v0 =	vld [tilespmem:$0x1F560];
	_ =	sdelay $0x4  }
0x341: {  	[tilespmem:$0x1F900] =	vst v14;
	v14 =	vld.idx.msk [tilespmem:v28+s7+$0xA020 ss:$0x1], $0xffff;
	v0 =	vmul.f32 v62, v0  }
0x342: {  	v63 =	vld [tilespmem:$0x1F3A0]  }
0x343: {  	[tilespmem:$0x1F570] =	vst v0;
	v0 =	vld [tilespmem:$0x1FC90];
	_ =	sdelay $0x2  }
0x344: {  	v26 =	vld.idx.msk [tilespmem:v28+s7+$0x4010 ss:$0x1], $0xffff  }
0x345: {  	v14 =	vmul.f32 v14, v24;
	v24 =	vld.idx.msk [tilespmem:v28+s7+$0x3000 ss:$0x1], $0xffff  }
0x346: {  	v33 =	vld.idx.msk [tilespmem:v28+s7+$0x3010 ss:$0x1], $0xffff;
	v0 =	vmul.f32 v0, v63  }
0x347: {  	v25 =	vld [tilespmem:$0x1C9C0]  }
0x348: {  	[tilespmem:$0x1F4C0] =	vst v0;
	v0 =	vld [tilespmem:$0x1FD10]  }
0x349: {  	v47 =	vmul.f32 v26, v8;
	v8 =	vld [tilespmem:$0x1F340];
	_ =	sdelay $0x3  }
0x34a: {  	v0 =	vmul.f32 v0, v25  }
0x34b: {  	v31 =	vmul.f32 v24, v8;
	v26 =	vmul.f32 v33, v8;
	v8 =	vld [tilespmem:$0x1C9D0]  }
0x34c: {  	[tilespmem:$0x1F430] =	vst v0;
	v0 =	vld [tilespmem:$0x1FCD0]  }
0x34d: {  	[tilespmem:$0x1F4A0] =	vst v15;
	v15 =	vld [tilespmem:$0x1C9A0]  }
0x34e: {  	[tilespmem:$0x1FC80] =	vst v62;
	v62 =	vld [tilespmem:$0x1FD60]  }
0x34f: {  	v56 =	vld.idx.msk [tilespmem:v28+s7+$0x2000 ss:$0x1], $0xffff;
	_ =	sdelay $0x1  }
0x350: {  	v0 =	vmul.f32 v0, v8;
	_ =	sdelay $0x1  }
0x351: {  	[tilespmem:$0x1F540] =	vst v0;
	v0 =	vmul.f32 v62, v15  }
0x352: {  	v54 =	vmul.f32 v56, v1;
	v1 =	vld [tilespmem:$0x1C9B0]  }
0x353: {  	[tilespmem:$0x1FE00] =	vst v0;
	v0 =	vld [tilespmem:$0x1F480];
	_ =	sdelay $0x4  }
0x354: {  	v0 =	vmul.f32 v0, v1;
	_ =	sdelay $0x1  }
0x355: {  	[tilespmem:$0x1F4D0] =	vst v0;
	v0 =	vld [tilespmem:$0x1FE10];
	_ =	sdelay $0x4  }
0x356: {  	v0 =	vmul.f32 v23, v0  }
0x357: {  	v58 =	vld [tilespmem:$0x1FDD0]  }
0x358: {  	[tilespmem:$0x1FE20] =	vst v0;
	v0 =	vld [tilespmem:$0x1FE30];
	_ =	sdelay $0x4  }
0x359: {  	v0 =	vmul.f32 v58, v0;
	_ =	sdelay $0x1  }
0x35a: {  	[tilespmem:$0x1F550] =	vst v0;
	v0 =	vld [tilespmem:$0x1FE40];
	_ =	sdelay $0x4  }
0x35b: {  	v0 =	vmul.f32 v44, v0;
	_ =	sdelay $0x1  }
0x35c: {  	[tilespmem:$0x1F440] =	vst v0;
	v0 =	vld [tilespmem:$0x1FE70];
	_ =	sdelay $0x4  }
0x35d: {  	v0 =	vmul.f32 v39, v0  }
0x35e: {  	[tilespmem:$0x1F750] =	vst v22;
	v22 =	vld [tilespmem:$0x1FD80]  }
0x35f: {  	[tilespmem:$0x1F400] =	vst v0;
	v0 =	vld [tilespmem:$0x1FE80];
	_ =	sdelay $0x4  }
0x360: {  	v0 =	vmul.f32 v22, v0  }
0x361: {  	[tilespmem:$0x1FDC0] =	vst v44;
	v44 =	vld [tilespmem:$0x1F3B0]  }
0x362: {  	[tilespmem:$0x1F420] =	vst v0;
	v0 =	vld [tilespmem:$0x1FEA0];
	_ =	sdelay $0x4  }
0x363: {  	v0 =	vmul.f32 v44, v0;
	_ =	sdelay $0x1  }
0x364: {  	[tilespmem:$0x1FEB0] =	vst v0;
	v0 =	vld [tilespmem:$0x1FED0]  }
0x365: {  	v29 =	vld.idx.msk [tilespmem:v28+s7+$0xD030 ss:$0x1], $0xffff;
	_ =	sdelay $0x3  }
0x366: {  	v0 =	vmul.f32 v40, v0  }
0x367: {  	v29 =	vmul.f32 v29, v20;
	v20 =	vld [tilespmem:$0x1F3C0]  }
0x368: {  	[tilespmem:$0x1FEE0] =	vst v0;
	v0 =	vld [tilespmem:$0x1FEF0];
	_ =	sdelay $0x4  }
0x369: {  	v0 =	vmul.f32 v20, v0  }
0x36a: {  	v56 =	vld [tilespmem:$0x1F3D0]  }
0x36b: {  	[tilespmem:$0x1FF00] =	vst v0;
	v0 =	vld [tilespmem:$0x1FF20];
	_ =	sdelay $0x4  }
0x36c: {  	v0 =	vmul.f32 v56, v0;
	_ =	sdelay $0x1  }
0x36d: {  	[tilespmem:$0x1FF30] =	vst v0;
	v0 =	vld [tilespmem:$0x1FF40];
	_ =	sdelay $0x4  }
0x36e: {  	v0 =	vmul.f32 v38, v0  }
0x36f: {  	[tilespmem:$0x1F8E0] =	vst v23;
	v23 =	vld [tilespmem:$0x1FF10]  }
0x370: {  	[tilespmem:$0x1FF50] =	vst v0;
	v0 =	vld [tilespmem:$0x1FFA0];
	_ =	sdelay $0x4  }
0x371: {  	v0 =	vmul.f32 v23, v0;
	_ =	sdelay $0x1  }
0x372: {  	[tilespmem:$0x1FF60] =	vst v0;
	v0 =	vld [tilespmem:$0x1FF70];
	_ =	sdelay $0x4  }
0x373: {  	v0 =	vmul.f32 v51, v0;
	_ =	sdelay $0x1  }
0x374: {  	[tilespmem:$0x1FF80] =	vst v0;
	v0 =	vld [tilespmem:$0x1FDE0];
	_ =	sdelay $0x4  }
0x375: {  	v0 =	vmul.f32 v42, v0;
	_ =	sdelay $0x1  }
0x376: {  	[tilespmem:$0x1F8C0] =	vst v0;
	v0 =	vld [tilespmem:$0x1FDF0];
	_ =	sdelay $0x4  }
0x377: {  	v0 =	vmul.f32 v37, v0;
	_ =	sdelay $0x1  }
0x378: {  	[tilespmem:$0x1F8D0] =	vst v0;
	v0 =	vld [tilespmem:$0x1FD70];
	_ =	sdelay $0x4  }
0x379: {  	v0 =	vmul.f32 v35, v0;
	_ =	sdelay $0x1  }
0x37a: {  	[tilespmem:$0x1F880] =	vst v0;
	v0 =	vld [tilespmem:$0x1FD90];
	_ =	sdelay $0x4  }
0x37b: {  	v0 =	vmul.f32 v29, v0;
	_ =	sdelay $0x1  }
0x37c: {  	[tilespmem:$0x1F890] =	vst v0;
	v0 =	vld [tilespmem:$0x1FD20];
	_ =	sdelay $0x4  }
0x37d: {  	v0 =	vmul.f32 v12, v0;
	_ =	sdelay $0x1  }
0x37e: {  	[tilespmem:$0x1F820] =	vst v0;
	v0 =	vld [tilespmem:$0x1FD30];
	_ =	sdelay $0x4  }
0x37f: {  	v0 =	vmul.f32 v21, v0;
	_ =	sdelay $0x1  }
0x380: {  	[tilespmem:$0x1F830] =	vst v0;
	v0 =	vld [tilespmem:$0x1FCE0];
	_ =	sdelay $0x4  }
0x381: {  	v0 =	vmul.f32 v13, v0;
	_ =	sdelay $0x1  }
0x382: {  	[tilespmem:$0x1F7C0] =	vst v0;
	v0 =	vld [tilespmem:$0x1FCF0];
	_ =	sdelay $0x4  }
0x383: {  	v0 =	vmul.f32 v55, v0;
	_ =	sdelay $0x1  }
0x384: {  	[tilespmem:$0x1F7D0] =	vst v0;
	v0 =	vld [tilespmem:$0x1FCA0];
	_ =	sdelay $0x4  }
0x385: {  	v0 =	vmul.f32 v14, v0;
	_ =	sdelay $0x1  }
0x386: {  	[tilespmem:$0x1F760] =	vst v0;
	v0 =	vld [tilespmem:$0x1FCB0];
	_ =	sdelay $0x4  }
0x387: {  	v0 =	vmul.f32 v6, v0;
	_ =	sdelay $0x1  }
0x388: {  	[tilespmem:$0x1F770] =	vst v0;
	v0 =	vld [tilespmem:$0x1FC50];
	_ =	sdelay $0x4  }
0x389: {  	v0 =	vmul.f32 v5, v0;
	_ =	sdelay $0x1  }
0x38a: {  	[tilespmem:$0x1F700] =	vst v0;
	v0 =	vld [tilespmem:$0x1FC60];
	_ =	sdelay $0x4  }
0x38b: {  	v0 =	vmul.f32 v4, v0;
	_ =	sdelay $0x1  }
0x38c: {  	[tilespmem:$0x1F710] =	vst v0;
	v0 =	vld [tilespmem:$0x1FC20];
	_ =	sdelay $0x4  }
0x38d: {  	v0 =	vmul.f32 v7, v0;
	_ =	sdelay $0x1  }
0x38e: {  	[tilespmem:$0x1F6A0] =	vst v0;
	v0 =	vld [tilespmem:$0x1FC30];
	_ =	sdelay $0x4  }
0x38f: {  	v0 =	vmul.f32 v16, v0;
	_ =	sdelay $0x1  }
0x390: {  	[tilespmem:$0x1F6B0] =	vst v0;
	v0 =	vld [tilespmem:$0x1FBF0];
	_ =	sdelay $0x3  }
0x391: {  	[tilespmem:$0x1F7E0] =	vst v12  }
0x392: {  	[tilespmem:$0x1F800] =	vst v29;
	v0 =	vmul.f32 v10, v0  }
0x393: {  	[tilespmem:$0x1F7A0] =	vst v21  }
0x394: {  	[tilespmem:$0x1F640] =	vst v0;
	v0 =	vld [tilespmem:$0x1FC00]  }
0x395: {  	[tilespmem:$0x1F860] =	vst v37;
	v18 =	vld.idx.msk [tilespmem:v28+s7+$0x6030 ss:$0x1], $0xffff  }
0x396: {  	[tilespmem:$0x1FE50] =	vst v51;
	v51 =	vld [tilespmem:$0x1FBC0]  }
0x397: {  	[tilespmem:$0x1F840] =	vst v35  }
0x398: {  	[tilespmem:$0x1F740] =	vst v55;
	v55 =	vld [tilespmem:$0x1FBD0]  }
0x399: {  	[tilespmem:$0x1F720] =	vst v14;
	v27 =	vld [tilespmem:$0x1F3E0];
	v0 =	vmul.f32 v11, v0  }
0x39a: {  	[tilespmem:$0x1FEC0] =	vst v40;
	v30 =	vld [tilespmem:$0x1FB90]  }
0x39b: {  	v18 =	vmul.f32 v18, v57;
	v33 =	vld [tilespmem:$0x1FBA0];
	[tilespmem:$0x1F650] =	vst v0;
	v0 =	vmul.f32 v3, v51  }
0x39c: {  	[tilespmem:$0x1FE90] =	vst v38;
	v37 =	vld [tilespmem:$0x1F3F0]  }
0x39d: {  	[tilespmem:$0x1F5A0] =	vst v0;
	v0 =	vmul.f32 v18, v55  }
0x39e: {  	[tilespmem:$0x1FE60] =	vst v39;
	v29 =	vld [tilespmem:$0x1FB60]  }
0x39f: {  	v36 =	vld [tilespmem:$0x1FAE0];
	[tilespmem:$0x1F5B0] =	vst v0;
	v0 =	vmul.f32 v27, v30  }
0x3a0: {  	[tilespmem:$0x1F780] =	vst v13;
	v21 =	vld [tilespmem:$0x1FB70]  }
0x3a1: {  	v2 =	vld [tilespmem:$0x1FAC0];
	[tilespmem:$0x1F4F0] =	vst v0;
	v0 =	vmul.f32 v37, v33  }
0x3a2: {  	[tilespmem:$0x1F610] =	vst v1;
	v1 =	vld [tilespmem:$0x1FAD0]  }
0x3a3: {  	v13 =	vld [tilespmem:$0x1FB10];
	[tilespmem:$0x1F500] =	vst v0;
	v0 =	vmul.f32 v43, v29  }
0x3a4: {  	[tilespmem:$0x1F6E0] =	vst v6;
	v14 =	vld [tilespmem:$0x1FB30]  }
0x3a5: {  	[tilespmem:$0x1F470] =	vst v0;
	v0 =	vmul.f32 v41, v21  }
0x3a6: {  	[tilespmem:$0x1F680] =	vst v4;
	v39 =	vmul.f32 v49, v2  }
0x3a7: {  	v40 =	vmul.f32 v48, v36;
	v4 =	vmul.f32 v45, v1;
	[tilespmem:$0x1F490] =	vst v0;
	v0 =	vld [tilespmem:$0x1FAB0]  }
0x3a8: {  	[tilespmem:$0x1F6C0] =	vst v5;
	v12 =	vmul.f32 v45, v45;
	v38 =	vmul.f32 v50, v13  }
0x3a9: {  	[tilespmem:$0x1F660] =	vst v7;
	v35 =	vmul.f32 v32, v14;
	v6 =	vmul.f32 v48, v48;
	v4 =	vadd.f32 $0.0e+00, v4  }
0x3aa: {  	[tilespmem:$0x1F580] =	vst v8;
	v8 =	vadd.f32 $0.0e+00, v17;
	v5 =	vmul.f32 v61, v1;
	v1 =	vmul.f32 v49, v49  }
0x3ab: {  	[tilespmem:$0x1F510] =	vst v3;
	v4 =	vadd.f32 v40, v4;
	v7 =	vmul.f32 v61, v61;
	v3 =	vmul.f32 v59, v59  }
0x3ac: {  	[tilespmem:$0x1F530] =	vst v11;
	v45 =	vadd.f32 $0.0e+00, v45;
	v57 =	vmul.f32 v17, v0;
	v0 =	vmul.f32 v60, v0  }
0x3ad: {  	[tilespmem:$0x1F5C0] =	vst v10;
	v4 =	vadd.f32 v38, v4;
	v10 =	vadd.f32 $0.0e+00, v60;
	v11 =	vld [tilespmem:$0x1FB00];
	v17 =	vmul.f32 v17, v17  }
0x3ae: {  	v3 =	vadd.f32 v3, v7;
	v60 =	vmul.f32 v60, v60;
	v9 =	vadd.f32 $0.0e+00, v0  }
0x3af: {  	v0 =	vmul.f32 v53, v53;
	v1 =	vadd.f32 v1, v17;
	v17 =	vmul.f32 v53, v2  }
0x3b0: {  	[tilespmem:$0x1F5E0] =	vst v16;
	v16 =	vld [tilespmem:$0x1FB40];
	v7 =	vadd.f32 v53, v10;
	v10 =	vmul.f32 v52, v52;
	v57 =	vadd.f32 $0.0e+00, v57  }
0x3b1: {  	v0 =	vadd.f32 v0, v60;
	v9 =	vadd.f32 v17, v9;
	v17 =	vmul.f32 v54, v54  }
0x3b2: {  	v61 =	vadd.f32 $0.0e+00, v61;
	v24 =	vmul.f32 v19, v11;
	v39 =	vadd.f32 v39, v57  }
0x3b3: {  	v3 =	vadd.f32 v10, v3;
	v0 =	vadd.f32 v17, v0;
	v17 =	vmul.f32 v54, v11;
	v11 =	vld [tilespmem:$0x1F470]  }
0x3b4: {  	v7 =	vadd.f32 v54, v7;
	v57 =	vmul.f32 v19, v19;
	v10 =	vadd.f32 v24, v39  }
0x3b5: {  	[tilespmem:$0x1F8A0] =	vst v42;
	v42 =	vmul.f32 v34, v16;
	v60 =	vadd.f32 v48, v45;
	v48 =	vadd.f32 v59, v61  }
0x3b6: {  	v45 =	vmul.f32 v59, v36;
	v1 =	vadd.f32 v57, v1;
	v10 =	vadd.f32 v35, v10  }
0x3b7: {  	v61 =	vmovc v15;
	v15 =	vadd.f32 v50, v60;
	v9 =	vadd.f32 v17, v9;
	v17 =	vmul.f32 v31, v31  }
0x3b8: {  	v59 =	vmul.f32 v52, v13;
	v60 =	vadd.f32 v52, v48;
	v10 =	vadd.f32 v11, v10;
	v11 =	vld [tilespmem:$0x1F490]  }
0x3b9: {  	v52 =	vmul.f32 v32, v32;
	v0 =	vadd.f32 v17, v0;
	v17 =	vmul.f32 v31, v14;
	v14 =	vld [tilespmem:$0x1F4A0]  }
0x3ba: {  	v7 =	vadd.f32 v31, v7  }
0x3bb: {  	v4 =	vadd.f32 v42, v4;
	v54 =	vmul.f32 v43, v43;
	v1 =	vadd.f32 v52, v1  }
0x3bc: {  	v7 =	vadd.f32 v46, v7  }
0x3bd: {  	v1 =	vadd.f32 v54, v1;
	v4 =	vadd.f32 v11, v4;
	v11 =	vmul.f32 v27, v27  }
0x3be: {  	v13 =	vmul.f32 v14, v14  }
0x3bf: {  	v7 =	vadd.f32 v14, v7;
	v1 =	vadd.f32 v11, v1;
	v11 =	vmul.f32 v14, v30;
	v14 =	vld [tilespmem:$0x1F4F0];
	_ =	sdelay $0x3  }
0x3c0: {  	[tilespmem:$0x1F4B0] =	vst v18;
	v18 =	vadd.f32 $0.0e+00, v5  }
0x3c1: {  	v12 =	vadd.f32 v6, v12;
	v6 =	vmul.f32 v50, v50;
	v10 =	vadd.f32 v14, v10;
	v14 =	vld [tilespmem:$0x1F500]  }
0x3c2: {  	v2 =	vadd.f32 v45, v18  }
0x3c3: {  	v5 =	vadd.f32 v6, v12  }
0x3c4: {  	v2 =	vadd.f32 v59, v2;
	v12 =	vadd.f32 v34, v15;
	v15 =	vmul.f32 v26, v16;
	_ =	sdelay $0x1  }
0x3c5: {  	v2 =	vadd.f32 v15, v2;
	v4 =	vadd.f32 v14, v4;
	v14 =	vld [tilespmem:$0x1F520]  }
0x3c6: {  	v15 =	vmul.f32 v46, v29;
	v9 =	vadd.f32 v17, v9;
	v17 =	vmul.f32 v46, v46;
	_ =	sdelay $0x1  }
0x3c7: {  	v0 =	vadd.f32 v17, v0;
	v9 =	vadd.f32 v15, v9;
	_ =	sdelay $0x1  }
0x3c8: {  	v0 =	vadd.f32 v13, v0;
	v9 =	vadd.f32 v11, v9;
	v11 =	vmul.f32 v14, v14;
	_ =	sdelay $0x1  }
0x3c9: {  	v7 =	vadd.f32 v14, v7;
	v0 =	vadd.f32 v11, v0;
	v11 =	vmul.f32 v14, v51;
	v14 =	vld [tilespmem:$0x1F5A0];
	_ =	sdelay $0x3  }
0x3ca: {  	v16 =	vld [tilespmem:$0x1F460]  }
0x3cb: {  	v24 =	vadd.f32 v26, v60;
	v10 =	vadd.f32 v14, v10;
	v14 =	vld [tilespmem:$0x1F5B0]  }
0x3cc: {  	v8 =	vadd.f32 v49, v8;
	v50 =	vmul.f32 v26, v26  }
0x3cd: {  	v18 =	vadd.f32 v47, v24  }
0x3ce: {  	v8 =	vadd.f32 v19, v8;
	v3 =	vadd.f32 v50, v3;
	v31 =	vmul.f32 v47, v47  }
0x3cf: {  	v19 =	vmul.f32 v16, v16;
	v15 =	vadd.f32 v16, v18;
	v13 =	vmul.f32 v16, v33;
	v16 =	vld [tilespmem:$0x1F4E0]  }
0x3d0: {  	v17 =	vmul.f32 v47, v21;
	v4 =	vadd.f32 v14, v4;
	v14 =	vld [tilespmem:$0x1F5D0]  }
0x3d1: {  	v6 =	vmul.f32 v34, v34;
	v3 =	vadd.f32 v31, v3  }
0x3d2: {  	v8 =	vadd.f32 v32, v8;
	v2 =	vadd.f32 v17, v2  }
0x3d3: {  	v5 =	vadd.f32 v6, v5;
	v3 =	vadd.f32 v19, v3  }
0x3d4: {  	v19 =	vld [tilespmem:$0x1F4B0];
	v2 =	vadd.f32 v13, v2;
	v17 =	vmul.f32 v16, v16;
	v13 =	vmul.f32 v16, v55  }
0x3d5: {  	v15 =	vadd.f32 v16, v15;
	v16 =	vld [tilespmem:$0x1F590];
	v9 =	vadd.f32 v11, v9;
	v11 =	vmul.f32 v14, v14  }
0x3d6: {  	v6 =	vmul.f32 v41, v41;
	v12 =	vadd.f32 v41, v12;
	v2 =	vadd.f32 v13, v2;
	v13 =	vld [tilespmem:$0x1FC00]  }
0x3d7: {  	v8 =	vadd.f32 v43, v8;
	v57 =	vmov v37;
	v0 =	vadd.f32 v11, v0;
	v11 =	vld [tilespmem:$0x1FBF0]  }
0x3d8: {  	v5 =	vadd.f32 v6, v5;
	v6 =	vmul.f32 v37, v37;
	v12 =	vadd.f32 v57, v12  }
0x3d9: {  	v8 =	vadd.f32 v27, v8;
	v29 =	vld [tilespmem:$0x1F510]  }
0x3da: {  	v5 =	vadd.f32 v6, v5;
	v6 =	vmul.f32 v19, v19;
	v12 =	vadd.f32 v19, v12  }
0x3db: {  	v19 =	vld [tilespmem:$0x1F5C0];
	v3 =	vadd.f32 v17, v3;
	v17 =	vmul.f32 v16, v16;
	v13 =	vmul.f32 v16, v13  }
0x3dc: {  	v7 =	vadd.f32 v14, v7;
	v11 =	vmul.f32 v14, v11;
	v14 =	vadd.f32 v16, v15;
	v16 =	vld [tilespmem:$0x1F640];
	_ =	sdelay $0x1  }
0x3dd: {  	v18 =	vmul.f32 v29, v29;
	v8 =	vadd.f32 v29, v8;
	v3 =	vadd.f32 v17, v3;
	v17 =	vld [tilespmem:$0x1F670];
	_ =	sdelay $0x1  }
0x3de: {  	v1 =	vadd.f32 v18, v1;
	v18 =	vmul.f32 v19, v19;
	v8 =	vadd.f32 v19, v8;
	v19 =	vld [tilespmem:$0x1F660]  }
0x3df: {  	v10 =	vadd.f32 v16, v10;
	v16 =	vld [tilespmem:$0x1F650];
	_ =	sdelay $0x1  }
0x3e0: {  	v9 =	vadd.f32 v11, v9;
	v11 =	vmul.f32 v17, v17  }
0x3e1: {  	v49 =	vmov v56;
	v56 =	vld [tilespmem:$0x1F430]  }
0x3e2: {  	v0 =	vadd.f32 v11, v0;
	v11 =	vld [tilespmem:$0x1FC20]  }
0x3e3: {  	v38 =	vld [tilespmem:$0x1F420];
	v1 =	vadd.f32 v18, v1;
	v4 =	vadd.f32 v16, v4;
	v16 =	vmul.f32 v19, v19  }
0x3e4: {  	v42 =	vld [tilespmem:$0x1F550]  }
0x3e5: {  	v1 =	vadd.f32 v16, v1;
	v16 =	vld [tilespmem:$0x1F6A0]  }
0x3e6: {  	v53 =	vmov v25;
	v25 =	vld [tilespmem:$0x1FCD0]  }
0x3e7: {  	v7 =	vadd.f32 v17, v7;
	v11 =	vmul.f32 v17, v11;
	v17 =	vld [tilespmem:$0x1F6D0]  }
0x3e8: {  	v36 =	vld [tilespmem:$0x1F580]  }
0x3e9: {  	v8 =	vadd.f32 v19, v8;
	v19 =	vld [tilespmem:$0x1F6C0]  }
0x3ea: {  	v10 =	vadd.f32 v16, v10;
	v16 =	vld [tilespmem:$0x1F6B0]  }
0x3eb: {  	v39 =	vld [tilespmem:$0x1F400]  }
0x3ec: {  	v45 =	vld [tilespmem:$0x1F410];
	v9 =	vadd.f32 v11, v9;
	v11 =	vmul.f32 v17, v17  }
0x3ed: {  	v32 =	vld [tilespmem:$0x1F480]  }
0x3ee: {  	v0 =	vadd.f32 v11, v0;
	v11 =	vld [tilespmem:$0x1FC50]  }
0x3ef: {  	v43 =	vld [tilespmem:$0x1F5F0];
	v4 =	vadd.f32 v16, v4;
	v16 =	vmul.f32 v19, v19  }
0x3f0: {  	v35 =	vld [tilespmem:$0x1F440]  }
0x3f1: {  	v1 =	vadd.f32 v16, v1;
	v16 =	vld [tilespmem:$0x1F700]  }
0x3f2: {  	v37 =	vld [tilespmem:$0x1F450]  }
0x3f3: {  	v7 =	vadd.f32 v17, v7;
	v11 =	vmul.f32 v17, v11;
	v17 =	vld [tilespmem:$0x1F730]  }
0x3f4: {  	v26 =	vld [tilespmem:$0x1FE90]  }
0x3f5: {  	v8 =	vadd.f32 v19, v8;
	v19 =	vld [tilespmem:$0x1F720]  }
0x3f6: {  	v10 =	vadd.f32 v16, v10;
	v16 =	vld [tilespmem:$0x1F710]  }
0x3f7: {  	v48 =	vmov v20;
	v20 =	vmov v58;
	v58 =	vld [tilespmem:$0x1F530]  }
0x3f8: {  	v18 =	vld [tilespmem:$0x1F630];
	v9 =	vadd.f32 v11, v9;
	v11 =	vmul.f32 v17, v17  }
0x3f9: {  	v2 =	vadd.f32 v13, v2;
	v13 =	vld [tilespmem:$0x1FC30]  }
0x3fa: {  	v0 =	vadd.f32 v11, v0;
	v11 =	vld [tilespmem:$0x1FCA0]  }
0x3fb: {  	v60 =	vld [tilespmem:$0x1F540];
	v4 =	vadd.f32 v16, v4;
	v16 =	vmul.f32 v19, v19  }
0x3fc: {  	v59 =	vld [tilespmem:$0x1F5E0]  }
0x3fd: {  	v1 =	vadd.f32 v16, v1;
	v16 =	vld [tilespmem:$0x1F760]  }
0x3fe: {  	v34 =	vld [tilespmem:$0x1F680];
	v13 =	vmul.f32 v18, v13  }
0x3ff: {  	v7 =	vadd.f32 v17, v7;
	v11 =	vmul.f32 v17, v11;
	v17 =	vld [tilespmem:$0x1F790]  }
0x400: {  	v2 =	vadd.f32 v13, v2;
	v13 =	vld [tilespmem:$0x1FC60]  }
0x401: {  	v8 =	vadd.f32 v19, v8;
	v19 =	vld [tilespmem:$0x1F780]  }
0x402: {  	v10 =	vadd.f32 v16, v10;
	v16 =	vld [tilespmem:$0x1F770]  }
0x403: {  	v15 =	vmul.f32 v18, v18;
	v14 =	vadd.f32 v18, v14;
	v18 =	vld [tilespmem:$0x1F690]  }
0x404: {  	v52 =	vld [tilespmem:$0x1F860];
	v9 =	vadd.f32 v11, v9;
	v11 =	vmul.f32 v17, v17  }
0x405: {  	v24 =	vld [tilespmem:$0x1FD10]  }
0x406: {  	v0 =	vadd.f32 v11, v0;
	v11 =	vld [tilespmem:$0x1FCE0]  }
0x407: {  	v41 =	vld [tilespmem:$0x1F4C0];
	v3 =	vadd.f32 v15, v3;
	v4 =	vadd.f32 v16, v4;
	v16 =	vmul.f32 v19, v19  }
0x408: {  	v15 =	vmul.f32 v18, v18;
	v13 =	vmul.f32 v18, v13;
	v14 =	vadd.f32 v18, v14;
	v18 =	vld [tilespmem:$0x1F6F0]  }
0x409: {  	v1 =	vadd.f32 v16, v1;
	v16 =	vld [tilespmem:$0x1F7C0]  }
0x40a: {  	v2 =	vadd.f32 v13, v2;
	v13 =	vld [tilespmem:$0x1FCB0]  }
0x40b: {  	v7 =	vadd.f32 v17, v7;
	v11 =	vmul.f32 v17, v11;
	v17 =	vld [tilespmem:$0x1F7F0]  }
0x40c: {  	v54 =	vmov v63;
	v63 =	vld [tilespmem:$0x1F4D0]  }
0x40d: {  	v8 =	vadd.f32 v19, v8;
	v19 =	vld [tilespmem:$0x1F7E0]  }
0x40e: {  	v10 =	vadd.f32 v16, v10;
	v16 =	vld [tilespmem:$0x1F7D0]  }
0x40f: {  	v50 =	vmovc v62;
	v62 =	vld [tilespmem:$0x1F570];
	v3 =	vadd.f32 v15, v3;
	v15 =	vmul.f32 v18, v18;
	v13 =	vmul.f32 v18, v13  }
0x410: {  	v14 =	vadd.f32 v18, v14;
	v18 =	vld [tilespmem:$0x1F750];
	v9 =	vadd.f32 v11, v9;
	v11 =	vmul.f32 v17, v17  }
0x411: {  	v2 =	vadd.f32 v13, v2;
	v13 =	vld [tilespmem:$0x1FCF0]  }
0x412: {  	v5 =	vadd.f32 v6, v5;
	v6 =	vmul.f32 v58, v58;
	v0 =	vadd.f32 v11, v0;
	v11 =	vld [tilespmem:$0x1FD20]  }
0x413: {  	v57 =	vld [tilespmem:$0x1F740];
	v4 =	vadd.f32 v16, v4;
	v16 =	vmul.f32 v19, v19  }
0x414: {  	v47 =	vld [tilespmem:$0x1F6E0];
	v12 =	vadd.f32 v58, v12;
	v5 =	vadd.f32 v6, v5  }
0x415: {  	v6 =	vmul.f32 v59, v59;
	v3 =	vadd.f32 v15, v3;
	v1 =	vadd.f32 v16, v1;
	v16 =	vld [tilespmem:$0x1F820]  }
0x416: {  	v15 =	vmul.f32 v18, v18;
	v14 =	vadd.f32 v18, v14;
	v13 =	vmul.f32 v18, v13;
	v18 =	vld [tilespmem:$0x1F7B0]  }
0x417: {  	v12 =	vadd.f32 v59, v12;
	v7 =	vadd.f32 v17, v7;
	v11 =	vmul.f32 v17, v11;
	v17 =	vld [tilespmem:$0x1F850]  }
0x418: {  	v5 =	vadd.f32 v6, v5;
	v2 =	vadd.f32 v13, v2;
	v13 =	vld [tilespmem:$0x1FD30]  }
0x419: {  	v6 =	vmul.f32 v34, v34;
	v12 =	vadd.f32 v34, v12;
	v8 =	vadd.f32 v19, v8;
	v19 =	vld [tilespmem:$0x1F840]  }
0x41a: {  	v10 =	vadd.f32 v16, v10;
	v16 =	vld [tilespmem:$0x1F830]  }
0x41b: {  	v58 =	vld [tilespmem:$0x1F7A0];
	v5 =	vadd.f32 v6, v5;
	v6 =	vmul.f32 v47, v47;
	v12 =	vadd.f32 v47, v12  }
0x41c: {  	v34 =	vld [tilespmem:$0x1F870];
	v3 =	vadd.f32 v15, v3;
	v9 =	vadd.f32 v11, v9;
	v11 =	vmul.f32 v17, v17  }
0x41d: {  	v15 =	vmul.f32 v18, v18;
	v14 =	vadd.f32 v18, v14;
	v13 =	vmul.f32 v18, v13;
	v18 =	vld [tilespmem:$0x1F810]  }
0x41e: {  	v5 =	vadd.f32 v6, v5;
	v6 =	vmul.f32 v57, v57;
	v0 =	vadd.f32 v11, v0;
	v11 =	vld [tilespmem:$0x1FD70]  }
0x41f: {  	v12 =	vadd.f32 v57, v12;
	v57 =	vld [tilespmem:$0x1F8B0];
	v4 =	vadd.f32 v16, v4;
	v16 =	vmul.f32 v19, v19  }
0x420: {  	v2 =	vadd.f32 v13, v2;
	v13 =	vld [tilespmem:$0x1FD90]  }
0x421: {  	v1 =	vadd.f32 v16, v1;
	v16 =	vld [tilespmem:$0x1F880]  }
0x422: {  	v31 =	vld [tilespmem:$0x1FC90]  }
0x423: {  	v59 =	vld [tilespmem:$0x1F800];
	v3 =	vadd.f32 v15, v3;
	v15 =	vmul.f32 v18, v18;
	v11 =	vmul.f32 v17, v11  }
0x424: {  	v46 =	vld [tilespmem:$0x1F620];
	v5 =	vadd.f32 v6, v5;
	v6 =	vmul.f32 v58, v58;
	v12 =	vadd.f32 v58, v12  }
0x425: {  	v47 =	vld [tilespmem:$0x1F8A0];
	v3 =	vadd.f32 v15, v3;
	v9 =	vadd.f32 v11, v9;
	v11 =	vmul.f32 v57, v57  }
0x426: {  	v13 =	vmul.f32 v18, v13;
	v15 =	vmul.f32 v34, v34;
	v10 =	vadd.f32 v16, v10;
	v16 =	vld [tilespmem:$0x1F890]  }
0x427: {  	v5 =	vadd.f32 v6, v5;
	v11 =	vadd.f32 v11, v0;
	v0 =	vld [tilespmem:$0x1FDE0]  }
0x428: {  	v6 =	vmul.f32 v59, v59;
	v2 =	vadd.f32 v13, v2;
	v13 =	vadd.f32 v15, v3;
	v3 =	vld [tilespmem:$0x1FDF0]  }
0x429: {  	v30 =	vld [tilespmem:$0x1FE50];
	v12 =	vadd.f32 v59, v12  }
0x42a: {  	v21 =	vld [tilespmem:$0x1FDC0];
	v5 =	vadd.f32 v6, v5;
	v6 =	vmul.f32 v52, v52;
	v14 =	vadd.f32 v18, v14  }
0x42b: {  	v55 =	vld [tilespmem:$0x1F600];
	v7 =	vadd.f32 v17, v7;
	v16 =	vadd.f32 v16, v4;
	v4 =	vmul.f32 v47, v47  }
0x42c: {  	v8 =	vadd.f32 v19, v8;
	v17 =	vadd.f32 v6, v5;
	v5 =	vld [tilespmem:$0x1F8C0];
	v19 =	vmul.f32 v57, v0  }
0x42d: {  	v6 =	vld [tilespmem:$0x1F8D0];
	v18 =	vadd.f32 v4, v1;
	v1 =	vadd.f32 v52, v12;
	v12 =	vmul.f32 v34, v3  }
0x42e: {  	v27 =	vld [tilespmem:$0x1FC80];
	v15 =	vmul.f32 v30, v30;
	v3 =	vadd.f32 v57, v7  }
0x42f: {  	p0 =	sne.s32 s28, $0x700;
	v7 =	vadd.f32 v19, v9;
	v9 =	vadd.f32 v12, v2;
	v2 =	vld [tilespmem:$0x1FFA0]  }
.Ltmp0:
0x430: {  	v33 =	vld [tilespmem:$0x1F560];
	v0 =	vadd.f32 v47, v8;
	v8 =	vadd.f32 v15, v17;
	(pc) =	sbr.rel @p0 .LBB2_3-.Ltmp0, $4  }
0x431: {  	v51 =	vld [tilespmem:$0x1F610];
	v4 =	vadd.f32 v34, v14;
	v14 =	vmul.f32 v37, v37;
	v19 =	vmul.f32 v55, v55  }
0x432: {  	v17 =	vld [tilespmem:$0x1FE60];
	v5 =	vadd.f32 v5, v10;
	v6 =	vadd.f32 v6, v16;
	v16 =	vmul.f32 v23, v23  }
0x433: {  	v10 =	vadd.f32 v14, v13;
	v11 =	vadd.f32 v19, v11;
	v19 =	vld [tilespmem:$0x1F8E0]  }
0x434: {  	s28 =	sadd.s32 $0x100, s28;
	v13 =	vmul.f32 v26, v26;
	v12 =	vadd.f32 v16, v18;
	v18 =	vld [tilespmem:$0x1FEC0];
	v14 =	vmul.f32 v55, v2  }
0x435: {  	v16 =	vld [tilespmem:$0x1FF70]  }
0x436: {  	v15 =	vld [tilespmem:$0x1FF60]  }
0x437: {  	v0 =	vadd.f32 v23, v0;
	v23 =	vld [tilespmem:$0x1FF80]  }
0x438: {  	v28 =	vld [tilespmem:$0x1FA70]  }
0x439: {  	v52 =	vld [tilespmem:$0x1FF40]  }
0x43a: {  	v2 =	vadd.f32 v55, v3;
	v55 =	vld [tilespmem:$0x1FF30]  }
0x43b: {  	v1 =	vadd.f32 v30, v1;
	v58 =	vld [tilespmem:$0x1FF50]  }
0x43c: {  	v4 =	vadd.f32 v37, v4;
	v30 =	vmul.f32 v49, v49;
	v59 =	vld [tilespmem:$0x1FA40];
	v7 =	vadd.f32 v14, v7  }
0x43d: {  	v57 =	vmul.f32 v48, v48;
	v8 =	vadd.f32 v13, v8;
	v0 =	vadd.f32 v49, v0;
	v49 =	vld [tilespmem:$0x1FF20]  }
0x43e: {  	v1 =	vadd.f32 v26, v1;
	v3 =	vmul.f32 v37, v16;
	v29 =	vmul.f32 v28, v28;
	v16 =	vld [tilespmem:$0x1FA60]  }
0x43f: {  	v8 =	vadd.f32 v57, v8;
	v57 =	vld [tilespmem:$0x1FA00];
	v0 =	vadd.f32 v18, v0  }
0x440: {  	v5 =	vadd.f32 v15, v5;
	v37 =	vadd.f32 v29, v10;
	v29 =	vld [tilespmem:$0x1FA30]  }
0x441: {  	v47 =	vadd.f32 v30, v12;
	v1 =	vadd.f32 v48, v1;
	v48 =	vld [tilespmem:$0x1FF00];
	v26 =	vmul.f32 v59, v59  }
0x442: {  	v0 =	vadd.f32 v22, v0;
	v5 =	vadd.f32 v55, v5;
	v55 =	vmul.f32 v22, v22;
	v22 =	vld [tilespmem:$0x1FEA0]  }
0x443: {  	v3 =	vadd.f32 v3, v9;
	v9 =	vadd.f32 v26, v37;
	v37 =	vld [tilespmem:$0x1FEF0];
	v34 =	vmul.f32 v16, v16  }
0x444: {  	v6 =	vadd.f32 v23, v6;
	v4 =	vadd.f32 v28, v4;
	v26 =	vld [tilespmem:$0x1FEB0]  }
0x445: {  	v12 =	vmul.f32 v16, v49;
	v49 =	vld [tilespmem:$0x1FA10];
	v40 =	vadd.f32 v34, v11;
	v30 =	vmul.f32 v29, v29  }
0x446: {  	v13 =	vmul.f32 v28, v52;
	v1 =	vadd.f32 v44, v1;
	v6 =	vadd.f32 v58, v6;
	v34 =	vld [tilespmem:$0x1FED0]  }
0x447: {  	v28 =	vmul.f32 v18, v18;
	v4 =	vadd.f32 v59, v4;
	v10 =	vadd.f32 v30, v40;
	v40 =	vld [tilespmem:$0x1FEE0]  }
0x448: {  	v0 =	vadd.f32 v21, v0;
	v3 =	vadd.f32 v13, v3;
	v13 =	vmul.f32 v59, v37;
	v59 =	vld [tilespmem:$0x1FE80]  }
0x449: {  	v1 =	vadd.f32 v17, v1;
	v11 =	vadd.f32 v28, v47;
	v47 =	vmul.f32 v44, v44;
	v30 =	vld [tilespmem:$0x1F9F0]  }
0x44a: {  	v6 =	vadd.f32 v48, v6;
	v2 =	vadd.f32 v16, v2;
	v37 =	vld [tilespmem:$0x1FE40]  }
0x44b: {  	v58 =	vmul.f32 v57, v57;
	v1 =	vadd.f32 v20, v1;
	v8 =	vadd.f32 v47, v8;
	v47 =	vld [tilespmem:$0x1F9D0]  }
0x44c: {  	v11 =	vadd.f32 v55, v11;
	v6 =	vadd.f32 v26, v6;
	v55 =	vld [tilespmem:$0x1FE20];
	v52 =	vmul.f32 v49, v49  }
0x44d: {  	v4 =	vadd.f32 v49, v4;
	v3 =	vadd.f32 v13, v3;
	v13 =	vmul.f32 v49, v22;
	v49 =	vld [tilespmem:$0x1FE10]  }
0x44e: {  	v1 =	vadd.f32 v32, v1;
	v10 =	vadd.f32 v58, v10;
	v58 =	vld [tilespmem:$0x1F9C0]  }
0x44f: {  	v7 =	vadd.f32 v12, v7;
	v6 =	vadd.f32 v39, v6;
	v39 =	vmul.f32 v45, v36;
	v36 =	vld [tilespmem:s23+$0x1BE00]  }
0x450: {  	v28 =	vmul.f32 v46, v46;
	v1 =	vadd.f32 v25, v1;
	v9 =	vadd.f32 v52, v9;
	v52 =	vld [tilespmem:$0x1FE30]  }
0x451: {  	v2 =	vadd.f32 v29, v2;
	v12 =	vmul.f32 v29, v34;
	v29 =	vmul.f32 v21, v21;
	v21 =	vld [tilespmem:$0x1F9B0]  }
0x452: {  	v1 =	vadd.f32 v31, v1;
	v6 =	vadd.f32 v42, v6;
	v42 =	vmul.f32 v31, v31;
	v31 =	vld [tilespmem:$0x1FB20]  }
0x453: {  	v23 =	vmul.f32 v17, v17;
	v0 =	vadd.f32 v19, v0;
	v9 =	vadd.f32 v28, v9;
	v28 =	vld [tilespmem:$0x1FE00]  }
0x454: {  	v5 =	vadd.f32 v40, v5;
	v11 =	vadd.f32 v29, v11;
	v29 =	vmul.f32 v25, v25;
	v25 =	vld [tilespmem:s23+$0x1C200]  }
0x455: {  	v8 =	vadd.f32 v23, v8;
	v34 =	vmul.f32 v30, v30;
	v6 =	vadd.f32 v63, v6;
	v63 =	vld [tilespmem:$0x1F940]  }
0x456: {  	v7 =	vadd.f32 v12, v7;
	v12 =	vmul.f32 v57, v59;
	v5 =	vadd.f32 v38, v5;
	v38 =	vld [tilespmem:$0x1FE70]  }
0x457: {  	v4 =	vadd.f32 v46, v4;
	v40 =	vmul.f32 v20, v20;
	v10 =	vadd.f32 v34, v10;
	v34 =	vld [tilespmem:$0x1F9A0]  }
0x458: {  	v0 =	vadd.f32 v50, v0;
	v7 =	vadd.f32 v12, v7;
	v12 =	vmul.f32 v30, v37;
	v37 =	vld [tilespmem:s23+$0x1BA00]  }
0x459: {  	v4 =	vadd.f32 v43, v4;
	v8 =	vadd.f32 v40, v8;
	v40 =	vld [tilespmem:s23+$0xD00]  }
0x45a: {  	v2 =	vadd.f32 v57, v2;
	v26 =	vmul.f32 v58, v51;
	v51 =	vld [tilespmem:s23+$0x1BB80]  }
0x45b: {  	v0 =	vadd.f32 v24, v0;
	v59 =	vmul.f32 v58, v58;
	v4 =	vadd.f32 v58, v4;
	v58 =	vld [tilespmem:$0x1F970]  }
0x45c: {  	v44 =	vmul.f32 v43, v43;
	v3 =	vadd.f32 v13, v3;
	v6 =	vadd.f32 v60, v6;
	v60 =	vld [tilespmem:s23+$0x1BC80]  }
0x45d: {  	v2 =	vadd.f32 v30, v2;
	v48 =	vmul.f32 v47, v47;
	v23 =	vmul.f32 v21, v61;
	v61 =	vld [tilespmem:$0x1CA00]  }
0x45e: {  	v9 =	vadd.f32 v44, v9;
	v30 =	vmul.f32 v45, v45;
	v4 =	vadd.f32 v45, v4;
	v45 =	vld [tilespmem:s23+$0x1BA80]  }
0x45f: {  	v2 =	vadd.f32 v47, v2;
	v7 =	vadd.f32 v12, v7;
	v12 =	vmul.f32 v47, v49;
	v47 =	vld [tilespmem:$0x1F980]  }
0x460: {  	v5 =	vadd.f32 v35, v5;
	v10 =	vadd.f32 v48, v10;
	v49 =	vld [tilespmem:s23+$0x1BB00]  }
0x461: {  	v57 =	vmul.f32 v32, v32;
	v9 =	vadd.f32 v59, v9;
	v6 =	vadd.f32 v41, v6;
	v41 =	vld [tilespmem:$0x1F910]  }
0x462: {  	v22 =	vmul.f32 v21, v21;
	v2 =	vadd.f32 v21, v2;
	v5 =	vadd.f32 v55, v5;
	v55 =	vld [tilespmem:$0x1FAA0]  }
0x463: {  	v8 =	vadd.f32 v57, v8;
	v9 =	vadd.f32 v30, v9;
	v30 =	vld [tilespmem:s23+$0x1BD00];
	v13 =	vmul.f32 v46, v38  }
0x464: {  	v35 =	vmul.f32 v34, v34;
	v38 =	vmul.f32 v34, v53;
	v2 =	vadd.f32 v34, v2;
	v34 =	vld [tilespmem:$0x1FB50]  }
0x465: {  	v0 =	vadd.f32 v27, v0;
	v7 =	vadd.f32 v12, v7;
	v12 =	vmul.f32 v40, v37;
	v37 =	vld [tilespmem:$0x1FB80]  }
0x466: {  	v10 =	vadd.f32 v22, v10;
	v8 =	vadd.f32 v29, v8;
	v40 =	vld [tilespmem:$0x1FBB0]  }
0x467: {  	v0 =	vadd.f32 v63, v0;
	v5 =	vadd.f32 v28, v5;
	v28 =	vld [tilespmem:$0x1F960]  }
0x468: {  	v46 =	vmul.f32 v19, v19;
	v3 =	vadd.f32 v13, v3;
	v13 =	vmul.f32 v43, v52;
	v43 =	vld [tilespmem:$0x1F990]  }
0x469: {  	v20 =	vmul.f32 v50, v50;
	v7 =	vadd.f32 v23, v7;
	v8 =	vadd.f32 v42, v8;
	v52 =	vld [tilespmem:$0x1FA80]  }
0x46a: {  	v11 =	vadd.f32 v46, v11;
	v10 =	vadd.f32 v35, v10;
	v50 =	vmul.f32 v47, v33;
	v33 =	vld [tilespmem:s23+$0x1BD80]  }
0x46b: {  	v46 =	vmul.f32 v27, v27;
	v48 =	vmul.f32 v47, v47;
	v2 =	vadd.f32 v47, v2;
	v47 =	vld [tilespmem:s23+$0x1BF80]  }
0x46c: {  	v27 =	vmul.f32 v63, v63;
	v35 =	vmul.f32 v63, v61;
	v63 =	vld [tilespmem:s23+$0x1C180];
	v5 =	vadd.f32 v56, v5  }
0x46d: {  	v32 =	vmul.f32 v24, v24;
	v12 =	vadd.f32 $0.0e+00, v12;
	v7 =	vadd.f32 v38, v7;
	v56 =	vld [tilespmem:$0x1F950]  }
0x46e: {  	v59 =	vmul.f32 v58, v58;
	v3 =	vadd.f32 v13, v3;
	v5 =	vadd.f32 v62, v5;
	v62 =	vld [tilespmem:$0x1FAF0]  }
0x46f: {  	v11 =	vadd.f32 v20, v11;
	v10 =	vadd.f32 v48, v10;
	v48 =	vld [tilespmem:$0x1FC10];
	v13 =	vmul.f32 v52, v45  }
0x470: {  	v7 =	vadd.f32 v50, v7;
	v15 =	vmul.f32 v34, v60;
	v53 =	vmul.f32 v43, v54;
	v54 =	vld [tilespmem:s23+$0x1BC00]  }
0x471: {  	v20 =	vld [tilespmem:$0x1FD00];
	v3 =	vadd.f32 v26, v3;
	v12 =	vadd.f32 v13, v12;
	v13 =	vmul.f32 v55, v49  }
0x472: {  	v50 =	vld [tilespmem:$0x1F920];
	v11 =	vadd.f32 v32, v11;
	v29 =	vmul.f32 v28, v28;
	v2 =	vadd.f32 v28, v2  }
0x473: {  	v60 =	vld [tilespmem:$0x1FCC0];
	v4 =	vadd.f32 v43, v4;
	v16 =	vmul.f32 v62, v51;
	v12 =	vadd.f32 v13, v12  }
0x474: {  	v34 =	vld [tilespmem:s23+$0x1C400];
	v44 =	vmul.f32 v43, v43;
	v5 =	vadd.f32 v35, v5;
	v3 =	vadd.f32 v39, v3  }
0x475: {  	v32 =	vld [tilespmem:$0x1CA10];
	v11 =	vadd.f32 v46, v11;
	v12 =	vadd.f32 v16, v12;
	v16 =	vmul.f32 v31, v54  }
0x476: {  	v26 =	vld [tilespmem:$0x1FD50];
	v57 =	vmul.f32 v56, v56;
	v10 =	vadd.f32 v29, v10;
	v1 =	vadd.f32 v56, v1  }
0x477: {  	v42 =	vmul.f32 v41, v41;
	v45 =	vld [tilespmem:$0x1F930];
	v9 =	vadd.f32 v44, v9;
	v12 =	vadd.f32 v16, v12  }
0x478: {  	v14 =	vmul.f32 v40, v33;
	v4 =	vadd.f32 v58, v4;
	v44 =	vld [tilespmem:$0x1FBE0];
	v8 =	vadd.f32 v57, v8  }
0x479: {  	v43 =	vld [tilespmem:s23+$0x1BF00];
	v3 =	vadd.f32 v53, v3;
	v12 =	vadd.f32 v15, v12;
	v15 =	vmul.f32 v37, v30  }
0x47a: {  	v39 =	vld [tilespmem:s23+$0x1BE80];
	v11 =	vadd.f32 v27, v11;
	v2 =	vadd.f32 v50, v2;
	v51 =	vmul.f32 v50, v50  }
0x47b: {  	v52 =	vld [tilespmem:$0x1FC40];
	v1 =	vadd.f32 v41, v1;
	v13 =	vmul.f32 v28, v61;
	v12 =	vadd.f32 v15, v12  }
0x47c: {  	v49 =	vld [tilespmem:$0x1CA20];
	v9 =	vadd.f32 v59, v9;
	v38 =	vmul.f32 v56, v32;
	v18 =	vmul.f32 v58, v32  }
0x47d: {  	v55 =	vld [tilespmem:$0x1FC70];
	v46 =	vmul.f32 v45, v45;
	v12 =	vadd.f32 v14, v12;
	v14 =	vmul.f32 v44, v36  }
0x47e: {  	v57 =	vld [tilespmem:$0x1CA30];
	v8 =	vadd.f32 v42, v8;
	v4 =	vadd.f32 v45, v4;
	v2 =	vmul.f32 v2, v2  }
0x47f: {  	v10 =	vadd.f32 v51, v10;
	v54 =	vld [tilespmem:$0x1F900];
	v12 =	vadd.f32 v14, v12;
	v14 =	vmul.f32 v48, v39  }
0x480: {  	v53 =	vld [tilespmem:s23+$0x1C000];
	v1 =	vmul.f32 v1, v1;
	v6 =	vadd.f32 v38, v6;
	v7 =	vadd.f32 v13, v7  }
0x481: {  	v33 =	vld [tilespmem:$0x1FA20];
	v13 =	vmul.f32 v52, v43;
	v4 =	vmul.f32 v4, v4;
	v12 =	vadd.f32 v14, v12  }
0x482: {  	v56 =	vld [tilespmem:s23+$0x1C080];
	v3 =	vadd.f32 v18, v3;
	v9 =	vadd.f32 v46, v9;
	v61 =	vmul.f32 v50, v49  }
0x483: {  	v35 =	vld [tilespmem:$0x1FFC0];
	v2 =	vadd.f32 v4, v2;
	v14 =	vmul.f32 v55, v47;
	v12 =	vadd.f32 v13, v12  }
0x484: {  	v59 =	vld [tilespmem:s23+$0x1C100];
	v23 =	vmul.f32 v45, v57;
	v7 =	vadd.f32 v61, v7;
	v0 =	vadd.f32 v54, v0  }
0x485: {  	v40 =	vld [tilespmem:$0x1F8F0];
	v19 =	vmul.f32 v54, v49;
	v13 =	vmul.f32 v60, v53;
	v12 =	vadd.f32 v14, v12  }
0x486: {  	v28 =	vld [tilespmem:$0x1FDA0];
	v3 =	vadd.f32 v23, v3;
	v58 =	vmul.f32 v54, v54;
	v0 =	vmul.f32 v0, v0  }
0x487: {  	v29 =	vld [tilespmem:s23+$0x1C300];
	v62 =	vadd.f32 v19, v5;
	v19 =	vadd.f32 v13, v12;
	v12 =	vmul.f32 v20, v56  }
0x488: {  	v24 =	vmul.f32 v41, v57;
	v30 =	vld [tilespmem:$0x1FA50];
	v11 =	vadd.f32 v58, v11;
	v0 =	vadd.f32 v1, v0  }
0x489: {  	v27 =	vld [tilespmem:s23+$0x1C280];
	v4 =	vmul.f32 v26, v59;
	v2 =	vsub.f32 v2, v10;
	v10 =	vadd.f32 v12, v19  }
0x48a: {  	v42 =	vld [tilespmem:$0x1FFD0];
	v6 =	vadd.f32 v24, v6;
	v0 =	vsub.f32 v0, v11  }
0x48b: {  	v31 =	vld [tilespmem:s23+$0x1C380];
	v2 =	vsub.f32 v2, v9;
	v5 =	vmul.f32 v28, v63;
	v4 =	vadd.f32 v4, v10  }
0x48c: {  	v37 =	vld [tilespmem:$0x1F9E0];
	v3 =	vadd.f32 v3, v7;
	v0 =	vsub.f32 v0, v8  }
0x48d: {  	v52 =	vld [tilespmem:s23+$0x1C680];
	v2 =	vmul.f32 $5.000000000e-01, v2;
	v4 =	vadd.f32 v5, v4;
	v5 =	vmul.f32 v30, v25  }
0x48e: {  	v46 =	vld [tilespmem:s23+$0x1C580];
	v1 =	vadd.f32 v6, v62;
	v0 =	vmul.f32 $5.000000000e-01, v0  }
0x48f: {  	v50 =	vld [tilespmem:$0x1EFC0];
	v2 =	vadd.f32 v2, v3;
	v32 =	vadd.f32 v5, v4;
	v4 =	vmul.f32 v33, v27  }
0x490: {  	v44 =	vld [tilespmem:$0x1EFE0];
	v0 =	vadd.f32 v0, v1  }
0x491: {  	v39 =	vld [tilespmem:s23+$0x1C480];
	v36 =	vperm.xlane v2, v35;
	v3 =	vadd.f32 v4, v32;
	v4 =	vmul.f32 v37, v29  }
0x492: {  	v47 =	vld [tilespmem:$0x1EFD0];
	v38 =	vperm.xlane v0, v35  }
0x493: {  	v41 =	vld [tilespmem:s23+$0x1C500];
	v2 =	vadd.f32 v2, v36;
	v3 =	vadd.f32 v4, v3;
	v4 =	vmul.f32 v40, v31  }
0x494: {  	v49 =	vld [tilespmem:$0x1FFE0];
	v0 =	vadd.f32 v0, v38  }
0x495: {  	v54 =	vld [tilespmem:$0x1FFF0];
	v43 =	vperm.xlane v2, v42;
	v1 =	vmul.f32 v44, v34;
	v3 =	vadd.f32 v4, v3  }
0x496: {  	v53 =	vld [tilespmem:$0x1EFB0];
	v45 =	vperm.xlane v0, v42  }
0x497: {  	v48 =	vld [tilespmem:s23+$0x1C600];
	v2 =	vadd.f32 v2, v43;
	v1 =	vadd.f32 v1, v3;
	v3 =	vmul.f32 v47, v39  }
0x498: {  	v56 =	vld [tilespmem:$0x1EFA0];
	v0 =	vadd.f32 v0, v45  }
0x499: {  	v61 =	vld [tilespmem:$0x1FD40];
	v6 =	vperm.xlane v2, v49;
	v1 =	vadd.f32 v3, v1;
	v3 =	vmul.f32 v50, v41  }
0x49a: {  	v58 =	vld [tilespmem:$0x1EF90];
	v51 =	vperm.xlane v0, v49  }
0x49b: {  	v60 =	vld [tilespmem:$0x1FDB0];
	v2 =	vadd.f32 v2, v6;
	v1 =	vadd.f32 v3, v1;
	v3 =	vmul.f32 v53, v46  }
0x49c: {  	v62 =	vld [tilespmem:$0x1FF90];
	v0 =	vadd.f32 v0, v51  }
0x49d: {  	v55 =	vperm.xlane v2, v54;
	v4 =	vmul.f32 v56, v48;
	v1 =	vadd.f32 v3, v1  }
0x49e: {  	v59 =	vlaneseq.u32;
	v57 =	vperm.xlane v0, v54  }
0x49f: {  	v2 =	vadd.f32 v2, v55;
	v3 =	vmul.f32 v58, v52;
	v1 =	vadd.f32 v4, v1  }
0x4a0: {  	v63 =	vld [tilespmem:$0x1FFB0];
	vm0 =	veq.s32 v60, v59;
	v0 =	vadd.f32 v0, v57  }
0x4a1: {  	vm1 =	veq.s32 v61, v59;
	v2 =	vsel vm0, v2, v62;
	v1 =	vadd.f32 v3, v1  }
0x4a2: {  	v0 =	vsel vm1, v0, v2  }
0x4a3: {  	v0 =	vadd.f32 v1, v0;
	_ =	sdelay $0x1  }
0x4a4: {  	v0 =	vadd.f32 v0, v63;
	_ =	sdelay $0x1  }
0x4a5: {  	v0 =	vsub.f32 $0.0e+00, v0;
	_ =	sdelay $0x1  }
0x4a6: {  	v0 =	vmul.f32 $1.442695020e+00, v0;
	_ =	sdelay $0x1  }
0x4a7: {  	(erf) = vpow2.f32 v0;
	_ =	sdelay $0x8  }
0x4a8: {  	v0 =	vpop (erf)  }
0x4a9: {  	v0 =	vadd.f32 $1.000000000e+00, v0;
	_ =	sdelay $0x1  }
0x4aa: {  	(erf) = vrcp.f32 v0;
	_ =	sdelay $0x3  }
0x4ab: {  	s5 =	sadd.s32 $0x1, s5  }
0x4ac: {  	p0 =	sne.s32 s5, $0x8  }
.Ltmp1:
0x4ad: {  	_ = 	snop;
	(pc) =	sbr.rel @p0 .LBB2_2-.Ltmp1, $3  }
0x4ae: {  	_ =	sdelay $0x1  }
0x4af: {  	v0 =	vpop (erf)  }
0x4b0: {  	s18 =	sadd.s32 $0x200, s18;
	[tilespmem:s23+$0x1CA50] =	vst v0  }
0x4b1: {  	s14 =	sadd.s32 $0x1, s14  }
0x4b2: {  	p0 =	sne.s32 s14, s10  }
.Ltmp2:
0x4b3: {  	s5 =	simm.s32 $0x1CA50;
	(pc) =	sbr.rel @p0 .LBB2_1-.Ltmp2, $4  }
0x4b4: {  	[hbm4b:s9+s2] =	stream.linear.scatter [tilespmem:s5], [sflag:$0x3], $0x80, $0x38;
	[tilespmem:$0x1CAD0] =	vst v63  }
0x4b5: {  	_ =	swait.ge [sflag:s11], $0x80  }
0x4b6: {  	[sflag:s11] =	ssyncset.done $0x0  }
0x4b7: {  	[sflag:s11] =	ssyncadd.s32 $0xFFFFFF80  }
0x4b8: {  	_ =	sfence.sel $0x180000  }
0x4b9: {  	[bflag:$0x0] =	sbarrier.arrive $0xFFFF  }
0x4ba: {  	_ =	strace $0x90000047  }
0x4bb: {  	s0 =	stileid.u32;
	[bflag:$0x2] =	sbarrier.arrive $0xFFFF  }
0x4bc: {  	p0 =	sne.s32 s0, $0x0;
	s0 =	rddreg [dreg:$0x2]  }
0x4bd: {  	s0 =	sadd.s32 @!p0 $0x100000, s0  }
0x4be: {  	[sflag:s0] =	ssyncadd.tile.s32 @!p0 $0x1;
	_ =	shalt  }
.Lfunc_end2:
_tile_overlayer_lowered:
.L_overlay_start_2:
0x4bf: {  	(tag) =	ssettag $0x2  }
0x4c0: {  	s0 =	rddreg [dreg:$0x0];
	s2 =	stileid.u32  }
0x4c1: {  	s1 =	rddreg [dreg:$0x1];
	p0 =	sne.s32 s2, $0x0  }
0x4c2: {  	s3 =	rddreg [dreg:$0x2];
	[bflag:$0x3] =	sbarrier.arrive $0xFFFF;
	s2 =	simm.s32 @!p0 $0x1C03  }
0x4c3: {  	[timem:s3], [sflag:s2] =	dma.local @!p0 [hbm:s0], s1  }
0x4c4: {  	s0 =	simm.s32 @!p0 $0x3  }
0x4c5: {  	_ =	swait.ge @!p0 [sflag:s0], s1  }
0x4c6: {  	s1 =	ssub.s32 @!p0 $0x0, s1;
	[sflag:s0] =	ssyncset.done @!p0 $0x0  }
0x4c7: {  	[sflag:s0] =	ssyncadd.s32 @!p0 s1  }
0x4c8: {  	[bflag:$0x3] =	sbarrier.arrive $0xFFFF  }
0x4c9: {  	_ =	shalt  }

</sc_bundles>
